<compile_context>
chip_gen: v7x
topology: tpu7x:2x2x1
jax: 0.10.2.dev20260603
libtpu: 0.0.44.dev20260713+nightly
codegen_flags: <defaults>
</compile_context>

<pallas_src>
import functools

import jax
import jax.numpy as jnp
from jax import lax
from jax.experimental import pallas as pl
from jax.experimental.pallas import tpu as pltpu
from jax.experimental.pallas import tpu_sc as plsc

_D = 16
_DD = _D * _D
_NC = 2
_NS = 16
_NW = _NC * _NS
_BB = 128


def _build_gather(bsz: int, seq: int):
    nb = bsz // _BB
    n_units = nb * seq
    per_w = n_units // _NW
    mesh = plsc.VectorSubcoreMesh(core_axis_name="c", subcore_axis_name="s")

    @functools.partial(
        pl.kernel,
        out_type=jax.ShapeDtypeStruct((seq, _D, _D, bsz), jnp.float32),
        mesh=mesh,
        compiler_params=pltpu.CompilerParams(needs_layout_passes=False),
        scratch_types=[
            pltpu.VMEM((per_w, _BB), jnp.int32),
            [pltpu.VMEM((64, _DD), jnp.float32) for _ in range(2)],
            [pltpu.VMEM((_D, _D, _BB), jnp.float32) for _ in range(2)],
            [pltpu.SemaphoreType.DMA for _ in range(2)],
            [pltpu.SemaphoreType.DMA for _ in range(2)],
        ],
    )
    def gather_kernel(idx_hbm, table_hbm, out_hbm, idx_v, abufs, bbufs,
                      gsems, wsems):
        wid = lax.axis_index("s") * _NC + lax.axis_index("c")
        pltpu.sync_copy(idx_hbm.at[wid], idx_v)

        lane = lax.iota(jnp.int32, 16)
        jrot = [(lane + d) & 15 for d in range(_D)]

        def fire_gather(k, h):
            pltpu.async_copy(
                table_hbm.at[idx_v.at[k, pl.ds(h * 64, 64)]],
                abufs[h], gsems[h])

        def wait_gather(k, h):
            pltpu.make_async_copy(
                table_hbm.at[idx_v.at[k, pl.ds(h * 64, 64)]],
                abufs[h], gsems[h]).wait()

        def out_slice(k):
            uid = wid * per_w + k
            s = uid // nb
            b0 = pl.multiple_of((uid % nb) * _BB, _BB)
            return out_hbm.at[s, :, :, pl.ds(b0, _BB)]

        def bbuf_src(p):
            return bbufs[p]

        def process(k, p):
            def drain_write():
                pltpu.make_async_copy(bbuf_src(p), out_slice(k), wsems[p]).wait()
            pl.when(k >= 2)(drain_write)
            for h in range(2):
                wait_gather(k, h)

                @plsc.parallel_loop(0, 4 * _D, unroll=4)
                def _(q):
                    g = q // _D
                    c = q % _D
                    row = lane + g * 16
                    col = row + h * 64
                    cvec = jnp.zeros((16,), jnp.int32) + c
                    cs = c * _D
                    for d in range(_D):
                        v = plsc.load_gather(
                            abufs[h], [row, jrot[d] + cs])
                        plsc.store_scatter(
                            bbufs[p], [cvec, jrot[d], col], v)

                def fire_next():
                    fire_gather(k + 1, h)
                pl.when(k + 1 < per_w)(fire_next)
            pltpu.async_copy(bbuf_src(p), out_slice(k), wsems[p])

        for h in range(2):
            fire_gather(0, h)

        @pl.loop(0, per_w, step=2)
        def _(k0):
            for p in range(2):
                process(k0 + p, p)

        for p in range(2):
            pltpu.make_async_copy(
                bbuf_src(p), out_slice(per_w - 2 + p), wsems[p]).wait()

    return gather_kernel


@jax.jit
def kernel(input_ids, embedding_weight):
    bsz, seq = input_ids.shape
    nb = bsz // _BB
    per_w = nb * seq // _NW
    idx = (input_ids.astype(jnp.int32).T
           .reshape(seq * nb, _BB).reshape(_NW, per_w, _BB))
    out = _build_gather(bsz, seq)(idx, embedding_weight)
    return out.transpose(3, 0, 1, 2)

# --- scband reference (transcript-rebuilt; emitter-appended) ---
"""Pipeline reference for scband-seq2mat-matrix-embedding-21260088115482 (READ-ONLY COPY).

The authoritative reference and input builder live on the scoring server;
editing this copy changes nothing except your own understanding.
"""

import jax, jax.numpy as jnp
import numpy as np

VOCAB = 100000
D = 16

def setup_inputs(seed: int = 0) -> dict:
    key = jax.random.key(seed)
    k_ids, k_w = jax.random.split(key)
    input_ids = jax.random.randint(k_ids, (4096, 50), 0, VOCAB, dtype=jnp.int64 if jax.config.jax_enable_x64 else jnp.int32)
    # noisy-identity init: N(0, 0.02) + flattened identity, padding row = identity
    W = jax.random.normal(k_w, (VOCAB, D * D), dtype=jnp.float32) * 0.02
    eye_flat = jnp.eye(D, dtype=jnp.float32).reshape(1, D * D)
    W = W + eye_flat
    W = W.at[0].set(eye_flat[0])  # padding_idx = 0
    return {"input_ids": input_ids, "embedding_weight": W}

def reference(input_ids, embedding_weight):
    # Seq2matMatrixEmbedding.forward (non-factorized branch):
    # emb = Embedding(input_ids); emb = emb.view(..., d, d)
    emb = jnp.take(embedding_weight, input_ids, axis=0)
    emb = emb.reshape(emb.shape[:-1] + (D, D))
    return emb

if __name__ == "__main__":
    import jax
    _d = setup_inputs()
    print(jax.jit(kernel)(*tuple(_d.values())))

</pallas_src>

<mosaic_0001>
#map = affine_map<(d0, d1) -> (0, 0, 0)>
#map1 = affine_map<(d0, d1) -> (0, 0)>
#map2 = affine_map<(d0, d1) -> (0, 0, 0, 0)>
module attributes {stable_mosaic.version = 14 : i64} {
  func.func @gather_kernel(%arg0: i32, %arg1: i32, %arg2: memref<32x50x128xi32, #tpu.memory_space<hbm>>, %arg3: memref<100000x256xf32, #tpu.memory_space<hbm>>, %arg4: memref<50x16x16x4096xf32, #tpu.memory_space<hbm>>, %arg5: memref<50x128xi32, #tpu.memory_space<vmem>>, %arg6: memref<64x256xf32, #tpu.memory_space<vmem>>, %arg7: memref<64x256xf32, #tpu.memory_space<vmem>>, %arg8: memref<16x16x128xf32, #tpu.memory_space<vmem>>, %arg9: memref<16x16x128xf32, #tpu.memory_space<vmem>>, %arg10: memref<!tpu.dma_semaphore, #tpu.memory_space<semaphore_mem>>, %arg11: memref<!tpu.dma_semaphore, #tpu.memory_space<semaphore_mem>>, %arg12: memref<!tpu.dma_semaphore, #tpu.memory_space<semaphore_mem>>, %arg13: memref<!tpu.dma_semaphore, #tpu.memory_space<semaphore_mem>>) attributes {dimension_semantics = [#tpu.dimension_semantics<core_parallel>, #tpu.dimension_semantics<subcore_parallel>], iteration_bounds = array<i64: 2, 16>, scalar_prefetch = 0 : i64, scratch_operands = 9 : i64, tpu.core_type = #tpu.core_type<sc_vector_subcore>, window_params = [{transform_indices = #map}, {transform_indices = #map1}, {transform_indices = #map2}]} {
    %mul3A = arith.constant 2 : i32
    %mul3A_0 = arith.muli %arg1, %mul3A : i32
    %add3A = arith.addi %mul3A_0, %arg0 : i32
    "tpu.region"() ({
      %run_scoped3A = tpu.sem_alloc : memref<!tpu.dma_semaphore, #tpu.memory_space<semaphore_mem>>
      %dma_start3A_212 = arith.constant 0 : i32
      %dma_start3A_213 = arith.constant 0 : i32
      %dma_start3A_214 = tpu.memref_slice %arg2[%add3A, %dma_start3A_212, %dma_start3A_213] : memref<32x50x128xi32, #tpu.memory_space<hbm>> -> memref<1x50x128xi32, #tpu.memory_space<hbm>>
      %dma_start3A_215 = tpu.memref_squeeze %dma_start3A_214 : memref<1x50x128xi32, #tpu.memory_space<hbm>> -> memref<50x128xi32, #tpu.memory_space<hbm>>
      %dma_start3A_216 = arith.constant 0 : i32
      %dma_start3A_217 = arith.constant 0 : i32
      %dma_start3A_218 = tpu.memref_slice %arg2[%add3A, %dma_start3A_216, %dma_start3A_217] : memref<32x50x128xi32, #tpu.memory_space<hbm>> -> memref<1x50x128xi32, #tpu.memory_space<hbm>>
      %dma_start3A_219 = tpu.memref_squeeze %dma_start3A_218 : memref<1x50x128xi32, #tpu.memory_space<hbm>> -> memref<50x128xi32, #tpu.memory_space<hbm>>
      tpu.enqueue_dma source(%dma_start3A_219 : memref<50x128xi32, #tpu.memory_space<hbm>>) target(%arg5 : memref<50x128xi32, #tpu.memory_space<vmem>>) target_semaphore(%run_scoped3A : memref<!tpu.dma_semaphore, #tpu.memory_space<semaphore_mem>>)
      %dma_wait3A_220 = arith.constant 0 : i32
      %dma_wait3A_221 = arith.constant 0 : i32
      %dma_wait3A_222 = tpu.memref_slice %arg2[%add3A, %dma_wait3A_220, %dma_wait3A_221] : memref<32x50x128xi32, #tpu.memory_space<hbm>> -> memref<1x50x128xi32, #tpu.memory_space<hbm>>
      %dma_wait3A_223 = tpu.memref_squeeze %dma_wait3A_222 : memref<1x50x128xi32, #tpu.memory_space<hbm>> -> memref<50x128xi32, #tpu.memory_space<hbm>>
      %dma_wait3A_224 = arith.constant 0 : i32
      %dma_wait3A_225 = arith.constant 0 : i32
      %dma_wait3A_226 = tpu.memref_slice %arg2[%add3A, %dma_wait3A_224, %dma_wait3A_225] : memref<32x50x128xi32, #tpu.memory_space<hbm>> -> memref<1x50x128xi32, #tpu.memory_space<hbm>>
      %dma_wait3A_227 = tpu.memref_squeeze %dma_wait3A_226 : memref<1x50x128xi32, #tpu.memory_space<hbm>> -> memref<50x128xi32, #tpu.memory_space<hbm>>
      tpu.wait_dma2 semaphore(%run_scoped3A : memref<!tpu.dma_semaphore, #tpu.memory_space<semaphore_mem>>) src(%dma_wait3A_227 : memref<50x128xi32, #tpu.memory_space<hbm>>) dst(%arg5 : memref<50x128xi32, #tpu.memory_space<vmem>>)
      tpu.yield
    }) : () -> ()
    %iota3A = tpu.iota {dimensions = array<i32: 0>} : vector<16xi32>
    %add3A_1 = arith.constant 0 : i32
    %add3A_2 = vector.broadcast %add3A_1 : i32 to vector<16xi32>
    %add3A_3 = arith.addi %iota3A, %add3A_2 : vector<16xi32>
    %and3A = arith.constant 15 : i32
    %and3A_4 = vector.broadcast %and3A : i32 to vector<16xi32>
    %and3A_5 = arith.andi %add3A_3, %and3A_4 : vector<16xi32>
    %add3A_6 = arith.constant 1 : i32
    %add3A_7 = vector.broadcast %add3A_6 : i32 to vector<16xi32>
    %add3A_8 = arith.addi %iota3A, %add3A_7 : vector<16xi32>
    %and3A_9 = arith.constant 15 : i32
    %and3A_10 = vector.broadcast %and3A_9 : i32 to vector<16xi32>
    %and3A_11 = arith.andi %add3A_8, %and3A_10 : vector<16xi32>
    %add3A_12 = arith.constant 2 : i32
    %add3A_13 = vector.broadcast %add3A_12 : i32 to vector<16xi32>
    %add3A_14 = arith.addi %iota3A, %add3A_13 : vector<16xi32>
    %and3A_15 = arith.constant 15 : i32
    %and3A_16 = vector.broadcast %and3A_15 : i32 to vector<16xi32>
    %and3A_17 = arith.andi %add3A_14, %and3A_16 : vector<16xi32>
    %add3A_18 = arith.constant 3 : i32
    %add3A_19 = vector.broadcast %add3A_18 : i32 to vector<16xi32>
    %add3A_20 = arith.addi %iota3A, %add3A_19 : vector<16xi32>
    %and3A_21 = arith.constant 15 : i32
    %and3A_22 = vector.broadcast %and3A_21 : i32 to vector<16xi32>
    %and3A_23 = arith.andi %add3A_20, %and3A_22 : vector<16xi32>
    %add3A_24 = arith.constant 4 : i32
    %add3A_25 = vector.broadcast %add3A_24 : i32 to vector<16xi32>
    %add3A_26 = arith.addi %iota3A, %add3A_25 : vector<16xi32>
    %and3A_27 = arith.constant 15 : i32
    %and3A_28 = vector.broadcast %and3A_27 : i32 to vector<16xi32>
    %and3A_29 = arith.andi %add3A_26, %and3A_28 : vector<16xi32>
    %add3A_30 = arith.constant 5 : i32
    %add3A_31 = vector.broadcast %add3A_30 : i32 to vector<16xi32>
    %add3A_32 = arith.addi %iota3A, %add3A_31 : vector<16xi32>
    %and3A_33 = arith.constant 15 : i32
    %and3A_34 = vector.broadcast %and3A_33 : i32 to vector<16xi32>
    %and3A_35 = arith.andi %add3A_32, %and3A_34 : vector<16xi32>
    %add3A_36 = arith.constant 6 : i32
    %add3A_37 = vector.broadcast %add3A_36 : i32 to vector<16xi32>
    %add3A_38 = arith.addi %iota3A, %add3A_37 : vector<16xi32>
    %and3A_39 = arith.constant 15 : i32
    %and3A_40 = vector.broadcast %and3A_39 : i32 to vector<16xi32>
    %and3A_41 = arith.andi %add3A_38, %and3A_40 : vector<16xi32>
    %add3A_42 = arith.constant 7 : i32
    %add3A_43 = vector.broadcast %add3A_42 : i32 to vector<16xi32>
    %add3A_44 = arith.addi %iota3A, %add3A_43 : vector<16xi32>
    %and3A_45 = arith.constant 15 : i32
    %and3A_46 = vector.broadcast %and3A_45 : i32 to vector<16xi32>
    %and3A_47 = arith.andi %add3A_44, %and3A_46 : vector<16xi32>
    %add3A_48 = arith.constant 8 : i32
    %add3A_49 = vector.broadcast %add3A_48 : i32 to vector<16xi32>
    %add3A_50 = arith.addi %iota3A, %add3A_49 : vector<16xi32>
    %and3A_51 = arith.constant 15 : i32
    %and3A_52 = vector.broadcast %and3A_51 : i32 to vector<16xi32>
    %and3A_53 = arith.andi %add3A_50, %and3A_52 : vector<16xi32>
    %add3A_54 = arith.constant 9 : i32
    %add3A_55 = vector.broadcast %add3A_54 : i32 to vector<16xi32>
    %add3A_56 = arith.addi %iota3A, %add3A_55 : vector<16xi32>
    %and3A_57 = arith.constant 15 : i32
    %and3A_58 = vector.broadcast %and3A_57 : i32 to vector<16xi32>
    %and3A_59 = arith.andi %add3A_56, %and3A_58 : vector<16xi32>
    %add3A_60 = arith.constant 10 : i32
    %add3A_61 = vector.broadcast %add3A_60 : i32 to vector<16xi32>
    %add3A_62 = arith.addi %iota3A, %add3A_61 : vector<16xi32>
    %and3A_63 = arith.constant 15 : i32
    %and3A_64 = vector.broadcast %and3A_63 : i32 to vector<16xi32>
    %and3A_65 = arith.andi %add3A_62, %and3A_64 : vector<16xi32>
    %add3A_66 = arith.constant 11 : i32
    %add3A_67 = vector.broadcast %add3A_66 : i32 to vector<16xi32>
    %add3A_68 = arith.addi %iota3A, %add3A_67 : vector<16xi32>
    %and3A_69 = arith.constant 15 : i32
    %and3A_70 = vector.broadcast %and3A_69 : i32 to vector<16xi32>
    %and3A_71 = arith.andi %add3A_68, %and3A_70 : vector<16xi32>
    %add3A_72 = arith.constant 12 : i32
    %add3A_73 = vector.broadcast %add3A_72 : i32 to vector<16xi32>
    %add3A_74 = arith.addi %iota3A, %add3A_73 : vector<16xi32>
    %and3A_75 = arith.constant 15 : i32
    %and3A_76 = vector.broadcast %and3A_75 : i32 to vector<16xi32>
    %and3A_77 = arith.andi %add3A_74, %and3A_76 : vector<16xi32>
    %add3A_78 = arith.constant 13 : i32
    %add3A_79 = vector.broadcast %add3A_78 : i32 to vector<16xi32>
    %add3A_80 = arith.addi %iota3A, %add3A_79 : vector<16xi32>
    %and3A_81 = arith.constant 15 : i32
    %and3A_82 = vector.broadcast %and3A_81 : i32 to vector<16xi32>
    %and3A_83 = arith.andi %add3A_80, %and3A_82 : vector<16xi32>
    %add3A_84 = arith.constant 14 : i32
    %add3A_85 = vector.broadcast %add3A_84 : i32 to vector<16xi32>
    %add3A_86 = arith.addi %iota3A, %add3A_85 : vector<16xi32>
    %and3A_87 = arith.constant 15 : i32
    %and3A_88 = vector.broadcast %and3A_87 : i32 to vector<16xi32>
    %and3A_89 = arith.andi %add3A_86, %and3A_88 : vector<16xi32>
    %add3A_90 = arith.constant 15 : i32
    %add3A_91 = vector.broadcast %add3A_90 : i32 to vector<16xi32>
    %add3A_92 = arith.addi %iota3A, %add3A_91 : vector<16xi32>
    %and3A_93 = arith.constant 15 : i32
    %and3A_94 = vector.broadcast %and3A_93 : i32 to vector<16xi32>
    %and3A_95 = arith.andi %add3A_92, %and3A_94 : vector<16xi32>
    %dma_start3A = arith.constant 0 : i32
    %dma_start3A_96 = arith.constant 0 : i32
    %dma_start3A_97 = tpu.memref_slice %arg5[%dma_start3A, %dma_start3A_96] : memref<50x128xi32, #tpu.memory_space<vmem>> -> memref<1x64xi32, #tpu.memory_space<vmem>>
    %dma_start3A_98 = tpu.memref_squeeze %dma_start3A_97 : memref<1x64xi32, #tpu.memory_space<vmem>> -> memref<64xi32, #tpu.memory_space<vmem>>
    %dma_start3A_99 = arith.constant 0 : i32
    %dma_start3A_100 = arith.constant 0 : i32
    %dma_start3A_101 = tpu.memref_slice %arg3[%dma_start3A_99, %dma_start3A_100] : memref<100000x256xf32, #tpu.memory_space<hbm>> -> memref<100000x256xf32, #tpu.memory_space<hbm>>
    tpu.enqueue_indirect_dma source(%dma_start3A_101 : memref<100000x256xf32, #tpu.memory_space<hbm>>) target(%arg6 : memref<64x256xf32, #tpu.memory_space<vmem>>) offsets(%dma_start3A_98 : memref<64xi32, #tpu.memory_space<vmem>>) semaphore(%arg10 : memref<!tpu.dma_semaphore, #tpu.memory_space<semaphore_mem>>)
    %dma_start3A_102 = arith.constant 0 : i32
    %dma_start3A_103 = arith.constant 64 : i32
    %dma_start3A_104 = tpu.memref_slice %arg5[%dma_start3A_102, %dma_start3A_103] : memref<50x128xi32, #tpu.memory_space<vmem>> -> memref<1x64xi32, #tpu.memory_space<vmem>>
    %dma_start3A_105 = tpu.memref_squeeze %dma_start3A_104 : memref<1x64xi32, #tpu.memory_space<vmem>> -> memref<64xi32, #tpu.memory_space<vmem>>
    %dma_start3A_106 = arith.constant 0 : i32
    %dma_start3A_107 = arith.constant 0 : i32
    %dma_start3A_108 = tpu.memref_slice %arg3[%dma_start3A_106, %dma_start3A_107] : memref<100000x256xf32, #tpu.memory_space<hbm>> -> memref<100000x256xf32, #tpu.memory_space<hbm>>
    tpu.enqueue_indirect_dma source(%dma_start3A_108 : memref<100000x256xf32, #tpu.memory_space<hbm>>) target(%arg7 : memref<64x256xf32, #tpu.memory_space<vmem>>) offsets(%dma_start3A_105 : memref<64xi32, #tpu.memory_space<vmem>>) semaphore(%arg11 : memref<!tpu.dma_semaphore, #tpu.memory_space<semaphore_mem>>)
    %scan3A = arith.constant 0 : i32
    %scan3A_109 = arith.constant 25 : i32
    %scan3A_110 = arith.addi %scan3A, %scan3A_109 : i32
    %scan3A_111 = arith.constant 1 : i32
    scf.for %scan3A_212 = %scan3A to %scan3A_110 step %scan3A_111  : i32 {
      %mul3A_213 = arith.constant 2 : i32
      %mul3A_214 = arith.muli %scan3A_212, %mul3A_213 : i32
      %add3A_215 = arith.constant 0 : i32
      %add3A_216 = arith.addi %add3A_215, %mul3A_214 : i32
      %add3A_217 = arith.constant 0 : i32
      %add3A_218 = arith.addi %add3A_216, %add3A_217 : i32
      %ge3A = arith.constant 2 : i32
      %ge3A_219 = arith.cmpi sge, %add3A_218, %ge3A : i32
      %convert_element_type3A = arith.extui %ge3A_219 : i1 to i32
      %cond3A = arith.constant 0 : i32
      %cond3A_220 = arith.cmpi ne, %convert_element_type3A, %cond3A : i32
      scf.if %cond3A_220 {
        %mul3A_399 = arith.constant 50 : i32
        %mul3A_400 = arith.muli %add3A, %mul3A_399 : i32
        %add3A_401 = arith.addi %mul3A_400, %add3A_218 : i32
        %jit3A_402 = arith.constant 32 : i32
        %div3A_403 = arith.divsi %add3A_401, %jit3A_402 : i32
        %sign3A_404 = arith.constant 0 : i32
        %sign3A_405 = arith.cmpi sgt, %add3A_401, %sign3A_404 : i32
        %sign3A_406 = arith.extui %sign3A_405 : i1 to i32
        %sign3A_407 = arith.constant 0 : i32
        %sign3A_408 = arith.cmpi slt, %add3A_401, %sign3A_407 : i32
        %sign3A_409 = arith.extui %sign3A_408 : i1 to i32
        %sign3A_410 = arith.subi %sign3A_406, %sign3A_409 : i32
        %sign3A_411 = arith.constant 0 : i32
        %sign3A_412 = arith.cmpi sgt, %jit3A_402, %sign3A_411 : i32
        %sign3A_413 = arith.extui %sign3A_412 : i1 to i32
        %sign3A_414 = arith.constant 0 : i32
        %sign3A_415 = arith.cmpi slt, %jit3A_402, %sign3A_414 : i32
        %sign3A_416 = arith.extui %sign3A_415 : i1 to i32
        %sign3A_417 = arith.subi %sign3A_413, %sign3A_416 : i32
        %ne3A_418 = arith.cmpi ne, %sign3A_410, %sign3A_417 : i32
        %rem3A_419 = arith.remsi %add3A_401, %jit3A_402 : i32
        %ne3A_420 = arith.constant 0 : i32
        %ne3A_421 = arith.cmpi ne, %rem3A_419, %ne3A_420 : i32
        %and3A_422 = arith.andi %ne3A_418, %ne3A_421 : i1
        %sub3A_423 = arith.constant 1 : i32
        %sub3A_424 = arith.subi %div3A_403, %sub3A_423 : i32
        %select_n3A_425 = arith.select %and3A_422, %sub3A_424, %div3A_403 : i32
        %jit3A_426 = arith.constant 32 : i32
        %eq3A_427 = arith.constant 0 : i32
        %eq3A_428 = arith.cmpi eq, %jit3A_426, %eq3A_427 : i32
        %jit3A_429 = arith.constant 1 : i32
        %select_n3A_430 = arith.select %eq3A_428, %jit3A_429, %jit3A_426 : i32
        %rem3A_431 = arith.remsi %add3A_401, %select_n3A_430 : i32
        %ne3A_432 = arith.constant 0 : i32
        %ne3A_433 = arith.cmpi ne, %rem3A_431, %ne3A_432 : i32
        %lt3A_434 = arith.constant 0 : i32
        %lt3A_435 = arith.cmpi slt, %rem3A_431, %lt3A_434 : i32
        %lt3A_436 = arith.constant 0 : i32
        %lt3A_437 = arith.cmpi slt, %select_n3A_430, %lt3A_436 : i32
        %ne3A_438 = arith.xori %lt3A_435, %lt3A_437 : i1
        %and3A_439 = arith.andi %ne3A_438, %ne3A_433 : i1
        %add3A_440 = arith.addi %rem3A_431, %select_n3A_430 : i32
        %select_n3A_441 = arith.select %and3A_439, %add3A_440, %rem3A_431 : i32
        %mul3A_442 = arith.constant 128 : i32
        %mul3A_443 = arith.muli %select_n3A_441, %mul3A_442 : i32
        %multiple_of3A_444 = tpu.assume_multiple %mul3A_443, 128 : i32
        %dma_wait3A_445 = arith.constant 0 : i32
        %dma_wait3A_446 = arith.constant 0 : i32
        %dma_wait3A_447 = tpu.memref_slice %arg4[%select_n3A_425, %dma_wait3A_445, %dma_wait3A_446, %multiple_of3A_444] : memref<50x16x16x4096xf32, #tpu.memory_space<hbm>> -> memref<1x16x16x128xf32, #tpu.memory_space<hbm>>
        %dma_wait3A_448 = tpu.memref_squeeze %dma_wait3A_447 : memref<1x16x16x128xf32, #tpu.memory_space<hbm>> -> memref<16x16x128xf32, #tpu.memory_space<hbm>>
        %dma_wait3A_449 = arith.constant 0 : i32
        %dma_wait3A_450 = arith.constant 0 : i32
        %dma_wait3A_451 = tpu.memref_slice %arg4[%select_n3A_425, %dma_wait3A_449, %dma_wait3A_450, %multiple_of3A_444] : memref<50x16x16x4096xf32, #tpu.memory_space<hbm>> -> memref<1x16x16x128xf32, #tpu.memory_space<hbm>>
        %dma_wait3A_452 = tpu.memref_squeeze %dma_wait3A_451 : memref<1x16x16x128xf32, #tpu.memory_space<hbm>> -> memref<16x16x128xf32, #tpu.memory_space<hbm>>
        tpu.wait_dma2 semaphore(%arg12 : memref<!tpu.dma_semaphore, #tpu.memory_space<semaphore_mem>>) src(%arg8 : memref<16x16x128xf32, #tpu.memory_space<vmem>>) dst(%dma_wait3A_452 : memref<16x16x128xf32, #tpu.memory_space<hbm>>)
      } else {
      }
      %dma_wait3A_221 = arith.constant 0 : i32
      %dma_wait3A_222 = tpu.memref_slice %arg5[%add3A_218, %dma_wait3A_221] : memref<50x128xi32, #tpu.memory_space<vmem>> -> memref<1x64xi32, #tpu.memory_space<vmem>>
      %dma_wait3A_223 = tpu.memref_squeeze %dma_wait3A_222 : memref<1x64xi32, #tpu.memory_space<vmem>> -> memref<64xi32, #tpu.memory_space<vmem>>
      %dma_wait3A_224 = arith.constant 0 : i32
      %dma_wait3A_225 = arith.constant 0 : i32
      %dma_wait3A_226 = tpu.memref_slice %arg3[%dma_wait3A_224, %dma_wait3A_225] : memref<100000x256xf32, #tpu.memory_space<hbm>> -> memref<100000x256xf32, #tpu.memory_space<hbm>>
      tpu.wait_indirect_dma semaphore(%arg10 : memref<!tpu.dma_semaphore, #tpu.memory_space<semaphore_mem>>) src(%dma_wait3A_226 : memref<100000x256xf32, #tpu.memory_space<hbm>>) dst(%arg6 : memref<64x256xf32, #tpu.memory_space<vmem>>)
      %parallel_loop3A = arith.constant 0 : i32
      %parallel_loop3A_227 = arith.constant 64 : i32
      %parallel_loop3A_228 = arith.constant 1 : i32
      scf.for %parallel_loop3A_399 = %parallel_loop3A to %parallel_loop3A_227 step %parallel_loop3A_228  : i32 {
        %parallel_loop3A_400 = arith.constant 16 : i32
        %parallel_loop3A_401 = arith.divsi %parallel_loop3A_399, %parallel_loop3A_400 : i32
        %parallel_loop3A_402 = arith.constant 0 : i32
        %parallel_loop3A_403 = arith.cmpi sgt, %parallel_loop3A_399, %parallel_loop3A_402 : i32
        %parallel_loop3A_404 = arith.extui %parallel_loop3A_403 : i1 to i32
        %parallel_loop3A_405 = arith.constant 0 : i32
        %parallel_loop3A_406 = arith.cmpi slt, %parallel_loop3A_399, %parallel_loop3A_405 : i32
        %parallel_loop3A_407 = arith.extui %parallel_loop3A_406 : i1 to i32
        %parallel_loop3A_408 = arith.subi %parallel_loop3A_404, %parallel_loop3A_407 : i32
        %parallel_loop3A_409 = arith.constant 0 : i32
        %parallel_loop3A_410 = arith.cmpi sgt, %parallel_loop3A_400, %parallel_loop3A_409 : i32
        %parallel_loop3A_411 = arith.extui %parallel_loop3A_410 : i1 to i32
        %parallel_loop3A_412 = arith.constant 0 : i32
        %parallel_loop3A_413 = arith.cmpi slt, %parallel_loop3A_400, %parallel_loop3A_412 : i32
        %parallel_loop3A_414 = arith.extui %parallel_loop3A_413 : i1 to i32
        %parallel_loop3A_415 = arith.subi %parallel_loop3A_411, %parallel_loop3A_414 : i32
        %parallel_loop3A_416 = arith.cmpi ne, %parallel_loop3A_408, %parallel_loop3A_415 : i32
        %parallel_loop3A_417 = arith.remsi %parallel_loop3A_399, %parallel_loop3A_400 : i32
        %parallel_loop3A_418 = arith.constant 0 : i32
        %parallel_loop3A_419 = arith.cmpi ne, %parallel_loop3A_417, %parallel_loop3A_418 : i32
        %parallel_loop3A_420 = arith.andi %parallel_loop3A_416, %parallel_loop3A_419 : i1
        %parallel_loop3A_421 = arith.constant 1 : i32
        %parallel_loop3A_422 = arith.subi %parallel_loop3A_401, %parallel_loop3A_421 : i32
        %parallel_loop3A_423 = arith.select %parallel_loop3A_420, %parallel_loop3A_422, %parallel_loop3A_401 : i32
        %parallel_loop3A_424 = arith.constant 16 : i32
        %parallel_loop3A_425 = arith.constant 0 : i32
        %parallel_loop3A_426 = arith.cmpi eq, %parallel_loop3A_424, %parallel_loop3A_425 : i32
        %parallel_loop3A_427 = arith.constant 1 : i32
        %parallel_loop3A_428 = arith.select %parallel_loop3A_426, %parallel_loop3A_427, %parallel_loop3A_424 : i32
        %parallel_loop3A_429 = arith.remsi %parallel_loop3A_399, %parallel_loop3A_428 : i32
        %parallel_loop3A_430 = arith.constant 0 : i32
        %parallel_loop3A_431 = arith.cmpi ne, %parallel_loop3A_429, %parallel_loop3A_430 : i32
        %parallel_loop3A_432 = arith.constant 0 : i32
        %parallel_loop3A_433 = arith.cmpi slt, %parallel_loop3A_429, %parallel_loop3A_432 : i32
        %parallel_loop3A_434 = arith.constant 0 : i32
        %parallel_loop3A_435 = arith.cmpi slt, %parallel_loop3A_428, %parallel_loop3A_434 : i32
        %parallel_loop3A_436 = arith.xori %parallel_loop3A_433, %parallel_loop3A_435 : i1
        %parallel_loop3A_437 = arith.andi %parallel_loop3A_436, %parallel_loop3A_431 : i1
        %parallel_loop3A_438 = arith.addi %parallel_loop3A_429, %parallel_loop3A_428 : i32
        %parallel_loop3A_439 = arith.select %parallel_loop3A_437, %parallel_loop3A_438, %parallel_loop3A_429 : i32
        %parallel_loop3A_440 = arith.constant 16 : i32
        %parallel_loop3A_441 = arith.muli %parallel_loop3A_423, %parallel_loop3A_440 : i32
        %parallel_loop3A_442 = vector.broadcast %parallel_loop3A_441 : i32 to vector<16xi32>
        %parallel_loop3A_443 = arith.addi %iota3A, %parallel_loop3A_442 : vector<16xi32>
        %parallel_loop3A_444 = arith.constant 0 : i32
        %parallel_loop3A_445 = vector.broadcast %parallel_loop3A_444 : i32 to vector<16xi32>
        %parallel_loop3A_446 = arith.addi %parallel_loop3A_443, %parallel_loop3A_445 : vector<16xi32>
        %parallel_loop3A_447 = arith.constant 0 : i32
        %parallel_loop3A_448 = vector.broadcast %parallel_loop3A_447 : i32 to vector<16xi32>
        %parallel_loop3A_449 = vector.broadcast %parallel_loop3A_439 : i32 to vector<16xi32>
        %parallel_loop3A_450 = arith.addi %parallel_loop3A_448, %parallel_loop3A_449 : vector<16xi32>
        %parallel_loop3A_451 = arith.constant 16 : i32
        %parallel_loop3A_452 = arith.muli %parallel_loop3A_439, %parallel_loop3A_451 : i32
        %parallel_loop3A_453 = vector.broadcast %parallel_loop3A_452 : i32 to vector<16xi32>
        %parallel_loop3A_454 = arith.addi %and3A_5, %parallel_loop3A_453 : vector<16xi32>
        %parallel_loop3A_455 = tpu.vector_load_idx %arg6[%parallel_loop3A_443, %parallel_loop3A_454] : memref<64x256xf32, #tpu.memory_space<vmem>>[vector<16xi32>, vector<16xi32>], vector<16xf32>,
        tpu.vector_store_idx %arg8[%parallel_loop3A_450, %and3A_5, %parallel_loop3A_446], %parallel_loop3A_455 : memref<16x16x128xf32, #tpu.memory_space<vmem>>[vector<16xi32>, vector<16xi32>, vector<16xi32>], vector<16xf32>,
        %parallel_loop3A_456 = vector.broadcast %parallel_loop3A_452 : i32 to vector<16xi32>
        %parallel_loop3A_457 = arith.addi %and3A_11, %parallel_loop3A_456 : vector<16xi32>
        %parallel_loop3A_458 = tpu.vector_load_idx %arg6[%parallel_loop3A_443, %parallel_loop3A_457] : memref<64x256xf32, #tpu.memory_space<vmem>>[vector<16xi32>, vector<16xi32>], vector<16xf32>,
        tpu.vector_store_idx %arg8[%parallel_loop3A_450, %and3A_11, %parallel_loop3A_446], %parallel_loop3A_458 : memref<16x16x128xf32, #tpu.memory_space<vmem>>[vector<16xi32>, vector<16xi32>, vector<16xi32>], vector<16xf32>,
        %parallel_loop3A_459 = vector.broadcast %parallel_loop3A_452 : i32 to vector<16xi32>
        %parallel_loop3A_460 = arith.addi %and3A_17, %parallel_loop3A_459 : vector<16xi32>
        %parallel_loop3A_461 = tpu.vector_load_idx %arg6[%parallel_loop3A_443, %parallel_loop3A_460] : memref<64x256xf32, #tpu.memory_space<vmem>>[vector<16xi32>, vector<16xi32>], vector<16xf32>,
        tpu.vector_store_idx %arg8[%parallel_loop3A_450, %and3A_17, %parallel_loop3A_446], %parallel_loop3A_461 : memref<16x16x128xf32, #tpu.memory_space<vmem>>[vector<16xi32>, vector<16xi32>, vector<16xi32>], vector<16xf32>,
        %parallel_loop3A_462 = vector.broadcast %parallel_loop3A_452 : i32 to vector<16xi32>
        %parallel_loop3A_463 = arith.addi %and3A_23, %parallel_loop3A_462 : vector<16xi32>
        %parallel_loop3A_464 = tpu.vector_load_idx %arg6[%parallel_loop3A_443, %parallel_loop3A_463] : memref<64x256xf32, #tpu.memory_space<vmem>>[vector<16xi32>, vector<16xi32>], vector<16xf32>,
        tpu.vector_store_idx %arg8[%parallel_loop3A_450, %and3A_23, %parallel_loop3A_446], %parallel_loop3A_464 : memref<16x16x128xf32, #tpu.memory_space<vmem>>[vector<16xi32>, vector<16xi32>, vector<16xi32>], vector<16xf32>,
        %parallel_loop3A_465 = vector.broadcast %parallel_loop3A_452 : i32 to vector<16xi32>
        %parallel_loop3A_466 = arith.addi %and3A_29, %parallel_loop3A_465 : vector<16xi32>
        %parallel_loop3A_467 = tpu.vector_load_idx %arg6[%parallel_loop3A_443, %parallel_loop3A_466] : memref<64x256xf32, #tpu.memory_space<vmem>>[vector<16xi32>, vector<16xi32>], vector<16xf32>,
        tpu.vector_store_idx %arg8[%parallel_loop3A_450, %and3A_29, %parallel_loop3A_446], %parallel_loop3A_467 : memref<16x16x128xf32, #tpu.memory_space<vmem>>[vector<16xi32>, vector<16xi32>, vector<16xi32>], vector<16xf32>,
        %parallel_loop3A_468 = vector.broadcast %parallel_loop3A_452 : i32 to vector<16xi32>
        %parallel_loop3A_469 = arith.addi %and3A_35, %parallel_loop3A_468 : vector<16xi32>
        %parallel_loop3A_470 = tpu.vector_load_idx %arg6[%parallel_loop3A_443, %parallel_loop3A_469] : memref<64x256xf32, #tpu.memory_space<vmem>>[vector<16xi32>, vector<16xi32>], vector<16xf32>,
        tpu.vector_store_idx %arg8[%parallel_loop3A_450, %and3A_35, %parallel_loop3A_446], %parallel_loop3A_470 : memref<16x16x128xf32, #tpu.memory_space<vmem>>[vector<16xi32>, vector<16xi32>, vector<16xi32>], vector<16xf32>,
        %parallel_loop3A_471 = vector.broadcast %parallel_loop3A_452 : i32 to vector<16xi32>
        %parallel_loop3A_472 = arith.addi %and3A_41, %parallel_loop3A_471 : vector<16xi32>
        %parallel_loop3A_473 = tpu.vector_load_idx %arg6[%parallel_loop3A_443, %parallel_loop3A_472] : memref<64x256xf32, #tpu.memory_space<vmem>>[vector<16xi32>, vector<16xi32>], vector<16xf32>,
        tpu.vector_store_idx %arg8[%parallel_loop3A_450, %and3A_41, %parallel_loop3A_446], %parallel_loop3A_473 : memref<16x16x128xf32, #tpu.memory_space<vmem>>[vector<16xi32>, vector<16xi32>, vector<16xi32>], vector<16xf32>,
        %parallel_loop3A_474 = vector.broadcast %parallel_loop3A_452 : i32 to vector<16xi32>
        %parallel_loop3A_475 = arith.addi %and3A_47, %parallel_loop3A_474 : vector<16xi32>
        %parallel_loop3A_476 = tpu.vector_load_idx %arg6[%parallel_loop3A_443, %parallel_loop3A_475] : memref<64x256xf32, #tpu.memory_space<vmem>>[vector<16xi32>, vector<16xi32>], vector<16xf32>,
        tpu.vector_store_idx %arg8[%parallel_loop3A_450, %and3A_47, %parallel_loop3A_446], %parallel_loop3A_476 : memref<16x16x128xf32, #tpu.memory_space<vmem>>[vector<16xi32>, vector<16xi32>, vector<16xi32>], vector<16xf32>,
        %parallel_loop3A_477 = vector.broadcast %parallel_loop3A_452 : i32 to vector<16xi32>
        %parallel_loop3A_478 = arith.addi %and3A_53, %parallel_loop3A_477 : vector<16xi32>
        %parallel_loop3A_479 = tpu.vector_load_idx %arg6[%parallel_loop3A_443, %parallel_loop3A_478] : memref<64x256xf32, #tpu.memory_space<vmem>>[vector<16xi32>, vector<16xi32>], vector<16xf32>,
        tpu.vector_store_idx %arg8[%parallel_loop3A_450, %and3A_53, %parallel_loop3A_446], %parallel_loop3A_479 : memref<16x16x128xf32, #tpu.memory_space<vmem>>[vector<16xi32>, vector<16xi32>, vector<16xi32>], vector<16xf32>,
        %parallel_loop3A_480 = vector.broadcast %parallel_loop3A_452 : i32 to vector<16xi32>
        %parallel_loop3A_481 = arith.addi %and3A_59, %parallel_loop3A_480 : vector<16xi32>
        %parallel_loop3A_482 = tpu.vector_load_idx %arg6[%parallel_loop3A_443, %parallel_loop3A_481] : memref<64x256xf32, #tpu.memory_space<vmem>>[vector<16xi32>, vector<16xi32>], vector<16xf32>,
        tpu.vector_store_idx %arg8[%parallel_loop3A_450, %and3A_59, %parallel_loop3A_446], %parallel_loop3A_482 : memref<16x16x128xf32, #tpu.memory_space<vmem>>[vector<16xi32>, vector<16xi32>, vector<16xi32>], vector<16xf32>,
        %parallel_loop3A_483 = vector.broadcast %parallel_loop3A_452 : i32 to vector<16xi32>
        %parallel_loop3A_484 = arith.addi %and3A_65, %parallel_loop3A_483 : vector<16xi32>
        %parallel_loop3A_485 = tpu.vector_load_idx %arg6[%parallel_loop3A_443, %parallel_loop3A_484] : memref<64x256xf32, #tpu.memory_space<vmem>>[vector<16xi32>, vector<16xi32>], vector<16xf32>,
        tpu.vector_store_idx %arg8[%parallel_loop3A_450, %and3A_65, %parallel_loop3A_446], %parallel_loop3A_485 : memref<16x16x128xf32, #tpu.memory_space<vmem>>[vector<16xi32>, vector<16xi32>, vector<16xi32>], vector<16xf32>,
        %parallel_loop3A_486 = vector.broadcast %parallel_loop3A_452 : i32 to vector<16xi32>
        %parallel_loop3A_487 = arith.addi %and3A_71, %parallel_loop3A_486 : vector<16xi32>
        %parallel_loop3A_488 = tpu.vector_load_idx %arg6[%parallel_loop3A_443, %parallel_loop3A_487] : memref<64x256xf32, #tpu.memory_space<vmem>>[vector<16xi32>, vector<16xi32>], vector<16xf32>,
        tpu.vector_store_idx %arg8[%parallel_loop3A_450, %and3A_71, %parallel_loop3A_446], %parallel_loop3A_488 : memref<16x16x128xf32, #tpu.memory_space<vmem>>[vector<16xi32>, vector<16xi32>, vector<16xi32>], vector<16xf32>,
        %parallel_loop3A_489 = vector.broadcast %parallel_loop3A_452 : i32 to vector<16xi32>
        %parallel_loop3A_490 = arith.addi %and3A_77, %parallel_loop3A_489 : vector<16xi32>
        %parallel_loop3A_491 = tpu.vector_load_idx %arg6[%parallel_loop3A_443, %parallel_loop3A_490] : memref<64x256xf32, #tpu.memory_space<vmem>>[vector<16xi32>, vector<16xi32>], vector<16xf32>,
        tpu.vector_store_idx %arg8[%parallel_loop3A_450, %and3A_77, %parallel_loop3A_446], %parallel_loop3A_491 : memref<16x16x128xf32, #tpu.memory_space<vmem>>[vector<16xi32>, vector<16xi32>, vector<16xi32>], vector<16xf32>,
        %parallel_loop3A_492 = vector.broadcast %parallel_loop3A_452 : i32 to vector<16xi32>
        %parallel_loop3A_493 = arith.addi %and3A_83, %parallel_loop3A_492 : vector<16xi32>
        %parallel_loop3A_494 = tpu.vector_load_idx %arg6[%parallel_loop3A_443, %parallel_loop3A_493] : memref<64x256xf32, #tpu.memory_space<vmem>>[vector<16xi32>, vector<16xi32>], vector<16xf32>,
        tpu.vector_store_idx %arg8[%parallel_loop3A_450, %and3A_83, %parallel_loop3A_446], %parallel_loop3A_494 : memref<16x16x128xf32, #tpu.memory_space<vmem>>[vector<16xi32>, vector<16xi32>, vector<16xi32>], vector<16xf32>,
        %parallel_loop3A_495 = vector.broadcast %parallel_loop3A_452 : i32 to vector<16xi32>
        %parallel_loop3A_496 = arith.addi %and3A_89, %parallel_loop3A_495 : vector<16xi32>
        %parallel_loop3A_497 = tpu.vector_load_idx %arg6[%parallel_loop3A_443, %parallel_loop3A_496] : memref<64x256xf32, #tpu.memory_space<vmem>>[vector<16xi32>, vector<16xi32>], vector<16xf32>,
        tpu.vector_store_idx %arg8[%parallel_loop3A_450, %and3A_89, %parallel_loop3A_446], %parallel_loop3A_497 : memref<16x16x128xf32, #tpu.memory_space<vmem>>[vector<16xi32>, vector<16xi32>, vector<16xi32>], vector<16xf32>,
        %parallel_loop3A_498 = vector.broadcast %parallel_loop3A_452 : i32 to vector<16xi32>
        %parallel_loop3A_499 = arith.addi %and3A_95, %parallel_loop3A_498 : vector<16xi32>
        %parallel_loop3A_500 = tpu.vector_load_idx %arg6[%parallel_loop3A_443, %parallel_loop3A_499] : memref<64x256xf32, #tpu.memory_space<vmem>>[vector<16xi32>, vector<16xi32>], vector<16xf32>,
        tpu.vector_store_idx %arg8[%parallel_loop3A_450, %and3A_95, %parallel_loop3A_446], %parallel_loop3A_500 : memref<16x16x128xf32, #tpu.memory_space<vmem>>[vector<16xi32>, vector<16xi32>, vector<16xi32>], vector<16xf32>,
      } {sc.loop_unroll_factor = 4 : i64, sc.parallel_access}
      %add3A_229 = arith.constant 1 : i32
      %add3A_230 = arith.addi %add3A_218, %add3A_229 : i32
      %lt3A_231 = arith.constant 50 : i32
      %lt3A_232 = arith.cmpi slt, %add3A_230, %lt3A_231 : i32
      %convert_element_type3A_233 = arith.extui %lt3A_232 : i1 to i32
      %cond3A_234 = arith.constant 0 : i32
      %cond3A_235 = arith.cmpi ne, %convert_element_type3A_233, %cond3A_234 : i32
      scf.if %cond3A_235 {
        %add3A_399 = arith.constant 1 : i32
        %add3A_400 = arith.addi %add3A_218, %add3A_399 : i32
        %dma_start3A_401 = arith.constant 0 : i32
        %dma_start3A_402 = tpu.memref_slice %arg5[%add3A_400, %dma_start3A_401] : memref<50x128xi32, #tpu.memory_space<vmem>> -> memref<1x64xi32, #tpu.memory_space<vmem>>
        %dma_start3A_403 = tpu.memref_squeeze %dma_start3A_402 : memref<1x64xi32, #tpu.memory_space<vmem>> -> memref<64xi32, #tpu.memory_space<vmem>>
        %dma_start3A_404 = arith.constant 0 : i32
        %dma_start3A_405 = arith.constant 0 : i32
        %dma_start3A_406 = tpu.memref_slice %arg3[%dma_start3A_404, %dma_start3A_405] : memref<100000x256xf32, #tpu.memory_space<hbm>> -> memref<100000x256xf32, #tpu.memory_space<hbm>>
        tpu.enqueue_indirect_dma source(%dma_start3A_406 : memref<100000x256xf32, #tpu.memory_space<hbm>>) target(%arg6 : memref<64x256xf32, #tpu.memory_space<vmem>>) offsets(%dma_start3A_403 : memref<64xi32, #tpu.memory_space<vmem>>) semaphore(%arg10 : memref<!tpu.dma_semaphore, #tpu.memory_space<semaphore_mem>>)
      } else {
      }
      %dma_wait3A_236 = arith.constant 64 : i32
      %dma_wait3A_237 = tpu.memref_slice %arg5[%add3A_218, %dma_wait3A_236] : memref<50x128xi32, #tpu.memory_space<vmem>> -> memref<1x64xi32, #tpu.memory_space<vmem>>
      %dma_wait3A_238 = tpu.memref_squeeze %dma_wait3A_237 : memref<1x64xi32, #tpu.memory_space<vmem>> -> memref<64xi32, #tpu.memory_space<vmem>>
      %dma_wait3A_239 = arith.constant 0 : i32
      %dma_wait3A_240 = arith.constant 0 : i32
      %dma_wait3A_241 = tpu.memref_slice %arg3[%dma_wait3A_239, %dma_wait3A_240] : memref<100000x256xf32, #tpu.memory_space<hbm>> -> memref<100000x256xf32, #tpu.memory_space<hbm>>
      tpu.wait_indirect_dma semaphore(%arg11 : memref<!tpu.dma_semaphore, #tpu.memory_space<semaphore_mem>>) src(%dma_wait3A_241 : memref<100000x256xf32, #tpu.memory_space<hbm>>) dst(%arg7 : memref<64x256xf32, #tpu.memory_space<vmem>>)
      %parallel_loop3A_242 = arith.constant 0 : i32
      %parallel_loop3A_243 = arith.constant 64 : i32
      %parallel_loop3A_244 = arith.constant 1 : i32
      scf.for %parallel_loop3A_399 = %parallel_loop3A_242 to %parallel_loop3A_243 step %parallel_loop3A_244  : i32 {
        %parallel_loop3A_400 = arith.constant 16 : i32
        %parallel_loop3A_401 = arith.divsi %parallel_loop3A_399, %parallel_loop3A_400 : i32
        %parallel_loop3A_402 = arith.constant 0 : i32
        %parallel_loop3A_403 = arith.cmpi sgt, %parallel_loop3A_399, %parallel_loop3A_402 : i32
        %parallel_loop3A_404 = arith.extui %parallel_loop3A_403 : i1 to i32
        %parallel_loop3A_405 = arith.constant 0 : i32
        %parallel_loop3A_406 = arith.cmpi slt, %parallel_loop3A_399, %parallel_loop3A_405 : i32
        %parallel_loop3A_407 = arith.extui %parallel_loop3A_406 : i1 to i32
        %parallel_loop3A_408 = arith.subi %parallel_loop3A_404, %parallel_loop3A_407 : i32
        %parallel_loop3A_409 = arith.constant 0 : i32
        %parallel_loop3A_410 = arith.cmpi sgt, %parallel_loop3A_400, %parallel_loop3A_409 : i32
        %parallel_loop3A_411 = arith.extui %parallel_loop3A_410 : i1 to i32
        %parallel_loop3A_412 = arith.constant 0 : i32
        %parallel_loop3A_413 = arith.cmpi slt, %parallel_loop3A_400, %parallel_loop3A_412 : i32
        %parallel_loop3A_414 = arith.extui %parallel_loop3A_413 : i1 to i32
        %parallel_loop3A_415 = arith.subi %parallel_loop3A_411, %parallel_loop3A_414 : i32
        %parallel_loop3A_416 = arith.cmpi ne, %parallel_loop3A_408, %parallel_loop3A_415 : i32
        %parallel_loop3A_417 = arith.remsi %parallel_loop3A_399, %parallel_loop3A_400 : i32
        %parallel_loop3A_418 = arith.constant 0 : i32
        %parallel_loop3A_419 = arith.cmpi ne, %parallel_loop3A_417, %parallel_loop3A_418 : i32
        %parallel_loop3A_420 = arith.andi %parallel_loop3A_416, %parallel_loop3A_419 : i1
        %parallel_loop3A_421 = arith.constant 1 : i32
        %parallel_loop3A_422 = arith.subi %parallel_loop3A_401, %parallel_loop3A_421 : i32
        %parallel_loop3A_423 = arith.select %parallel_loop3A_420, %parallel_loop3A_422, %parallel_loop3A_401 : i32
        %parallel_loop3A_424 = arith.constant 16 : i32
        %parallel_loop3A_425 = arith.constant 0 : i32
        %parallel_loop3A_426 = arith.cmpi eq, %parallel_loop3A_424, %parallel_loop3A_425 : i32
        %parallel_loop3A_427 = arith.constant 1 : i32
        %parallel_loop3A_428 = arith.select %parallel_loop3A_426, %parallel_loop3A_427, %parallel_loop3A_424 : i32
        %parallel_loop3A_429 = arith.remsi %parallel_loop3A_399, %parallel_loop3A_428 : i32
        %parallel_loop3A_430 = arith.constant 0 : i32
        %parallel_loop3A_431 = arith.cmpi ne, %parallel_loop3A_429, %parallel_loop3A_430 : i32
        %parallel_loop3A_432 = arith.constant 0 : i32
        %parallel_loop3A_433 = arith.cmpi slt, %parallel_loop3A_429, %parallel_loop3A_432 : i32
        %parallel_loop3A_434 = arith.constant 0 : i32
        %parallel_loop3A_435 = arith.cmpi slt, %parallel_loop3A_428, %parallel_loop3A_434 : i32
        %parallel_loop3A_436 = arith.xori %parallel_loop3A_433, %parallel_loop3A_435 : i1
        %parallel_loop3A_437 = arith.andi %parallel_loop3A_436, %parallel_loop3A_431 : i1
        %parallel_loop3A_438 = arith.addi %parallel_loop3A_429, %parallel_loop3A_428 : i32
        %parallel_loop3A_439 = arith.select %parallel_loop3A_437, %parallel_loop3A_438, %parallel_loop3A_429 : i32
        %parallel_loop3A_440 = arith.constant 16 : i32
        %parallel_loop3A_441 = arith.muli %parallel_loop3A_423, %parallel_loop3A_440 : i32
        %parallel_loop3A_442 = vector.broadcast %parallel_loop3A_441 : i32 to vector<16xi32>
        %parallel_loop3A_443 = arith.addi %iota3A, %parallel_loop3A_442 : vector<16xi32>
        %parallel_loop3A_444 = arith.constant 64 : i32
        %parallel_loop3A_445 = vector.broadcast %parallel_loop3A_444 : i32 to vector<16xi32>
        %parallel_loop3A_446 = arith.addi %parallel_loop3A_443, %parallel_loop3A_445 : vector<16xi32>
        %parallel_loop3A_447 = arith.constant 0 : i32
        %parallel_loop3A_448 = vector.broadcast %parallel_loop3A_447 : i32 to vector<16xi32>
        %parallel_loop3A_449 = vector.broadcast %parallel_loop3A_439 : i32 to vector<16xi32>
        %parallel_loop3A_450 = arith.addi %parallel_loop3A_448, %parallel_loop3A_449 : vector<16xi32>
        %parallel_loop3A_451 = arith.constant 16 : i32
        %parallel_loop3A_452 = arith.muli %parallel_loop3A_439, %parallel_loop3A_451 : i32
        %parallel_loop3A_453 = vector.broadcast %parallel_loop3A_452 : i32 to vector<16xi32>
        %parallel_loop3A_454 = arith.addi %and3A_5, %parallel_loop3A_453 : vector<16xi32>
        %parallel_loop3A_455 = tpu.vector_load_idx %arg7[%parallel_loop3A_443, %parallel_loop3A_454] : memref<64x256xf32, #tpu.memory_space<vmem>>[vector<16xi32>, vector<16xi32>], vector<16xf32>,
        tpu.vector_store_idx %arg8[%parallel_loop3A_450, %and3A_5, %parallel_loop3A_446], %parallel_loop3A_455 : memref<16x16x128xf32, #tpu.memory_space<vmem>>[vector<16xi32>, vector<16xi32>, vector<16xi32>], vector<16xf32>,
        %parallel_loop3A_456 = vector.broadcast %parallel_loop3A_452 : i32 to vector<16xi32>
        %parallel_loop3A_457 = arith.addi %and3A_11, %parallel_loop3A_456 : vector<16xi32>
        %parallel_loop3A_458 = tpu.vector_load_idx %arg7[%parallel_loop3A_443, %parallel_loop3A_457] : memref<64x256xf32, #tpu.memory_space<vmem>>[vector<16xi32>, vector<16xi32>], vector<16xf32>,
        tpu.vector_store_idx %arg8[%parallel_loop3A_450, %and3A_11, %parallel_loop3A_446], %parallel_loop3A_458 : memref<16x16x128xf32, #tpu.memory_space<vmem>>[vector<16xi32>, vector<16xi32>, vector<16xi32>], vector<16xf32>,
        %parallel_loop3A_459 = vector.broadcast %parallel_loop3A_452 : i32 to vector<16xi32>
        %parallel_loop3A_460 = arith.addi %and3A_17, %parallel_loop3A_459 : vector<16xi32>
        %parallel_loop3A_461 = tpu.vector_load_idx %arg7[%parallel_loop3A_443, %parallel_loop3A_460] : memref<64x256xf32, #tpu.memory_space<vmem>>[vector<16xi32>, vector<16xi32>], vector<16xf32>,
        tpu.vector_store_idx %arg8[%parallel_loop3A_450, %and3A_17, %parallel_loop3A_446], %parallel_loop3A_461 : memref<16x16x128xf32, #tpu.memory_space<vmem>>[vector<16xi32>, vector<16xi32>, vector<16xi32>], vector<16xf32>,
        %parallel_loop3A_462 = vector.broadcast %parallel_loop3A_452 : i32 to vector<16xi32>
        %parallel_loop3A_463 = arith.addi %and3A_23, %parallel_loop3A_462 : vector<16xi32>
        %parallel_loop3A_464 = tpu.vector_load_idx %arg7[%parallel_loop3A_443, %parallel_loop3A_463] : memref<64x256xf32, #tpu.memory_space<vmem>>[vector<16xi32>, vector<16xi32>], vector<16xf32>,
        tpu.vector_store_idx %arg8[%parallel_loop3A_450, %and3A_23, %parallel_loop3A_446], %parallel_loop3A_464 : memref<16x16x128xf32, #tpu.memory_space<vmem>>[vector<16xi32>, vector<16xi32>, vector<16xi32>], vector<16xf32>,
        %parallel_loop3A_465 = vector.broadcast %parallel_loop3A_452 : i32 to vector<16xi32>
        %parallel_loop3A_466 = arith.addi %and3A_29, %parallel_loop3A_465 : vector<16xi32>
        %parallel_loop3A_467 = tpu.vector_load_idx %arg7[%parallel_loop3A_443, %parallel_loop3A_466] : memref<64x256xf32, #tpu.memory_space<vmem>>[vector<16xi32>, vector<16xi32>], vector<16xf32>,
        tpu.vector_store_idx %arg8[%parallel_loop3A_450, %and3A_29, %parallel_loop3A_446], %parallel_loop3A_467 : memref<16x16x128xf32, #tpu.memory_space<vmem>>[vector<16xi32>, vector<16xi32>, vector<16xi32>], vector<16xf32>,
        %parallel_loop3A_468 = vector.broadcast %parallel_loop3A_452 : i32 to vector<16xi32>
        %parallel_loop3A_469 = arith.addi %and3A_35, %parallel_loop3A_468 : vector<16xi32>
        %parallel_loop3A_470 = tpu.vector_load_idx %arg7[%parallel_loop3A_443, %parallel_loop3A_469] : memref<64x256xf32, #tpu.memory_space<vmem>>[vector<16xi32>, vector<16xi32>], vector<16xf32>,
        tpu.vector_store_idx %arg8[%parallel_loop3A_450, %and3A_35, %parallel_loop3A_446], %parallel_loop3A_470 : memref<16x16x128xf32, #tpu.memory_space<vmem>>[vector<16xi32>, vector<16xi32>, vector<16xi32>], vector<16xf32>,
        %parallel_loop3A_471 = vector.broadcast %parallel_loop3A_452 : i32 to vector<16xi32>
        %parallel_loop3A_472 = arith.addi %and3A_41, %parallel_loop3A_471 : vector<16xi32>
        %parallel_loop3A_473 = tpu.vector_load_idx %arg7[%parallel_loop3A_443, %parallel_loop3A_472] : memref<64x256xf32, #tpu.memory_space<vmem>>[vector<16xi32>, vector<16xi32>], vector<16xf32>,
        tpu.vector_store_idx %arg8[%parallel_loop3A_450, %and3A_41, %parallel_loop3A_446], %parallel_loop3A_473 : memref<16x16x128xf32, #tpu.memory_space<vmem>>[vector<16xi32>, vector<16xi32>, vector<16xi32>], vector<16xf32>,
        %parallel_loop3A_474 = vector.broadcast %parallel_loop3A_452 : i32 to vector<16xi32>
        %parallel_loop3A_475 = arith.addi %and3A_47, %parallel_loop3A_474 : vector<16xi32>
        %parallel_loop3A_476 = tpu.vector_load_idx %arg7[%parallel_loop3A_443, %parallel_loop3A_475] : memref<64x256xf32, #tpu.memory_space<vmem>>[vector<16xi32>, vector<16xi32>], vector<16xf32>,
        tpu.vector_store_idx %arg8[%parallel_loop3A_450, %and3A_47, %parallel_loop3A_446], %parallel_loop3A_476 : memref<16x16x128xf32, #tpu.memory_space<vmem>>[vector<16xi32>, vector<16xi32>, vector<16xi32>], vector<16xf32>,
        %parallel_loop3A_477 = vector.broadcast %parallel_loop3A_452 : i32 to vector<16xi32>
        %parallel_loop3A_478 = arith.addi %and3A_53, %parallel_loop3A_477 : vector<16xi32>
        %parallel_loop3A_479 = tpu.vector_load_idx %arg7[%parallel_loop3A_443, %parallel_loop3A_478] : memref<64x256xf32, #tpu.memory_space<vmem>>[vector<16xi32>, vector<16xi32>], vector<16xf32>,
        tpu.vector_store_idx %arg8[%parallel_loop3A_450, %and3A_53, %parallel_loop3A_446], %parallel_loop3A_479 : memref<16x16x128xf32, #tpu.memory_space<vmem>>[vector<16xi32>, vector<16xi32>, vector<16xi32>], vector<16xf32>,
        %parallel_loop3A_480 = vector.broadcast %parallel_loop3A_452 : i32 to vector<16xi32>
        %parallel_loop3A_481 = arith.addi %and3A_59, %parallel_loop3A_480 : vector<16xi32>
        %parallel_loop3A_482 = tpu.vector_load_idx %arg7[%parallel_loop3A_443, %parallel_loop3A_481] : memref<64x256xf32, #tpu.memory_space<vmem>>[vector<16xi32>, vector<16xi32>], vector<16xf32>,
        tpu.vector_store_idx %arg8[%parallel_loop3A_450, %and3A_59, %parallel_loop3A_446], %parallel_loop3A_482 : memref<16x16x128xf32, #tpu.memory_space<vmem>>[vector<16xi32>, vector<16xi32>, vector<16xi32>], vector<16xf32>,
        %parallel_loop3A_483 = vector.broadcast %parallel_loop3A_452 : i32 to vector<16xi32>
        %parallel_loop3A_484 = arith.addi %and3A_65, %parallel_loop3A_483 : vector<16xi32>
        %parallel_loop3A_485 = tpu.vector_load_idx %arg7[%parallel_loop3A_443, %parallel_loop3A_484] : memref<64x256xf32, #tpu.memory_space<vmem>>[vector<16xi32>, vector<16xi32>], vector<16xf32>,
        tpu.vector_store_idx %arg8[%parallel_loop3A_450, %and3A_65, %parallel_loop3A_446], %parallel_loop3A_485 : memref<16x16x128xf32, #tpu.memory_space<vmem>>[vector<16xi32>, vector<16xi32>, vector<16xi32>], vector<16xf32>,
        %parallel_loop3A_486 = vector.broadcast %parallel_loop3A_452 : i32 to vector<16xi32>
        %parallel_loop3A_487 = arith.addi %and3A_71, %parallel_loop3A_486 : vector<16xi32>
        %parallel_loop3A_488 = tpu.vector_load_idx %arg7[%parallel_loop3A_443, %parallel_loop3A_487] : memref<64x256xf32, #tpu.memory_space<vmem>>[vector<16xi32>, vector<16xi32>], vector<16xf32>,
        tpu.vector_store_idx %arg8[%parallel_loop3A_450, %and3A_71, %parallel_loop3A_446], %parallel_loop3A_488 : memref<16x16x128xf32, #tpu.memory_space<vmem>>[vector<16xi32>, vector<16xi32>, vector<16xi32>], vector<16xf32>,
        %parallel_loop3A_489 = vector.broadcast %parallel_loop3A_452 : i32 to vector<16xi32>
        %parallel_loop3A_490 = arith.addi %and3A_77, %parallel_loop3A_489 : vector<16xi32>
        %parallel_loop3A_491 = tpu.vector_load_idx %arg7[%parallel_loop3A_443, %parallel_loop3A_490] : memref<64x256xf32, #tpu.memory_space<vmem>>[vector<16xi32>, vector<16xi32>], vector<16xf32>,
        tpu.vector_store_idx %arg8[%parallel_loop3A_450, %and3A_77, %parallel_loop3A_446], %parallel_loop3A_491 : memref<16x16x128xf32, #tpu.memory_space<vmem>>[vector<16xi32>, vector<16xi32>, vector<16xi32>], vector<16xf32>,
        %parallel_loop3A_492 = vector.broadcast %parallel_loop3A_452 : i32 to vector<16xi32>
        %parallel_loop3A_493 = arith.addi %and3A_83, %parallel_loop3A_492 : vector<16xi32>
        %parallel_loop3A_494 = tpu.vector_load_idx %arg7[%parallel_loop3A_443, %parallel_loop3A_493] : memref<64x256xf32, #tpu.memory_space<vmem>>[vector<16xi32>, vector<16xi32>], vector<16xf32>,
        tpu.vector_store_idx %arg8[%parallel_loop3A_450, %and3A_83, %parallel_loop3A_446], %parallel_loop3A_494 : memref<16x16x128xf32, #tpu.memory_space<vmem>>[vector<16xi32>, vector<16xi32>, vector<16xi32>], vector<16xf32>,
        %parallel_loop3A_495 = vector.broadcast %parallel_loop3A_452 : i32 to vector<16xi32>
        %parallel_loop3A_496 = arith.addi %and3A_89, %parallel_loop3A_495 : vector<16xi32>
        %parallel_loop3A_497 = tpu.vector_load_idx %arg7[%parallel_loop3A_443, %parallel_loop3A_496] : memref<64x256xf32, #tpu.memory_space<vmem>>[vector<16xi32>, vector<16xi32>], vector<16xf32>,
        tpu.vector_store_idx %arg8[%parallel_loop3A_450, %and3A_89, %parallel_loop3A_446], %parallel_loop3A_497 : memref<16x16x128xf32, #tpu.memory_space<vmem>>[vector<16xi32>, vector<16xi32>, vector<16xi32>], vector<16xf32>,
        %parallel_loop3A_498 = vector.broadcast %parallel_loop3A_452 : i32 to vector<16xi32>
        %parallel_loop3A_499 = arith.addi %and3A_95, %parallel_loop3A_498 : vector<16xi32>
        %parallel_loop3A_500 = tpu.vector_load_idx %arg7[%parallel_loop3A_443, %parallel_loop3A_499] : memref<64x256xf32, #tpu.memory_space<vmem>>[vector<16xi32>, vector<16xi32>], vector<16xf32>,
        tpu.vector_store_idx %arg8[%parallel_loop3A_450, %and3A_95, %parallel_loop3A_446], %parallel_loop3A_500 : memref<16x16x128xf32, #tpu.memory_space<vmem>>[vector<16xi32>, vector<16xi32>, vector<16xi32>], vector<16xf32>,
      } {sc.loop_unroll_factor = 4 : i64, sc.parallel_access}
      %add3A_245 = arith.constant 1 : i32
      %add3A_246 = arith.addi %add3A_218, %add3A_245 : i32
      %lt3A_247 = arith.constant 50 : i32
      %lt3A_248 = arith.cmpi slt, %add3A_246, %lt3A_247 : i32
      %convert_element_type3A_249 = arith.extui %lt3A_248 : i1 to i32
      %cond3A_250 = arith.constant 0 : i32
      %cond3A_251 = arith.cmpi ne, %convert_element_type3A_249, %cond3A_250 : i32
      scf.if %cond3A_251 {
        %add3A_399 = arith.constant 1 : i32
        %add3A_400 = arith.addi %add3A_218, %add3A_399 : i32
        %dma_start3A_401 = arith.constant 64 : i32
        %dma_start3A_402 = tpu.memref_slice %arg5[%add3A_400, %dma_start3A_401] : memref<50x128xi32, #tpu.memory_space<vmem>> -> memref<1x64xi32, #tpu.memory_space<vmem>>
        %dma_start3A_403 = tpu.memref_squeeze %dma_start3A_402 : memref<1x64xi32, #tpu.memory_space<vmem>> -> memref<64xi32, #tpu.memory_space<vmem>>
        %dma_start3A_404 = arith.constant 0 : i32
        %dma_start3A_405 = arith.constant 0 : i32
        %dma_start3A_406 = tpu.memref_slice %arg3[%dma_start3A_404, %dma_start3A_405] : memref<100000x256xf32, #tpu.memory_space<hbm>> -> memref<100000x256xf32, #tpu.memory_space<hbm>>
        tpu.enqueue_indirect_dma source(%dma_start3A_406 : memref<100000x256xf32, #tpu.memory_space<hbm>>) target(%arg7 : memref<64x256xf32, #tpu.memory_space<vmem>>) offsets(%dma_start3A_403 : memref<64xi32, #tpu.memory_space<vmem>>) semaphore(%arg11 : memref<!tpu.dma_semaphore, #tpu.memory_space<semaphore_mem>>)
      } else {
      }
      %mul3A_252 = arith.constant 50 : i32
      %mul3A_253 = arith.muli %add3A, %mul3A_252 : i32
      %add3A_254 = arith.addi %mul3A_253, %add3A_218 : i32
      %jit3A_255 = arith.constant 32 : i32
      %div3A_256 = arith.divsi %add3A_254, %jit3A_255 : i32
      %sign3A_257 = arith.constant 0 : i32
      %sign3A_258 = arith.cmpi sgt, %add3A_254, %sign3A_257 : i32
      %sign3A_259 = arith.extui %sign3A_258 : i1 to i32
      %sign3A_260 = arith.constant 0 : i32
      %sign3A_261 = arith.cmpi slt, %add3A_254, %sign3A_260 : i32
      %sign3A_262 = arith.extui %sign3A_261 : i1 to i32
      %sign3A_263 = arith.subi %sign3A_259, %sign3A_262 : i32
      %sign3A_264 = arith.constant 0 : i32
      %sign3A_265 = arith.cmpi sgt, %jit3A_255, %sign3A_264 : i32
      %sign3A_266 = arith.extui %sign3A_265 : i1 to i32
      %sign3A_267 = arith.constant 0 : i32
      %sign3A_268 = arith.cmpi slt, %jit3A_255, %sign3A_267 : i32
      %sign3A_269 = arith.extui %sign3A_268 : i1 to i32
      %sign3A_270 = arith.subi %sign3A_266, %sign3A_269 : i32
      %ne3A_271 = arith.cmpi ne, %sign3A_263, %sign3A_270 : i32
      %rem3A_272 = arith.remsi %add3A_254, %jit3A_255 : i32
      %ne3A_273 = arith.constant 0 : i32
      %ne3A_274 = arith.cmpi ne, %rem3A_272, %ne3A_273 : i32
      %and3A_275 = arith.andi %ne3A_271, %ne3A_274 : i1
      %sub3A_276 = arith.constant 1 : i32
      %sub3A_277 = arith.subi %div3A_256, %sub3A_276 : i32
      %select_n3A_278 = arith.select %and3A_275, %sub3A_277, %div3A_256 : i32
      %jit3A_279 = arith.constant 32 : i32
      %eq3A_280 = arith.constant 0 : i32
      %eq3A_281 = arith.cmpi eq, %jit3A_279, %eq3A_280 : i32
      %jit3A_282 = arith.constant 1 : i32
      %select_n3A_283 = arith.select %eq3A_281, %jit3A_282, %jit3A_279 : i32
      %rem3A_284 = arith.remsi %add3A_254, %select_n3A_283 : i32
      %ne3A_285 = arith.constant 0 : i32
      %ne3A_286 = arith.cmpi ne, %rem3A_284, %ne3A_285 : i32
      %lt3A_287 = arith.constant 0 : i32
      %lt3A_288 = arith.cmpi slt, %rem3A_284, %lt3A_287 : i32
      %lt3A_289 = arith.constant 0 : i32
      %lt3A_290 = arith.cmpi slt, %select_n3A_283, %lt3A_289 : i32
      %ne3A_291 = arith.xori %lt3A_288, %lt3A_290 : i1
      %and3A_292 = arith.andi %ne3A_291, %ne3A_286 : i1
      %add3A_293 = arith.addi %rem3A_284, %select_n3A_283 : i32
      %select_n3A_294 = arith.select %and3A_292, %add3A_293, %rem3A_284 : i32
      %mul3A_295 = arith.constant 128 : i32
      %mul3A_296 = arith.muli %select_n3A_294, %mul3A_295 : i32
      %multiple_of3A_297 = tpu.assume_multiple %mul3A_296, 128 : i32
      %dma_start3A_298 = arith.constant 0 : i32
      %dma_start3A_299 = arith.constant 0 : i32
      %dma_start3A_300 = tpu.memref_slice %arg4[%select_n3A_278, %dma_start3A_298, %dma_start3A_299, %multiple_of3A_297] : memref<50x16x16x4096xf32, #tpu.memory_space<hbm>> -> memref<1x16x16x128xf32, #tpu.memory_space<hbm>>
      %dma_start3A_301 = tpu.memref_squeeze %dma_start3A_300 : memref<1x16x16x128xf32, #tpu.memory_space<hbm>> -> memref<16x16x128xf32, #tpu.memory_space<hbm>>
      %dma_start3A_302 = arith.constant 0 : i32
      %dma_start3A_303 = arith.constant 0 : i32
      %dma_start3A_304 = tpu.memref_slice %arg4[%select_n3A_278, %dma_start3A_302, %dma_start3A_303, %multiple_of3A_297] : memref<50x16x16x4096xf32, #tpu.memory_space<hbm>> -> memref<1x16x16x128xf32, #tpu.memory_space<hbm>>
      %dma_start3A_305 = tpu.memref_squeeze %dma_start3A_304 : memref<1x16x16x128xf32, #tpu.memory_space<hbm>> -> memref<16x16x128xf32, #tpu.memory_space<hbm>>
      tpu.enqueue_dma source(%arg8 : memref<16x16x128xf32, #tpu.memory_space<vmem>>) target(%dma_start3A_305 : memref<16x16x128xf32, #tpu.memory_space<hbm>>) target_semaphore(%arg12 : memref<!tpu.dma_semaphore, #tpu.memory_space<semaphore_mem>>)
      %add3A_306 = arith.constant 1 : i32
      %add3A_307 = arith.addi %add3A_216, %add3A_306 : i32
      %ge3A_308 = arith.constant 2 : i32
      %ge3A_309 = arith.cmpi sge, %add3A_307, %ge3A_308 : i32
      %convert_element_type3A_310 = arith.extui %ge3A_309 : i1 to i32
      %cond3A_311 = arith.constant 0 : i32
      %cond3A_312 = arith.cmpi ne, %convert_element_type3A_310, %cond3A_311 : i32
      scf.if %cond3A_312 {
        %mul3A_399 = arith.constant 50 : i32
        %mul3A_400 = arith.muli %add3A, %mul3A_399 : i32
        %add3A_401 = arith.addi %mul3A_400, %add3A_307 : i32
        %jit3A_402 = arith.constant 32 : i32
        %div3A_403 = arith.divsi %add3A_401, %jit3A_402 : i32
        %sign3A_404 = arith.constant 0 : i32
        %sign3A_405 = arith.cmpi sgt, %add3A_401, %sign3A_404 : i32
        %sign3A_406 = arith.extui %sign3A_405 : i1 to i32
        %sign3A_407 = arith.constant 0 : i32
        %sign3A_408 = arith.cmpi slt, %add3A_401, %sign3A_407 : i32
        %sign3A_409 = arith.extui %sign3A_408 : i1 to i32
        %sign3A_410 = arith.subi %sign3A_406, %sign3A_409 : i32
        %sign3A_411 = arith.constant 0 : i32
        %sign3A_412 = arith.cmpi sgt, %jit3A_402, %sign3A_411 : i32
        %sign3A_413 = arith.extui %sign3A_412 : i1 to i32
        %sign3A_414 = arith.constant 0 : i32
        %sign3A_415 = arith.cmpi slt, %jit3A_402, %sign3A_414 : i32
        %sign3A_416 = arith.extui %sign3A_415 : i1 to i32
        %sign3A_417 = arith.subi %sign3A_413, %sign3A_416 : i32
        %ne3A_418 = arith.cmpi ne, %sign3A_410, %sign3A_417 : i32
        %rem3A_419 = arith.remsi %add3A_401, %jit3A_402 : i32
        %ne3A_420 = arith.constant 0 : i32
        %ne3A_421 = arith.cmpi ne, %rem3A_419, %ne3A_420 : i32
        %and3A_422 = arith.andi %ne3A_418, %ne3A_421 : i1
        %sub3A_423 = arith.constant 1 : i32
        %sub3A_424 = arith.subi %div3A_403, %sub3A_423 : i32
        %select_n3A_425 = arith.select %and3A_422, %sub3A_424, %div3A_403 : i32
        %jit3A_426 = arith.constant 32 : i32
        %eq3A_427 = arith.constant 0 : i32
        %eq3A_428 = arith.cmpi eq, %jit3A_426, %eq3A_427 : i32
        %jit3A_429 = arith.constant 1 : i32
        %select_n3A_430 = arith.select %eq3A_428, %jit3A_429, %jit3A_426 : i32
        %rem3A_431 = arith.remsi %add3A_401, %select_n3A_430 : i32
        %ne3A_432 = arith.constant 0 : i32
        %ne3A_433 = arith.cmpi ne, %rem3A_431, %ne3A_432 : i32
        %lt3A_434 = arith.constant 0 : i32
        %lt3A_435 = arith.cmpi slt, %rem3A_431, %lt3A_434 : i32
        %lt3A_436 = arith.constant 0 : i32
        %lt3A_437 = arith.cmpi slt, %select_n3A_430, %lt3A_436 : i32
        %ne3A_438 = arith.xori %lt3A_435, %lt3A_437 : i1
        %and3A_439 = arith.andi %ne3A_438, %ne3A_433 : i1
        %add3A_440 = arith.addi %rem3A_431, %select_n3A_430 : i32
        %select_n3A_441 = arith.select %and3A_439, %add3A_440, %rem3A_431 : i32
        %mul3A_442 = arith.constant 128 : i32
        %mul3A_443 = arith.muli %select_n3A_441, %mul3A_442 : i32
        %multiple_of3A_444 = tpu.assume_multiple %mul3A_443, 128 : i32
        %dma_wait3A_445 = arith.constant 0 : i32
        %dma_wait3A_446 = arith.constant 0 : i32
        %dma_wait3A_447 = tpu.memref_slice %arg4[%select_n3A_425, %dma_wait3A_445, %dma_wait3A_446, %multiple_of3A_444] : memref<50x16x16x4096xf32, #tpu.memory_space<hbm>> -> memref<1x16x16x128xf32, #tpu.memory_space<hbm>>
        %dma_wait3A_448 = tpu.memref_squeeze %dma_wait3A_447 : memref<1x16x16x128xf32, #tpu.memory_space<hbm>> -> memref<16x16x128xf32, #tpu.memory_space<hbm>>
        %dma_wait3A_449 = arith.constant 0 : i32
        %dma_wait3A_450 = arith.constant 0 : i32
        %dma_wait3A_451 = tpu.memref_slice %arg4[%select_n3A_425, %dma_wait3A_449, %dma_wait3A_450, %multiple_of3A_444] : memref<50x16x16x4096xf32, #tpu.memory_space<hbm>> -> memref<1x16x16x128xf32, #tpu.memory_space<hbm>>
        %dma_wait3A_452 = tpu.memref_squeeze %dma_wait3A_451 : memref<1x16x16x128xf32, #tpu.memory_space<hbm>> -> memref<16x16x128xf32, #tpu.memory_space<hbm>>
        tpu.wait_dma2 semaphore(%arg13 : memref<!tpu.dma_semaphore, #tpu.memory_space<semaphore_mem>>) src(%arg9 : memref<16x16x128xf32, #tpu.memory_space<vmem>>) dst(%dma_wait3A_452 : memref<16x16x128xf32, #tpu.memory_space<hbm>>)
      } else {
      }
      %dma_wait3A_313 = arith.constant 0 : i32
      %dma_wait3A_314 = tpu.memref_slice %arg5[%add3A_307, %dma_wait3A_313] : memref<50x128xi32, #tpu.memory_space<vmem>> -> memref<1x64xi32, #tpu.memory_space<vmem>>
      %dma_wait3A_315 = tpu.memref_squeeze %dma_wait3A_314 : memref<1x64xi32, #tpu.memory_space<vmem>> -> memref<64xi32, #tpu.memory_space<vmem>>
      %dma_wait3A_316 = arith.constant 0 : i32
      %dma_wait3A_317 = arith.constant 0 : i32
      %dma_wait3A_318 = tpu.memref_slice %arg3[%dma_wait3A_316, %dma_wait3A_317] : memref<100000x256xf32, #tpu.memory_space<hbm>> -> memref<100000x256xf32, #tpu.memory_space<hbm>>
      tpu.wait_indirect_dma semaphore(%arg10 : memref<!tpu.dma_semaphore, #tpu.memory_space<semaphore_mem>>) src(%dma_wait3A_318 : memref<100000x256xf32, #tpu.memory_space<hbm>>) dst(%arg6 : memref<64x256xf32, #tpu.memory_space<vmem>>)
      %parallel_loop3A_319 = arith.constant 0 : i32
      %parallel_loop3A_320 = arith.constant 64 : i32
      %parallel_loop3A_321 = arith.constant 1 : i32
      scf.for %parallel_loop3A_399 = %parallel_loop3A_319 to %parallel_loop3A_320 step %parallel_loop3A_321  : i32 {
        %parallel_loop3A_400 = arith.constant 16 : i32
        %parallel_loop3A_401 = arith.divsi %parallel_loop3A_399, %parallel_loop3A_400 : i32
        %parallel_loop3A_402 = arith.constant 0 : i32
        %parallel_loop3A_403 = arith.cmpi sgt, %parallel_loop3A_399, %parallel_loop3A_402 : i32
        %parallel_loop3A_404 = arith.extui %parallel_loop3A_403 : i1 to i32
        %parallel_loop3A_405 = arith.constant 0 : i32
        %parallel_loop3A_406 = arith.cmpi slt, %parallel_loop3A_399, %parallel_loop3A_405 : i32
        %parallel_loop3A_407 = arith.extui %parallel_loop3A_406 : i1 to i32
        %parallel_loop3A_408 = arith.subi %parallel_loop3A_404, %parallel_loop3A_407 : i32
        %parallel_loop3A_409 = arith.constant 0 : i32
        %parallel_loop3A_410 = arith.cmpi sgt, %parallel_loop3A_400, %parallel_loop3A_409 : i32
        %parallel_loop3A_411 = arith.extui %parallel_loop3A_410 : i1 to i32
        %parallel_loop3A_412 = arith.constant 0 : i32
        %parallel_loop3A_413 = arith.cmpi slt, %parallel_loop3A_400, %parallel_loop3A_412 : i32
        %parallel_loop3A_414 = arith.extui %parallel_loop3A_413 : i1 to i32
        %parallel_loop3A_415 = arith.subi %parallel_loop3A_411, %parallel_loop3A_414 : i32
        %parallel_loop3A_416 = arith.cmpi ne, %parallel_loop3A_408, %parallel_loop3A_415 : i32
        %parallel_loop3A_417 = arith.remsi %parallel_loop3A_399, %parallel_loop3A_400 : i32
        %parallel_loop3A_418 = arith.constant 0 : i32
        %parallel_loop3A_419 = arith.cmpi ne, %parallel_loop3A_417, %parallel_loop3A_418 : i32
        %parallel_loop3A_420 = arith.andi %parallel_loop3A_416, %parallel_loop3A_419 : i1
        %parallel_loop3A_421 = arith.constant 1 : i32
        %parallel_loop3A_422 = arith.subi %parallel_loop3A_401, %parallel_loop3A_421 : i32
        %parallel_loop3A_423 = arith.select %parallel_loop3A_420, %parallel_loop3A_422, %parallel_loop3A_401 : i32
        %parallel_loop3A_424 = arith.constant 16 : i32
        %parallel_loop3A_425 = arith.constant 0 : i32
        %parallel_loop3A_426 = arith.cmpi eq, %parallel_loop3A_424, %parallel_loop3A_425 : i32
        %parallel_loop3A_427 = arith.constant 1 : i32
        %parallel_loop3A_428 = arith.select %parallel_loop3A_426, %parallel_loop3A_427, %parallel_loop3A_424 : i32
        %parallel_loop3A_429 = arith.remsi %parallel_loop3A_399, %parallel_loop3A_428 : i32
        %parallel_loop3A_430 = arith.constant 0 : i32
        %parallel_loop3A_431 = arith.cmpi ne, %parallel_loop3A_429, %parallel_loop3A_430 : i32
        %parallel_loop3A_432 = arith.constant 0 : i32
        %parallel_loop3A_433 = arith.cmpi slt, %parallel_loop3A_429, %parallel_loop3A_432 : i32
        %parallel_loop3A_434 = arith.constant 0 : i32
        %parallel_loop3A_435 = arith.cmpi slt, %parallel_loop3A_428, %parallel_loop3A_434 : i32
        %parallel_loop3A_436 = arith.xori %parallel_loop3A_433, %parallel_loop3A_435 : i1
        %parallel_loop3A_437 = arith.andi %parallel_loop3A_436, %parallel_loop3A_431 : i1
        %parallel_loop3A_438 = arith.addi %parallel_loop3A_429, %parallel_loop3A_428 : i32
        %parallel_loop3A_439 = arith.select %parallel_loop3A_437, %parallel_loop3A_438, %parallel_loop3A_429 : i32
        %parallel_loop3A_440 = arith.constant 16 : i32
        %parallel_loop3A_441 = arith.muli %parallel_loop3A_423, %parallel_loop3A_440 : i32
        %parallel_loop3A_442 = vector.broadcast %parallel_loop3A_441 : i32 to vector<16xi32>
        %parallel_loop3A_443 = arith.addi %iota3A, %parallel_loop3A_442 : vector<16xi32>
        %parallel_loop3A_444 = arith.constant 0 : i32
        %parallel_loop3A_445 = vector.broadcast %parallel_loop3A_444 : i32 to vector<16xi32>
        %parallel_loop3A_446 = arith.addi %parallel_loop3A_443, %parallel_loop3A_445 : vector<16xi32>
        %parallel_loop3A_447 = arith.constant 0 : i32
        %parallel_loop3A_448 = vector.broadcast %parallel_loop3A_447 : i32 to vector<16xi32>
        %parallel_loop3A_449 = vector.broadcast %parallel_loop3A_439 : i32 to vector<16xi32>
        %parallel_loop3A_450 = arith.addi %parallel_loop3A_448, %parallel_loop3A_449 : vector<16xi32>
        %parallel_loop3A_451 = arith.constant 16 : i32
        %parallel_loop3A_452 = arith.muli %parallel_loop3A_439, %parallel_loop3A_451 : i32
        %parallel_loop3A_453 = vector.broadcast %parallel_loop3A_452 : i32 to vector<16xi32>
        %parallel_loop3A_454 = arith.addi %and3A_5, %parallel_loop3A_453 : vector<16xi32>
        %parallel_loop3A_455 = tpu.vector_load_idx %arg6[%parallel_loop3A_443, %parallel_loop3A_454] : memref<64x256xf32, #tpu.memory_space<vmem>>[vector<16xi32>, vector<16xi32>], vector<16xf32>,
        tpu.vector_store_idx %arg9[%parallel_loop3A_450, %and3A_5, %parallel_loop3A_446], %parallel_loop3A_455 : memref<16x16x128xf32, #tpu.memory_space<vmem>>[vector<16xi32>, vector<16xi32>, vector<16xi32>], vector<16xf32>,
        %parallel_loop3A_456 = vector.broadcast %parallel_loop3A_452 : i32 to vector<16xi32>
        %parallel_loop3A_457 = arith.addi %and3A_11, %parallel_loop3A_456 : vector<16xi32>
        %parallel_loop3A_458 = tpu.vector_load_idx %arg6[%parallel_loop3A_443, %parallel_loop3A_457] : memref<64x256xf32, #tpu.memory_space<vmem>>[vector<16xi32>, vector<16xi32>], vector<16xf32>,
        tpu.vector_store_idx %arg9[%parallel_loop3A_450, %and3A_11, %parallel_loop3A_446], %parallel_loop3A_458 : memref<16x16x128xf32, #tpu.memory_space<vmem>>[vector<16xi32>, vector<16xi32>, vector<16xi32>], vector<16xf32>,
        %parallel_loop3A_459 = vector.broadcast %parallel_loop3A_452 : i32 to vector<16xi32>
        %parallel_loop3A_460 = arith.addi %and3A_17, %parallel_loop3A_459 : vector<16xi32>
        %parallel_loop3A_461 = tpu.vector_load_idx %arg6[%parallel_loop3A_443, %parallel_loop3A_460] : memref<64x256xf32, #tpu.memory_space<vmem>>[vector<16xi32>, vector<16xi32>], vector<16xf32>,
        tpu.vector_store_idx %arg9[%parallel_loop3A_450, %and3A_17, %parallel_loop3A_446], %parallel_loop3A_461 : memref<16x16x128xf32, #tpu.memory_space<vmem>>[vector<16xi32>, vector<16xi32>, vector<16xi32>], vector<16xf32>,
        %parallel_loop3A_462 = vector.broadcast %parallel_loop3A_452 : i32 to vector<16xi32>
        %parallel_loop3A_463 = arith.addi %and3A_23, %parallel_loop3A_462 : vector<16xi32>
        %parallel_loop3A_464 = tpu.vector_load_idx %arg6[%parallel_loop3A_443, %parallel_loop3A_463] : memref<64x256xf32, #tpu.memory_space<vmem>>[vector<16xi32>, vector<16xi32>], vector<16xf32>,
        tpu.vector_store_idx %arg9[%parallel_loop3A_450, %and3A_23, %parallel_loop3A_446], %parallel_loop3A_464 : memref<16x16x128xf32, #tpu.memory_space<vmem>>[vector<16xi32>, vector<16xi32>, vector<16xi32>], vector<16xf32>,
        %parallel_loop3A_465 = vector.broadcast %parallel_loop3A_452 : i32 to vector<16xi32>
        %parallel_loop3A_466 = arith.addi %and3A_29, %parallel_loop3A_465 : vector<16xi32>
        %parallel_loop3A_467 = tpu.vector_load_idx %arg6[%parallel_loop3A_443, %parallel_loop3A_466] : memref<64x256xf32, #tpu.memory_space<vmem>>[vector<16xi32>, vector<16xi32>], vector<16xf32>,
        tpu.vector_store_idx %arg9[%parallel_loop3A_450, %and3A_29, %parallel_loop3A_446], %parallel_loop3A_467 : memref<16x16x128xf32, #tpu.memory_space<vmem>>[vector<16xi32>, vector<16xi32>, vector<16xi32>], vector<16xf32>,
        %parallel_loop3A_468 = vector.broadcast %parallel_loop3A_452 : i32 to vector<16xi32>
        %parallel_loop3A_469 = arith.addi %and3A_35, %parallel_loop3A_468 : vector<16xi32>
        %parallel_loop3A_470 = tpu.vector_load_idx %arg6[%parallel_loop3A_443, %parallel_loop3A_469] : memref<64x256xf32, #tpu.memory_space<vmem>>[vector<16xi32>, vector<16xi32>], vector<16xf32>,
        tpu.vector_store_idx %arg9[%parallel_loop3A_450, %and3A_35, %parallel_loop3A_446], %parallel_loop3A_470 : memref<16x16x128xf32, #tpu.memory_space<vmem>>[vector<16xi32>, vector<16xi32>, vector<16xi32>], vector<16xf32>,
        %parallel_loop3A_471 = vector.broadcast %parallel_loop3A_452 : i32 to vector<16xi32>
        %parallel_loop3A_472 = arith.addi %and3A_41, %parallel_loop3A_471 : vector<16xi32>
        %parallel_loop3A_473 = tpu.vector_load_idx %arg6[%parallel_loop3A_443, %parallel_loop3A_472] : memref<64x256xf32, #tpu.memory_space<vmem>>[vector<16xi32>, vector<16xi32>], vector<16xf32>,
        tpu.vector_store_idx %arg9[%parallel_loop3A_450, %and3A_41, %parallel_loop3A_446], %parallel_loop3A_473 : memref<16x16x128xf32, #tpu.memory_space<vmem>>[vector<16xi32>, vector<16xi32>, vector<16xi32>], vector<16xf32>,
        %parallel_loop3A_474 = vector.broadcast %parallel_loop3A_452 : i32 to vector<16xi32>
        %parallel_loop3A_475 = arith.addi %and3A_47, %parallel_loop3A_474 : vector<16xi32>
        %parallel_loop3A_476 = tpu.vector_load_idx %arg6[%parallel_loop3A_443, %parallel_loop3A_475] : memref<64x256xf32, #tpu.memory_space<vmem>>[vector<16xi32>, vector<16xi32>], vector<16xf32>,
        tpu.vector_store_idx %arg9[%parallel_loop3A_450, %and3A_47, %parallel_loop3A_446], %parallel_loop3A_476 : memref<16x16x128xf32, #tpu.memory_space<vmem>>[vector<16xi32>, vector<16xi32>, vector<16xi32>], vector<16xf32>,
        %parallel_loop3A_477 = vector.broadcast %parallel_loop3A_452 : i32 to vector<16xi32>
        %parallel_loop3A_478 = arith.addi %and3A_53, %parallel_loop3A_477 : vector<16xi32>
        %parallel_loop3A_479 = tpu.vector_load_idx %arg6[%parallel_loop3A_443, %parallel_loop3A_478] : memref<64x256xf32, #tpu.memory_space<vmem>>[vector<16xi32>, vector<16xi32>], vector<16xf32>,
        tpu.vector_store_idx %arg9[%parallel_loop3A_450, %and3A_53, %parallel_loop3A_446], %parallel_loop3A_479 : memref<16x16x128xf32, #tpu.memory_space<vmem>>[vector<16xi32>, vector<16xi32>, vector<16xi32>], vector<16xf32>,
        %parallel_loop3A_480 = vector.broadcast %parallel_loop3A_452 : i32 to vector<16xi32>
        %parallel_loop3A_481 = arith.addi %and3A_59, %parallel_loop3A_480 : vector<16xi32>
        %parallel_loop3A_482 = tpu.vector_load_idx %arg6[%parallel_loop3A_443, %parallel_loop3A_481] : memref<64x256xf32, #tpu.memory_space<vmem>>[vector<16xi32>, vector<16xi32>], vector<16xf32>,
        tpu.vector_store_idx %arg9[%parallel_loop3A_450, %and3A_59, %parallel_loop3A_446], %parallel_loop3A_482 : memref<16x16x128xf32, #tpu.memory_space<vmem>>[vector<16xi32>, vector<16xi32>, vector<16xi32>], vector<16xf32>,
        %parallel_loop3A_483 = vector.broadcast %parallel_loop3A_452 : i32 to vector<16xi32>
        %parallel_loop3A_484 = arith.addi %and3A_65, %parallel_loop3A_483 : vector<16xi32>
        %parallel_loop3A_485 = tpu.vector_load_idx %arg6[%parallel_loop3A_443, %parallel_loop3A_484] : memref<64x256xf32, #tpu.memory_space<vmem>>[vector<16xi32>, vector<16xi32>], vector<16xf32>,
        tpu.vector_store_idx %arg9[%parallel_loop3A_450, %and3A_65, %parallel_loop3A_446], %parallel_loop3A_485 : memref<16x16x128xf32, #tpu.memory_space<vmem>>[vector<16xi32>, vector<16xi32>, vector<16xi32>], vector<16xf32>,
        %parallel_loop3A_486 = vector.broadcast %parallel_loop3A_452 : i32 to vector<16xi32>
        %parallel_loop3A_487 = arith.addi %and3A_71, %parallel_loop3A_486 : vector<16xi32>
        %parallel_loop3A_488 = tpu.vector_load_idx %arg6[%parallel_loop3A_443, %parallel_loop3A_487] : memref<64x256xf32, #tpu.memory_space<vmem>>[vector<16xi32>, vector<16xi32>], vector<16xf32>,
        tpu.vector_store_idx %arg9[%parallel_loop3A_450, %and3A_71, %parallel_loop3A_446], %parallel_loop3A_488 : memref<16x16x128xf32, #tpu.memory_space<vmem>>[vector<16xi32>, vector<16xi32>, vector<16xi32>], vector<16xf32>,
        %parallel_loop3A_489 = vector.broadcast %parallel_loop3A_452 : i32 to vector<16xi32>
        %parallel_loop3A_490 = arith.addi %and3A_77, %parallel_loop3A_489 : vector<16xi32>
        %parallel_loop3A_491 = tpu.vector_load_idx %arg6[%parallel_loop3A_443, %parallel_loop3A_490] : memref<64x256xf32, #tpu.memory_space<vmem>>[vector<16xi32>, vector<16xi32>], vector<16xf32>,
        tpu.vector_store_idx %arg9[%parallel_loop3A_450, %and3A_77, %parallel_loop3A_446], %parallel_loop3A_491 : memref<16x16x128xf32, #tpu.memory_space<vmem>>[vector<16xi32>, vector<16xi32>, vector<16xi32>], vector<16xf32>,
        %parallel_loop3A_492 = vector.broadcast %parallel_loop3A_452 : i32 to vector<16xi32>
        %parallel_loop3A_493 = arith.addi %and3A_83, %parallel_loop3A_492 : vector<16xi32>
        %parallel_loop3A_494 = tpu.vector_load_idx %arg6[%parallel_loop3A_443, %parallel_loop3A_493] : memref<64x256xf32, #tpu.memory_space<vmem>>[vector<16xi32>, vector<16xi32>], vector<16xf32>,
        tpu.vector_store_idx %arg9[%parallel_loop3A_450, %and3A_83, %parallel_loop3A_446], %parallel_loop3A_494 : memref<16x16x128xf32, #tpu.memory_space<vmem>>[vector<16xi32>, vector<16xi32>, vector<16xi32>], vector<16xf32>,
        %parallel_loop3A_495 = vector.broadcast %parallel_loop3A_452 : i32 to vector<16xi32>
        %parallel_loop3A_496 = arith.addi %and3A_89, %parallel_loop3A_495 : vector<16xi32>
        %parallel_loop3A_497 = tpu.vector_load_idx %arg6[%parallel_loop3A_443, %parallel_loop3A_496] : memref<64x256xf32, #tpu.memory_space<vmem>>[vector<16xi32>, vector<16xi32>], vector<16xf32>,
        tpu.vector_store_idx %arg9[%parallel_loop3A_450, %and3A_89, %parallel_loop3A_446], %parallel_loop3A_497 : memref<16x16x128xf32, #tpu.memory_space<vmem>>[vector<16xi32>, vector<16xi32>, vector<16xi32>], vector<16xf32>,
        %parallel_loop3A_498 = vector.broadcast %parallel_loop3A_452 : i32 to vector<16xi32>
        %parallel_loop3A_499 = arith.addi %and3A_95, %parallel_loop3A_498 : vector<16xi32>
        %parallel_loop3A_500 = tpu.vector_load_idx %arg6[%parallel_loop3A_443, %parallel_loop3A_499] : memref<64x256xf32, #tpu.memory_space<vmem>>[vector<16xi32>, vector<16xi32>], vector<16xf32>,
        tpu.vector_store_idx %arg9[%parallel_loop3A_450, %and3A_95, %parallel_loop3A_446], %parallel_loop3A_500 : memref<16x16x128xf32, #tpu.memory_space<vmem>>[vector<16xi32>, vector<16xi32>, vector<16xi32>], vector<16xf32>,
      } {sc.loop_unroll_factor = 4 : i64, sc.parallel_access}
      %add3A_322 = arith.constant 1 : i32
      %add3A_323 = arith.addi %add3A_307, %add3A_322 : i32
      %lt3A_324 = arith.constant 50 : i32
      %lt3A_325 = arith.cmpi slt, %add3A_323, %lt3A_324 : i32
      %convert_element_type3A_326 = arith.extui %lt3A_325 : i1 to i32
      %cond3A_327 = arith.constant 0 : i32
      %cond3A_328 = arith.cmpi ne, %convert_element_type3A_326, %cond3A_327 : i32
      scf.if %cond3A_328 {
        %add3A_399 = arith.constant 1 : i32
        %add3A_400 = arith.addi %add3A_307, %add3A_399 : i32
        %dma_start3A_401 = arith.constant 0 : i32
        %dma_start3A_402 = tpu.memref_slice %arg5[%add3A_400, %dma_start3A_401] : memref<50x128xi32, #tpu.memory_space<vmem>> -> memref<1x64xi32, #tpu.memory_space<vmem>>
        %dma_start3A_403 = tpu.memref_squeeze %dma_start3A_402 : memref<1x64xi32, #tpu.memory_space<vmem>> -> memref<64xi32, #tpu.memory_space<vmem>>
        %dma_start3A_404 = arith.constant 0 : i32
        %dma_start3A_405 = arith.constant 0 : i32
        %dma_start3A_406 = tpu.memref_slice %arg3[%dma_start3A_404, %dma_start3A_405] : memref<100000x256xf32, #tpu.memory_space<hbm>> -> memref<100000x256xf32, #tpu.memory_space<hbm>>
        tpu.enqueue_indirect_dma source(%dma_start3A_406 : memref<100000x256xf32, #tpu.memory_space<hbm>>) target(%arg6 : memref<64x256xf32, #tpu.memory_space<vmem>>) offsets(%dma_start3A_403 : memref<64xi32, #tpu.memory_space<vmem>>) semaphore(%arg10 : memref<!tpu.dma_semaphore, #tpu.memory_space<semaphore_mem>>)
      } else {
      }
      %dma_wait3A_329 = arith.constant 64 : i32
      %dma_wait3A_330 = tpu.memref_slice %arg5[%add3A_307, %dma_wait3A_329] : memref<50x128xi32, #tpu.memory_space<vmem>> -> memref<1x64xi32, #tpu.memory_space<vmem>>
      %dma_wait3A_331 = tpu.memref_squeeze %dma_wait3A_330 : memref<1x64xi32, #tpu.memory_space<vmem>> -> memref<64xi32, #tpu.memory_space<vmem>>
      %dma_wait3A_332 = arith.constant 0 : i32
      %dma_wait3A_333 = arith.constant 0 : i32
      %dma_wait3A_334 = tpu.memref_slice %arg3[%dma_wait3A_332, %dma_wait3A_333] : memref<100000x256xf32, #tpu.memory_space<hbm>> -> memref<100000x256xf32, #tpu.memory_space<hbm>>
      tpu.wait_indirect_dma semaphore(%arg11 : memref<!tpu.dma_semaphore, #tpu.memory_space<semaphore_mem>>) src(%dma_wait3A_334 : memref<100000x256xf32, #tpu.memory_space<hbm>>) dst(%arg7 : memref<64x256xf32, #tpu.memory_space<vmem>>)
      %parallel_loop3A_335 = arith.constant 0 : i32
      %parallel_loop3A_336 = arith.constant 64 : i32
      %parallel_loop3A_337 = arith.constant 1 : i32
      scf.for %parallel_loop3A_399 = %parallel_loop3A_335 to %parallel_loop3A_336 step %parallel_loop3A_337  : i32 {
        %parallel_loop3A_400 = arith.constant 16 : i32
        %parallel_loop3A_401 = arith.divsi %parallel_loop3A_399, %parallel_loop3A_400 : i32
        %parallel_loop3A_402 = arith.constant 0 : i32
        %parallel_loop3A_403 = arith.cmpi sgt, %parallel_loop3A_399, %parallel_loop3A_402 : i32
        %parallel_loop3A_404 = arith.extui %parallel_loop3A_403 : i1 to i32
        %parallel_loop3A_405 = arith.constant 0 : i32
        %parallel_loop3A_406 = arith.cmpi slt, %parallel_loop3A_399, %parallel_loop3A_405 : i32
        %parallel_loop3A_407 = arith.extui %parallel_loop3A_406 : i1 to i32
        %parallel_loop3A_408 = arith.subi %parallel_loop3A_404, %parallel_loop3A_407 : i32
        %parallel_loop3A_409 = arith.constant 0 : i32
        %parallel_loop3A_410 = arith.cmpi sgt, %parallel_loop3A_400, %parallel_loop3A_409 : i32
        %parallel_loop3A_411 = arith.extui %parallel_loop3A_410 : i1 to i32
        %parallel_loop3A_412 = arith.constant 0 : i32
        %parallel_loop3A_413 = arith.cmpi slt, %parallel_loop3A_400, %parallel_loop3A_412 : i32
        %parallel_loop3A_414 = arith.extui %parallel_loop3A_413 : i1 to i32
        %parallel_loop3A_415 = arith.subi %parallel_loop3A_411, %parallel_loop3A_414 : i32
        %parallel_loop3A_416 = arith.cmpi ne, %parallel_loop3A_408, %parallel_loop3A_415 : i32
        %parallel_loop3A_417 = arith.remsi %parallel_loop3A_399, %parallel_loop3A_400 : i32
        %parallel_loop3A_418 = arith.constant 0 : i32
        %parallel_loop3A_419 = arith.cmpi ne, %parallel_loop3A_417, %parallel_loop3A_418 : i32
        %parallel_loop3A_420 = arith.andi %parallel_loop3A_416, %parallel_loop3A_419 : i1
        %parallel_loop3A_421 = arith.constant 1 : i32
        %parallel_loop3A_422 = arith.subi %parallel_loop3A_401, %parallel_loop3A_421 : i32
        %parallel_loop3A_423 = arith.select %parallel_loop3A_420, %parallel_loop3A_422, %parallel_loop3A_401 : i32
        %parallel_loop3A_424 = arith.constant 16 : i32
        %parallel_loop3A_425 = arith.constant 0 : i32
        %parallel_loop3A_426 = arith.cmpi eq, %parallel_loop3A_424, %parallel_loop3A_425 : i32
        %parallel_loop3A_427 = arith.constant 1 : i32
        %parallel_loop3A_428 = arith.select %parallel_loop3A_426, %parallel_loop3A_427, %parallel_loop3A_424 : i32
        %parallel_loop3A_429 = arith.remsi %parallel_loop3A_399, %parallel_loop3A_428 : i32
        %parallel_loop3A_430 = arith.constant 0 : i32
        %parallel_loop3A_431 = arith.cmpi ne, %parallel_loop3A_429, %parallel_loop3A_430 : i32
        %parallel_loop3A_432 = arith.constant 0 : i32
        %parallel_loop3A_433 = arith.cmpi slt, %parallel_loop3A_429, %parallel_loop3A_432 : i32
        %parallel_loop3A_434 = arith.constant 0 : i32
        %parallel_loop3A_435 = arith.cmpi slt, %parallel_loop3A_428, %parallel_loop3A_434 : i32
        %parallel_loop3A_436 = arith.xori %parallel_loop3A_433, %parallel_loop3A_435 : i1
        %parallel_loop3A_437 = arith.andi %parallel_loop3A_436, %parallel_loop3A_431 : i1
        %parallel_loop3A_438 = arith.addi %parallel_loop3A_429, %parallel_loop3A_428 : i32
        %parallel_loop3A_439 = arith.select %parallel_loop3A_437, %parallel_loop3A_438, %parallel_loop3A_429 : i32
        %parallel_loop3A_440 = arith.constant 16 : i32
        %parallel_loop3A_441 = arith.muli %parallel_loop3A_423, %parallel_loop3A_440 : i32
        %parallel_loop3A_442 = vector.broadcast %parallel_loop3A_441 : i32 to vector<16xi32>
        %parallel_loop3A_443 = arith.addi %iota3A, %parallel_loop3A_442 : vector<16xi32>
        %parallel_loop3A_444 = arith.constant 64 : i32
        %parallel_loop3A_445 = vector.broadcast %parallel_loop3A_444 : i32 to vector<16xi32>
        %parallel_loop3A_446 = arith.addi %parallel_loop3A_443, %parallel_loop3A_445 : vector<16xi32>
        %parallel_loop3A_447 = arith.constant 0 : i32
        %parallel_loop3A_448 = vector.broadcast %parallel_loop3A_447 : i32 to vector<16xi32>
        %parallel_loop3A_449 = vector.broadcast %parallel_loop3A_439 : i32 to vector<16xi32>
        %parallel_loop3A_450 = arith.addi %parallel_loop3A_448, %parallel_loop3A_449 : vector<16xi32>
        %parallel_loop3A_451 = arith.constant 16 : i32
        %parallel_loop3A_452 = arith.muli %parallel_loop3A_439, %parallel_loop3A_451 : i32
        %parallel_loop3A_453 = vector.broadcast %parallel_loop3A_452 : i32 to vector<16xi32>
        %parallel_loop3A_454 = arith.addi %and3A_5, %parallel_loop3A_453 : vector<16xi32>
        %parallel_loop3A_455 = tpu.vector_load_idx %arg7[%parallel_loop3A_443, %parallel_loop3A_454] : memref<64x256xf32, #tpu.memory_space<vmem>>[vector<16xi32>, vector<16xi32>], vector<16xf32>,
        tpu.vector_store_idx %arg9[%parallel_loop3A_450, %and3A_5, %parallel_loop3A_446], %parallel_loop3A_455 : memref<16x16x128xf32, #tpu.memory_space<vmem>>[vector<16xi32>, vector<16xi32>, vector<16xi32>], vector<16xf32>,
        %parallel_loop3A_456 = vector.broadcast %parallel_loop3A_452 : i32 to vector<16xi32>
        %parallel_loop3A_457 = arith.addi %and3A_11, %parallel_loop3A_456 : vector<16xi32>
        %parallel_loop3A_458 = tpu.vector_load_idx %arg7[%parallel_loop3A_443, %parallel_loop3A_457] : memref<64x256xf32, #tpu.memory_space<vmem>>[vector<16xi32>, vector<16xi32>], vector<16xf32>,
        tpu.vector_store_idx %arg9[%parallel_loop3A_450, %and3A_11, %parallel_loop3A_446], %parallel_loop3A_458 : memref<16x16x128xf32, #tpu.memory_space<vmem>>[vector<16xi32>, vector<16xi32>, vector<16xi32>], vector<16xf32>,
        %parallel_loop3A_459 = vector.broadcast %parallel_loop3A_452 : i32 to vector<16xi32>
        %parallel_loop3A_460 = arith.addi %and3A_17, %parallel_loop3A_459 : vector<16xi32>
        %parallel_loop3A_461 = tpu.vector_load_idx %arg7[%parallel_loop3A_443, %parallel_loop3A_460] : memref<64x256xf32, #tpu.memory_space<vmem>>[vector<16xi32>, vector<16xi32>], vector<16xf32>,
        tpu.vector_store_idx %arg9[%parallel_loop3A_450, %and3A_17, %parallel_loop3A_446], %parallel_loop3A_461 : memref<16x16x128xf32, #tpu.memory_space<vmem>>[vector<16xi32>, vector<16xi32>, vector<16xi32>], vector<16xf32>,
        %parallel_loop3A_462 = vector.broadcast %parallel_loop3A_452 : i32 to vector<16xi32>
        %parallel_loop3A_463 = arith.addi %and3A_23, %parallel_loop3A_462 : vector<16xi32>
        %parallel_loop3A_464 = tpu.vector_load_idx %arg7[%parallel_loop3A_443, %parallel_loop3A_463] : memref<64x256xf32, #tpu.memory_space<vmem>>[vector<16xi32>, vector<16xi32>], vector<16xf32>,
        tpu.vector_store_idx %arg9[%parallel_loop3A_450, %and3A_23, %parallel_loop3A_446], %parallel_loop3A_464 : memref<16x16x128xf32, #tpu.memory_space<vmem>>[vector<16xi32>, vector<16xi32>, vector<16xi32>], vector<16xf32>,
        %parallel_loop3A_465 = vector.broadcast %parallel_loop3A_452 : i32 to vector<16xi32>
        %parallel_loop3A_466 = arith.addi %and3A_29, %parallel_loop3A_465 : vector<16xi32>
        %parallel_loop3A_467 = tpu.vector_load_idx %arg7[%parallel_loop3A_443, %parallel_loop3A_466] : memref<64x256xf32, #tpu.memory_space<vmem>>[vector<16xi32>, vector<16xi32>], vector<16xf32>,
        tpu.vector_store_idx %arg9[%parallel_loop3A_450, %and3A_29, %parallel_loop3A_446], %parallel_loop3A_467 : memref<16x16x128xf32, #tpu.memory_space<vmem>>[vector<16xi32>, vector<16xi32>, vector<16xi32>], vector<16xf32>,
        %parallel_loop3A_468 = vector.broadcast %parallel_loop3A_452 : i32 to vector<16xi32>
        %parallel_loop3A_469 = arith.addi %and3A_35, %parallel_loop3A_468 : vector<16xi32>
        %parallel_loop3A_470 = tpu.vector_load_idx %arg7[%parallel_loop3A_443, %parallel_loop3A_469] : memref<64x256xf32, #tpu.memory_space<vmem>>[vector<16xi32>, vector<16xi32>], vector<16xf32>,
        tpu.vector_store_idx %arg9[%parallel_loop3A_450, %and3A_35, %parallel_loop3A_446], %parallel_loop3A_470 : memref<16x16x128xf32, #tpu.memory_space<vmem>>[vector<16xi32>, vector<16xi32>, vector<16xi32>], vector<16xf32>,
        %parallel_loop3A_471 = vector.broadcast %parallel_loop3A_452 : i32 to vector<16xi32>
        %parallel_loop3A_472 = arith.addi %and3A_41, %parallel_loop3A_471 : vector<16xi32>
        %parallel_loop3A_473 = tpu.vector_load_idx %arg7[%parallel_loop3A_443, %parallel_loop3A_472] : memref<64x256xf32, #tpu.memory_space<vmem>>[vector<16xi32>, vector<16xi32>], vector<16xf32>,
        tpu.vector_store_idx %arg9[%parallel_loop3A_450, %and3A_41, %parallel_loop3A_446], %parallel_loop3A_473 : memref<16x16x128xf32, #tpu.memory_space<vmem>>[vector<16xi32>, vector<16xi32>, vector<16xi32>], vector<16xf32>,
        %parallel_loop3A_474 = vector.broadcast %parallel_loop3A_452 : i32 to vector<16xi32>
        %parallel_loop3A_475 = arith.addi %and3A_47, %parallel_loop3A_474 : vector<16xi32>
        %parallel_loop3A_476 = tpu.vector_load_idx %arg7[%parallel_loop3A_443, %parallel_loop3A_475] : memref<64x256xf32, #tpu.memory_space<vmem>>[vector<16xi32>, vector<16xi32>], vector<16xf32>,
        tpu.vector_store_idx %arg9[%parallel_loop3A_450, %and3A_47, %parallel_loop3A_446], %parallel_loop3A_476 : memref<16x16x128xf32, #tpu.memory_space<vmem>>[vector<16xi32>, vector<16xi32>, vector<16xi32>], vector<16xf32>,
        %parallel_loop3A_477 = vector.broadcast %parallel_loop3A_452 : i32 to vector<16xi32>
        %parallel_loop3A_478 = arith.addi %and3A_53, %parallel_loop3A_477 : vector<16xi32>
        %parallel_loop3A_479 = tpu.vector_load_idx %arg7[%parallel_loop3A_443, %parallel_loop3A_478] : memref<64x256xf32, #tpu.memory_space<vmem>>[vector<16xi32>, vector<16xi32>], vector<16xf32>,
        tpu.vector_store_idx %arg9[%parallel_loop3A_450, %and3A_53, %parallel_loop3A_446], %parallel_loop3A_479 : memref<16x16x128xf32, #tpu.memory_space<vmem>>[vector<16xi32>, vector<16xi32>, vector<16xi32>], vector<16xf32>,
        %parallel_loop3A_480 = vector.broadcast %parallel_loop3A_452 : i32 to vector<16xi32>
        %parallel_loop3A_481 = arith.addi %and3A_59, %parallel_loop3A_480 : vector<16xi32>
        %parallel_loop3A_482 = tpu.vector_load_idx %arg7[%parallel_loop3A_443, %parallel_loop3A_481] : memref<64x256xf32, #tpu.memory_space<vmem>>[vector<16xi32>, vector<16xi32>], vector<16xf32>,
        tpu.vector_store_idx %arg9[%parallel_loop3A_450, %and3A_59, %parallel_loop3A_446], %parallel_loop3A_482 : memref<16x16x128xf32, #tpu.memory_space<vmem>>[vector<16xi32>, vector<16xi32>, vector<16xi32>], vector<16xf32>,
        %parallel_loop3A_483 = vector.broadcast %parallel_loop3A_452 : i32 to vector<16xi32>
        %parallel_loop3A_484 = arith.addi %and3A_65, %parallel_loop3A_483 : vector<16xi32>
        %parallel_loop3A_485 = tpu.vector_load_idx %arg7[%parallel_loop3A_443, %parallel_loop3A_484] : memref<64x256xf32, #tpu.memory_space<vmem>>[vector<16xi32>, vector<16xi32>], vector<16xf32>,
        tpu.vector_store_idx %arg9[%parallel_loop3A_450, %and3A_65, %parallel_loop3A_446], %parallel_loop3A_485 : memref<16x16x128xf32, #tpu.memory_space<vmem>>[vector<16xi32>, vector<16xi32>, vector<16xi32>], vector<16xf32>,
        %parallel_loop3A_486 = vector.broadcast %parallel_loop3A_452 : i32 to vector<16xi32>
        %parallel_loop3A_487 = arith.addi %and3A_71, %parallel_loop3A_486 : vector<16xi32>
        %parallel_loop3A_488 = tpu.vector_load_idx %arg7[%parallel_loop3A_443, %parallel_loop3A_487] : memref<64x256xf32, #tpu.memory_space<vmem>>[vector<16xi32>, vector<16xi32>], vector<16xf32>,
        tpu.vector_store_idx %arg9[%parallel_loop3A_450, %and3A_71, %parallel_loop3A_446], %parallel_loop3A_488 : memref<16x16x128xf32, #tpu.memory_space<vmem>>[vector<16xi32>, vector<16xi32>, vector<16xi32>], vector<16xf32>,
        %parallel_loop3A_489 = vector.broadcast %parallel_loop3A_452 : i32 to vector<16xi32>
        %parallel_loop3A_490 = arith.addi %and3A_77, %parallel_loop3A_489 : vector<16xi32>
        %parallel_loop3A_491 = tpu.vector_load_idx %arg7[%parallel_loop3A_443, %parallel_loop3A_490] : memref<64x256xf32, #tpu.memory_space<vmem>>[vector<16xi32>, vector<16xi32>], vector<16xf32>,
        tpu.vector_store_idx %arg9[%parallel_loop3A_450, %and3A_77, %parallel_loop3A_446], %parallel_loop3A_491 : memref<16x16x128xf32, #tpu.memory_space<vmem>>[vector<16xi32>, vector<16xi32>, vector<16xi32>], vector<16xf32>,
        %parallel_loop3A_492 = vector.broadcast %parallel_loop3A_452 : i32 to vector<16xi32>
        %parallel_loop3A_493 = arith.addi %and3A_83, %parallel_loop3A_492 : vector<16xi32>
        %parallel_loop3A_494 = tpu.vector_load_idx %arg7[%parallel_loop3A_443, %parallel_loop3A_493] : memref<64x256xf32, #tpu.memory_space<vmem>>[vector<16xi32>, vector<16xi32>], vector<16xf32>,
        tpu.vector_store_idx %arg9[%parallel_loop3A_450, %and3A_83, %parallel_loop3A_446], %parallel_loop3A_494 : memref<16x16x128xf32, #tpu.memory_space<vmem>>[vector<16xi32>, vector<16xi32>, vector<16xi32>], vector<16xf32>,
        %parallel_loop3A_495 = vector.broadcast %parallel_loop3A_452 : i32 to vector<16xi32>
        %parallel_loop3A_496 = arith.addi %and3A_89, %parallel_loop3A_495 : vector<16xi32>
        %parallel_loop3A_497 = tpu.vector_load_idx %arg7[%parallel_loop3A_443, %parallel_loop3A_496] : memref<64x256xf32, #tpu.memory_space<vmem>>[vector<16xi32>, vector<16xi32>], vector<16xf32>,
        tpu.vector_store_idx %arg9[%parallel_loop3A_450, %and3A_89, %parallel_loop3A_446], %parallel_loop3A_497 : memref<16x16x128xf32, #tpu.memory_space<vmem>>[vector<16xi32>, vector<16xi32>, vector<16xi32>], vector<16xf32>,
        %parallel_loop3A_498 = vector.broadcast %parallel_loop3A_452 : i32 to vector<16xi32>
        %parallel_loop3A_499 = arith.addi %and3A_95, %parallel_loop3A_498 : vector<16xi32>
        %parallel_loop3A_500 = tpu.vector_load_idx %arg7[%parallel_loop3A_443, %parallel_loop3A_499] : memref<64x256xf32, #tpu.memory_space<vmem>>[vector<16xi32>, vector<16xi32>], vector<16xf32>,
        tpu.vector_store_idx %arg9[%parallel_loop3A_450, %and3A_95, %parallel_loop3A_446], %parallel_loop3A_500 : memref<16x16x128xf32, #tpu.memory_space<vmem>>[vector<16xi32>, vector<16xi32>, vector<16xi32>], vector<16xf32>,
      } {sc.loop_unroll_factor = 4 : i64, sc.parallel_access}
      %add3A_338 = arith.constant 1 : i32
      %add3A_339 = arith.addi %add3A_307, %add3A_338 : i32
      %lt3A_340 = arith.constant 50 : i32
      %lt3A_341 = arith.cmpi slt, %add3A_339, %lt3A_340 : i32
      %convert_element_type3A_342 = arith.extui %lt3A_341 : i1 to i32
      %cond3A_343 = arith.constant 0 : i32
      %cond3A_344 = arith.cmpi ne, %convert_element_type3A_342, %cond3A_343 : i32
      scf.if %cond3A_344 {
        %add3A_399 = arith.constant 1 : i32
        %add3A_400 = arith.addi %add3A_307, %add3A_399 : i32
        %dma_start3A_401 = arith.constant 64 : i32
        %dma_start3A_402 = tpu.memref_slice %arg5[%add3A_400, %dma_start3A_401] : memref<50x128xi32, #tpu.memory_space<vmem>> -> memref<1x64xi32, #tpu.memory_space<vmem>>
        %dma_start3A_403 = tpu.memref_squeeze %dma_start3A_402 : memref<1x64xi32, #tpu.memory_space<vmem>> -> memref<64xi32, #tpu.memory_space<vmem>>
        %dma_start3A_404 = arith.constant 0 : i32
        %dma_start3A_405 = arith.constant 0 : i32
        %dma_start3A_406 = tpu.memref_slice %arg3[%dma_start3A_404, %dma_start3A_405] : memref<100000x256xf32, #tpu.memory_space<hbm>> -> memref<100000x256xf32, #tpu.memory_space<hbm>>
        tpu.enqueue_indirect_dma source(%dma_start3A_406 : memref<100000x256xf32, #tpu.memory_space<hbm>>) target(%arg7 : memref<64x256xf32, #tpu.memory_space<vmem>>) offsets(%dma_start3A_403 : memref<64xi32, #tpu.memory_space<vmem>>) semaphore(%arg11 : memref<!tpu.dma_semaphore, #tpu.memory_space<semaphore_mem>>)
      } else {
      }
      %mul3A_345 = arith.constant 50 : i32
      %mul3A_346 = arith.muli %add3A, %mul3A_345 : i32
      %add3A_347 = arith.addi %mul3A_346, %add3A_307 : i32
      %jit3A_348 = arith.constant 32 : i32
      %div3A_349 = arith.divsi %add3A_347, %jit3A_348 : i32
      %sign3A_350 = arith.constant 0 : i32
      %sign3A_351 = arith.cmpi sgt, %add3A_347, %sign3A_350 : i32
      %sign3A_352 = arith.extui %sign3A_351 : i1 to i32
      %sign3A_353 = arith.constant 0 : i32
      %sign3A_354 = arith.cmpi slt, %add3A_347, %sign3A_353 : i32
      %sign3A_355 = arith.extui %sign3A_354 : i1 to i32
      %sign3A_356 = arith.subi %sign3A_352, %sign3A_355 : i32
      %sign3A_357 = arith.constant 0 : i32
      %sign3A_358 = arith.cmpi sgt, %jit3A_348, %sign3A_357 : i32
      %sign3A_359 = arith.extui %sign3A_358 : i1 to i32
      %sign3A_360 = arith.constant 0 : i32
      %sign3A_361 = arith.cmpi slt, %jit3A_348, %sign3A_360 : i32
      %sign3A_362 = arith.extui %sign3A_361 : i1 to i32
      %sign3A_363 = arith.subi %sign3A_359, %sign3A_362 : i32
      %ne3A_364 = arith.cmpi ne, %sign3A_356, %sign3A_363 : i32
      %rem3A_365 = arith.remsi %add3A_347, %jit3A_348 : i32
      %ne3A_366 = arith.constant 0 : i32
      %ne3A_367 = arith.cmpi ne, %rem3A_365, %ne3A_366 : i32
      %and3A_368 = arith.andi %ne3A_364, %ne3A_367 : i1
      %sub3A_369 = arith.constant 1 : i32
      %sub3A_370 = arith.subi %div3A_349, %sub3A_369 : i32
      %select_n3A_371 = arith.select %and3A_368, %sub3A_370, %div3A_349 : i32
      %jit3A_372 = arith.constant 32 : i32
      %eq3A_373 = arith.constant 0 : i32
      %eq3A_374 = arith.cmpi eq, %jit3A_372, %eq3A_373 : i32
      %jit3A_375 = arith.constant 1 : i32
      %select_n3A_376 = arith.select %eq3A_374, %jit3A_375, %jit3A_372 : i32
      %rem3A_377 = arith.remsi %add3A_347, %select_n3A_376 : i32
      %ne3A_378 = arith.constant 0 : i32
      %ne3A_379 = arith.cmpi ne, %rem3A_377, %ne3A_378 : i32
      %lt3A_380 = arith.constant 0 : i32
      %lt3A_381 = arith.cmpi slt, %rem3A_377, %lt3A_380 : i32
      %lt3A_382 = arith.constant 0 : i32
      %lt3A_383 = arith.cmpi slt, %select_n3A_376, %lt3A_382 : i32
      %ne3A_384 = arith.xori %lt3A_381, %lt3A_383 : i1
      %and3A_385 = arith.andi %ne3A_384, %ne3A_379 : i1
      %add3A_386 = arith.addi %rem3A_377, %select_n3A_376 : i32
      %select_n3A_387 = arith.select %and3A_385, %add3A_386, %rem3A_377 : i32
      %mul3A_388 = arith.constant 128 : i32
      %mul3A_389 = arith.muli %select_n3A_387, %mul3A_388 : i32
      %multiple_of3A_390 = tpu.assume_multiple %mul3A_389, 128 : i32
      %dma_start3A_391 = arith.constant 0 : i32
      %dma_start3A_392 = arith.constant 0 : i32
      %dma_start3A_393 = tpu.memref_slice %arg4[%select_n3A_371, %dma_start3A_391, %dma_start3A_392, %multiple_of3A_390] : memref<50x16x16x4096xf32, #tpu.memory_space<hbm>> -> memref<1x16x16x128xf32, #tpu.memory_space<hbm>>
      %dma_start3A_394 = tpu.memref_squeeze %dma_start3A_393 : memref<1x16x16x128xf32, #tpu.memory_space<hbm>> -> memref<16x16x128xf32, #tpu.memory_space<hbm>>
      %dma_start3A_395 = arith.constant 0 : i32
      %dma_start3A_396 = arith.constant 0 : i32
      %dma_start3A_397 = tpu.memref_slice %arg4[%select_n3A_371, %dma_start3A_395, %dma_start3A_396, %multiple_of3A_390] : memref<50x16x16x4096xf32, #tpu.memory_space<hbm>> -> memref<1x16x16x128xf32, #tpu.memory_space<hbm>>
      %dma_start3A_398 = tpu.memref_squeeze %dma_start3A_397 : memref<1x16x16x128xf32, #tpu.memory_space<hbm>> -> memref<16x16x128xf32, #tpu.memory_space<hbm>>
      tpu.enqueue_dma source(%arg9 : memref<16x16x128xf32, #tpu.memory_space<vmem>>) target(%dma_start3A_398 : memref<16x16x128xf32, #tpu.memory_space<hbm>>) target_semaphore(%arg13 : memref<!tpu.dma_semaphore, #tpu.memory_space<semaphore_mem>>)
    }
    %scan3A_112 = arith.constant 25 : i32
    %mul3A_113 = arith.constant 50 : i32
    %mul3A_114 = arith.muli %add3A, %mul3A_113 : i32
    %add3A_115 = arith.constant 48 : i32
    %add3A_116 = arith.addi %mul3A_114, %add3A_115 : i32
    %jit3A = arith.constant 32 : i32
    %div3A = arith.divsi %add3A_116, %jit3A : i32
    %sign3A = arith.constant 0 : i32
    %sign3A_117 = arith.cmpi sgt, %add3A_116, %sign3A : i32
    %sign3A_118 = arith.extui %sign3A_117 : i1 to i32
    %sign3A_119 = arith.constant 0 : i32
    %sign3A_120 = arith.cmpi slt, %add3A_116, %sign3A_119 : i32
    %sign3A_121 = arith.extui %sign3A_120 : i1 to i32
    %sign3A_122 = arith.subi %sign3A_118, %sign3A_121 : i32
    %sign3A_123 = arith.constant 0 : i32
    %sign3A_124 = arith.cmpi sgt, %jit3A, %sign3A_123 : i32
    %sign3A_125 = arith.extui %sign3A_124 : i1 to i32
    %sign3A_126 = arith.constant 0 : i32
    %sign3A_127 = arith.cmpi slt, %jit3A, %sign3A_126 : i32
    %sign3A_128 = arith.extui %sign3A_127 : i1 to i32
    %sign3A_129 = arith.subi %sign3A_125, %sign3A_128 : i32
    %ne3A = arith.cmpi ne, %sign3A_122, %sign3A_129 : i32
    %rem3A = arith.remsi %add3A_116, %jit3A : i32
    %ne3A_130 = arith.constant 0 : i32
    %ne3A_131 = arith.cmpi ne, %rem3A, %ne3A_130 : i32
    %and3A_132 = arith.andi %ne3A, %ne3A_131 : i1
    %sub3A = arith.constant 1 : i32
    %sub3A_133 = arith.subi %div3A, %sub3A : i32
    %select_n3A = arith.select %and3A_132, %sub3A_133, %div3A : i32
    %jit3A_134 = arith.constant 32 : i32
    %eq3A = arith.constant 0 : i32
    %eq3A_135 = arith.cmpi eq, %jit3A_134, %eq3A : i32
    %jit3A_136 = arith.constant 1 : i32
    %select_n3A_137 = arith.select %eq3A_135, %jit3A_136, %jit3A_134 : i32
    %rem3A_138 = arith.remsi %add3A_116, %select_n3A_137 : i32
    %ne3A_139 = arith.constant 0 : i32
    %ne3A_140 = arith.cmpi ne, %rem3A_138, %ne3A_139 : i32
    %lt3A = arith.constant 0 : i32
    %lt3A_141 = arith.cmpi slt, %rem3A_138, %lt3A : i32
    %lt3A_142 = arith.constant 0 : i32
    %lt3A_143 = arith.cmpi slt, %select_n3A_137, %lt3A_142 : i32
    %ne3A_144 = arith.xori %lt3A_141, %lt3A_143 : i1
    %and3A_145 = arith.andi %ne3A_144, %ne3A_140 : i1
    %add3A_146 = arith.addi %rem3A_138, %select_n3A_137 : i32
    %select_n3A_147 = arith.select %and3A_145, %add3A_146, %rem3A_138 : i32
    %mul3A_148 = arith.constant 128 : i32
    %mul3A_149 = arith.muli %select_n3A_147, %mul3A_148 : i32
    %multiple_of3A = tpu.assume_multiple %mul3A_149, 128 : i32
    %dma_wait3A = arith.constant 0 : i32
    %dma_wait3A_150 = arith.constant 0 : i32
    %dma_wait3A_151 = tpu.memref_slice %arg4[%select_n3A, %dma_wait3A, %dma_wait3A_150, %multiple_of3A] : memref<50x16x16x4096xf32, #tpu.memory_space<hbm>> -> memref<1x16x16x128xf32, #tpu.memory_space<hbm>>
    %dma_wait3A_152 = tpu.memref_squeeze %dma_wait3A_151 : memref<1x16x16x128xf32, #tpu.memory_space<hbm>> -> memref<16x16x128xf32, #tpu.memory_space<hbm>>
    %dma_wait3A_153 = arith.constant 0 : i32
    %dma_wait3A_154 = arith.constant 0 : i32
    %dma_wait3A_155 = tpu.memref_slice %arg4[%select_n3A, %dma_wait3A_153, %dma_wait3A_154, %multiple_of3A] : memref<50x16x16x4096xf32, #tpu.memory_space<hbm>> -> memref<1x16x16x128xf32, #tpu.memory_space<hbm>>
    %dma_wait3A_156 = tpu.memref_squeeze %dma_wait3A_155 : memref<1x16x16x128xf32, #tpu.memory_space<hbm>> -> memref<16x16x128xf32, #tpu.memory_space<hbm>>
    tpu.wait_dma2 semaphore(%arg12 : memref<!tpu.dma_semaphore, #tpu.memory_space<semaphore_mem>>) src(%arg8 : memref<16x16x128xf32, #tpu.memory_space<vmem>>) dst(%dma_wait3A_156 : memref<16x16x128xf32, #tpu.memory_space<hbm>>)
    %mul3A_157 = arith.constant 50 : i32
    %mul3A_158 = arith.muli %add3A, %mul3A_157 : i32
    %add3A_159 = arith.constant 49 : i32
    %add3A_160 = arith.addi %mul3A_158, %add3A_159 : i32
    %jit3A_161 = arith.constant 32 : i32
    %div3A_162 = arith.divsi %add3A_160, %jit3A_161 : i32
    %sign3A_163 = arith.constant 0 : i32
    %sign3A_164 = arith.cmpi sgt, %add3A_160, %sign3A_163 : i32
    %sign3A_165 = arith.extui %sign3A_164 : i1 to i32
    %sign3A_166 = arith.constant 0 : i32
    %sign3A_167 = arith.cmpi slt, %add3A_160, %sign3A_166 : i32
    %sign3A_168 = arith.extui %sign3A_167 : i1 to i32
    %sign3A_169 = arith.subi %sign3A_165, %sign3A_168 : i32
    %sign3A_170 = arith.constant 0 : i32
    %sign3A_171 = arith.cmpi sgt, %jit3A_161, %sign3A_170 : i32
    %sign3A_172 = arith.extui %sign3A_171 : i1 to i32
    %sign3A_173 = arith.constant 0 : i32
    %sign3A_174 = arith.cmpi slt, %jit3A_161, %sign3A_173 : i32
    %sign3A_175 = arith.extui %sign3A_174 : i1 to i32
    %sign3A_176 = arith.subi %sign3A_172, %sign3A_175 : i32
    %ne3A_177 = arith.cmpi ne, %sign3A_169, %sign3A_176 : i32
    %rem3A_178 = arith.remsi %add3A_160, %jit3A_161 : i32
    %ne3A_179 = arith.constant 0 : i32
    %ne3A_180 = arith.cmpi ne, %rem3A_178, %ne3A_179 : i32
    %and3A_181 = arith.andi %ne3A_177, %ne3A_180 : i1
    %sub3A_182 = arith.constant 1 : i32
    %sub3A_183 = arith.subi %div3A_162, %sub3A_182 : i32
    %select_n3A_184 = arith.select %and3A_181, %sub3A_183, %div3A_162 : i32
    %jit3A_185 = arith.constant 32 : i32
    %eq3A_186 = arith.constant 0 : i32
    %eq3A_187 = arith.cmpi eq, %jit3A_185, %eq3A_186 : i32
    %jit3A_188 = arith.constant 1 : i32
    %select_n3A_189 = arith.select %eq3A_187, %jit3A_188, %jit3A_185 : i32
    %rem3A_190 = arith.remsi %add3A_160, %select_n3A_189 : i32
    %ne3A_191 = arith.constant 0 : i32
    %ne3A_192 = arith.cmpi ne, %rem3A_190, %ne3A_191 : i32
    %lt3A_193 = arith.constant 0 : i32
    %lt3A_194 = arith.cmpi slt, %rem3A_190, %lt3A_193 : i32
    %lt3A_195 = arith.constant 0 : i32
    %lt3A_196 = arith.cmpi slt, %select_n3A_189, %lt3A_195 : i32
    %ne3A_197 = arith.xori %lt3A_194, %lt3A_196 : i1
    %and3A_198 = arith.andi %ne3A_197, %ne3A_192 : i1
    %add3A_199 = arith.addi %rem3A_190, %select_n3A_189 : i32
    %select_n3A_200 = arith.select %and3A_198, %add3A_199, %rem3A_190 : i32
    %mul3A_201 = arith.constant 128 : i32
    %mul3A_202 = arith.muli %select_n3A_200, %mul3A_201 : i32
    %multiple_of3A_203 = tpu.assume_multiple %mul3A_202, 128 : i32
    %dma_wait3A_204 = arith.constant 0 : i32
    %dma_wait3A_205 = arith.constant 0 : i32
    %dma_wait3A_206 = tpu.memref_slice %arg4[%select_n3A_184, %dma_wait3A_204, %dma_wait3A_205, %multiple_of3A_203] : memref<50x16x16x4096xf32, #tpu.memory_space<hbm>> -> memref<1x16x16x128xf32, #tpu.memory_space<hbm>>
    %dma_wait3A_207 = tpu.memref_squeeze %dma_wait3A_206 : memref<1x16x16x128xf32, #tpu.memory_space<hbm>> -> memref<16x16x128xf32, #tpu.memory_space<hbm>>
    %dma_wait3A_208 = arith.constant 0 : i32
    %dma_wait3A_209 = arith.constant 0 : i32
    %dma_wait3A_210 = tpu.memref_slice %arg4[%select_n3A_184, %dma_wait3A_208, %dma_wait3A_209, %multiple_of3A_203] : memref<50x16x16x4096xf32, #tpu.memory_space<hbm>> -> memref<1x16x16x128xf32, #tpu.memory_space<hbm>>
    %dma_wait3A_211 = tpu.memref_squeeze %dma_wait3A_210 : memref<1x16x16x128xf32, #tpu.memory_space<hbm>> -> memref<16x16x128xf32, #tpu.memory_space<hbm>>
    tpu.wait_dma2 semaphore(%arg13 : memref<!tpu.dma_semaphore, #tpu.memory_space<semaphore_mem>>) src(%arg9 : memref<16x16x128xf32, #tpu.memory_space<vmem>>) dst(%dma_wait3A_211 : memref<16x16x128xf32, #tpu.memory_space<hbm>>)
    return
  }
}

</mosaic_0001>

<sc_bundles>
// kernel: kernel.3.cloned.1.call-start
scs
__scs_entry_jumppad:
0x0: {  	(pc) =	sbr.rel $0x88, $3  }
0x1: {  	(tag) =	ssettag $0x0;
	lr =	simm.s32 $0x1  }
0x2: {  	[smem:$0x3F9F] =	sst lr;
	_ =	strace $0xD0000000  }
0x3: {  	_ = 	snop  }
0x4: {  	_ = 	snop  }
0x5: {  	_ = 	snop  }
0x6: {  	_ = 	snop  }
0x7: {  	_ = 	snop  }
__scs_overlays_trampoline_lowered:
0x8: {  	[smem:$0x3FAE] =	sst s0  }
0x9: {  	[smem:$0x3FAF] =	sst s1  }
0xa: {  	[smem:$0x3FB0] =	sst s2  }
0xb: {  	[smem:$0x3FB1] =	sst s3  }
0xc: {  	[smem:$0x3FB2] =	sst s4  }
0xd: {  	[smem:$0x3FB3] =	sst s5  }
0xe: {  	[smem:$0x3FB4] =	sst s6  }
0xf: {  	[smem:$0x3FB5] =	sst s7  }
0x10: {  	[smem:$0x3FB6] =	sst s8  }
0x11: {  	[smem:$0x3FB7] =	sst s9;
	s0 =	simm.s32 @!p0 $0x0  }
0x12: {  	s1 =	sld [smem:$0x3F9D];
	s0 =	simm.s32 @p0 $0x1  }
0x13: {  	[smem:$0x3FB8] =	sst s0;
	s0 =	simm.s32 @!p1 $0x0  }
0x14: {  	s2 =	sld [smem:$0x3F9C];
	s0 =	simm.s32 @p1 $0x1  }
0x15: {  	[smem:$0x3FB9] =	sst s0;
	s0 =	simm.s32 @!p2 $0x0  }
0x16: {  	s3 =	sld [smem:$0x3FDB];
	s0 =	simm.s32 @p2 $0x1  }
0x17: {  	s4 =	simm.s32 $0x1BF5;
	[smem:$0x3FBB] =	sst s0  }
0x18: {  	s0 =	sld [smem:$0x3F9E];
	_ =	swait.ge [sflag:s4], $0x0  }
0x19: {  	s7 =	sld [smem:$0x3F9F]  }
0x1a: {  	s8 =	sadd.s32 $0xFFFFE003, lr  }
0x1b: {  	s9 =	sadd.s32 $0xFFFFFEF7, lr;
	s5 =	simm.s32 $0xFFFFFFFF;
	p2 =	slt.u32 s8, $0xFFFFF086  }
0x1c: {  	p1 =	slt.u32 s9, $0xF7A;
	s5 =	simm.s32 @!p2 $0x0  }
0x1d: {  	s5 =	simm.s32 @p1 $0x1;
	p0 =	seq.s32 s7, s2  }
0x1e: {  	s7 =	smul.u32 @!p0 $0xF7A, s2;
	p2 =	seq.s32 @!p0 s5, $0x0  }
0x1f: {  	s9 =	smul.u32 $0xF7A, s1;
	s8 =	simm.s32 @!p0 $0x1BF5;
	p2 =	por !p2, p0  }
0x20: {  	[sflag:s8] =	ssyncset.s32 @!p0 $0xFFFFF086;
	s6 =	sadd.s32 @!p0 s3, s7;
	s7 =	simm.s32 @!p0 $0x108  }
0x21: {  	s3 =	sadd.s32 s3, s9;
	s6 =	sadd.s32 @!p0 $0x88, s6;
	s7 =	simm.s32 @p2 $0x1082  }
0x22: {  	[simem:s7], [sflag:s8] =	dma.local @!p0 [hbm:s6], $0xF7A  }
0x23: {  	s9 =	sor.u32 $0xD0000000, s2;
	s6 =	simm.s32 $0x108;
	_ =	swait.ge @!p0 [sflag:s8], $0x0  }
0x24: {  	s3 =	sadd.s32 $0x88, s3;
	s6 =	simm.s32 @!p1 $0x1082;
	[sflag:s4] =	ssyncset.s32 $0xFFFFF086  }
0x25: {  	[simem:s6], [sflag:s4] =	dma.local [hbm:s3], $0xF7A  }
0x26: {  	[smem:$0x3F9F] =	sst s1;
	(tag) =	ssettag s2;
	_ =	strace s9  }
0x27: {  	s1 =	sld [smem:$0x3FAF]  }
0x28: {  	s2 =	sld [smem:$0x3FB0]  }
0x29: {  	s4 =	sld [smem:$0x3FB2]  }
0x2a: {  	p0 =	seq.s32 s5, $0x0;
	s5 =	sld [smem:$0x3FB3]  }
0x2b: {  	s6 =	sld [smem:$0x3FB4]  }
0x2c: {  	s7 =	sld [smem:$0x3FB5]  }
0x2d: {  	s3 =	simm.s32 $0x108;
	s8 =	sld [smem:$0x3FB6]  }
0x2e: {  	s3 =	simm.s32 @!p0 $0x1082;
	s9 =	sld [smem:$0x3FB7]  }
0x2f: {  	lr =	sadd.s32 s0, s3;
	s0 =	sld [smem:$0x3FAE]  }
0x30: {  	s3 =	sld [smem:$0x3FB1]  }
0x31: {  	[smem:$0x3FBA] =	sst s10  }
0x32: {  	s10 =	sld [smem:$0x3FB8];
	_ =	sdelay $0x3  }
0x33: {  	p0 =	seq.s32 s10, $0x1;
	s10 =	sld [smem:$0x3FBA];
	_ =	sdelay $0x3  }
0x34: {  	[smem:$0x3FBA] =	sst s10  }
0x35: {  	s10 =	sld [smem:$0x3FB9];
	_ =	sdelay $0x3  }
0x36: {  	p1 =	seq.s32 s10, $0x1;
	s10 =	sld [smem:$0x3FBA];
	_ =	sdelay $0x3  }
0x37: {  	[smem:$0x3FBA] =	sst s10  }
0x38: {  	s10 =	sld [smem:$0x3FBB]  }
0x39: {  	_ = 	snop;
	(pc) =	sbr.ind lr, $3  }
0x3a: {  	_ = 	snop  }
0x3b: {  	_ = 	snop  }
0x3c: {  	p2 =	seq.s32 s10, $0x1;
	s10 =	sld [smem:$0x3FBA]  }
0x3d: {  	_ =	shalt  }
0x3e: {  	_ =	shalt  }
0x3f: {  	_ =	shalt  }
0x40: {  	_ =	shalt  }
0x41: {  	_ =	shalt  }
0x42: {  	_ =	shalt  }
0x43: {  	_ =	shalt  }
0x44: {  	_ =	shalt  }
0x45: {  	_ =	shalt  }
0x46: {  	_ =	shalt  }
0x47: {  	_ =	shalt  }
0x48: {  	_ =	shalt  }
0x49: {  	_ =	shalt  }
0x4a: {  	_ =	shalt  }
0x4b: {  	_ =	shalt  }
0x4c: {  	_ =	shalt  }
0x4d: {  	_ =	shalt  }
0x4e: {  	_ =	shalt  }
0x4f: {  	_ =	shalt  }
0x50: {  	_ =	shalt  }
0x51: {  	_ =	shalt  }
0x52: {  	_ =	shalt  }
0x53: {  	_ =	shalt  }
0x54: {  	_ =	shalt  }
0x55: {  	_ =	shalt  }
0x56: {  	_ =	shalt  }
0x57: {  	_ =	shalt  }
0x58: {  	_ =	shalt  }
0x59: {  	_ =	shalt  }
0x5a: {  	_ =	shalt  }
0x5b: {  	_ =	shalt  }
0x5c: {  	_ =	shalt  }
0x5d: {  	_ =	shalt  }
0x5e: {  	_ =	shalt  }
0x5f: {  	_ =	shalt  }
0x60: {  	_ =	shalt  }
0x61: {  	_ =	shalt  }
0x62: {  	_ =	shalt  }
0x63: {  	_ =	shalt  }
0x64: {  	_ =	shalt  }
0x65: {  	_ =	shalt  }
0x66: {  	_ =	shalt  }
0x67: {  	_ =	shalt  }
0x68: {  	_ =	shalt  }
0x69: {  	_ =	shalt  }
0x6a: {  	_ =	shalt  }
0x6b: {  	_ =	shalt  }
0x6c: {  	_ =	shalt  }
0x6d: {  	_ =	shalt  }
0x6e: {  	_ =	shalt  }
0x6f: {  	_ =	shalt  }
0x70: {  	_ =	shalt  }
0x71: {  	_ =	shalt  }
0x72: {  	_ =	shalt  }
0x73: {  	_ =	shalt  }
0x74: {  	_ =	shalt  }
0x75: {  	_ =	shalt  }
0x76: {  	_ =	shalt  }
0x77: {  	_ =	shalt  }
0x78: {  	_ =	shalt  }
0x79: {  	_ =	shalt  }
0x7a: {  	_ =	shalt  }
0x7b: {  	_ =	shalt  }
0x7c: {  	_ =	shalt  }
0x7d: {  	_ =	shalt  }
0x7e: {  	_ =	shalt  }
0x7f: {  	_ =	shalt  }
0x80: {  	_ =	shalt  }
0x81: {  	_ =	shalt  }
0x82: {  	_ =	shalt  }
0x83: {  	_ =	shalt  }
0x84: {  	_ =	shalt  }
0x85: {  	_ =	shalt  }
0x86: {  	_ =	shalt  }
0x87: {  	_ =	shalt  }
.Lfunc_end0:
.L_simem_size_0:
called_computation_lowered:
.L_overlay_start_0:
0x88: {  	s2 =	sld [smem:$0x3FD9]  }
0x89: {  	s3 =	sld [smem:$0x3FFE];
	_ =	sdelay $0x1  }
0x8a: {  	s1 =	srdreg.scid  }
0x8b: {  	s0 =	sand.u32 $0x1, s1  }
0x8c: {  	s17 =	sshll.u32 s0, $0xA;
	s2 =	sadd.s32 s3, s2  }
0x8d: {  	s2 =	sadd.s32 s2, s17  }
0x8e: {  	[smem:$0x3FC6] =	sst s2  }
0x8f: {  	_ = 	snop  }
0x90: {  	s2 =	sld [smem:$0x3FC8]  }
0x91: {  	s18 =	sld [smem:$0x3FD0];
	(tm) =	ssettm $0x1  }
0x92: {  	s4 =	sld [smem:$0x3FFB];
	_ =	sdelay $0x3  }
0x93: {  	_ =	strace s4  }
0x94: {  	s4 =	sld [smem:$0x3FFC];
	_ =	sdelay $0x3  }
0x95: {  	_ =	strace s4  }
0x96: {  	s4 =	sld [smem:$0x3FFD];
	_ =	sdelay $0x3  }
0x97: {  	_ =	strace s4  }
0x98: {  	_ =	strace $0x8FFFFFFF  }
0x99: {  	s19 =	sld [smem:$0x3FDB];
	_ =	sdelay $0x1  }
0x9a: {  	s5 =	simm.s32 $_scs_section_size  }
0x9b: {  	s6 =	simm.s32 $_size__tile_overlayer_lowered;
	s7 =	simm.s32 $_tile_overlayer_lowered  }
0x9c: {  	s22 =	simm.s32 $0x1BFF;
	s21 =	sshll.u32 s7, $0x1;
	s4 =	sadd.s32 s5, s19  }
0x9d: {  	s8 =	simm.s32 $0x0;
	s20 =	sshll.u32 s6, $0x1;
	s6 =	sadd.s32 s21, s4  }
0x9e: {  	[timem:s8], [sflag:s22] =	dma.local [hbm:s6], s20  }
0x9f: {  	_ =	swait.ge [sflag:s22], s20  }
0xa0: {  	s5 =	ssub.s32 $0x0, s20;
	[sflag:s22] =	ssyncset.done $0x0  }
0xa1: {  	[sflag:s22] =	ssyncadd.s32 s5;
	_ =	sdelay $0x1  }
0xa2: {  	s23 =	simm.s32 $0x1B8B  }
0xa3: {  	_ =	swait.ge [sflag:s23], $0x1  }
0xa4: {  	[sflag:s23] =	ssyncset.done $0x0  }
0xa5: {  	s25 =	simm.s32 $0x1B8E;
	s24 =	sld [smem:$0x3FFE];
	[sflag:s23] =	ssyncadd.s32 $0xFFFFFFFF  }
0xa6: {  	s26 =	simm.s32 $execute0_lowered;
	[smem:$0x3FD2] =	sst s25  }
0xa7: {  	s6 =	sshll.u32 s26, $0x1;
	_ =	strace $0x80000046;
	[dreg:$0x1] =	wrdreg $0xFFFFFFFF  }
0xa8: {  	s28 =	simm.s32 $_size_execute0_lowered;
	s4 =	sadd.s32 s4, s6;
	[dreg:$0x0] =	wrdreg $0x0  }
0xa9: {  	s6 =	sshll.u32 s28, $0x1;
	[dreg:$0x2] =	wrdreg s4  }
0xaa: {  	[dreg:$0x3] =	wrdreg s6  }
0xab: {  	[dreg:$0x4] =	wrdreg $0xC0  }
0xac: {  	_ =	task [dreg:s8], $0x5FFFF  }
0xad: {  	[dreg:$0x1] =	wrdreg $0xFFFFFFFF  }
0xae: {  	[dreg:$0x0] =	wrdreg $0x60  }
0xaf: {  	[dreg:$0x2] =	wrdreg s24  }
0xb0: {  	[dreg:$0x3] =	wrdreg s2  }
0xb1: {  	[dreg:$0x4] =	wrdreg s18  }
0xb2: {  	[dreg:$0x5] =	wrdreg $0x9  }
0xb3: {  	_ =	task.clear_ibuf [dreg:s8], $0x6FFFF;
	_ =	strace $0x90000046  }
0xb4: {  	s29 =	simm.s32 $0x9;
	_ =	strace $0x80000048  }
0xb5: {  	_ =	swait.ge [sflag:s29], $0x1  }
0xb6: {  	[sflag:s29] =	ssyncadd.s32 $0xFFFFFFFF  }
0xb7: {  	_ =	strace $0x90000048  }
0xb8: {  	_ =	sfence  }
0xb9: {  	s30 =	sld [smem:$0x0];
	_ =	sdelay $0x2  }
0xba: {  	s31 =	sshll.u32 s1, $0xD;
	s1 =	sshrl.u32 s1, $0x2  }
0xbb: {  	s3 =	sand.u32 $0x4000, s31;
	s1 =	sadd.s32 s1, s30  }
0xbc: {  	s0 =	sor.u32 s3, s0;
	s1 =	sshll.u32 s1, $0x11  }
0xbd: {  	s0 =	sor.u32 s1, s0  }
0xbe: {  	s0 =	sadd.s32 $0x8F2B, s0  }
0xbf: {  	[sflag:s0] =	ssyncadd.remote.s32 $0x1  }
0xc0: {  	_ =	sfence.sel $0xFFFF  }
0xc1: {  	[dreg:$0x0] =	wrdreg $0xFFFFFFFF;
	(pc) =	sbr.abs _section_cstart, $3  }
0xc2: {  	[dreg:$0x1] =	wrdreg $0xFFFFFFFF  }
0xc3: {  	_ =	task.clear_ibuf [dreg:s8], $0x2FFFF;
	_ =	strace $0x9FFFFFFF  }
0xc4: {  	(tm) =	ssettm $0x7FFFFFFF  }
0xc5: {  	_ =	shalt  }
tec
execute0_lowered:
.L_overlay_start_1:
0x0: {  	(tag) =	ssettag $0x1  }
0x1: {  	v24 =	vlaneseq.u32;
	vm15 =	vcmask $0x300  }
0x2: {  	v37 =	vimm.s32 $0x0;
	v38 =	vimm.s32 $0xFEDCBA9;
	vm14 =	vcmask $0x704  }
0x3: {  	vm13 =	vcmask $0xB08;
	v2 =	vimm.s32 $0x87654321;
	vm12 =	vcmask $0xF0C  }
0x4: {  	vm11 =	vcmask $0x1310;
	vm10 =	vcmask $0x1714;
	vm9 =	vcmask $0x1B18  }
0x5: {  	vm8 =	vcmask $0x1F1C;
	vm7 =	vcmask $0x2320;
	vm5 =	vcmask $0x2724  }
0x6: {  	v4 =	vimm.s32 $0x80;
	vm4 =	vcmask $0x2B28;
	vm3 =	vcmask $0x2F2C  }
0x7: {  	vm1 =	vcmask $0x3330;
	vm2 =	vcmask $0x3734;
	v43 =	vimm.s32 $0x10FEDCBA  }
0x8: {  	v5 =	vimm.s32 $0x98765432;
	v7 =	vimm.s32 $0x100;
	vm6 =	vcmask $0x3B38  }
0x9: {  	v18 =	vimm.s32 $0x210FEDCB;
	v19 =	vimm.s32 $0xA9876543;
	v8 =	vimm.s32 $0x180  }
0xa: {  	v9 =	vimm.s32 $0x3210FEDC;
	v10 =	vimm.s32 $0xBA987654;
	v35 =	vimm.s32 $0x200  }
0xb: {  	v12 =	vimm.s32 $0x280;
	v52 =	vimm.s32 $0x543210FE;
	v53 =	vimm.s32 $0xDCBA9876  }
0xc: {  	v14 =	vimm.s32 $0x6543210F;
	v56 =	vimm.s32 $0x300;
	v57 =	vimm.s32 $0xFEDCBA98  }
0xd: {  	v58 =	vimm.s32 $0x76543210;
	v59 =	vimm.s32 $0x380;
	v62 =	vimm.s32 $0x400  }
0xe: {  	v1 =	vand.u32 $0x7, v24;
	v0 =	vshrl.u32 v24, $0x3;
	v36 =	vor.u32 $0x8, v24  }
0xf: {  	v2 =	vunpack.c.l.s4.s8 v2;
	v40 =	vmul.u32 $0x80, v24;
	v4 =	vsel vm15, $0x100, v4  }
0x10: {  	v5 =	vunpack.c.l.s4.s8 v5;
	v15 =	vsel vm15, $0x180, v7;
	v7 =	vunpack.c.l.s4.s8 v19  }
0x11: {  	v8 =	vsel vm15, $0x200, v8;
	v9 =	vunpack.c.l.s4.s8 v9;
	v10 =	vunpack.c.l.s4.s8 v10  }
0x12: {  	v12 =	vsel vm15, $0x300, v12;
	v14 =	vunpack.c.l.s4.s8 v14;
	v0 =	vmul.u32 $0x8, v0  }
0x13: {  	[tilespmem:$0x1FE20] =	vst v1;
	v22 =	vmul.u32 $0x80, v1;
	v1 =	vunpack.c.l.s4.s8 v38;
	v4 =	vsel vm14, $0x180, v4  }
0x14: {  	v8 =	vsel vm14, $0x280, v8;
	v12 =	vsel vm14, $0x380, v12;
	v4 =	vsel vm13, $0x200, v4  }
0x15: {  	v45 =	vunpack.c.0.s8.s32 v5;
	v5 =	vsel vm14, $0x200, v15;
	v7 =	vunpack.c.0.s8.s32 v7  }
0x16: {  	v31 =	vsel vm13, $0x300, v8;
	v12 =	vsel vm13, $0x400, v12;
	v15 =	vimm.s32 $0xEDCBA987  }
0x17: {  	v14 =	vunpack.c.0.s8.s32 v14;
	[tilespmem:$0x1FE00] =	vst v0;
	v0 =	vsel vm15, $0x80, v37;
	v42 =	vsel vm12, $0x280, v4  }
0x18: {  	v4 =	vunpack.c.l.s4.s8 v43;
	v5 =	vsel vm13, $0x280, v5;
	v12 =	vsel vm12, $0x480, v12  }
0x19: {  	v0 =	vsel vm14, $0x100, v0;
	v5 =	vsel vm12, $0x300, v5;
	v49 =	vsel vm11, $0x500, v12  }
0x1a: {  	v0 =	vsel vm13, $0x180, v0;
	v5 =	vsel vm11, $0x380, v5;
	v51 =	vsel vm10, $0x580, v49  }
0x1b: {  	v3 =	vsel vm12, $0x200, v0;
	v0 =	vunpack.c.0.s8.s32 v1;
	v1 =	vunpack.c.0.s8.s32 v2  }
0x1c: {  	v49 =	vimm.s32 $0x680;
	v5 =	vsel vm10, $0x400, v5;
	v3 =	vsel vm11, $0x280, v3  }
0x1d: {  	v5 =	vsel vm9, $0x480, v5;
	v39 =	vsel vm10, $0x300, v3;
	v41 =	vcombine.low v1, v0  }
0x1e: {  	v5 =	vsel vm8, $0x500, v5;
	v0 =	vcombine.low v0, v1;
	v2 =	vsel vm9, $0x380, v39  }
0x1f: {  	v5 =	vsel vm7, $0x580, v5;
	v2 =	vsel vm8, $0x400, v2;
	v3 =	vand.u32 $0xF, v41  }
0x20: {  	v5 =	vsel vm5, $0x600, v5;
	v41 =	vimm.s32 $0x43210FED;
	v2 =	vsel vm7, $0x480, v2  }
0x21: {  	[tilespmem:$0x1FE40] =	vst v3;
	v3 =	vsel vm11, $0x300, v42;
	v30 =	vsel vm4, $0x680, v5;
	v5 =	vsel vm12, $0x380, v31  }
0x22: {  	v42 =	vimm.s32 $0xCBA98765;
	v2 =	vsel vm5, $0x500, v2;
	v3 =	vsel vm10, $0x380, v3  }
0x23: {  	v5 =	vsel vm11, $0x400, v5;
	v2 =	vsel vm4, $0x580, v2;
	v3 =	vsel vm9, $0x400, v3  }
0x24: {  	v5 =	vsel vm10, $0x480, v5;
	v2 =	vsel vm3, $0x600, v2;
	v44 =	vsel vm8, $0x480, v3  }
0x25: {  	v11 =	vsel vm9, $0x500, v5;
	v5 =	vunpack.c.0.s8.s32 v10;
	v10 =	vsel vm15, $0x280, v35  }
0x26: {  	v2 =	vsel vm1, $0x680, v2;
	v34 =	vsel vm8, $0x580, v11;
	v38 =	vsel vm14, $0x300, v10  }
0x27: {  	v11 =	vunpack.c.l.s4.s8 v42;
	v6 =	vsel vm2, $0x700, v2;
	v2 =	vunpack.c.0.s8.s32 v4  }
0x28: {  	v4 =	vsel vm7, $0x500, v44;
	v44 =	vimm.s32 $0x600;
	v6 =	vsel vm6, $0x780, v6  }
0x29: {  	v4 =	vsel vm5, $0x580, v4;
	v43 =	vunpack.c.0.s8.s32 v11;
	[tilespmem:$0x1FE50] =	vst v6;
	v6 =	vunpack.c.l.s4.s8 v18  }
0x2a: {  	v16 =	vcombine.low v45, v2;
	v4 =	vsel vm4, $0x600, v4;
	v18 =	vimm.s32 $0x480  }
0x2b: {  	v2 =	vcombine.low v2, v45;
	v4 =	vsel vm3, $0x680, v4;
	v6 =	vunpack.c.0.s8.s32 v6  }
0x2c: {  	v19 =	vsel vm15, $0x500, v18;
	v17 =	vand.u32 $0xF, v16;
	v4 =	vsel vm1, $0x700, v4  }
0x2d: {  	[tilespmem:$0x1FE60] =	vst v17;
	v4 =	vsel vm2, $0x780, v4;
	v17 =	vunpack.c.l.s4.s8 v15;
	v32 =	vcombine.low v7, v6  }
0x2e: {  	v31 =	vsel vm14, $0x580, v19;
	v21 =	vand.u32 $0xF, v2;
	v4 =	vsel vm6, $0x0, v4  }
0x2f: {  	[tilespmem:$0x1FE70] =	vst v4;
	v4 =	vsel vm3, $0x700, v30;
	v55 =	vunpack.c.0.s8.s32 v17;
	v8 =	vand.u32 $0xF, v32  }
0x30: {  	[tilespmem:$0x1FEB0] =	vst v14;
	v33 =	vsel vm1, $0x780, v4;
	v4 =	vunpack.c.0.s8.s32 v9;
	v9 =	vsel vm7, $0x600, v34  }
0x31: {  	[tilespmem:$0x1FE80] =	vst v8;
	v8 =	vsel vm2, $0x0, v33;
	v9 =	vsel vm5, $0x680, v9;
	v14 =	vcombine.low v55, v14  }
0x32: {  	[tilespmem:$0x1FE10] =	vst v36;
	v33 =	vimm.s32 $0x500;
	v36 =	vcombine.low v5, v4;
	v8 =	vsel vm6, $0x80, v8  }
0x33: {  	v37 =	vsel vm4, $0x700, v9;
	v9 =	vsel vm13, $0x380, v38;
	v38 =	vimm.s32 $0x580  }
0x34: {  	[tilespmem:$0x1FE90] =	vst v8;
	v8 =	vsel vm3, $0x780, v37;
	v9 =	vsel vm12, $0x400, v9;
	v27 =	vand.u32 $0xF, v14  }
0x35: {  	v14 =	vsel vm15, $0x400, v59;
	v3 =	vsel vm15, $0x600, v38;
	v39 =	vand.u32 $0xF, v36  }
0x36: {  	[tilespmem:$0x1FE30] =	vst v40;
	v40 =	vsel vm1, $0x0, v8;
	v8 =	vunpack.c.l.s4.s8 v41;
	v9 =	vsel vm11, $0x480, v9  }
0x37: {  	v14 =	vsel vm14, $0x480, v14;
	v3 =	vsel vm14, $0x680, v3;
	v41 =	vcombine.low v4, v5  }
0x38: {  	v9 =	vsel vm10, $0x500, v9;
	v10 =	vsel vm2, $0x80, v40;
	v14 =	vsel vm13, $0x500, v14  }
0x39: {  	v3 =	vsel vm13, $0x700, v3;
	v8 =	vunpack.c.0.s8.s32 v8;
	v13 =	vsel vm9, $0x580, v9  }
0x3a: {  	v34 =	vsel vm6, $0x100, v10;
	v10 =	vsel vm9, $0x600, v51;
	v60 =	vsel vm12, $0x580, v14  }
0x3b: {  	v3 =	vsel vm12, $0x780, v3;
	v2 =	vand.u32 $0xF, v41;
	v51 =	vimm.s32 $0x700  }
0x3c: {  	v46 =	vsel vm8, $0x600, v13;
	v13 =	vunpack.c.l.s4.s8 v53;
	v10 =	vsel vm8, $0x680, v10  }
0x3d: {  	v3 =	vsel vm11, $0x0, v3;
	[tilespmem:$0x1FEE0] =	vst v2;
	v2 =	vsel vm15, $0x700, v49;
	v11 =	vsel vm7, $0x680, v46  }
0x3e: {  	v47 =	vcombine.low v43, v8;
	v10 =	vsel vm7, $0x700, v10;
	v3 =	vsel vm10, $0x80, v3  }
0x3f: {  	v43 =	vcombine.low v8, v43;
	v46 =	vsel vm15, $0x680, v44;
	v2 =	vsel vm14, $0x780, v2  }
0x40: {  	v11 =	vsel vm5, $0x700, v11;
	v16 =	vsel vm5, $0x780, v10;
	v15 =	vunpack.c.0.s8.s32 v13  }
0x41: {  	v3 =	vsel vm9, $0x100, v3;
	v2 =	vsel vm13, $0x0, v2;
	v48 =	vsel vm4, $0x780, v11  }
0x42: {  	v35 =	vand.u32 $0xF, v47;
	v11 =	vunpack.c.l.s4.s8 v52;
	v54 =	vsel vm4, $0x0, v16  }
0x43: {  	v3 =	vsel vm8, $0x180, v3;
	v2 =	vsel vm12, $0x80, v2;
	v50 =	vsel vm3, $0x0, v48  }
0x44: {  	v3 =	vsel vm7, $0x200, v3;
	v2 =	vsel vm11, $0x100, v2;
	v10 =	vunpack.c.0.s8.s32 v11  }
0x45: {  	v11 =	vsel vm3, $0x80, v54;
	v12 =	vsel vm1, $0x80, v50;
	v40 =	vsel vm5, $0x280, v3  }
0x46: {  	v3 =	vsel vm15, $0x780, v51;
	v2 =	vsel vm10, $0x180, v2;
	v11 =	vsel vm1, $0x100, v11  }
0x47: {  	v12 =	vsel vm2, $0x100, v12;
	v3 =	vsel vm14, $0x0, v3;
	v2 =	vsel vm9, $0x200, v2  }
0x48: {  	v13 =	vcombine.low v15, v10;
	v11 =	vsel vm2, $0x180, v11;
	v36 =	vsel vm6, $0x180, v12  }
0x49: {  	v12 =	vunpack.c.l.s4.s8 v57;
	v48 =	vcombine.low v10, v15;
	v3 =	vsel vm13, $0x80, v3  }
0x4a: {  	v2 =	vsel vm8, $0x280, v2;
	v25 =	vsel vm6, $0x200, v11;
	v11 =	vsel vm15, $0x380, v56  }
0x4b: {  	v3 =	vsel vm12, $0x100, v3;
	v2 =	vsel vm7, $0x300, v2;
	v23 =	vand.u32 $0xF, v13  }
0x4c: {  	v11 =	vsel vm14, $0x400, v11;
	v13 =	vunpack.c.l.s4.s8 v58;
	v12 =	vunpack.c.0.s8.s32 v12  }
0x4d: {  	v3 =	vsel vm11, $0x180, v3;
	v2 =	vsel vm5, $0x380, v2;
	v11 =	vsel vm13, $0x480, v11  }
0x4e: {  	v3 =	vsel vm10, $0x200, v3;
	v2 =	vsel vm4, $0x400, v2;
	v13 =	vunpack.c.0.s8.s32 v13  }
0x4f: {  	v11 =	vsel vm12, $0x500, v11;
	v12 =	vand.u32 $0xF, v12;
	v3 =	vsel vm9, $0x280, v3  }
0x50: {  	v2 =	vsel vm3, $0x480, v2;
	v61 =	vcombine.low v12, v13;
	v13 =	vsel vm15, $0x480, v62  }
0x51: {  	v11 =	vsel vm11, $0x580, v11;
	v3 =	vsel vm8, $0x300, v3;
	v13 =	vsel vm14, $0x500, v13  }
0x52: {  	v2 =	vsel vm1, $0x500, v2;
	v11 =	vsel vm10, $0x600, v11;
	v13 =	vsel vm13, $0x580, v13  }
0x53: {  	v12 =	vsel vm11, $0x600, v60;
	v3 =	vsel vm7, $0x380, v3;
	v13 =	vsel vm12, $0x600, v13  }
0x54: {  	v53 =	vsel vm2, $0x580, v2;
	v12 =	vsel vm10, $0x680, v12;
	v13 =	vsel vm11, $0x680, v13  }
0x55: {  	v11 =	vsel vm9, $0x680, v11;
	v12 =	vsel vm9, $0x700, v12;
	v13 =	vsel vm10, $0x700, v13  }
0x56: {  	v3 =	vsel vm5, $0x400, v3;
	v12 =	vsel vm8, $0x780, v12;
	v13 =	vsel vm9, $0x780, v13  }
0x57: {  	v59 =	vsel vm6, $0x600, v53;
	v12 =	vsel vm7, $0x0, v12;
	v13 =	vsel vm8, $0x0, v13  }
0x58: {  	v11 =	vsel vm8, $0x700, v11;
	v12 =	vsel vm5, $0x80, v12;
	v13 =	vsel vm7, $0x80, v13  }
0x59: {  	v3 =	vsel vm4, $0x480, v3;
	v12 =	vsel vm4, $0x100, v12;
	v16 =	vsel vm5, $0x100, v13  }
0x5a: {  	v11 =	vsel vm7, $0x780, v11;
	v12 =	vsel vm3, $0x180, v12;
	v17 =	vsel vm4, $0x180, v16  }
0x5b: {  	v3 =	vsel vm3, $0x500, v3;
	v12 =	vsel vm1, $0x200, v12;
	v1 =	vsel vm3, $0x200, v17  }
0x5c: {  	v63 =	vsel vm2, $0x280, v12;
	v30 =	vsel vm1, $0x280, v1;
	v1 =	vsel vm13, $0x600, v31  }
0x5d: {  	[tilespmem:$0x1FEC0] =	vst v55;
	v55 =	vsel vm6, $0x300, v63;
	v32 =	vsel vm12, $0x680, v1;
	v1 =	vsel vm15, $0x580, v33  }
0x5e: {  	v63 =	vand.u32 $0xF, v0;
	v0 =	vsel vm2, $0x300, v30;
	v1 =	vsel vm14, $0x600, v1  }
0x5f: {  	v47 =	vsel vm6, $0x380, v0;
	v0 =	vsel vm11, $0x700, v32;
	v1 =	vsel vm13, $0x680, v1  }
0x60: {  	v11 =	vsel vm5, $0x0, v11;
	v0 =	vsel vm10, $0x780, v0;
	v1 =	vsel vm12, $0x700, v1  }
0x61: {  	v3 =	vsel vm1, $0x580, v3;
	v0 =	vsel vm9, $0x0, v0;
	v1 =	vsel vm11, $0x780, v1  }
0x62: {  	v11 =	vsel vm4, $0x80, v11;
	v0 =	vsel vm8, $0x80, v0;
	v1 =	vsel vm10, $0x0, v1  }
0x63: {  	v56 =	vsel vm2, $0x600, v3;
	v0 =	vsel vm7, $0x100, v0;
	v1 =	vsel vm9, $0x80, v1  }
0x64: {  	v11 =	vsel vm3, $0x100, v11;
	v0 =	vsel vm5, $0x180, v0;
	v1 =	vsel vm8, $0x100, v1  }
0x65: {  	v11 =	vsel vm1, $0x180, v11;
	v0 =	vsel vm4, $0x200, v0;
	v1 =	vsel vm7, $0x180, v1  }
0x66: {  	s2 =	srdreg.scid;
	s3 =	stileid.u32;
	v11 =	vsel vm2, $0x200, v11;
	v0 =	vsel vm3, $0x280, v0;
	v1 =	vsel vm5, $0x200, v1  }
0x67: {  	s0 =	rddreg [dreg:$0x0];
	s2 =	sand.u32 $0x1, s2;
	s4 =	sshll.u32 s3, $0x1;
	v11 =	vsel vm6, $0x280, v11;
	v0 =	vsel vm1, $0x300, v0;
	v1 =	vsel vm4, $0x280, v1  }
0x68: {  	s1 =	rddreg [dreg:$0x1];
	s5 =	sor.u32 s2, s4;
	s4 =	simm.s32 $0x0;
	[tilespmem:$0x1FEA0] =	vst v39;
	v0 =	vsel vm2, $0x380, v0;
	v39 =	vsel vm3, $0x300, v1;
	v1 =	vsel vm4, $0x300, v40  }
0x69: {  	[smem:$0x7FF] =	sst s4;
	[tilespmem:$0x1FED0] =	vst v11;
	v50 =	vsel vm6, $0x400, v0;
	v0 =	vsel vm1, $0x380, v39;
	v1 =	vsel vm3, $0x380, v1  }
0x6a: {  	s3 =	rddreg [dreg:$0x2];
	v60 =	vsel vm6, $0x680, v56;
	_ =	strace $0x80000047;
	[tilespmem:$0x1FF00] =	vst v59;
	v0 =	vsel vm2, $0x400, v0;
	v42 =	vsel vm1, $0x400, v1  }
0x6b: {  	v57 =	vand.u32 $0xF, v48;
	[tilespmem:$0x1FF10] =	vst v60;
	v62 =	vsel vm6, $0x480, v0;
	v0 =	vsel vm2, $0x480, v42  }
0x6c: {  	v54 =	vand.u32 $0xF, v43;
	[tilespmem:$0x1FF20] =	vst v57;
	v45 =	vsel vm6, $0x500, v0;
	v0 =	vsel vm14, $0x700, v46  }
0x6d: {  	v37 =	vcombine.low v6, v7;
	[tilespmem:$0x1FF40] =	vst v54;
	v0 =	vsel vm13, $0x780, v0  }
0x6e: {  	[tilespmem:$0x1FF50] =	vst v63;
	v0 =	vsel vm12, $0x0, v0  }
0x6f: {  	v58 =	vand.u32 $0xF, v37;
	[tilespmem:$0x1FF70] =	vst v21;
	v0 =	vsel vm11, $0x80, v0  }
0x70: {  	[tilespmem:$0x1FF90] =	vst v58;
	v0 =	vsel vm10, $0x100, v0  }
0x71: {  	[tilespmem:$0x1FFB0] =	vst v55;
	v0 =	vsel vm9, $0x180, v0  }
0x72: {  	[tilespmem:$0x1FFC0] =	vst v61;
	v0 =	vsel vm8, $0x200, v0  }
0x73: {  	s9 =	simm.s32 $0x1C00;
	[tilespmem:$0x1FFD0] =	vst v22;
	v0 =	vsel vm7, $0x280, v0  }
0x74: {  	s17 =	simm.s32 $0x5C00;
	s22 =	simm.s32 $0x8400;
	s23 =	simm.s32 $0x8C00;
	[tilespmem:$0x1FFE0] =	vst v27;
	v0 =	vsel vm5, $0x300, v0  }
0x75: {  	s24 =	simm.s32 $0x9400;
	s28 =	simm.s32 $0x2;
	s6 =	smul.u32 $0x380, s5;
	[tilespmem:$0x1FFF0] =	vst v23;
	v0 =	vsel vm4, $0x380, v0  }
0x76: {  	s29 =	simm.s32 $0x400;
	s30 =	simm.s32 $0x8000;
	s2 =	ssub.s32 $0x2, s2;
	[tilespmem:$0x1FF60] =	vst v47;
	v0 =	vsel vm3, $0x400, v0  }
0x77: {  	s31 =	simm.s32 $0x11C00;
	s25 =	sshrl.u32 s2, $0x1;
	s0 =	sadd.s32 s6, s0;
	[tilespmem:$0x1FF80] =	vst v50;
	v0 =	vsel vm1, $0x480, v0  }
0x78: {  	s2 =	ssub.s32 s2, s25;
	s25 =	simm.s32 $0x1;
	s0 =	sadd.s32 $0x400, s0;
	[tilespmem:$0x1FFA0] =	vst v62;
	v0 =	vsel vm2, $0x500, v0  }
0x79: {  	s6 =	smul.u32 $0x32, s5;
	s26 =	smax.u32 s2, $0x1;
	[dreg:$0x4] =	wrdreg s0;
	[tilespmem:$0x1FF30] =	vst v45;
	v52 =	vsel vm6, $0x580, v0  }
0x7a: {  	vm0 =	vmmov $0xffff;
	s5 =	simm.s32 $0x0;
	[dreg:$0x5] =	wrdreg s26;
	s26 =	simm.s32 $0x9C00;
	[tilespmem:$0x1FEF0] =	vst v52  }
.LBB2_1:
0x7b: {  	[dreg:$0x6] =	wrdreg s5  }
0x7c: {  	s0 =	rddreg [dreg:$0x4];
	s8 =	simm.s32 $0x5  }
0x7d: {  	[tilespmem:s4], [sflag:$0x5] =	stream.linear.gather [hbm4b:s0+s4], $0x1900, $0x38;
	[tilespmem:$0x19C00] =	vst v63  }
0x7e: {  	_ =	swait.ge [sflag:s8], $0x1900  }
0x7f: {  	[sflag:s8] =	ssyncset.done $0x0  }
0x80: {  	[sflag:s8] =	ssyncadd.s32 $0xFFFFE700  }
0x81: {  	v0 =	vld [tilespmem:$0x0];
	_ =	sdelay $0x2  }
0x82: {  	v2 =	vld [tilespmem:$0x1FE20]  }
0x83: {  	v3 =	vld [tilespmem:$0x1FE00]  }
0x84: {  	v4 =	vld [tilespmem:$0x1FE10];
	v1 =	vshll.u32 v0, $0x1  }
0x85: {  	v0 =	vand.u32 $0x7, v0;
	v1 =	vand.u32 $0xFFFFFFF0, v1  }
0x86: {  	v0 =	vor.u32 v0, v1  }
0x87: {  	v1 =	vperm.xlane v0, v2;
	_ =	sdelay $0x1  }
0x88: {  	v0 =	vperm.xlane v0, v4;
	v1 =	vadd.s32 v3, v1;
	_ =	sdelay $0x1  }
0x89: {  	v0 =	vadd.s32 v3, v0;
	_ =	sdelay $0x2  }
0x8a: {  	[tilespmem:s9], [sflag:$0x1] =	stream.indirect_vreg.gather [hbm4b:s1+s4], $0x80, v1, vm0, $0xb8;
	[tilespmem:$0x19C00] =	vst v63  }
0x8b: {  	s10 =	simm.s32 $0x2400  }
0x8c: {  	[tilespmem:s10], [sflag:$0x1] =	stream.indirect_vreg.gather [hbm4b:s1+s4], $0x80, v0, vm0, $0xb8;
	[tilespmem:$0x19C00] =	vst v63  }
0x8d: {  	v0 =	vld [tilespmem:$0x10];
	_ =	sdelay $0x4  }
0x8e: {  	v51 =	vshll.u32 v0, $0x1  }
0x8f: {  	v0 =	vand.u32 $0x7, v0;
	v1 =	vand.u32 $0xFFFFFFF0, v51  }
0x90: {  	v0 =	vor.u32 v0, v1  }
0x91: {  	v1 =	vperm.xlane v0, v2;
	_ =	sdelay $0x1  }
0x92: {  	v0 =	vperm.xlane v0, v4;
	v1 =	vadd.s32 v3, v1;
	_ =	sdelay $0x1  }
0x93: {  	v0 =	vadd.s32 v3, v0;
	_ =	sdelay $0x1  }
0x94: {  	s11 =	simm.s32 $0x2C00  }
0x95: {  	[tilespmem:s11], [sflag:$0x1] =	stream.indirect_vreg.gather [hbm4b:s1+s4], $0x80, v1, vm0, $0xb8;
	[tilespmem:$0x19C00] =	vst v63  }
0x96: {  	s12 =	simm.s32 $0x3400  }
0x97: {  	[tilespmem:s12], [sflag:$0x1] =	stream.indirect_vreg.gather [hbm4b:s1+s4], $0x80, v0, vm0, $0xb8;
	[tilespmem:$0x19C00] =	vst v63  }
0x98: {  	v0 =	vld [tilespmem:$0x20];
	_ =	sdelay $0x4  }
0x99: {  	v52 =	vshll.u32 v0, $0x1  }
0x9a: {  	v0 =	vand.u32 $0x7, v0;
	v1 =	vand.u32 $0xFFFFFFF0, v52  }
0x9b: {  	v0 =	vor.u32 v0, v1  }
0x9c: {  	v1 =	vperm.xlane v0, v2;
	_ =	sdelay $0x1  }
0x9d: {  	v0 =	vperm.xlane v0, v4;
	v1 =	vadd.s32 v3, v1;
	_ =	sdelay $0x1  }
0x9e: {  	v0 =	vadd.s32 v3, v0;
	_ =	sdelay $0x1  }
0x9f: {  	s13 =	simm.s32 $0x3C00  }
0xa0: {  	[tilespmem:s13], [sflag:$0x1] =	stream.indirect_vreg.gather [hbm4b:s1+s4], $0x80, v1, vm0, $0xb8;
	[tilespmem:$0x19C00] =	vst v63  }
0xa1: {  	s14 =	simm.s32 $0x4400  }
0xa2: {  	[tilespmem:s14], [sflag:$0x1] =	stream.indirect_vreg.gather [hbm4b:s1+s4], $0x80, v0, vm0, $0xb8;
	[tilespmem:$0x19C00] =	vst v63  }
0xa3: {  	v0 =	vld [tilespmem:$0x30];
	_ =	sdelay $0x4  }
0xa4: {  	v53 =	vshll.u32 v0, $0x1  }
0xa5: {  	v0 =	vand.u32 $0x7, v0;
	v1 =	vand.u32 $0xFFFFFFF0, v53  }
0xa6: {  	v0 =	vor.u32 v0, v1  }
0xa7: {  	v1 =	vperm.xlane v0, v2;
	_ =	sdelay $0x1  }
0xa8: {  	v0 =	vperm.xlane v0, v4;
	v1 =	vadd.s32 v3, v1;
	_ =	sdelay $0x1  }
0xa9: {  	v0 =	vadd.s32 v3, v0;
	_ =	sdelay $0x1  }
0xaa: {  	s15 =	simm.s32 $0x4C00  }
0xab: {  	[tilespmem:s15], [sflag:$0x1] =	stream.indirect_vreg.gather [hbm4b:s1+s4], $0x80, v1, vm0, $0xb8;
	[tilespmem:$0x19C00] =	vst v63  }
0xac: {  	s16 =	simm.s32 $0x5400  }
0xad: {  	[tilespmem:s16], [sflag:$0x1] =	stream.indirect_vreg.gather [hbm4b:s1+s4], $0x80, v0, vm0, $0xb8;
	[tilespmem:$0x19C00] =	vst v63  }
0xae: {  	v0 =	vld [tilespmem:$0x40];
	_ =	sdelay $0x4  }
0xaf: {  	v56 =	vshll.u32 v0, $0x1  }
0xb0: {  	v0 =	vand.u32 $0x7, v0;
	v1 =	vand.u32 $0xFFFFFFF0, v56  }
0xb1: {  	v0 =	vor.u32 v0, v1  }
0xb2: {  	v1 =	vperm.xlane v0, v2;
	_ =	sdelay $0x1  }
0xb3: {  	v0 =	vperm.xlane v0, v4;
	v1 =	vadd.s32 v3, v1;
	_ =	sdelay $0x1  }
0xb4: {  	v0 =	vadd.s32 v3, v0;
	_ =	sdelay $0x2  }
0xb5: {  	[tilespmem:s17], [sflag:$0x2] =	stream.indirect_vreg.gather [hbm4b:s1+s4], $0x80, v1, vm0, $0xb8;
	[tilespmem:$0x19C00] =	vst v63  }
0xb6: {  	s18 =	simm.s32 $0x6400  }
0xb7: {  	[tilespmem:s18], [sflag:$0x2] =	stream.indirect_vreg.gather [hbm4b:s1+s4], $0x80, v0, vm0, $0xb8;
	[tilespmem:$0x19C00] =	vst v63  }
0xb8: {  	v0 =	vld [tilespmem:$0x50];
	_ =	sdelay $0x4  }
0xb9: {  	v57 =	vshll.u32 v0, $0x1  }
0xba: {  	v0 =	vand.u32 $0x7, v0;
	v1 =	vand.u32 $0xFFFFFFF0, v57  }
0xbb: {  	v0 =	vor.u32 v0, v1  }
0xbc: {  	v1 =	vperm.xlane v0, v2;
	_ =	sdelay $0x1  }
0xbd: {  	v0 =	vperm.xlane v0, v4;
	v1 =	vadd.s32 v3, v1;
	_ =	sdelay $0x1  }
0xbe: {  	v0 =	vadd.s32 v3, v0;
	_ =	sdelay $0x1  }
0xbf: {  	s19 =	simm.s32 $0x6C00  }
0xc0: {  	[tilespmem:s19], [sflag:$0x2] =	stream.indirect_vreg.gather [hbm4b:s1+s4], $0x80, v1, vm0, $0xb8;
	[tilespmem:$0x19C00] =	vst v63  }
0xc1: {  	s20 =	simm.s32 $0x7400  }
0xc2: {  	[tilespmem:s20], [sflag:$0x2] =	stream.indirect_vreg.gather [hbm4b:s1+s4], $0x80, v0, vm0, $0xb8;
	[tilespmem:$0x19C00] =	vst v63  }
0xc3: {  	v0 =	vld [tilespmem:$0x60];
	_ =	sdelay $0x4  }
0xc4: {  	v59 =	vshll.u32 v0, $0x1  }
0xc5: {  	v0 =	vand.u32 $0x7, v0;
	v1 =	vand.u32 $0xFFFFFFF0, v59  }
0xc6: {  	v0 =	vor.u32 v0, v1  }
0xc7: {  	v1 =	vperm.xlane v0, v2;
	_ =	sdelay $0x1  }
0xc8: {  	v0 =	vperm.xlane v0, v4;
	v1 =	vadd.s32 v3, v1;
	_ =	sdelay $0x1  }
0xc9: {  	v0 =	vadd.s32 v3, v0;
	_ =	sdelay $0x1  }
0xca: {  	s21 =	simm.s32 $0x7C00  }
0xcb: {  	[tilespmem:s21], [sflag:$0x2] =	stream.indirect_vreg.gather [hbm4b:s1+s4], $0x80, v1, vm0, $0xb8;
	[tilespmem:$0x19C00] =	vst v63  }
0xcc: {  	_ = 	snop  }
0xcd: {  	[tilespmem:s22], [sflag:$0x2] =	stream.indirect_vreg.gather [hbm4b:s1+s4], $0x80, v0, vm0, $0xb8;
	[tilespmem:$0x19C00] =	vst v63  }
0xce: {  	v0 =	vld [tilespmem:$0x70];
	_ =	sdelay $0x4  }
0xcf: {  	v60 =	vshll.u32 v0, $0x1  }
0xd0: {  	v0 =	vand.u32 $0x7, v0;
	v1 =	vand.u32 $0xFFFFFFF0, v60  }
0xd1: {  	v0 =	vor.u32 v0, v1  }
0xd2: {  	v1 =	vperm.xlane v0, v2;
	_ =	sdelay $0x1  }
0xd3: {  	v0 =	vperm.xlane v0, v4;
	v1 =	vadd.s32 v3, v1;
	_ =	sdelay $0x1  }
0xd4: {  	v0 =	vadd.s32 v3, v0;
	_ =	sdelay $0x2  }
0xd5: {  	[tilespmem:s23], [sflag:$0x2] =	stream.indirect_vreg.gather [hbm4b:s1+s4], $0x80, v1, vm0, $0xb8;
	[tilespmem:$0x19C00] =	vst v63  }
0xd6: {  	s7 =	simm.s32 $0x0  }
0xd7: {  	[tilespmem:s24], [sflag:$0x2] =	stream.indirect_vreg.gather [hbm4b:s1+s4], $0x80, v0, vm0, $0xb8;
	[tilespmem:$0x19C00] =	vst v63  }
.LBB2_2:
0xd8: {  	s0 =	simm.s32 $0x0  }
0xd9: {  	s5 =	sand.u32 $0xC, s0;
	s0 =	sand.u32 $0x30, s0  }
0xda: {  	s8 =	sor.u32 $0x1, s5;
	s10 =	sor.u32 $0x3, s5;
	v0 =	vor.u32 s0, v24;
	s13 =	sshll.u32 s5, $0x4  }
0xdb: {  	s16 =	sor.u32 $0x2, s5;
	s12 =	sshll.u32 s8, $0x4;
	s14 =	sshll.u32 s10, $0x4;
	v1 =	vshll.u32 v0, $0x8;
	v6 =	vor.u32 s13, v24  }
0xdc: {  	s2 =	sshll.u32 s16, $0x4;
	v2 =	vmov s12;
	v3 =	vmov s14;
	v1 =	vand.u32 $0x3800, v1  }
0xdd: {  	s10 =	sshll.u32 s10, $0xB;
	v4 =	vmov s2;
	v5 =	vor.u32 s14, v24;
	v8 =	vor.u32 s12, v24  }
0xde: {  	p0 =	seq.s32 s7, $0x0;
	v52 =	vor.u32 s10, v0;
	v9 =	vor.u32 s2, v24;
	v3 =	vshll.u32 v3, $0x3  }
0xdf: {  	s11 =	simm.s32 @!p0 $0x3;
	v1 =	vor.u32 v22, v1;
	v5 =	vand.u32 $0x7F, v5;
	v3 =	vand.u32 $0x400, v3  }
0xe0: {  	v51 =	vld [tilespmem:$0x1FE40];
	_ =	swait.ge @!p0 [sflag:s11], $0x8000;
	v2 =	vshll.u32 v2, $0x3;
	v4 =	vshll.u32 v4, $0x3;
	v45 =	vor.u32 v3, v1  }
0xe1: {  	[sflag:s11] =	ssyncset.done @!p0 $0x0;
	v26 =	vld [tilespmem:$0x1FE30];
	v2 =	vand.u32 $0x400, v2;
	v3 =	vmov s13;
	v5 =	vor.u32 v5, v45  }
0xe2: {  	[sflag:s11] =	ssyncadd.s32 @!p0 $0xFFFF8000;
	v4 =	vand.u32 $0x400, v4;
	v20 =	vor.u32 v2, v1;
	v3 =	vshll.u32 v3, $0x3  }
0xe3: {  	_ =	swait.ge [sflag:s25], $0x4000;
	v17 =	vor.u32 v4, v1;
	v2 =	vand.u32 $0x6F, v9;
	v3 =	vand.u32 $0x400, v3  }
0xe4: {  	[sflag:s25] =	ssyncset.done $0x0;
	v2 =	vor.u32 v2, v17;
	v11 =	vor.u32 v3, v1;
	v1 =	vand.u32 $0x5F, v8  }
0xe5: {  	v7 =	vor.u32 s14, v51;
	v29 =	vld [tilespmem:$0x1FE60];
	[sflag:s25] =	ssyncadd.s32 $0xFFFFC000;
	v3 =	vand.u32 $0x4F, v6;
	v1 =	vor.u32 v1, v20  }
0xe6: {  	v7 =	vand.u32 $0x7F, v7;
	v10 =	vor.u32 v26, v52;
	v3 =	vor.u32 v3, v11;
	v5 =	vld.idx.msk [tilespmem:v5+s9+$0x0], $0xffff  }
0xe7: {  	v28 =	vld [tilespmem:$0x1FE50];
	v7 =	vor.u32 v7, v45  }
0xe8: {  	s5 =	sshll.u32 s5, $0xB;
	s0 =	sshll.u32 s16, $0xB  }
0xe9: {  	s8 =	sshll.u32 s8, $0xB;
	v40 =	vor.u32 s5, v0;
	v41 =	vor.u32 s0, v0;
	v2 =	vld.idx.msk [tilespmem:v2+s9+$0x0], $0xffff  }
0xea: {  	v37 =	vor.u32 s8, v0;
	v48 =	vor.u32 v25, v41;
	v4 =	vor.u32 s12, v51;
	v1 =	vld.idx.msk [tilespmem:v1+s9+$0x0], $0xffff  }
0xeb: {  	v9 =	vor.u32 s2, v51;
	v12 =	vor.u32 v26, v41;
	v8 =	vor.u32 s14, v29;
	v3 =	vld.idx.msk [tilespmem:v3+s9+$0x0], $0xffff;
	[tilespmem:v10+s26+$0x0] =	vst.idx.msk $0xffff, v5  }
0xec: {  	v4 =	vand.u32 $0x5F, v4;
	v32 =	vor.u32 v28, v52;
	v8 =	vand.u32 $0x7F, v8;
	v7 =	vld.idx.msk [tilespmem:v7+s9+$0x0], $0xffff  }
0xed: {  	v13 =	vor.u32 v26, v40;
	v6 =	vor.u32 v26, v37;
	v0 =	vor.u32 v8, v45;
	v31 =	vld [tilespmem:$0x1FE80]  }
0xee: {  	v9 =	vand.u32 $0x6F, v9;
	v4 =	vor.u32 v4, v20;
	v14 =	vor.u32 s2, v29;
	v30 =	vld [tilespmem:$0x1FE70]  }
0xef: {  	v15 =	vor.u32 v28, v37;
	v46 =	vor.u32 v28, v41;
	v14 =	vand.u32 $0x6F, v14  }
0xf0: {  	v19 =	vor.u32 v28, v40;
	v8 =	vor.u32 s13, v51;
	v14 =	vor.u32 v14, v17;
	[tilespmem:v12+s26+$0x0] =	vst.idx.msk $0xffff, v2  }
0xf1: {  	v8 =	vand.u32 $0x4F, v8;
	v5 =	vor.u32 v9, v17;
	v9 =	vor.u32 s13, v29;
	[tilespmem:v32+s26+$0x0] =	vst.idx.msk $0xffff, v7  }
0xf2: {  	v8 =	vor.u32 v8, v11;
	v10 =	vor.u32 s12, v29;
	[tilespmem:v6+s26+$0x0] =	vst.idx.msk $0xffff, v1;
	v16 =	vor.u32 s14, v31;
	v0 =	vld.idx.msk [tilespmem:v0+s9+$0x0], $0xffff  }
0xf3: {  	v10 =	vand.u32 $0x5F, v10;
	v18 =	vor.u32 v30, v52;
	v16 =	vand.u32 $0x7F, v16;
	v33 =	vld [tilespmem:$0x1FEA0];
	[tilespmem:v13+s26+$0x0] =	vst.idx.msk $0xffff, v3  }
0xf4: {  	v9 =	vand.u32 $0x4F, v9;
	v10 =	vor.u32 v10, v20;
	v16 =	vor.u32 v16, v45;
	v32 =	vld [tilespmem:$0x1FE90]  }
0xf5: {  	v9 =	vor.u32 v9, v11;
	v4 =	vld.idx.msk [tilespmem:v4+s9+$0x0], $0xffff;
	v38 =	vor.u32 s12, v31;
	v7 =	vor.u32 s13, v31  }
0xf6: {  	v5 =	vld.idx.msk [tilespmem:v5+s9+$0x0], $0xffff;
	v44 =	vor.u32 v30, v37;
	v39 =	vor.u32 s2, v31;
	v6 =	vor.u32 v30, v41  }
0xf7: {  	v2 =	vor.u32 v30, v40;
	v1 =	vand.u32 $0x5F, v38;
	v57 =	vand.u32 $0x6F, v39;
	v8 =	vld.idx.msk [tilespmem:v8+s9+$0x0], $0xffff  }
0xf8: {  	v7 =	vand.u32 $0x4F, v7;
	v1 =	vor.u32 v1, v20;
	v12 =	vor.u32 s14, v33;
	[tilespmem:v18+s26+$0x0] =	vst.idx.msk $0xffff, v0  }
0xf9: {  	v38 =	vor.u32 v57, v17;
	v3 =	vor.u32 v32, v52;
	v12 =	vand.u32 $0x7F, v12;
	v16 =	vld.idx.msk [tilespmem:v16+s9+$0x0], $0xffff  }
0xfa: {  	v7 =	vor.u32 v7, v11;
	v57 =	vor.u32 s2, v35;
	[tilespmem:v15+s26+$0x0] =	vst.idx.msk $0xffff, v4;
	v12 =	vor.u32 v12, v45  }
0xfb: {  	v10 =	vld.idx.msk [tilespmem:v10+s9+$0x0], $0xffff;
	[tilespmem:v46+s26+$0x0] =	vst.idx.msk $0xffff, v5;
	v46 =	vor.u32 v36, v40;
	v13 =	vor.u32 s12, v33;
	v59 =	vor.u32 s13, v33  }
0xfc: {  	v42 =	vor.u32 s2, v33;
	v0 =	vor.u32 v32, v37;
	v13 =	vand.u32 $0x5F, v13;
	[tilespmem:v19+s26+$0x0] =	vst.idx.msk $0xffff, v8;
	v8 =	vld.idx.msk [tilespmem:v14+s9+$0x0], $0xffff  }
0xfd: {  	v18 =	vand.u32 $0x6F, v42;
	v60 =	vor.u32 v32, v40;
	v39 =	vand.u32 $0x4F, v59;
	v9 =	vld.idx.msk [tilespmem:v9+s9+$0x0], $0xffff  }
0xfe: {  	v43 =	vor.u32 v32, v41;
	v15 =	vor.u32 v18, v17;
	v18 =	vor.u32 s14, v35;
	[tilespmem:v3+s26+$0x0] =	vst.idx.msk $0xffff, v16  }
0xff: {  	v14 =	vor.u32 s13, v35;
	v19 =	vor.u32 v34, v52;
	v18 =	vand.u32 $0x7F, v18;
	v12 =	vld.idx.msk [tilespmem:v12+s9+$0x0], $0xffff  }
0x100: {  	v59 =	vor.u32 s14, v23;
	v4 =	vor.u32 v13, v20;
	[tilespmem:v44+s26+$0x0] =	vst.idx.msk $0xffff, v10;
	v18 =	vor.u32 v18, v45  }
0x101: {  	v13 =	vor.u32 s12, v35;
	v5 =	vor.u32 v39, v11;
	v10 =	vor.u32 s12, v23;
	v1 =	vld.idx.msk [tilespmem:v1+s9+$0x0], $0xffff;
	[tilespmem:v6+s26+$0x0] =	vst.idx.msk $0xffff, v8  }
0x102: {  	v39 =	vor.u32 v34, v37;
	v13 =	vand.u32 $0x5F, v13;
	v10 =	vand.u32 $0x5F, v10;
	[tilespmem:v2+s26+$0x0] =	vst.idx.msk $0xffff, v9;
	v2 =	vld.idx.msk [tilespmem:v38+s9+$0x0], $0xffff  }
0x103: {  	v44 =	vor.u32 v36, v52;
	v13 =	vor.u32 v13, v20;
	v10 =	vor.u32 v10, v20;
	v7 =	vld.idx.msk [tilespmem:v7+s9+$0x0], $0xffff  }
0x104: {  	v3 =	vand.u32 $0x4F, v14;
	v14 =	vor.u32 v34, v41;
	v16 =	vand.u32 $0x6F, v57;
	[tilespmem:v19+s26+$0x0] =	vst.idx.msk $0xffff, v12  }
0x105: {  	v57 =	vor.u32 v34, v40;
	v6 =	vor.u32 v36, v37;
	v38 =	vand.u32 $0x7F, v59;
	v18 =	vld.idx.msk [tilespmem:v18+s9+$0x0], $0xffff  }
0x106: {  	v42 =	vor.u32 s12, v61;
	v3 =	vor.u32 v3, v11;
	v38 =	vor.u32 v38, v45;
	[tilespmem:v0+s26+$0x0] =	vst.idx.msk $0xffff, v1  }
0x107: {  	v8 =	vor.u32 s2, v23;
	v53 =	vor.u32 v16, v17;
	v16 =	vor.u32 s13, v23;
	v4 =	vld.idx.msk [tilespmem:v4+s9+$0x0], $0xffff;
	[tilespmem:v43+s26+$0x0] =	vst.idx.msk $0xffff, v2  }
0x108: {  	v9 =	vor.u32 v36, v41;
	v8 =	vand.u32 $0x6F, v8;
	v16 =	vand.u32 $0x4F, v16;
	[tilespmem:v60+s26+$0x0] =	vst.idx.msk $0xffff, v7;
	v7 =	vld.idx.msk [tilespmem:v15+s9+$0x0], $0xffff  }
0x109: {  	v8 =	vor.u32 v8, v17;
	v12 =	vor.u32 v16, v11;
	v16 =	vor.u32 s12, v27;
	v5 =	vld.idx.msk [tilespmem:v5+s9+$0x0], $0xffff  }
0x10a: {  	v19 =	vor.u32 v25, v37;
	v2 =	vand.u32 $0x5F, v16;
	v15 =	vor.u32 s14, v27;
	v56 =	vld [tilespmem:$0x1FED0];
	[tilespmem:v44+s26+$0x0] =	vst.idx.msk $0xffff, v18  }
0x10b: {  	v16 =	vor.u32 v25, v52;
	v60 =	vor.u32 s13, v61;
	v15 =	vand.u32 $0x7F, v15;
	v38 =	vld.idx.msk [tilespmem:v38+s9+$0x0], $0xffff  }
0x10c: {  	v2 =	vor.u32 v2, v20;
	v43 =	vand.u32 $0x4F, v60;
	v15 =	vor.u32 v15, v45;
	[tilespmem:v39+s26+$0x0] =	vst.idx.msk $0xffff, v4  }
0x10d: {  	v42 =	vand.u32 $0x5F, v42;
	v60 =	vor.u32 v43, v11;
	v13 =	vld.idx.msk [tilespmem:v13+s9+$0x0], $0xffff;
	v18 =	vor.u32 s2, v61;
	[tilespmem:v14+s26+$0x0] =	vst.idx.msk $0xffff, v7  }
0x10e: {  	v14 =	vor.u32 v42, v20;
	v7 =	vor.u32 s12, v63;
	[tilespmem:v57+s26+$0x0] =	vst.idx.msk $0xffff, v5;
	v5 =	vor.u32 s2, v63;
	v53 =	vld.idx.msk [tilespmem:v53+s9+$0x0], $0xffff  }
0x10f: {  	v4 =	vand.u32 $0x6F, v18;
	v43 =	vor.u32 v56, v52;
	v5 =	vand.u32 $0x6F, v5  }
0x110: {  	v57 =	vor.u32 s14, v61;
	v7 =	vand.u32 $0x5F, v7;
	v3 =	vld.idx.msk [tilespmem:v3+s9+$0x0], $0xffff;
	v5 =	vor.u32 v5, v17;
	[tilespmem:v16+s26+$0x0] =	vst.idx.msk $0xffff, v38  }
0x111: {  	v42 =	vor.u32 v4, v17;
	v4 =	vor.u32 s13, v63;
	v39 =	vand.u32 $0x7F, v57;
	v15 =	vld.idx.msk [tilespmem:v15+s9+$0x0], $0xffff;
	[tilespmem:$0x1FC50] =	vst v5  }
0x112: {  	v4 =	vand.u32 $0x4F, v4;
	v16 =	vor.u32 v39, v45;
	v39 =	vor.u32 v7, v20;
	[tilespmem:v6+s26+$0x0] =	vst.idx.msk $0xffff, v13  }
0x113: {  	v7 =	vor.u32 v47, v37;
	v5 =	vor.u32 s2, v21;
	v13 =	vor.u32 v4, v11;
	[tilespmem:v9+s26+$0x0] =	vst.idx.msk $0xffff, v53  }
0x114: {  	v4 =	vor.u32 s12, v21;
	v6 =	vor.u32 s13, v21;
	v9 =	vor.u32 v47, v40;
	[tilespmem:$0x1FC80] =	vst v7  }
0x115: {  	v6 =	vand.u32 $0x4F, v6;
	v7 =	vld.idx.msk [tilespmem:v10+s9+$0x0], $0xffff;
	[tilespmem:v46+s26+$0x0] =	vst.idx.msk $0xffff, v3;
	v3 =	vand.u32 $0x6F, v5;
	v5 =	vor.u32 s14, v63  }
0x116: {  	v4 =	vand.u32 $0x5F, v4;
	v8 =	vld.idx.msk [tilespmem:v8+s9+$0x0], $0xffff;
	v6 =	vor.u32 v6, v11;
	[tilespmem:$0x1FC90] =	vst v9;
	v5 =	vand.u32 $0x7F, v5  }
0x117: {  	[tilespmem:v43+s26+$0x0] =	vst.idx.msk $0xffff, v15;
	v43 =	vor.u32 v4, v20;
	v4 =	vor.u32 v5, v45  }
0x118: {  	v5 =	vld.idx.msk [tilespmem:v12+s9+$0x0], $0xffff;
	v12 =	vor.u32 v3, v17;
	v3 =	vor.u32 v50, v37;
	[tilespmem:$0x1FCA0] =	vst v6  }
0x119: {  	v59 =	vor.u32 v25, v40;
	[tilespmem:$0x1FCB0] =	vst v3;
	v6 =	vor.u32 s12, v58  }
0x11a: {  	v6 =	vand.u32 $0x5F, v6;
	[tilespmem:v19+s26+$0x0] =	vst.idx.msk $0xffff, v7;
	v7 =	vor.u32 v50, v40  }
0x11b: {  	v3 =	vld.idx.msk [tilespmem:v16+s9+$0x0], $0xffff;
	v6 =	vor.u32 v6, v20;
	[tilespmem:$0x1FCC0] =	vst v7  }
0x11c: {  	v2 =	vld.idx.msk [tilespmem:v2+s9+$0x0], $0xffff;
	[tilespmem:$0x1FCD0] =	vst v6  }
0x11d: {  	v0 =	vor.u32 s2, v27;
	v1 =	vor.u32 s13, v27;
	[tilespmem:v48+s26+$0x0] =	vst.idx.msk $0xffff, v8  }
0x11e: {  	v0 =	vand.u32 $0x6F, v0;
	v1 =	vand.u32 $0x4F, v1;
	[tilespmem:v59+s26+$0x0] =	vst.idx.msk $0xffff, v5  }
0x11f: {  	v0 =	vor.u32 v0, v17;
	v9 =	vor.u32 v55, v52;
	v6 =	vor.u32 s14, v21;
	v21 =	vld [tilespmem:$0x1FEE0]  }
0x120: {  	v1 =	vor.u32 v1, v11;
	v49 =	vor.u32 v56, v37  }
0x121: {  	v44 =	vor.u32 v56, v41  }
0x122: {  	v18 =	vor.u32 v56, v40;
	v46 =	vor.u32 v47, v41;
	v15 =	vor.u32 s13, v58  }
0x123: {  	v53 =	vmovc v47;
	v19 =	vor.u32 v47, v52;
	v7 =	vand.u32 $0x4F, v15;
	v5 =	vand.u32 $0x7F, v6  }
0x124: {  	v0 =	vld.idx.msk [tilespmem:v0+s9+$0x0], $0xffff;
	v47 =	vor.u32 v5, v45;
	[tilespmem:v9+s26+$0x0] =	vst.idx.msk $0xffff, v3;
	v15 =	vor.u32 s2, v21;
	v5 =	vor.u32 s13, v21  }
0x125: {  	v1 =	vld.idx.msk [tilespmem:v1+s9+$0x0], $0xffff;
	[tilespmem:v49+s26+$0x0] =	vst.idx.msk $0xffff, v2;
	v59 =	vand.u32 $0x4F, v5;
	v2 =	vand.u32 $0x6F, v15;
	v5 =	vor.u32 v62, v40  }
0x126: {  	[tilespmem:$0x1FCE0] =	vst v5;
	v2 =	vor.u32 v2, v17  }
0x127: {  	v49 =	vld.idx.msk [tilespmem:v4+s9+$0x0], $0xffff;
	[tilespmem:$0x1FCF0] =	vst v2;
	v2 =	vor.u32 v59, v11  }
0x128: {  	[tilespmem:$0x1FD20] =	vst v2  }
0x129: {  	v6 =	vor.u32 s12, v21;
	[tilespmem:v44+s26+$0x0] =	vst.idx.msk $0xffff, v0  }
0x12a: {  	v3 =	vand.u32 $0x5F, v6;
	[tilespmem:v18+s26+$0x0] =	vst.idx.msk $0xffff, v1  }
0x12b: {  	v15 =	vor.u32 v3, v20;
	v3 =	vld [tilespmem:$0x1FF30];
	_ =	sdelay $0x4  }
0x12c: {  	v61 =	vor.u32 v55, v37;
	v10 =	vor.u32 s2, v58;
	v1 =	vor.u32 v3, v37  }
0x12d: {  	v63 =	vor.u32 s2, v54;
	v0 =	vor.u32 s12, v54;
	v14 =	vld.idx.msk [tilespmem:v14+s9+$0x0], $0xffff;
	v4 =	vor.u32 v3, v41;
	[tilespmem:$0x1FD00] =	vst v1  }
0x12e: {  	v59 =	vor.u32 s13, v54;
	v44 =	vand.u32 $0x6F, v63;
	v18 =	vand.u32 $0x5F, v0;
	v0 =	vld.idx.msk [tilespmem:v42+s9+$0x0], $0xffff;
	[tilespmem:$0x1FD10] =	vst v4  }
0x12f: {  	v48 =	vand.u32 $0x4F, v59;
	v5 =	vor.u32 v44, v17;
	v1 =	vor.u32 s14, v58;
	v58 =	vld [tilespmem:$0x1FF20];
	[tilespmem:v19+s26+$0x0] =	vst.idx.msk $0xffff, v49  }
0x130: {  	v42 =	vld.idx.msk [tilespmem:v60+s9+$0x0], $0xffff;
	[tilespmem:$0x1FD30] =	vst v5;
	v5 =	vor.u32 v48, v11  }
0x131: {  	[tilespmem:$0x1FD40] =	vst v5  }
0x132: {  	[tilespmem:v61+s26+$0x0] =	vst.idx.msk $0xffff, v14  }
0x133: {  	v57 =	vor.u32 v55, v41;
	v59 =	vld [tilespmem:$0x1FEF0];
	_ =	sdelay $0x2  }
0x134: {  	v38 =	vor.u32 v55, v40;
	_ =	sdelay $0x1  }
0x135: {  	v16 =	vor.u32 v50, v41;
	[tilespmem:v57+s26+$0x0] =	vst.idx.msk $0xffff, v0;
	v0 =	vor.u32 v59, v41  }
0x136: {  	v2 =	vor.u32 v50, v52;
	v50 =	vor.u32 s12, v58;
	[tilespmem:$0x1FD50] =	vst v0;
	v0 =	vor.u32 v59, v40  }
0x137: {  	v19 =	vor.u32 s13, v58;
	v44 =	vand.u32 $0x5F, v50;
	[tilespmem:$0x1FD60] =	vst v0  }
0x138: {  	v57 =	vand.u32 $0x4F, v19;
	v0 =	vor.u32 v44, v20;
	[tilespmem:v38+s26+$0x0] =	vst.idx.msk $0xffff, v42  }
0x139: {  	v60 =	vor.u32 s14, v21;
	v14 =	vor.u32 s2, v58;
	v47 =	vld.idx.msk [tilespmem:v47+s9+$0x0], $0xffff;
	[tilespmem:$0x1FD70] =	vst v0;
	v0 =	vor.u32 v57, v11  }
0x13a: {  	v10 =	vand.u32 $0x6F, v10;
	v48 =	vand.u32 $0x7F, v60;
	v14 =	vand.u32 $0x6F, v14;
	v60 =	vld.idx.msk [tilespmem:v39+s9+$0x0], $0xffff;
	[tilespmem:$0x1FDA0] =	vst v0  }
0x13b: {  	v10 =	vor.u32 v10, v17;
	[tilespmem:$0x1FC40] =	vst v17;
	v0 =	vor.u32 v14, v17;
	v17 =	vld [tilespmem:$0x1FF00];
	_ =	sdelay $0x4  }
0x13c: {  	v63 =	vor.u32 v3, v40;
	v4 =	vmov v3;
	v3 =	vor.u32 v17, v37  }
0x13d: {  	[tilespmem:$0x1FD80] =	vst v3;
	v3 =	vld [tilespmem:$0x1FC50];
	_ =	sdelay $0x4  }
0x13e: {  	v14 =	vld [tilespmem:$0x1FF10]  }
0x13f: {  	[tilespmem:$0x1FC30] =	vst v11  }
0x140: {  	v8 =	vor.u32 v7, v11;
	v7 =	vor.u32 v62, v41;
	[tilespmem:$0x1FD90] =	vst v0  }
0x141: {  	v9 =	vor.u32 v62, v37;
	v49 =	vor.u32 v62, v52;
	v62 =	vld.idx.msk [tilespmem:v3+s9+$0x0], $0xffff;
	v3 =	vor.u32 v17, v41  }
0x142: {  	[tilespmem:$0x1FDB0] =	vst v3;
	v3 =	vor.u32 v17, v40  }
0x143: {  	[tilespmem:$0x1FDC0] =	vst v3;
	v3 =	vor.u32 v14, v41  }
0x144: {  	v13 =	vld.idx.msk [tilespmem:v13+s9+$0x0], $0xffff;
	[tilespmem:$0x1FC60] =	vst v3  }
0x145: {  	[tilespmem:v2+s26+$0x0] =	vst.idx.msk $0xffff, v47  }
0x146: {  	v3 =	vld [tilespmem:$0x1FC80];
	_ =	sdelay $0x4  }
0x147: {  	v2 =	vor.u32 v14, v40  }
0x148: {  	[tilespmem:$0x1FC70] =	vst v2  }
0x149: {  	[tilespmem:v46+s26+$0x0] =	vst.idx.msk $0xffff, v62  }
0x14a: {  	[tilespmem:v3+s26+$0x0] =	vst.idx.msk $0xffff, v60  }
0x14b: {  	v3 =	vld [tilespmem:$0x1FC90];
	_ =	sdelay $0x3  }
0x14c: {  	v1 =	vand.u32 $0x7F, v1  }
0x14d: {  	v1 =	vor.u32 v1, v45;
	_ =	sdelay $0x2  }
0x14e: {  	[tilespmem:v3+s26+$0x0] =	vst.idx.msk $0xffff, v13  }
0x14f: {  	v3 =	vld [tilespmem:$0x1FCA0]  }
0x150: {  	v1 =	vld.idx.msk [tilespmem:v1+s9+$0x0], $0xffff;
	_ =	sdelay $0x4  }
0x151: {  	v62 =	vld.idx.msk [tilespmem:v12+s9+$0x0], $0xffff;
	[tilespmem:v49+s26+$0x0] =	vst.idx.msk $0xffff, v1  }
0x152: {  	v6 =	vld [tilespmem:$0x1FEC0]  }
0x153: {  	v12 =	vld.idx.msk [tilespmem:v3+s9+$0x0], $0xffff  }
0x154: {  	v3 =	vld [tilespmem:$0x1FEB0];
	_ =	sdelay $0x3  }
0x155: {  	v46 =	vld.idx.msk [tilespmem:v43+s9+$0x0], $0xffff  }
0x156: {  	v43 =	vcombine.low v3, v6;
	v3 =	vld [tilespmem:$0x1FCB0];
	_ =	sdelay $0x6  }
0x157: {  	[tilespmem:v16+s26+$0x0] =	vst.idx.msk $0xffff, v62  }
0x158: {  	[tilespmem:v3+s26+$0x0] =	vst.idx.msk $0xffff, v46  }
0x159: {  	v3 =	vld [tilespmem:$0x1FCC0];
	_ =	sdelay $0x4  }
0x15a: {  	s11 =	simm.s32 $0x4  }
0x15b: {  	s15 =	sand.u32 $0xC, s11;
	v0 =	vor.u32 s14, v54  }
0x15c: {  	s18 =	sand.u32 $0x30, s11;
	s19 =	sor.u32 $0x3, s15;
	v48 =	vor.u32 v48, v45;
	v0 =	vand.u32 $0x7F, v0  }
0x15d: {  	s8 =	sshll.u32 s19, $0x4;
	v5 =	vor.u32 v4, v52;
	v4 =	vor.u32 v0, v45;
	v0 =	vor.u32 s18, v24;
	[tilespmem:v3+s26+$0x0] =	vst.idx.msk $0xffff, v12  }
0x15e: {  	v61 =	vor.u32 v59, v37;
	v47 =	vmov s8;
	v2 =	vshll.u32 v0, $0x8;
	v3 =	vld [tilespmem:$0x1FCD0]  }
0x15f: {  	v42 =	vor.u32 v14, v37;
	v37 =	vshll.u32 v47, $0x3;
	v2 =	vand.u32 $0x3800, v2  }
0x160: {  	v57 =	vor.u32 s8, v24;
	v37 =	vand.u32 $0x400, v37;
	v2 =	vor.u32 v22, v2  }
0x161: {  	s16 =	sor.u32 $0x1, s15;
	v44 =	vor.u32 v37, v2;
	v60 =	vand.u32 $0x7F, v57  }
0x162: {  	s0 =	sshll.u32 s16, $0x4;
	v57 =	vor.u32 v60, v44  }
0x163: {  	v11 =	vmov s0  }
0x164: {  	s10 =	sshll.u32 s15, $0x4;
	v11 =	vshll.u32 v11, $0x3;
	v48 =	vld.idx.msk [tilespmem:v48+s9+$0x0], $0xffff  }
0x165: {  	s19 =	sshll.u32 s19, $0xB;
	v38 =	vor.u32 s14, v58;
	v11 =	vand.u32 $0x400, v11;
	v40 =	vmov s10;
	v10 =	vld.idx.msk [tilespmem:v10+s9+$0x0], $0xffff  }
0x166: {  	s18 =	sor.u32 $0x2, s15;
	v41 =	vshll.u32 v40, $0x3;
	v40 =	vand.u32 $0xF, v43;
	v43 =	vor.u32 s19, v0;
	v62 =	vld.idx.msk [tilespmem:v3+s9+$0x0], $0xffff  }
0x167: {  	v39 =	vand.u32 $0x7F, v38;
	s5 =	sshll.u32 s18, $0x4;
	v47 =	vor.u32 v11, v2;
	v11 =	vld.idx.msk [tilespmem:v57+s9+$0x0], $0xffff;
	v3 =	vor.u32 v26, v43  }
0x168: {  	v58 =	vor.u32 v59, v52;
	v59 =	vor.u32 v39, v45;
	v13 =	vmov s5  }
0x169: {  	v50 =	vor.u32 s5, v24;
	v1 =	vshll.u32 v13, $0x3;
	v16 =	vor.u32 s14, v40;
	[tilespmem:v5+s26+$0x0] =	vst.idx.msk $0xffff, v48  }
0x16a: {  	v13 =	vand.u32 $0x400, v41;
	v1 =	vand.u32 $0x400, v1;
	v16 =	vand.u32 $0x7F, v16;
	[tilespmem:v7+s26+$0x0] =	vst.idx.msk $0xffff, v10  }
0x16b: {  	s21 =	sshll.u32 s18, $0xB;
	v49 =	vor.u32 s0, v24;
	v16 =	vor.u32 v16, v45;
	v45 =	vor.u32 v1, v2;
	[tilespmem:v9+s26+$0x0] =	vst.idx.msk $0xffff, v62  }
0x16c: {  	s20 =	sshll.u32 s16, $0xB;
	s15 =	sshll.u32 s15, $0xB;
	v1 =	vand.u32 $0x5F, v49;
	v49 =	vor.u32 s21, v0;
	v46 =	vor.u32 v13, v2;
	v2 =	vld.idx.msk [tilespmem:v8+s9+$0x0], $0xffff;
	[tilespmem:v3+s26+$0x0] =	vst.idx.msk $0xffff, v11  }
0x16d: {  	v8 =	vand.u32 $0x6F, v50;
	v48 =	vor.u32 s20, v0;
	v50 =	vor.u32 s15, v0;
	v0 =	vld [tilespmem:$0x1FCE0];
	_ =	sdelay $0x7  }
0x16e: {  	[tilespmem:v0+s26+$0x0] =	vst.idx.msk $0xffff, v2  }
0x16f: {  	v60 =	vor.u32 s8, v51;
	v0 =	vor.u32 v14, v52;
	v14 =	vld [tilespmem:$0x1FCF0]  }
0x170: {  	v1 =	vor.u32 v1, v47;
	v12 =	vand.u32 $0x7F, v60  }
0x171: {  	v12 =	vor.u32 v12, v44  }
0x172: {  	v4 =	vld.idx.msk [tilespmem:v4+s9+$0x0], $0xffff  }
0x173: {  	v39 =	vor.u32 s10, v24  }
0x174: {  	v13 =	vand.u32 $0x4F, v39;
	v5 =	vor.u32 v8, v45  }
0x175: {  	v1 =	vld.idx.msk [tilespmem:v1+s9+$0x0], $0xffff;
	v8 =	vor.u32 v13, v46  }
0x176: {  	v2 =	vld.idx.msk [tilespmem:v12+s9+$0x0], $0xffff  }
0x177: {  	v60 =	vor.u32 s8, v29;
	v7 =	vor.u32 s5, v51;
	v3 =	vor.u32 v28, v43;
	[tilespmem:v58+s26+$0x0] =	vst.idx.msk $0xffff, v4;
	v39 =	vld.idx.msk [tilespmem:v14+s9+$0x0], $0xffff  }
0x178: {  	v10 =	vand.u32 $0x7F, v60;
	v13 =	vor.u32 v26, v48;
	v9 =	vor.u32 s0, v51;
	v14 =	vld [tilespmem:$0x1FD00]  }
0x179: {  	v10 =	vor.u32 v10, v44;
	v9 =	vand.u32 $0x5F, v9;
	v12 =	vor.u32 v26, v49;
	v4 =	vld.idx.msk [tilespmem:v5+s9+$0x0], $0xffff  }
0x17a: {  	v38 =	vor.u32 v26, v50;
	v7 =	vand.u32 $0x6F, v7;
	v8 =	vld.idx.msk [tilespmem:v8+s9+$0x0], $0xffff;
	v9 =	vor.u32 v9, v47  }
0x17b: {  	v11 =	vor.u32 s10, v51;
	v15 =	vld.idx.msk [tilespmem:v15+s9+$0x0], $0xffff;
	v5 =	vor.u32 v7, v45  }
0x17c: {  	v11 =	vand.u32 $0x4F, v11;
	[tilespmem:v3+s26+$0x0] =	vst.idx.msk $0xffff, v2  }
0x17d: {  	v6 =	vor.u32 v17, v52;
	v11 =	vor.u32 v11, v46;
	[tilespmem:v13+s26+$0x0] =	vst.idx.msk $0xffff, v1  }
0x17e: {  	v60 =	vor.u32 s0, v31;
	v57 =	vor.u32 v28, v48;
	v2 =	vor.u32 s8, v31;
	[tilespmem:v12+s26+$0x0] =	vst.idx.msk $0xffff, v4;
	v10 =	vld.idx.msk [tilespmem:v10+s9+$0x0], $0xffff  }
0x17f: {  	v62 =	vor.u32 s0, v29;
	v58 =	vor.u32 v30, v43;
	[tilespmem:v38+s26+$0x0] =	vst.idx.msk $0xffff, v8;
	v2 =	vand.u32 $0x7F, v2;
	v9 =	vld.idx.msk [tilespmem:v9+s9+$0x0], $0xffff  }
0x180: {  	v52 =	vand.u32 $0x5F, v62;
	v7 =	vor.u32 s10, v29;
	v5 =	vld.idx.msk [tilespmem:v5+s9+$0x0], $0xffff;
	v2 =	vor.u32 v2, v44;
	[tilespmem:v14+s26+$0x0] =	vst.idx.msk $0xffff, v15  }
0x181: {  	v7 =	vand.u32 $0x4F, v7;
	v3 =	vor.u32 v28, v49;
	v15 =	vor.u32 s5, v29;
	v14 =	vld [tilespmem:$0x1FD10]  }
0x182: {  	v1 =	vor.u32 v28, v50;
	v11 =	vld.idx.msk [tilespmem:v11+s9+$0x0], $0xffff;
	v13 =	vand.u32 $0x6F, v15;
	v15 =	vor.u32 v52, v47  }
0x183: {  	v51 =	vld.idx.msk [tilespmem:v59+s9+$0x0], $0xffff;
	v59 =	vor.u32 v32, v49;
	v4 =	vor.u32 v7, v46;
	v8 =	vor.u32 s10, v31  }
0x184: {  	[tilespmem:v58+s26+$0x0] =	vst.idx.msk $0xffff, v10;
	v7 =	vor.u32 v13, v45;
	v13 =	vor.u32 s5, v31;
	v31 =	vor.u32 s8, v33  }
0x185: {  	v58 =	vor.u32 v32, v43;
	[tilespmem:v57+s26+$0x0] =	vst.idx.msk $0xffff, v9;
	v2 =	vld.idx.msk [tilespmem:v2+s9+$0x0], $0xffff;
	v52 =	vand.u32 $0x7F, v31  }
0x186: {  	v62 =	vand.u32 $0x5F, v60;
	v12 =	vor.u32 v30, v48;
	[tilespmem:v3+s26+$0x0] =	vst.idx.msk $0xffff, v5;
	v52 =	vor.u32 v52, v44  }
0x187: {  	v38 =	vor.u32 v62, v47;
	v8 =	vand.u32 $0x4F, v8;
	[tilespmem:v1+s26+$0x0] =	vst.idx.msk $0xffff, v11;
	v5 =	vld.idx.msk [tilespmem:v15+s9+$0x0], $0xffff  }
0x188: {  	v8 =	vor.u32 v8, v46;
	v10 =	vor.u32 v30, v50;
	v1 =	vor.u32 v32, v48;
	v4 =	vld.idx.msk [tilespmem:v4+s9+$0x0], $0xffff  }
0x189: {  	v11 =	vor.u32 v32, v50;
	v32 =	vor.u32 s8, v35;
	v13 =	vand.u32 $0x6F, v13;
	v7 =	vld.idx.msk [tilespmem:v7+s9+$0x0], $0xffff;
	[tilespmem:v14+s26+$0x0] =	vst.idx.msk $0xffff, v39  }
0x18a: {  	v13 =	vor.u32 v13, v45;
	v39 =	vor.u32 v30, v49;
	v30 =	vor.u32 s10, v33;
	v14 =	vld [tilespmem:$0x1FD20];
	[tilespmem:v58+s26+$0x0] =	vst.idx.msk $0xffff, v2  }
0x18b: {  	v15 =	vand.u32 $0x4F, v30;
	[tilespmem:v6+s26+$0x0] =	vst.idx.msk $0xffff, v51;
	v30 =	vor.u32 v34, v43;
	v58 =	vand.u32 $0x7F, v32;
	v6 =	vld.idx.msk [tilespmem:v52+s9+$0x0], $0xffff  }
0x18c: {  	v9 =	vor.u32 s0, v33;
	[tilespmem:v12+s26+$0x0] =	vst.idx.msk $0xffff, v5;
	v58 =	vor.u32 v58, v44  }
0x18d: {  	v9 =	vand.u32 $0x5F, v9;
	[tilespmem:v10+s26+$0x0] =	vst.idx.msk $0xffff, v4;
	v38 =	vld.idx.msk [tilespmem:v38+s9+$0x0], $0xffff  }
0x18e: {  	v9 =	vor.u32 v9, v47;
	v8 =	vld.idx.msk [tilespmem:v8+s9+$0x0], $0xffff  }
0x18f: {  	v3 =	vor.u32 s5, v33;
	v16 =	vld.idx.msk [tilespmem:v16+s9+$0x0], $0xffff;
	[tilespmem:v39+s26+$0x0] =	vst.idx.msk $0xffff, v7  }
0x190: {  	v3 =	vand.u32 $0x6F, v3;
	v33 =	vor.u32 s10, v35;
	v4 =	vld.idx.msk [tilespmem:v13+s9+$0x0], $0xffff;
	[tilespmem:v30+s26+$0x0] =	vst.idx.msk $0xffff, v6  }
0x191: {  	v2 =	vor.u32 v15, v46;
	v52 =	vand.u32 $0x4F, v33;
	v33 =	vor.u32 v36, v43;
	v51 =	vld.idx.msk [tilespmem:v58+s9+$0x0], $0xffff  }
0x192: {  	v3 =	vor.u32 v3, v45;
	[tilespmem:v1+s26+$0x0] =	vst.idx.msk $0xffff, v38;
	v60 =	vld.idx.msk [tilespmem:v14+s9+$0x0], $0xffff  }
0x193: {  	v5 =	vor.u32 v34, v48;
	[tilespmem:v11+s26+$0x0] =	vst.idx.msk $0xffff, v8;
	v9 =	vld.idx.msk [tilespmem:v9+s9+$0x0], $0xffff  }
0x194: {  	v32 =	vor.u32 s8, v23;
	[tilespmem:v0+s26+$0x0] =	vst.idx.msk $0xffff, v16  }
0x195: {  	v18 =	vor.u32 v18, v20;
	v31 =	vor.u32 s0, v35;
	v57 =	vand.u32 $0x7F, v32;
	[tilespmem:v59+s26+$0x0] =	vst.idx.msk $0xffff, v4  }
0x196: {  	v15 =	vor.u32 s5, v35;
	v12 =	vand.u32 $0x5F, v31;
	v57 =	vor.u32 v57, v44;
	v0 =	vld.idx.msk [tilespmem:v2+s9+$0x0], $0xffff;
	[tilespmem:v33+s26+$0x0] =	vst.idx.msk $0xffff, v51  }
0x197: {  	v12 =	vor.u32 v12, v47;
	v39 =	vor.u32 v34, v50;
	v3 =	vld.idx.msk [tilespmem:v3+s9+$0x0], $0xffff;
	[tilespmem:v63+s26+$0x0] =	vst.idx.msk $0xffff, v60  }
0x198: {  	v15 =	vand.u32 $0x6F, v15;
	v52 =	vor.u32 v52, v46;
	v7 =	vor.u32 v34, v49;
	v14 =	vld [tilespmem:$0x1FD30];
	[tilespmem:v5+s26+$0x0] =	vst.idx.msk $0xffff, v9  }
0x199: {  	v13 =	vor.u32 v15, v45;
	v28 =	vld [tilespmem:$0x1FFC0]  }
0x19a: {  	v18 =	vld.idx.msk [tilespmem:v18+s9+$0x0], $0xffff;
	v31 =	vor.u32 s5, v23  }
0x19b: {  	v62 =	vand.u32 $0x6F, v31;
	v31 =	vor.u32 s8, v27;
	v58 =	vor.u32 v25, v43;
	v57 =	vld.idx.msk [tilespmem:v57+s9+$0x0], $0xffff  }
0x19c: {  	v38 =	vand.u32 $0x7F, v31;
	v12 =	vld.idx.msk [tilespmem:v12+s9+$0x0], $0xffff;
	[tilespmem:v39+s26+$0x0] =	vst.idx.msk $0xffff, v0  }
0x19d: {  	v60 =	vor.u32 v36, v48;
	v9 =	vor.u32 v38, v44;
	[tilespmem:v7+s26+$0x0] =	vst.idx.msk $0xffff, v3;
	v38 =	vld.idx.msk [tilespmem:v52+s9+$0x0], $0xffff  }
0x19e: {  	v6 =	vor.u32 v36, v49;
	v0 =	vld.idx.msk [tilespmem:v13+s9+$0x0], $0xffff;
	v5 =	vor.u32 s0, v28  }
0x19f: {  	v1 =	vor.u32 v36, v50;
	v4 =	vor.u32 v62, v45;
	v33 =	vld [tilespmem:$0x1FF50];
	v5 =	vand.u32 $0x5F, v5  }
0x1a0: {  	v52 =	vor.u32 v5, v47;
	v5 =	vld [tilespmem:$0x1FD40];
	[tilespmem:v58+s26+$0x0] =	vst.idx.msk $0xffff, v57  }
0x1a1: {  	[tilespmem:v61+s26+$0x0] =	vst.idx.msk $0xffff, v18  }
0x1a2: {  	[tilespmem:v60+s26+$0x0] =	vst.idx.msk $0xffff, v12  }
0x1a3: {  	[tilespmem:v6+s26+$0x0] =	vst.idx.msk $0xffff, v0  }
0x1a4: {  	[tilespmem:v1+s26+$0x0] =	vst.idx.msk $0xffff, v38;
	v1 =	vld.idx.msk [tilespmem:v4+s9+$0x0], $0xffff  }
0x1a5: {  	v10 =	vor.u32 s0, v23;
	v4 =	vld [tilespmem:$0x1FD50]  }
0x1a6: {  	v10 =	vand.u32 $0x5F, v10  }
0x1a7: {  	v10 =	vor.u32 v10, v47  }
0x1a8: {  	v63 =	vld.idx.msk [tilespmem:v14+s9+$0x0], $0xffff  }
0x1a9: {  	v3 =	vor.u32 s5, v28  }
0x1aa: {  	v3 =	vand.u32 $0x6F, v3  }
0x1ab: {  	v13 =	vor.u32 v3, v45;
	v3 =	vor.u32 s10, v33  }
0x1ac: {  	v0 =	vand.u32 $0x4F, v3;
	v3 =	vld.idx.msk [tilespmem:v10+s9+$0x0], $0xffff  }
0x1ad: {  	v29 =	vld [tilespmem:$0x1FF70];
	[tilespmem:v4+s26+$0x0] =	vst.idx.msk $0xffff, v63  }
0x1ae: {  	v10 =	vld [tilespmem:$0x1FD60];
	_ =	sdelay $0x1  }
0x1af: {  	v15 =	vor.u32 s10, v23  }
0x1b0: {  	v15 =	vand.u32 $0x4F, v15;
	v5 =	vld.idx.msk [tilespmem:v5+s9+$0x0], $0xffff  }
0x1b1: {  	v15 =	vor.u32 v15, v46  }
0x1b2: {  	v12 =	vor.u32 v56, v43;
	v9 =	vld.idx.msk [tilespmem:v9+s9+$0x0], $0xffff;
	_ =	sdelay $0x2  }
0x1b3: {  	[tilespmem:v10+s26+$0x0] =	vst.idx.msk $0xffff, v5;
	v5 =	vor.u32 v53, v49  }
0x1b4: {  	v8 =	vor.u32 s0, v27;
	v4 =	vld.idx.msk [tilespmem:v15+s9+$0x0], $0xffff;
	[tilespmem:$0x1FDD0] =	vst v5  }
0x1b5: {  	v8 =	vand.u32 $0x5F, v8;
	v51 =	vor.u32 s8, v28;
	[tilespmem:v12+s26+$0x0] =	vst.idx.msk $0xffff, v9  }
0x1b6: {  	v2 =	vor.u32 v25, v49;
	v8 =	vor.u32 v8, v47;
	v57 =	vand.u32 $0x7F, v51;
	v10 =	vld [tilespmem:$0x1FD70]  }
0x1b7: {  	v59 =	vor.u32 v25, v48;
	v18 =	vor.u32 s5, v33;
	v57 =	vor.u32 v57, v44  }
0x1b8: {  	v62 =	vor.u32 v25, v50;
	v32 =	vor.u32 s10, v28;
	v6 =	vand.u32 $0x6F, v18  }
0x1b9: {  	v58 =	vor.u32 v55, v48;
	v60 =	vor.u32 v55, v49;
	v26 =	vor.u32 v6, v45  }
0x1ba: {  	v28 =	vor.u32 v0, v46;
	v0 =	vor.u32 s0, v29;
	v6 =	vor.u32 s5, v29  }
0x1bb: {  	v61 =	vor.u32 v55, v50;
	v0 =	vand.u32 $0x5F, v0;
	v5 =	vand.u32 $0x6F, v6  }
0x1bc: {  	v9 =	vor.u32 v55, v43;
	v55 =	vor.u32 v0, v47;
	[tilespmem:v59+s26+$0x0] =	vst.idx.msk $0xffff, v3;
	v0 =	vld.idx.msk [tilespmem:v57+s9+$0x0], $0xffff  }
0x1bd: {  	[tilespmem:v2+s26+$0x0] =	vst.idx.msk $0xffff, v1;
	v2 =	vor.u32 v5, v45;
	v1 =	vld.idx.msk [tilespmem:v8+s9+$0x0], $0xffff  }
0x1be: {  	v10 =	vld.idx.msk [tilespmem:v10+s9+$0x0], $0xffff;
	[tilespmem:$0x1FDF0] =	vst v2  }
0x1bf: {  	[tilespmem:v62+s26+$0x0] =	vst.idx.msk $0xffff, v4  }
0x1c0: {  	v12 =	vld [tilespmem:$0x1FD80];
	_ =	sdelay $0x6  }
0x1c1: {  	v31 =	vld [tilespmem:$0x1FF80]  }
0x1c2: {  	v11 =	vor.u32 s5, v27;
	v30 =	vor.u32 s10, v27;
	v57 =	vld [tilespmem:$0x1FF90];
	[tilespmem:v12+s26+$0x0] =	vst.idx.msk $0xffff, v10  }
0x1c3: {  	v11 =	vand.u32 $0x6F, v11;
	v16 =	vand.u32 $0x4F, v30;
	v10 =	vld [tilespmem:$0x1FD90]  }
0x1c4: {  	v11 =	vor.u32 v11, v45;
	v16 =	vor.u32 v16, v46;
	v7 =	vand.u32 $0x4F, v32  }
0x1c5: {  	v19 =	vor.u32 v7, v46;
	v7 =	vor.u32 s0, v33;
	v6 =	vor.u32 s8, v33  }
0x1c6: {  	v7 =	vand.u32 $0x5F, v7;
	v6 =	vand.u32 $0x7F, v6  }
0x1c7: {  	v18 =	vor.u32 v7, v47;
	v7 =	vor.u32 s10, v29;
	v6 =	vor.u32 v6, v44  }
0x1c8: {  	v41 =	vmovc v17;
	v17 =	vor.u32 v56, v49;
	v39 =	vor.u32 v56, v50;
	v7 =	vand.u32 $0x4F, v7  }
0x1c9: {  	v14 =	vor.u32 v56, v48;
	v33 =	vor.u32 v7, v46;
	v4 =	vld.idx.msk [tilespmem:v11+s9+$0x0], $0xffff;
	v5 =	vor.u32 s5, v57  }
0x1ca: {  	v8 =	vld.idx.msk [tilespmem:v16+s9+$0x0], $0xffff;
	v2 =	vor.u32 s0, v57;
	v7 =	vor.u32 s10, v57;
	v5 =	vand.u32 $0x6F, v5  }
0x1cb: {  	v11 =	vand.u32 $0x5F, v2;
	v15 =	vand.u32 $0x4F, v7;
	v7 =	vor.u32 v5, v45;
	[tilespmem:v9+s26+$0x0] =	vst.idx.msk $0xffff, v0;
	v12 =	vld.idx.msk [tilespmem:v10+s9+$0x0], $0xffff  }
0x1cc: {  	v5 =	vor.u32 v15, v46;
	v15 =	vor.u32 v53, v43;
	v10 =	vor.u32 v11, v47;
	v11 =	vld.idx.msk [tilespmem:v6+s9+$0x0], $0xffff;
	_ =	sdelay $0x1  }
0x1cd: {  	[tilespmem:v14+s26+$0x0] =	vst.idx.msk $0xffff, v1  }
0x1ce: {  	v6 =	vld [tilespmem:$0x1FDA0];
	[tilespmem:v17+s26+$0x0] =	vst.idx.msk $0xffff, v4  }
0x1cf: {  	v30 =	vld [tilespmem:$0x1FFA0];
	[tilespmem:v39+s26+$0x0] =	vst.idx.msk $0xffff, v8  }
0x1d0: {  	[tilespmem:v15+s26+$0x0] =	vst.idx.msk $0xffff, v11  }
0x1d1: {  	v11 =	vld [tilespmem:$0x1FDB0];
	_ =	sdelay $0x3  }
0x1d2: {  	v0 =	vor.u32 s8, v29  }
0x1d3: {  	v0 =	vand.u32 $0x7F, v0  }
0x1d4: {  	v16 =	vor.u32 v0, v44  }
0x1d5: {  	v17 =	vld.idx.msk [tilespmem:v52+s9+$0x0], $0xffff  }
0x1d6: {  	v13 =	vld.idx.msk [tilespmem:v13+s9+$0x0], $0xffff;
	[tilespmem:v11+s26+$0x0] =	vst.idx.msk $0xffff, v12  }
0x1d7: {  	v1 =	vor.u32 s0, v21;
	v29 =	vld [tilespmem:$0x1FF30]  }
0x1d8: {  	v1 =	vand.u32 $0x5F, v1;
	v19 =	vld.idx.msk [tilespmem:v19+s9+$0x0], $0xffff  }
0x1d9: {  	v32 =	vor.u32 v31, v43;
	v9 =	vor.u32 v1, v47;
	v1 =	vor.u32 s8, v57;
	v12 =	vld.idx.msk [tilespmem:v16+s9+$0x0], $0xffff  }
0x1da: {  	v62 =	vor.u32 s0, v54;
	v15 =	vand.u32 $0x7F, v1;
	[tilespmem:v58+s26+$0x0] =	vst.idx.msk $0xffff, v17  }
0x1db: {  	v14 =	vld.idx.msk [tilespmem:v6+s9+$0x0], $0xffff;
	v16 =	vand.u32 $0x5F, v62;
	v17 =	vor.u32 v15, v44;
	[tilespmem:v60+s26+$0x0] =	vst.idx.msk $0xffff, v13  }
0x1dc: {  	v1 =	vor.u32 v29, v48;
	v62 =	vor.u32 v29, v49;
	v15 =	vor.u32 v29, v50;
	v29 =	vld [tilespmem:$0x1FF20]  }
0x1dd: {  	[tilespmem:v61+s26+$0x0] =	vst.idx.msk $0xffff, v19;
	v19 =	vld.idx.msk [tilespmem:v26+s9+$0x0], $0xffff  }
0x1de: {  	v26 =	vld [tilespmem:$0x1FEF0];
	[tilespmem:v32+s26+$0x0] =	vst.idx.msk $0xffff, v12  }
0x1df: {  	v0 =	vor.u32 s10, v21;
	v6 =	vor.u32 s5, v21;
	v12 =	vor.u32 s8, v21;
	v21 =	vld [tilespmem:$0x1FDC0];
	_ =	sdelay $0x1  }
0x1e0: {  	v37 =	vmov v56;
	v56 =	vor.u32 v53, v48;
	v13 =	vld.idx.msk [tilespmem:v18+s9+$0x0], $0xffff;
	_ =	sdelay $0x4  }
0x1e1: {  	[tilespmem:v56+s26+$0x0] =	vst.idx.msk $0xffff, v13  }
0x1e2: {  	[tilespmem:v21+s26+$0x0] =	vst.idx.msk $0xffff, v14  }
0x1e3: {  	v52 =	vor.u32 s5, v54;
	v13 =	vld [tilespmem:$0x1FDD0]  }
0x1e4: {  	v52 =	vand.u32 $0x6F, v52  }
0x1e5: {  	v51 =	vor.u32 v53, v50;
	v39 =	vor.u32 v16, v47;
	v16 =	vor.u32 v52, v45;
	v52 =	vld.idx.msk [tilespmem:v28+s9+$0x0], $0xffff;
	_ =	sdelay $0x2  }
0x1e6: {  	v32 =	vor.u32 v30, v43;
	v17 =	vld.idx.msk [tilespmem:v17+s9+$0x0], $0xffff;
	_ =	sdelay $0x1  }
0x1e7: {  	v3 =	vor.u32 v31, v48;
	[tilespmem:v51+s26+$0x0] =	vst.idx.msk $0xffff, v52  }
0x1e8: {  	v63 =	vor.u32 v31, v50;
	v2 =	vor.u32 v31, v49;
	v59 =	vand.u32 $0x4F, v0;
	[tilespmem:v13+s26+$0x0] =	vst.idx.msk $0xffff, v19  }
0x1e9: {  	v38 =	vor.u32 v59, v46;
	v4 =	vor.u32 v30, v48;
	v31 =	vor.u32 s5, v29;
	v13 =	vld.idx.msk [tilespmem:v55+s9+$0x0], $0xffff;
	[tilespmem:$0x1FDE0] =	vst v40  }
0x1ea: {  	v0 =	vor.u32 v30, v49;
	v8 =	vand.u32 $0x6F, v6;
	v14 =	vand.u32 $0x6F, v31;
	[tilespmem:v32+s26+$0x0] =	vst.idx.msk $0xffff, v17  }
0x1eb: {  	v6 =	vor.u32 v30, v50;
	v11 =	vor.u32 s10, v54;
	v56 =	vor.u32 v14, v45;
	v14 =	vld [tilespmem:$0x1FDF0]  }
0x1ec: {  	v8 =	vor.u32 v8, v45;
	v11 =	vand.u32 $0x4F, v11;
	v12 =	vand.u32 $0x7F, v12  }
0x1ed: {  	v54 =	vor.u32 v41, v49;
	v61 =	vor.u32 v11, v46;
	v12 =	vor.u32 v12, v44  }
0x1ee: {  	v18 =	vor.u32 s0, v29;
	v11 =	vor.u32 s10, v29;
	v59 =	vor.u32 v26, v48  }
0x1ef: {  	v18 =	vand.u32 $0x5F, v18;
	v57 =	vor.u32 v26, v49;
	v58 =	vor.u32 v26, v50  }
0x1f0: {  	v11 =	vand.u32 $0x4F, v11;
	v60 =	vor.u32 v18, v47;
	v18 =	vor.u32 s12, v40  }
0x1f1: {  	v53 =	vor.u32 v11, v46;
	v11 =	vor.u32 s2, v40;
	v52 =	vor.u32 v41, v50  }
0x1f2: {  	v55 =	vor.u32 v41, v48;
	v19 =	vor.u32 s13, v40;
	v40 =	vand.u32 $0x5F, v18;
	v17 =	vld.idx.msk [tilespmem:v33+s9+$0x0], $0xffff  }
0x1f3: {  	s2 =	sshll.u32 s7, $0x1;
	v18 =	vand.u32 $0x6F, v11;
	v19 =	vand.u32 $0x4F, v19;
	v11 =	vor.u32 v40, v20;
	v14 =	vld.idx.msk [tilespmem:v14+s9+$0x0], $0xffff  }
.LBB2_3:
0x1f4: {  	_ =	sdelay $0x2  }
0x1f5: {  	v12 =	vld.idx.msk [tilespmem:v12+s9+$0x0], $0xffff  }
0x1f6: {  	v31 =	vld [tilespmem:$0x1FF40]  }
0x1f7: {  	v21 =	vld [tilespmem:$0x1FC30]  }
0x1f8: {  	v40 =	vld [tilespmem:$0x1FF10]  }
0x1f9: {  	v41 =	vld [tilespmem:$0x1FF30]  }
0x1fa: {  	v28 =	vmov v47;
	v29 =	vld [tilespmem:$0x1FEF0]  }
0x1fb: {  	s11 =	sadd.s32 $0x4, s11;
	[tilespmem:$0x1FC20] =	vst v28;
	v28 =	vld [tilespmem:$0x1FC60]  }
0x1fc: {  	s15 =	sand.u32 $0xC, s11;
	[tilespmem:v3+s26+$0x0] =	vst.idx.msk $0xffff, v13;
	v19 =	vor.u32 v19, v21;
	v21 =	vld [tilespmem:$0x1FC40]  }
0x1fd: {  	s20 =	sor.u32 $0x3, s15;
	[tilespmem:v2+s26+$0x0] =	vst.idx.msk $0xffff, v14;
	v10 =	vld.idx.msk [tilespmem:v10+s9+$0x0], $0xffff  }
0x1fe: {  	s19 =	sshll.u32 s20, $0x4;
	[tilespmem:v63+s26+$0x0] =	vst.idx.msk $0xffff, v17;
	v7 =	vld.idx.msk [tilespmem:v7+s9+$0x0], $0xffff;
	v20 =	vor.u32 s8, v31;
	v51 =	vor.u32 v41, v43  }
0x1ff: {  	s18 =	sor.u32 $0x2, s15;
	v30 =	vmov s19;
	v5 =	vld.idx.msk [tilespmem:v5+s9+$0x0], $0xffff;
	v20 =	vand.u32 $0x7F, v20  }
0x200: {  	v26 =	vmov v45;
	s12 =	sand.u32 $0x30, s11;
	s21 =	sshll.u32 s18, $0x4;
	v45 =	vshll.u32 v30, $0x3;
	v30 =	vld [tilespmem:$0x1FF20];
	v13 =	vor.u32 v20, v44  }
0x201: {  	v17 =	vmov s21;
	v11 =	vld.idx.msk [tilespmem:v11+s9+$0x0], $0xffff;
	[tilespmem:$0x1FC40] =	vst v26;
	v20 =	vor.u32 s12, v24;
	v18 =	vor.u32 v18, v21  }
0x202: {  	s13 =	sor.u32 $0x1, s15;
	v32 =	vor.u32 s19, v24;
	v3 =	vor.u32 v40, v49;
	v26 =	vld [tilespmem:$0x1FE40];
	v2 =	vshll.u32 v20, $0x8;
	[tilespmem:v4+s26+$0x0] =	vst.idx.msk $0xffff, v10  }
0x203: {  	s14 =	sshll.u32 s13, $0x4;
	v49 =	vor.u32 v29, v43;
	v17 =	vshll.u32 v17, $0x3;
	v2 =	vand.u32 $0x3800, v2;
	[tilespmem:v51+s26+$0x0] =	vst.idx.msk $0xffff, v12;
	v10 =	vld.idx.msk [tilespmem:v19+s9+$0x0], $0xffff  }
0x204: {  	v14 =	vmov s14;
	v45 =	vand.u32 $0x400, v45;
	v21 =	vmovc v46;
	v2 =	vor.u32 v22, v2;
	v9 =	vld.idx.msk [tilespmem:v9+s9+$0x0], $0xffff;
	[tilespmem:v6+s26+$0x0] =	vst.idx.msk $0xffff, v5  }
0x205: {  	s12 =	sshll.u32 s15, $0x4;
	v12 =	vand.u32 $0x7F, v32;
	v33 =	vor.u32 s8, v30;
	[tilespmem:$0x1FC30] =	vst v21;
	v21 =	vor.u32 v40, v50;
	v13 =	vld.idx.msk [tilespmem:v13+s9+$0x0], $0xffff  }
0x206: {  	v6 =	vor.u32 s12, v24;
	v63 =	vor.u32 v45, v2;
	v45 =	vand.u32 $0x7F, v33;
	v18 =	vld.idx.msk [tilespmem:v18+s9+$0x0], $0xffff;
	[tilespmem:v0+s26+$0x0] =	vst.idx.msk $0xffff, v7  }
0x207: {  	v50 =	vmov s12;
	v12 =	vor.u32 v12, v63;
	v4 =	vor.u32 v45, v44;
	v5 =	vld.idx.msk [tilespmem:v8+s9+$0x0], $0xffff  }
0x208: {  	v7 =	vand.u32 $0x400, v17;
	v17 =	vor.u32 s21, v24;
	v8 =	vor.u32 s14, v24;
	v24 =	vld [tilespmem:$0x1FE30]  }
0x209: {  	v14 =	vshll.u32 v14, $0x3;
	v51 =	vor.u32 s19, v26;
	v33 =	vld [tilespmem:$0x1FDE0];
	v19 =	vshll.u32 v50, $0x3  }
0x20a: {  	v14 =	vand.u32 $0x400, v14;
	v45 =	vand.u32 $0x7F, v51;
	v51 =	vld [tilespmem:$0x1FF00];
	v0 =	vand.u32 $0x400, v19  }
0x20b: {  	s20 =	sshll.u32 s20, $0xB;
	v47 =	vor.u32 v14, v2;
	v19 =	vld.idx.msk [tilespmem:v38+s9+$0x0], $0xffff;
	v46 =	vor.u32 v0, v2;
	v0 =	vand.u32 $0x5F, v8  }
0x20c: {  	v38 =	vor.u32 s20, v20;
	v12 =	vld.idx.msk [tilespmem:v12+s9+$0x0], $0xffff;
	[tilespmem:v49+s26+$0x0] =	vst.idx.msk $0xffff, v13;
	v0 =	vor.u32 v0, v47  }
0x20d: {  	s16 =	sshll.u32 s13, $0xB;
	v48 =	vor.u32 v40, v48;
	[tilespmem:v42+s26+$0x0] =	vst.idx.msk $0xffff, v11;
	v4 =	vld.idx.msk [tilespmem:v4+s9+$0x0], $0xffff;
	v13 =	vor.u32 v24, v38  }
0x20e: {  	v42 =	vmov v48;
	v48 =	vor.u32 s16, v20;
	[tilespmem:v28+s26+$0x0] =	vst.idx.msk $0xffff, v18;
	v18 =	vld [tilespmem:$0x1FE60]  }
0x20f: {  	v11 =	vor.u32 v45, v63;
	[tilespmem:v1+s26+$0x0] =	vst.idx.msk $0xffff, v9;
	v45 =	vor.u32 v7, v2;
	v2 =	vand.u32 $0x6F, v17;
	v28 =	vld [tilespmem:$0x1FE50]  }
0x210: {  	v1 =	vmov v3;
	v3 =	vor.u32 s14, v26;
	v2 =	vor.u32 v2, v45;
	[tilespmem:v62+s26+$0x0] =	vst.idx.msk $0xffff, v5;
	v5 =	vld.idx.msk [tilespmem:v39+s9+$0x0], $0xffff  }
0x211: {  	s18 =	sshll.u32 s18, $0xB;
	v32 =	vor.u32 s8, v33;
	[tilespmem:$0x1FC60] =	vst v1;
	v1 =	vand.u32 $0x4F, v6;
	v50 =	vor.u32 v51, v43;
	v0 =	vld.idx.msk [tilespmem:v0+s9+$0x0], $0xffff  }
0x212: {  	s8 =	smov.u32 s19;
	v3 =	vand.u32 $0x5F, v3;
	v32 =	vand.u32 $0x7F, v32;
	v49 =	vor.u32 s18, v20;
	[tilespmem:v13+s26+$0x0] =	vst.idx.msk $0xffff, v12;
	v12 =	vld.idx.msk [tilespmem:v16+s9+$0x0], $0xffff  }
0x213: {  	v7 =	vor.u32 v32, v44;
	v6 =	vor.u32 v24, v48;
	v9 =	vor.u32 s8, v18;
	v16 =	vld [tilespmem:$0x1FC70]  }
0x214: {  	v3 =	vor.u32 v3, v47;
	v9 =	vand.u32 $0x7F, v9;
	v8 =	vld.idx.msk [tilespmem:v11+s9+$0x0], $0xffff;
	v11 =	vor.u32 v28, v38  }
0x215: {  	[tilespmem:v15+s26+$0x0] =	vst.idx.msk $0xffff, v19;
	v15 =	vor.u32 v24, v49;
	v2 =	vld.idx.msk [tilespmem:v2+s9+$0x0], $0xffff;
	v9 =	vor.u32 v9, v63  }
0x216: {  	v14 =	vor.u32 s12, v26;
	[tilespmem:v50+s26+$0x0] =	vst.idx.msk $0xffff, v4;
	v4 =	vor.u32 s21, v26;
	v26 =	vld [tilespmem:$0x1FFC0]  }
0x217: {  	v44 =	vmov v63;
	v63 =	vld [tilespmem:$0x1FFB0];
	v4 =	vand.u32 $0x6F, v4  }
0x218: {  	v13 =	vor.u32 v40, v43;
	v7 =	vld.idx.msk [tilespmem:v7+s9+$0x0], $0xffff;
	[tilespmem:v6+s26+$0x0] =	vst.idx.msk $0xffff, v0;
	v4 =	vor.u32 v4, v45  }
0x219: {  	v1 =	vor.u32 v1, v46;
	v3 =	vld.idx.msk [tilespmem:v3+s9+$0x0], $0xffff;
	[tilespmem:v11+s26+$0x0] =	vst.idx.msk $0xffff, v8  }
0x21a: {  	s15 =	sshll.u32 s15, $0xB;
	v14 =	vand.u32 $0x4F, v14;
	[tilespmem:v15+s26+$0x0] =	vst.idx.msk $0xffff, v2;
	v9 =	vld.idx.msk [tilespmem:v9+s9+$0x0], $0xffff  }
0x21b: {  	v14 =	vor.u32 v14, v46;
	v43 =	vmovc v38;
	v50 =	vor.u32 s15, v20;
	[tilespmem:v16+s26+$0x0] =	vst.idx.msk $0xffff, v10;
	v16 =	vmov v21;
	v21 =	vld [tilespmem:$0x1FE70]  }
0x21c: {  	v17 =	vor.u32 s14, v18;
	v40 =	vor.u32 v37, v43;
	[tilespmem:v59+s26+$0x0] =	vst.idx.msk $0xffff, v5;
	v10 =	vor.u32 v24, v50;
	v24 =	vld [tilespmem:$0x1FE80]  }
0x21d: {  	v20 =	vor.u32 v28, v50;
	[tilespmem:v13+s26+$0x0] =	vst.idx.msk $0xffff, v7;
	v7 =	vor.u32 v28, v49;
	v2 =	vld.idx.msk [tilespmem:v4+s9+$0x0], $0xffff  }
0x21e: {  	v59 =	vor.u32 v36, v50;
	v8 =	vor.u32 v28, v48;
	v11 =	vand.u32 $0x5F, v17;
	v1 =	vld.idx.msk [tilespmem:v1+s9+$0x0], $0xffff  }
0x21f: {  	v62 =	vor.u32 s8, v26;
	v11 =	vor.u32 v11, v47;
	[tilespmem:v57+s26+$0x0] =	vst.idx.msk $0xffff, v12;
	v57 =	vor.u32 s8, v23  }
0x220: {  	[tilespmem:$0x1FC70] =	vst v16;
	v16 =	vor.u32 s12, v18;
	v18 =	vor.u32 s21, v18;
	v19 =	vld.idx.msk [tilespmem:v61+s9+$0x0], $0xffff;
	v13 =	vor.u32 v21, v43  }
0x221: {  	v39 =	vand.u32 $0x7F, v57;
	v57 =	vor.u32 v63, v43;
	v0 =	vand.u32 $0x6F, v18;
	v18 =	vld [tilespmem:$0x1FE90]  }
0x222: {  	v16 =	vand.u32 $0x4F, v16;
	v0 =	vor.u32 v0, v45;
	v17 =	vor.u32 s8, v24;
	[tilespmem:v7+s26+$0x0] =	vst.idx.msk $0xffff, v2  }
0x223: {  	v15 =	vor.u32 s21, v24;
	v17 =	vand.u32 $0x7F, v17;
	[tilespmem:v10+s26+$0x0] =	vst.idx.msk $0xffff, v1;
	v1 =	vor.u32 v16, v46  }
0x224: {  	v10 =	vor.u32 s12, v24;
	v16 =	vor.u32 v21, v49;
	v6 =	vor.u32 v17, v44;
	v4 =	vld.idx.msk [tilespmem:v14+s9+$0x0], $0xffff  }
0x225: {  	v15 =	vand.u32 $0x6F, v15;
	v14 =	vor.u32 v21, v48;
	[tilespmem:v13+s26+$0x0] =	vst.idx.msk $0xffff, v9;
	v13 =	vor.u32 v21, v50;
	v21 =	vld [tilespmem:$0x1FEA0]  }
0x226: {  	v17 =	vor.u32 s14, v24;
	v12 =	vor.u32 v18, v43;
	[tilespmem:v58+s26+$0x0] =	vst.idx.msk $0xffff, v19;
	v7 =	vor.u32 v18, v50  }
0x227: {  	v10 =	vand.u32 $0x4F, v10;
	v58 =	vor.u32 v36, v43;
	v5 =	vand.u32 $0x5F, v17;
	v9 =	vld.idx.msk [tilespmem:v60+s9+$0x0], $0xffff;
	[tilespmem:v8+s26+$0x0] =	vst.idx.msk $0xffff, v3  }
0x228: {  	v10 =	vor.u32 v10, v46;
	v5 =	vor.u32 v5, v47;
	v8 =	vor.u32 v15, v45;
	v11 =	vld.idx.msk [tilespmem:v11+s9+$0x0], $0xffff  }
0x229: {  	v19 =	vor.u32 s14, v35;
	v60 =	vor.u32 v25, v43;
	[tilespmem:v20+s26+$0x0] =	vst.idx.msk $0xffff, v4;
	v4 =	vor.u32 v18, v48  }
0x22a: {  	v0 =	vld.idx.msk [tilespmem:v0+s9+$0x0], $0xffff;
	v18 =	vor.u32 v18, v49;
	v20 =	vor.u32 v34, v43;
	v17 =	vor.u32 s8, v21  }
0x22b: {  	v6 =	vld.idx.msk [tilespmem:v6+s9+$0x0], $0xffff;
	v3 =	vor.u32 s14, v21;
	v2 =	vor.u32 s21, v21;
	v17 =	vand.u32 $0x7F, v17  }
0x22c: {  	[tilespmem:v55+s26+$0x0] =	vst.idx.msk $0xffff, v9;
	v9 =	vor.u32 s12, v35;
	v3 =	vand.u32 $0x5F, v3;
	v15 =	vor.u32 v17, v44  }
0x22d: {  	v1 =	vld.idx.msk [tilespmem:v1+s9+$0x0], $0xffff;
	v2 =	vand.u32 $0x6F, v2;
	[tilespmem:v14+s26+$0x0] =	vst.idx.msk $0xffff, v11;
	v11 =	vor.u32 v34, v48;
	v14 =	vand.u32 $0x5F, v19  }
0x22e: {  	v19 =	vor.u32 v36, v48;
	v17 =	vor.u32 s12, v21;
	v3 =	vor.u32 v3, v47;
	v21 =	vld.idx.msk [tilespmem:v56+s9+$0x0], $0xffff  }
0x22f: {  	v9 =	vand.u32 $0x4F, v9;
	v2 =	vor.u32 v2, v45;
	v5 =	vld.idx.msk [tilespmem:v5+s9+$0x0], $0xffff;
	[tilespmem:v16+s26+$0x0] =	vst.idx.msk $0xffff, v0;
	v17 =	vand.u32 $0x4F, v17  }
0x230: {  	[tilespmem:v12+s26+$0x0] =	vst.idx.msk $0xffff, v6;
	v12 =	vor.u32 s21, v35;
	v8 =	vld.idx.msk [tilespmem:v8+s9+$0x0], $0xffff;
	v6 =	vor.u32 v17, v46;
	v17 =	vor.u32 s8, v35  }
0x231: {  	v0 =	vor.u32 v34, v49;
	v9 =	vor.u32 v9, v46;
	v17 =	vand.u32 $0x7F, v17;
	v15 =	vld.idx.msk [tilespmem:v15+s9+$0x0], $0xffff  }
0x232: {  	v16 =	vor.u32 s12, v23;
	v56 =	vor.u32 s21, v23;
	[tilespmem:v13+s26+$0x0] =	vst.idx.msk $0xffff, v1;
	v17 =	vor.u32 v17, v44  }
0x233: {  	v12 =	vand.u32 $0x6F, v12;
	v13 =	vor.u32 v14, v47;
	v14 =	vor.u32 s14, v23;
	v10 =	vld.idx.msk [tilespmem:v10+s9+$0x0], $0xffff;
	[tilespmem:v54+s26+$0x0] =	vst.idx.msk $0xffff, v21  }
0x234: {  	v1 =	vor.u32 v34, v50;
	v12 =	vor.u32 v12, v45;
	v14 =	vand.u32 $0x5F, v14;
	[tilespmem:v4+s26+$0x0] =	vst.idx.msk $0xffff, v5  }
0x235: {  	v4 =	vor.u32 v39, v44;
	v5 =	vor.u32 v14, v47;
	v3 =	vld.idx.msk [tilespmem:v3+s9+$0x0], $0xffff;
	[tilespmem:v18+s26+$0x0] =	vst.idx.msk $0xffff, v8  }
0x236: {  	v21 =	vand.u32 $0x6F, v56;
	v14 =	vor.u32 s21, v27;
	v39 =	vor.u32 v37, v48;
	v2 =	vld.idx.msk [tilespmem:v2+s9+$0x0], $0xffff;
	[tilespmem:v20+s26+$0x0] =	vst.idx.msk $0xffff, v15  }
0x237: {  	v54 =	vor.u32 v63, v48;
	v8 =	vor.u32 v21, v45;
	v18 =	vor.u32 v25, v48;
	v17 =	vld.idx.msk [tilespmem:v17+s9+$0x0], $0xffff  }
0x238: {  	v16 =	vand.u32 $0x4F, v16;
	v21 =	vor.u32 v25, v49;
	v14 =	vand.u32 $0x6F, v14;
	v15 =	vld.idx.msk [tilespmem:v53+s9+$0x0], $0xffff;
	[tilespmem:v7+s26+$0x0] =	vst.idx.msk $0xffff, v10  }
0x239: {  	v14 =	vor.u32 v14, v45;
	v20 =	vor.u32 v36, v49;
	v10 =	vor.u32 s14, v27;
	v6 =	vld.idx.msk [tilespmem:v6+s9+$0x0], $0xffff  }
0x23a: {  	v24 =	vld [tilespmem:$0x1FF50];
	v7 =	vor.u32 v16, v46;
	v16 =	vor.u32 s12, v27;
	v10 =	vand.u32 $0x5F, v10;
	[tilespmem:v11+s26+$0x0] =	vst.idx.msk $0xffff, v3  }
0x23b: {  	v16 =	vand.u32 $0x4F, v16;
	v10 =	vor.u32 v10, v47;
	v13 =	vld.idx.msk [tilespmem:v13+s9+$0x0], $0xffff;
	[tilespmem:v0+s26+$0x0] =	vst.idx.msk $0xffff, v2;
	v0 =	vor.u32 s21, v26  }
0x23c: {  	v16 =	vor.u32 v16, v46;
	v2 =	vld.idx.msk [tilespmem:v12+s9+$0x0], $0xffff;
	v0 =	vand.u32 $0x6F, v0;
	[tilespmem:v58+s26+$0x0] =	vst.idx.msk $0xffff, v17;
	v17 =	vor.u32 s8, v27  }
0x23d: {  	v3 =	vor.u32 s14, v26;
	v0 =	vor.u32 v0, v45;
	[tilespmem:v52+s26+$0x0] =	vst.idx.msk $0xffff, v15;
	v4 =	vld.idx.msk [tilespmem:v4+s9+$0x0], $0xffff;
	v17 =	vand.u32 $0x7F, v17  }
0x23e: {  	v28 =	vld [tilespmem:$0x1FF70];
	v15 =	vor.u32 v25, v50;
	v52 =	vand.u32 $0x7F, v62;
	[tilespmem:v1+s26+$0x0] =	vst.idx.msk $0xffff, v6;
	v11 =	vor.u32 v17, v44  }
0x23f: {  	v1 =	vand.u32 $0x5F, v3;
	v6 =	vor.u32 v37, v49;
	v3 =	vld.idx.msk [tilespmem:v9+s9+$0x0], $0xffff;
	v9 =	vor.u32 v37, v50  }
0x240: {  	v32 =	vld [tilespmem:$0x1FF90];
	v61 =	vor.u32 s21, v24;
	v1 =	vor.u32 v1, v47;
	[tilespmem:v19+s26+$0x0] =	vst.idx.msk $0xffff, v13;
	v19 =	vor.u32 v52, v44  }
0x241: {  	v52 =	vor.u32 v63, v50;
	v17 =	vor.u32 s12, v26;
	[tilespmem:v20+s26+$0x0] =	vst.idx.msk $0xffff, v2;
	v2 =	vand.u32 $0x6F, v61;
	v26 =	vld [tilespmem:$0x1FF60]  }
0x242: {  	v5 =	vld.idx.msk [tilespmem:v5+s9+$0x0], $0xffff;
	v12 =	vand.u32 $0x4F, v17;
	v17 =	vor.u32 s14, v24;
	v20 =	vor.u32 v2, v45;
	[tilespmem:v60+s26+$0x0] =	vst.idx.msk $0xffff, v4  }
0x243: {  	v12 =	vor.u32 v12, v46;
	v13 =	vand.u32 $0x5F, v17;
	v17 =	vor.u32 v63, v49;
	v11 =	vld.idx.msk [tilespmem:v11+s9+$0x0], $0xffff  }
0x244: {  	v13 =	vor.u32 v13, v47;
	v4 =	vor.u32 s12, v24;
	[tilespmem:v59+s26+$0x0] =	vst.idx.msk $0xffff, v3;
	v3 =	vld.idx.msk [tilespmem:v8+s9+$0x0], $0xffff;
	v8 =	vor.u32 s12, v28  }
0x245: {  	v60 =	vor.u32 s8, v24;
	v4 =	vand.u32 $0x4F, v4;
	v2 =	vld.idx.msk [tilespmem:v7+s9+$0x0], $0xffff;
	v7 =	vor.u32 s21, v28  }
0x246: {  	v56 =	vor.u32 v26, v48;
	v55 =	vor.u32 v26, v50;
	v38 =	vand.u32 $0x7F, v60  }
0x247: {  	v24 =	vld [tilespmem:$0x1FF80];
	v8 =	vand.u32 $0x4F, v8;
	[tilespmem:v18+s26+$0x0] =	vst.idx.msk $0xffff, v5;
	v53 =	vor.u32 v4, v46;
	v4 =	vor.u32 s14, v28  }
0x248: {  	v7 =	vand.u32 $0x6F, v7;
	v4 =	vand.u32 $0x5F, v4;
	[tilespmem:v40+s26+$0x0] =	vst.idx.msk $0xffff, v11;
	v40 =	vor.u32 v8, v46;
	v8 =	vld.idx.msk [tilespmem:v10+s9+$0x0], $0xffff  }
0x249: {  	v18 =	vor.u32 v4, v47;
	v4 =	vor.u32 v38, v44;
	[tilespmem:v21+s26+$0x0] =	vst.idx.msk $0xffff, v3;
	v19 =	vld.idx.msk [tilespmem:v19+s9+$0x0], $0xffff  }
0x24a: {  	v5 =	vor.u32 s21, v32;
	v21 =	vor.u32 v7, v45;
	v7 =	vor.u32 s12, v32;
	[tilespmem:v15+s26+$0x0] =	vst.idx.msk $0xffff, v2;
	v14 =	vld.idx.msk [tilespmem:v14+s9+$0x0], $0xffff  }
0x24b: {  	v5 =	vand.u32 $0x6F, v5;
	v11 =	vor.u32 v26, v49;
	v15 =	vld.idx.msk [tilespmem:v16+s9+$0x0], $0xffff;
	v16 =	vand.u32 $0x4F, v7  }
0x24c: {  	v7 =	vor.u32 v5, v45;
	v5 =	vor.u32 v16, v46;
	v16 =	vor.u32 v26, v43;
	v26 =	vld [tilespmem:$0x1FEE0]  }
0x24d: {  	v3 =	vor.u32 v24, v48;
	v63 =	vor.u32 v24, v50;
	v2 =	vor.u32 s14, v32;
	[tilespmem:v39+s26+$0x0] =	vst.idx.msk $0xffff, v8  }
0x24e: {  	v59 =	vor.u32 s8, v32;
	v60 =	vor.u32 v24, v43;
	v10 =	vand.u32 $0x5F, v2;
	[tilespmem:v57+s26+$0x0] =	vst.idx.msk $0xffff, v19;
	v58 =	vld.idx.msk [tilespmem:v1+s9+$0x0], $0xffff  }
0x24f: {  	v2 =	vor.u32 v24, v49;
	v10 =	vor.u32 v10, v47;
	v19 =	vld.idx.msk [tilespmem:v4+s9+$0x0], $0xffff;
	v4 =	vor.u32 s8, v28  }
0x250: {  	[tilespmem:v6+s26+$0x0] =	vst.idx.msk $0xffff, v14;
	v39 =	vand.u32 $0x7F, v59;
	v59 =	vor.u32 v29, v48;
	v4 =	vand.u32 $0x7F, v4  }
0x251: {  	[tilespmem:v9+s26+$0x0] =	vst.idx.msk $0xffff, v15;
	v57 =	vld.idx.msk [tilespmem:v0+s9+$0x0], $0xffff;
	v15 =	vor.u32 s21, v31;
	v8 =	vor.u32 s14, v26;
	v62 =	vor.u32 v4, v44  }
0x252: {  	v61 =	vor.u32 s21, v26;
	v37 =	vor.u32 s12, v26;
	v1 =	vand.u32 $0x5F, v8  }
0x253: {  	v12 =	vld.idx.msk [tilespmem:v12+s9+$0x0], $0xffff;
	v8 =	vand.u32 $0x6F, v61;
	v61 =	vand.u32 $0x6F, v15;
	v15 =	vor.u32 v41, v50  }
0x254: {  	v28 =	vld [tilespmem:$0x1FFA0];
	v14 =	vand.u32 $0x4F, v37;
	v9 =	vor.u32 v1, v47;
	v8 =	vor.u32 v8, v45;
	[tilespmem:v54+s26+$0x0] =	vst.idx.msk $0xffff, v58  }
0x255: {  	v38 =	vor.u32 v14, v46;
	v14 =	vor.u32 s14, v31;
	[tilespmem:v16+s26+$0x0] =	vst.idx.msk $0xffff, v19;
	v13 =	vld.idx.msk [tilespmem:v13+s9+$0x0], $0xffff  }
0x256: {  	v1 =	vor.u32 v41, v48;
	v14 =	vand.u32 $0x5F, v14;
	[tilespmem:v17+s26+$0x0] =	vst.idx.msk $0xffff, v57;
	v19 =	vld.idx.msk [tilespmem:v62+s9+$0x0], $0xffff  }
0x257: {  	v16 =	vor.u32 s12, v31;
	v31 =	vmovc v23;
	v23 =	vor.u32 v39, v44;
	v39 =	vor.u32 v14, v47;
	v14 =	vld.idx.msk [tilespmem:v20+s9+$0x0], $0xffff  }
0x258: {  	v57 =	vor.u32 v29, v49;
	v58 =	vor.u32 v29, v50;
	v54 =	vor.u32 v51, v49  }
0x259: {  	v24 =	vor.u32 s14, v30;
	v4 =	vor.u32 v28, v48;
	v0 =	vor.u32 v28, v49;
	[tilespmem:v52+s26+$0x0] =	vst.idx.msk $0xffff, v12  }
0x25a: {  	v6 =	vor.u32 v28, v50;
	v12 =	vor.u32 s12, v30;
	v52 =	vor.u32 v51, v50;
	[tilespmem:v56+s26+$0x0] =	vst.idx.msk $0xffff, v13  }
0x25b: {  	v20 =	vor.u32 s21, v30;
	v32 =	vand.u32 $0x4F, v16;
	v16 =	vor.u32 v61, v45;
	v17 =	vld.idx.msk [tilespmem:v53+s9+$0x0], $0xffff;
	[tilespmem:v60+s26+$0x0] =	vst.idx.msk $0xffff, v19  }
0x25c: {  	[tilespmem:v11+s26+$0x0] =	vst.idx.msk $0xffff, v14;
	v11 =	vor.u32 s10, v33;
	v19 =	vand.u32 $0x6F, v20;
	v20 =	vld.idx.msk [tilespmem:v23+s9+$0x0], $0xffff;
	v23 =	vor.u32 s8, v26  }
0x25d: {  	p1 =	slt.u32 s11, $0x3C;
	v26 =	vmovc v25;
	v25 =	vor.u32 v28, v43;
	v56 =	vor.u32 v19, v45;
	v19 =	vand.u32 $0x4F, v11;
	v11 =	vld [tilespmem:$0x1FC20]  }
.Ltmp0:
0x25e: {  	v62 =	vor.u32 v41, v49;
	v61 =	vor.u32 v32, v46;
	v41 =	vand.u32 $0x4F, v12;
	(pc) =	sbr.rel @p1 .LBB2_3-.Ltmp0, $4  }
0x25f: {  	v53 =	vor.u32 v41, v46;
	v13 =	vld.idx.msk [tilespmem:v18+s9+$0x0], $0xffff;
	v12 =	vand.u32 $0x7F, v23;
	v23 =	vor.u32 s0, v33  }
0x260: {  	v24 =	vand.u32 $0x5F, v24;
	[tilespmem:v55+s26+$0x0] =	vst.idx.msk $0xffff, v17;
	v55 =	vor.u32 v51, v48;
	v14 =	vld.idx.msk [tilespmem:v21+s9+$0x0], $0xffff;
	v18 =	vor.u32 s5, v33  }
0x261: {  	v60 =	vor.u32 v24, v47;
	v17 =	vld.idx.msk [tilespmem:v40+s9+$0x0], $0xffff;
	v12 =	vor.u32 v12, v44;
	v21 =	vand.u32 $0x5F, v23  }
0x262: {  	v37 =	vld [tilespmem:$0x1FED0];
	s10 =	smov.u32 s12;
	s5 =	smov.u32 s21;
	v24 =	vlaneseq.u32;
	v18 =	vand.u32 $0x6F, v18;
	s0 =	smov.u32 s14;
	v23 =	vmovc v31;
	[tilespmem:v25+s26+$0x0] =	vst.idx.msk $0xffff, v20;
	v25 =	vmovc v26;
	v11 =	vor.u32 v21, v11  }
0x263: {  	_ =	sdelay $0x3  }
0x264: {  	[tilespmem:v3+s26+$0x0] =	vst.idx.msk $0xffff, v13  }
0x265: {  	[tilespmem:v2+s26+$0x0] =	vst.idx.msk $0xffff, v14  }
0x266: {  	[tilespmem:v63+s26+$0x0] =	vst.idx.msk $0xffff, v17  }
0x267: {  	v31 =	vld [tilespmem:$0x1FF30]  }
0x268: {  	v3 =	vld.idx.msk [tilespmem:v10+s9+$0x0], $0xffff  }
0x269: {  	v2 =	vld.idx.msk [tilespmem:v7+s9+$0x0], $0xffff  }
0x26a: {  	v5 =	vld.idx.msk [tilespmem:v5+s9+$0x0], $0xffff  }
0x26b: {  	v30 =	vld [tilespmem:$0x1FF40]  }
0x26c: {  	v10 =	vld.idx.msk [tilespmem:v12+s9+$0x0], $0xffff;
	v12 =	vor.u32 v31, v43;
	_ =	sdelay $0x1  }
0x26d: {  	[tilespmem:v4+s26+$0x0] =	vst.idx.msk $0xffff, v3  }
0x26e: {  	[tilespmem:v0+s26+$0x0] =	vst.idx.msk $0xffff, v2  }
0x26f: {  	v7 =	vor.u32 s8, v30;
	[tilespmem:v6+s26+$0x0] =	vst.idx.msk $0xffff, v5  }
0x270: {  	v4 =	vld.idx.msk [tilespmem:v9+s9+$0x0], $0xffff;
	v7 =	vand.u32 $0x7F, v7;
	[tilespmem:v12+s26+$0x0] =	vst.idx.msk $0xffff, v10  }
0x271: {  	v3 =	vor.u32 v7, v44;
	v6 =	vld [tilespmem:$0x1FEF0]  }
0x272: {  	v0 =	vld.idx.msk [tilespmem:v8+s9+$0x0], $0xffff  }
0x273: {  	v2 =	vld.idx.msk [tilespmem:v38+s9+$0x0], $0xffff  }
0x274: {  	v5 =	vld [tilespmem:$0x1FF20];
	_ =	sdelay $0x1  }
0x275: {  	v3 =	vld.idx.msk [tilespmem:v3+s9+$0x0], $0xffff;
	v6 =	vor.u32 v6, v43  }
0x276: {  	[tilespmem:v1+s26+$0x0] =	vst.idx.msk $0xffff, v4  }
0x277: {  	[tilespmem:v62+s26+$0x0] =	vst.idx.msk $0xffff, v0  }
0x278: {  	[tilespmem:v15+s26+$0x0] =	vst.idx.msk $0xffff, v2;
	v0 =	vld.idx.msk [tilespmem:v39+s9+$0x0], $0xffff;
	v5 =	vor.u32 s8, v5  }
0x279: {  	v7 =	vld [tilespmem:$0x1FC40];
	v5 =	vand.u32 $0x7F, v5  }
0x27a: {  	v1 =	vor.u32 v5, v44;
	v5 =	vld [tilespmem:$0x1FC30];
	[tilespmem:v6+s26+$0x0] =	vst.idx.msk $0xffff, v3  }
0x27b: {  	v6 =	vld [tilespmem:$0x1FF00]  }
0x27c: {  	v2 =	vld.idx.msk [tilespmem:v16+s9+$0x0], $0xffff  }
0x27d: {  	v4 =	vld.idx.msk [tilespmem:v61+s9+$0x0], $0xffff  }
0x27e: {  	v8 =	vld.idx.msk [tilespmem:v11+s9+$0x0], $0xffff  }
0x27f: {  	v28 =	vld [tilespmem:$0x1FDE0]  }
0x280: {  	[tilespmem:v59+s26+$0x0] =	vst.idx.msk $0xffff, v0;
	v1 =	vld.idx.msk [tilespmem:v1+s9+$0x0], $0xffff;
	v6 =	vor.u32 v6, v43  }
0x281: {  	[tilespmem:v57+s26+$0x0] =	vst.idx.msk $0xffff, v2;
	v9 =	vld.idx.msk [tilespmem:v60+s9+$0x0], $0xffff  }
0x282: {  	[tilespmem:v58+s26+$0x0] =	vst.idx.msk $0xffff, v4;
	v4 =	vld.idx.msk [tilespmem:v56+s9+$0x0], $0xffff  }
0x283: {  	v11 =	vld.idx.msk [tilespmem:v53+s9+$0x0], $0xffff  }
0x284: {  	[tilespmem:v42+s26+$0x0] =	vst.idx.msk $0xffff, v8  }
0x285: {  	[tilespmem:v6+s26+$0x0] =	vst.idx.msk $0xffff, v1  }
0x286: {  	v29 =	vld [tilespmem:$0x1FF10];
	[tilespmem:v55+s26+$0x0] =	vst.idx.msk $0xffff, v9  }
0x287: {  	v7 =	vor.u32 v18, v7;
	v10 =	vor.u32 s10, v28;
	[tilespmem:v54+s26+$0x0] =	vst.idx.msk $0xffff, v4  }
0x288: {  	v3 =	vor.u32 s8, v28;
	v10 =	vand.u32 $0x4F, v10;
	[tilespmem:v52+s26+$0x0] =	vst.idx.msk $0xffff, v11  }
0x289: {  	v0 =	vor.u32 s0, v28;
	v3 =	vand.u32 $0x7F, v3;
	v8 =	vor.u32 v10, v46;
	v10 =	vld [tilespmem:$0x1FC60]  }
0x28a: {  	v0 =	vand.u32 $0x5F, v0;
	v3 =	vor.u32 v3, v44  }
0x28b: {  	v0 =	vor.u32 v0, v47  }
0x28c: {  	v7 =	vld.idx.msk [tilespmem:v7+s9+$0x0], $0xffff;
	v2 =	vor.u32 s5, v28  }
0x28d: {  	v2 =	vand.u32 $0x6F, v2  }
0x28e: {  	v2 =	vor.u32 v2, v45  }
0x28f: {  	v1 =	vld.idx.msk [tilespmem:v3+s9+$0x0], $0xffff  }
0x290: {  	v5 =	vor.u32 v19, v5;
	v0 =	vld.idx.msk [tilespmem:v0+s9+$0x0], $0xffff  }
0x291: {  	v3 =	vor.u32 v29, v43;
	[tilespmem:v10+s26+$0x0] =	vst.idx.msk $0xffff, v7;
	v7 =	vld.idx.msk [tilespmem:v8+s9+$0x0], $0xffff  }
0x292: {  	v6 =	vor.u32 v29, v48;
	v8 =	vld [tilespmem:$0x1FC70]  }
0x293: {  	v2 =	vld.idx.msk [tilespmem:v2+s9+$0x0], $0xffff;
	v4 =	vor.u32 v29, v49  }
0x294: {  	v9 =	vor.u32 v29, v50  }
0x295: {  	v5 =	vld.idx.msk [tilespmem:v5+s9+$0x0], $0xffff  }
0x296: {  	[tilespmem:v3+s26+$0x0] =	vst.idx.msk $0xffff, v1  }
0x297: {  	[tilespmem:v6+s26+$0x0] =	vst.idx.msk $0xffff, v0  }
0x298: {  	s8 =	sor.u32 $0x1, s2;
	[tilespmem:v4+s26+$0x0] =	vst.idx.msk $0xffff, v2  }
0x299: {  	s13 =	sshll.u32 s8, $0x7;
	[tilespmem:v9+s26+$0x0] =	vst.idx.msk $0xffff, v7  }
0x29a: {  	s0 =	sand.u32 $0x3FFFFF80, s13;
	[tilespmem:v8+s26+$0x0] =	vst.idx.msk $0xffff, v5  }
0x29b: {  	v0 =	vld [tilespmem:s0+$0x0];
	_ =	sdelay $0x2  }
0x29c: {  	v2 =	vld [tilespmem:$0x1FE20]  }
0x29d: {  	v3 =	vld [tilespmem:$0x1FE00]  }
0x29e: {  	v4 =	vld [tilespmem:$0x1FE10];
	v1 =	vshll.u32 v0, $0x1  }
0x29f: {  	v0 =	vand.u32 $0x7, v0;
	v1 =	vand.u32 $0xFFFFFFF0, v1  }
0x2a0: {  	v0 =	vor.u32 v0, v1  }
0x2a1: {  	v1 =	vperm.xlane v0, v2;
	_ =	sdelay $0x1  }
0x2a2: {  	v0 =	vperm.xlane v0, v4;
	v1 =	vadd.s32 v3, v1;
	_ =	sdelay $0x1  }
0x2a3: {  	v0 =	vadd.s32 v3, v0;
	_ =	sdelay $0x2  }
0x2a4: {  	[tilespmem:s9], [sflag:$0x1] =	stream.indirect_vreg.gather [hbm4b:s1+s4], $0x80, v1, vm0, $0xb8;
	[tilespmem:$0x19C00] =	vst v63  }
0x2a5: {  	s14 =	simm.s32 $0x2400  }
0x2a6: {  	[tilespmem:s14], [sflag:$0x1] =	stream.indirect_vreg.gather [hbm4b:s1+s4], $0x80, v0, vm0, $0xb8;
	[tilespmem:$0x19C00] =	vst v63  }
0x2a7: {  	v0 =	vld [tilespmem:s0+$0x10];
	_ =	sdelay $0x4  }
0x2a8: {  	v1 =	vshll.u32 v0, $0x1  }
0x2a9: {  	v0 =	vand.u32 $0x7, v0;
	v1 =	vand.u32 $0xFFFFFFF0, v1  }
0x2aa: {  	v0 =	vor.u32 v0, v1  }
0x2ab: {  	v1 =	vperm.xlane v0, v2;
	_ =	sdelay $0x1  }
0x2ac: {  	v0 =	vperm.xlane v0, v4;
	v1 =	vadd.s32 v3, v1;
	_ =	sdelay $0x1  }
0x2ad: {  	v0 =	vadd.s32 v3, v0;
	_ =	sdelay $0x1  }
0x2ae: {  	s15 =	simm.s32 $0x2C00  }
0x2af: {  	[tilespmem:s15], [sflag:$0x1] =	stream.indirect_vreg.gather [hbm4b:s1+s4], $0x80, v1, vm0, $0xb8;
	[tilespmem:$0x19C00] =	vst v63  }
0x2b0: {  	s16 =	simm.s32 $0x3400  }
0x2b1: {  	[tilespmem:s16], [sflag:$0x1] =	stream.indirect_vreg.gather [hbm4b:s1+s4], $0x80, v0, vm0, $0xb8;
	[tilespmem:$0x19C00] =	vst v63  }
0x2b2: {  	v0 =	vld [tilespmem:s0+$0x20];
	_ =	sdelay $0x4  }
0x2b3: {  	v1 =	vshll.u32 v0, $0x1  }
0x2b4: {  	v0 =	vand.u32 $0x7, v0;
	v1 =	vand.u32 $0xFFFFFFF0, v1  }
0x2b5: {  	v0 =	vor.u32 v0, v1  }
0x2b6: {  	v1 =	vperm.xlane v0, v2;
	_ =	sdelay $0x1  }
0x2b7: {  	v0 =	vperm.xlane v0, v4;
	v1 =	vadd.s32 v3, v1;
	_ =	sdelay $0x1  }
0x2b8: {  	v0 =	vadd.s32 v3, v0;
	_ =	sdelay $0x1  }
0x2b9: {  	s18 =	simm.s32 $0x3C00  }
0x2ba: {  	[tilespmem:s18], [sflag:$0x1] =	stream.indirect_vreg.gather [hbm4b:s1+s4], $0x80, v1, vm0, $0xb8;
	[tilespmem:$0x19C00] =	vst v63  }
0x2bb: {  	s19 =	simm.s32 $0x4400  }
0x2bc: {  	[tilespmem:s19], [sflag:$0x1] =	stream.indirect_vreg.gather [hbm4b:s1+s4], $0x80, v0, vm0, $0xb8;
	[tilespmem:$0x19C00] =	vst v63  }
0x2bd: {  	v0 =	vld [tilespmem:s0+$0x30];
	_ =	sdelay $0x4  }
0x2be: {  	v1 =	vshll.u32 v0, $0x1  }
0x2bf: {  	v0 =	vand.u32 $0x7, v0;
	v1 =	vand.u32 $0xFFFFFFF0, v1  }
0x2c0: {  	v0 =	vor.u32 v0, v1  }
0x2c1: {  	v1 =	vperm.xlane v0, v2;
	_ =	sdelay $0x1  }
0x2c2: {  	v0 =	vperm.xlane v0, v4;
	v1 =	vadd.s32 v3, v1  }
0x2c3: {  	s10 =	simm.s32 $0x0  }
0x2c4: {  	s14 =	sand.u32 $0x30, s10;
	s15 =	sand.u32 $0xC, s10;
	v0 =	vadd.s32 v3, v0  }
0x2c5: {  	v7 =	vor.u32 $0x40, v24;
	s16 =	sor.u32 $0x3, s15;
	v2 =	vmov s14;
	v4 =	vmul.u32 $0x100, v24  }
0x2c6: {  	s20 =	simm.s32 $0x4C00;
	[tilespmem:$0x1FC10] =	vst v7;
	s5 =	sshll.u32 s16, $0x4;
	v2 =	vshll.u32 v2, $0x8  }
0x2c7: {  	v2 =	vor.u32 v4, v2;
	v3 =	vmov s5;
	[tilespmem:s20], [sflag:$0x1] =	stream.indirect_vreg.gather [hbm4b:s1+s4], $0x80, v1, vm0, $0xb8;
	[tilespmem:$0x19C00] =	vst v63  }
0x2c8: {  	s21 =	simm.s32 $0x5400;
	[tilespmem:$0x1FC00] =	vst v4;
	v2 =	vand.u32 $0x3800, v2;
	v3 =	vshll.u32 v3, $0x3  }
0x2c9: {  	v4 =	vor.u32 s5, v24;
	v2 =	vor.u32 v22, v2;
	v3 =	vand.u32 $0x400, v3;
	[tilespmem:s21], [sflag:$0x1] =	stream.indirect_vreg.gather [hbm4b:s1+s4], $0x80, v0, vm0, $0xb8;
	[tilespmem:$0x19C00] =	vst v63  }
0x2ca: {  	v12 =	vld [tilespmem:$0x1FE40];
	s18 =	sor.u32 $0x1, s15;
	v4 =	vand.u32 $0x7F, v4;
	v41 =	vor.u32 v3, v2;
	_ =	swait.ge [sflag:s28], $0x4000  }
0x2cb: {  	s13 =	sshll.u32 s15, $0x4;
	s12 =	sshll.u32 s18, $0x4;
	s19 =	sor.u32 $0x2, s15;
	v4 =	vor.u32 v4, v41;
	v11 =	vld [tilespmem:$0x1FE30]  }
0x2cc: {  	v6 =	vmov s13;
	v9 =	vor.u32 s13, v24;
	s11 =	sshll.u32 s19, $0x4;
	v3 =	vmov s12  }
0x2cd: {  	v5 =	vmov s11;
	v10 =	vor.u32 s11, v24;
	v3 =	vshll.u32 v3, $0x3  }
0x2ce: {  	v1 =	vshll.u32 v5, $0x3;
	v5 =	vshll.u32 v6, $0x3;
	v6 =	vor.u32 s14, v7;
	s20 =	sshll.u32 s16, $0xB;
	[sflag:s28] =	ssyncset.done $0x0  }
0x2cf: {  	v40 =	vor.u32 s20, v6;
	v0 =	vand.u32 $0x400, v1;
	v1 =	vor.u32 s5, v12;
	v14 =	vld [tilespmem:$0x1FE60];
	[sflag:s28] =	ssyncadd.s32 $0xFFFFC000  }
0x2d0: {  	v1 =	vand.u32 $0x7F, v1;
	v45 =	vor.u32 v0, v2;
	v0 =	vld.idx.msk [tilespmem:v4+s17+$0x0], $0xffff;
	v8 =	vor.u32 v11, v40  }
0x2d1: {  	v3 =	vand.u32 $0x400, v3;
	v7 =	vor.u32 s12, v24;
	v1 =	vor.u32 v1, v41;
	v19 =	vld [tilespmem:$0x1FE50]  }
0x2d2: {  	v5 =	vand.u32 $0x400, v5;
	v46 =	vor.u32 v3, v2;
	v3 =	vand.u32 $0x5F, v7  }
0x2d3: {  	s18 =	sshll.u32 s18, $0xB;
	s20 =	sshll.u32 s19, $0xB;
	v44 =	vor.u32 v5, v2;
	v3 =	vor.u32 v3, v46;
	v2 =	vand.u32 $0x4F, v9  }
0x2d4: {  	v47 =	vor.u32 s18, v6;
	s21 =	sshll.u32 s15, $0xB;
	v42 =	vor.u32 s20, v6;
	v2 =	vor.u32 v2, v44  }
0x2d5: {  	v43 =	vor.u32 s21, v6;
	v4 =	vand.u32 $0x6F, v10;
	v9 =	vor.u32 s5, v14;
	[tilespmem:v8+s26+$0x0] =	vst.idx.msk $0xffff, v0  }
0x2d6: {  	v4 =	vor.u32 v4, v45;
	v6 =	vor.u32 v19, v40;
	v9 =	vand.u32 $0x7F, v9;
	v1 =	vld.idx.msk [tilespmem:v1+s17+$0x0], $0xffff  }
0x2d7: {  	v8 =	vor.u32 v9, v41;
	v20 =	vld [tilespmem:$0x1FE70]  }
0x2d8: {  	v5 =	vor.u32 s12, v12;
	v3 =	vld.idx.msk [tilespmem:v3+s17+$0x0], $0xffff  }
0x2d9: {  	v2 =	vld.idx.msk [tilespmem:v2+s17+$0x0], $0xffff;
	v0 =	vor.u32 v11, v47;
	v9 =	vor.u32 v11, v42;
	v11 =	vor.u32 v11, v43  }
0x2da: {  	v7 =	vor.u32 s11, v12;
	v5 =	vand.u32 $0x5F, v5;
	v10 =	vor.u32 s13, v12;
	v21 =	vld [tilespmem:$0x1FE80]  }
0x2db: {  	v7 =	vand.u32 $0x6F, v7;
	v5 =	vor.u32 v5, v46;
	v10 =	vand.u32 $0x4F, v10;
	v4 =	vld.idx.msk [tilespmem:v4+s17+$0x0], $0xffff;
	[tilespmem:v6+s26+$0x0] =	vst.idx.msk $0xffff, v1  }
0x2dc: {  	v7 =	vor.u32 v7, v45;
	v10 =	vor.u32 v10, v44;
	v18 =	vor.u32 v20, v40;
	v8 =	vld.idx.msk [tilespmem:v8+s17+$0x0], $0xffff  }
0x2dd: {  	v12 =	vor.u32 s13, v14;
	v13 =	vor.u32 s12, v14;
	v14 =	vor.u32 s11, v14  }
0x2de: {  	v15 =	vor.u32 v19, v47;
	v14 =	vand.u32 $0x6F, v14;
	v12 =	vand.u32 $0x4F, v12;
	[tilespmem:v11+s26+$0x0] =	vst.idx.msk $0xffff, v2  }
0x2df: {  	v11 =	vor.u32 v12, v44;
	v12 =	vor.u32 v14, v45;
	[tilespmem:v0+s26+$0x0] =	vst.idx.msk $0xffff, v3;
	v16 =	vor.u32 s5, v21  }
0x2e0: {  	[tilespmem:v9+s26+$0x0] =	vst.idx.msk $0xffff, v4;
	v3 =	vor.u32 v20, v47;
	v14 =	vor.u32 s11, v21;
	v4 =	vor.u32 v20, v42  }
0x2e1: {  	v1 =	vand.u32 $0x7F, v16;
	v9 =	vand.u32 $0x6F, v14;
	v14 =	vor.u32 v20, v43;
	v20 =	vld [tilespmem:$0x1FEA0];
	[tilespmem:v18+s26+$0x0] =	vst.idx.msk $0xffff, v8  }
0x2e2: {  	v17 =	vor.u32 v19, v42;
	v6 =	vor.u32 v19, v43;
	v1 =	vor.u32 v1, v41;
	v19 =	vld [tilespmem:$0x1FE90]  }
0x2e3: {  	v10 =	vld.idx.msk [tilespmem:v10+s17+$0x0], $0xffff  }
0x2e4: {  	v13 =	vand.u32 $0x5F, v13;
	v5 =	vld.idx.msk [tilespmem:v5+s17+$0x0], $0xffff  }
0x2e5: {  	v13 =	vor.u32 v13, v46;
	v7 =	vld.idx.msk [tilespmem:v7+s17+$0x0], $0xffff  }
0x2e6: {  	v56 =	vor.u32 s13, v23;
	v16 =	vor.u32 s5, v20  }
0x2e7: {  	v58 =	vor.u32 s13, v27;
	v16 =	vand.u32 $0x7F, v16;
	v1 =	vld.idx.msk [tilespmem:v1+s17+$0x0], $0xffff;
	v8 =	vor.u32 v19, v40  }
0x2e8: {  	v57 =	vor.u32 v36, v40;
	v0 =	vor.u32 s13, v21;
	[tilespmem:v6+s26+$0x0] =	vst.idx.msk $0xffff, v10;
	v16 =	vor.u32 v16, v41  }
0x2e9: {  	v59 =	vor.u32 v25, v40;
	v2 =	vor.u32 s12, v21;
	v0 =	vand.u32 $0x4F, v0;
	[tilespmem:v15+s26+$0x0] =	vst.idx.msk $0xffff, v5;
	v11 =	vld.idx.msk [tilespmem:v11+s17+$0x0], $0xffff  }
0x2ea: {  	v2 =	vand.u32 $0x5F, v2;
	v0 =	vor.u32 v0, v44;
	v10 =	vor.u32 s11, v20;
	[tilespmem:v17+s26+$0x0] =	vst.idx.msk $0xffff, v7;
	v13 =	vld.idx.msk [tilespmem:v13+s17+$0x0], $0xffff  }
0x2eb: {  	v2 =	vor.u32 v2, v46;
	v9 =	vor.u32 v9, v45;
	v10 =	vand.u32 $0x6F, v10;
	v12 =	vld.idx.msk [tilespmem:v12+s17+$0x0], $0xffff  }
0x2ec: {  	v18 =	vor.u32 s12, v20;
	[tilespmem:v8+s26+$0x0] =	vst.idx.msk $0xffff, v1;
	v1 =	vor.u32 v10, v45;
	v10 =	vor.u32 s5, v35  }
0x2ed: {  	v6 =	vor.u32 s13, v20;
	v20 =	vor.u32 v34, v40;
	v16 =	vld.idx.msk [tilespmem:v16+s17+$0x0], $0xffff;
	v10 =	vand.u32 $0x7F, v10  }
0x2ee: {  	v61 =	vor.u32 v37, v40;
	v21 =	vand.u32 $0x4F, v58;
	[tilespmem:v14+s26+$0x0] =	vst.idx.msk $0xffff, v11;
	v10 =	vor.u32 v10, v41  }
0x2ef: {  	v15 =	vand.u32 $0x5F, v18;
	v6 =	vand.u32 $0x4F, v6;
	v18 =	vor.u32 v19, v43;
	[tilespmem:v3+s26+$0x0] =	vst.idx.msk $0xffff, v13;
	v0 =	vld.idx.msk [tilespmem:v0+s17+$0x0], $0xffff  }
0x2f0: {  	v6 =	vor.u32 v6, v44;
	v5 =	vor.u32 v19, v47;
	[tilespmem:v4+s26+$0x0] =	vst.idx.msk $0xffff, v12;
	v2 =	vld.idx.msk [tilespmem:v2+s17+$0x0], $0xffff  }
0x2f1: {  	v21 =	vor.u32 v21, v44;
	v7 =	vor.u32 v15, v46;
	v19 =	vor.u32 v19, v42;
	v9 =	vld.idx.msk [tilespmem:v9+s17+$0x0], $0xffff  }
0x2f2: {  	v17 =	vor.u32 s13, v35;
	v15 =	vor.u32 s12, v35;
	[tilespmem:v20+s26+$0x0] =	vst.idx.msk $0xffff, v16;
	v20 =	vor.u32 s5, v23  }
0x2f3: {  	v11 =	vor.u32 v34, v47;
	v3 =	vor.u32 v34, v42;
	v10 =	vld.idx.msk [tilespmem:v10+s17+$0x0], $0xffff;
	v20 =	vand.u32 $0x7F, v20  }
0x2f4: {  	v14 =	vand.u32 $0x5F, v15;
	v13 =	vor.u32 v34, v43;
	[tilespmem:v18+s26+$0x0] =	vst.idx.msk $0xffff, v0;
	v20 =	vor.u32 v20, v41  }
0x2f5: {  	v15 =	vand.u32 $0x4F, v17;
	v17 =	vor.u32 s12, v23;
	v4 =	vor.u32 v36, v47;
	[tilespmem:v5+s26+$0x0] =	vst.idx.msk $0xffff, v2;
	v6 =	vld.idx.msk [tilespmem:v6+s17+$0x0], $0xffff  }
0x2f6: {  	v12 =	vor.u32 s11, v23;
	v15 =	vor.u32 v15, v44;
	v8 =	vor.u32 s11, v35;
	[tilespmem:v19+s26+$0x0] =	vst.idx.msk $0xffff, v9;
	v7 =	vld.idx.msk [tilespmem:v7+s17+$0x0], $0xffff  }
0x2f7: {  	v14 =	vor.u32 v14, v46;
	v12 =	vand.u32 $0x6F, v12;
	v8 =	vand.u32 $0x6F, v8;
	v1 =	vld.idx.msk [tilespmem:v1+s17+$0x0], $0xffff  }
0x2f8: {  	v17 =	vand.u32 $0x5F, v17;
	v12 =	vor.u32 v12, v45;
	v8 =	vor.u32 v8, v45;
	[tilespmem:v57+s26+$0x0] =	vst.idx.msk $0xffff, v10  }
0x2f9: {  	v0 =	vand.u32 $0x4F, v56;
	v18 =	vor.u32 v36, v43;
	v10 =	vor.u32 s5, v27;
	v20 =	vld.idx.msk [tilespmem:v20+s17+$0x0], $0xffff  }
0x2fa: {  	v2 =	vor.u32 v17, v46;
	v5 =	vor.u32 s12, v27;
	v10 =	vand.u32 $0x7F, v10;
	v32 =	vld [tilespmem:$0x1FFC0];
	[tilespmem:v13+s26+$0x0] =	vst.idx.msk $0xffff, v6  }
0x2fb: {  	v9 =	vor.u32 v25, v43;
	[tilespmem:v11+s26+$0x0] =	vst.idx.msk $0xffff, v7;
	v6 =	vor.u32 v10, v41;
	v15 =	vld.idx.msk [tilespmem:v15+s17+$0x0], $0xffff  }
0x2fc: {  	v17 =	vor.u32 s11, v27;
	v0 =	vor.u32 v0, v44;
	v5 =	vand.u32 $0x5F, v5;
	[tilespmem:v3+s26+$0x0] =	vst.idx.msk $0xffff, v1;
	v14 =	vld.idx.msk [tilespmem:v14+s17+$0x0], $0xffff  }
0x2fd: {  	v19 =	vor.u32 v25, v42;
	v17 =	vand.u32 $0x6F, v17;
	v5 =	vor.u32 v5, v46;
	v27 =	vld [tilespmem:$0x1FF50]  }
0x2fe: {  	v17 =	vor.u32 v17, v45;
	v16 =	vor.u32 v36, v42;
	v3 =	vld.idx.msk [tilespmem:v8+s17+$0x0], $0xffff;
	[tilespmem:v59+s26+$0x0] =	vst.idx.msk $0xffff, v20  }
0x2ff: {  	v33 =	vmovc v25;
	v23 =	vor.u32 v25, v47;
	v25 =	vor.u32 v37, v43;
	v20 =	vor.u32 s5, v32;
	v60 =	vld [tilespmem:$0x1FFB0]  }
0x300: {  	v13 =	vor.u32 v37, v47;
	v6 =	vld.idx.msk [tilespmem:v6+s17+$0x0], $0xffff;
	v20 =	vand.u32 $0x7F, v20;
	[tilespmem:v18+s26+$0x0] =	vst.idx.msk $0xffff, v15  }
0x301: {  	v24 =	vor.u32 s12, v32;
	v7 =	vor.u32 s11, v32;
	[tilespmem:v4+s26+$0x0] =	vst.idx.msk $0xffff, v14;
	v15 =	vor.u32 v20, v41;
	v0 =	vld.idx.msk [tilespmem:v0+s17+$0x0], $0xffff  }
0x302: {  	v11 =	vand.u32 $0x5F, v24;
	v24 =	vor.u32 v37, v42;
	v7 =	vand.u32 $0x6F, v7;
	v62 =	vld [tilespmem:$0x1FF70]  }
0x303: {  	v10 =	vor.u32 s13, v32;
	v48 =	vor.u32 v7, v45;
	v7 =	vor.u32 s13, v27;
	v2 =	vld.idx.msk [tilespmem:v2+s17+$0x0], $0xffff;
	[tilespmem:v16+s26+$0x0] =	vst.idx.msk $0xffff, v3  }
0x304: {  	v8 =	vor.u32 s11, v27;
	v11 =	vor.u32 v11, v46;
	v7 =	vand.u32 $0x4F, v7;
	v63 =	vld [tilespmem:$0x1FF60]  }
0x305: {  	v1 =	vor.u32 s12, v27;
	v8 =	vand.u32 $0x6F, v8;
	v20 =	vor.u32 v7, v44;
	v7 =	vld.idx.msk [tilespmem:v12+s17+$0x0], $0xffff;
	[tilespmem:v61+s26+$0x0] =	vst.idx.msk $0xffff, v6  }
0x306: {  	v10 =	vand.u32 $0x4F, v10;
	v1 =	vand.u32 $0x5F, v1;
	v14 =	vor.u32 v8, v45;
	v8 =	vld.idx.msk [tilespmem:v15+s17+$0x0], $0xffff;
	[tilespmem:v9+s26+$0x0] =	vst.idx.msk $0xffff, v0  }
0x307: {  	v10 =	vor.u32 v10, v44;
	v50 =	vor.u32 v1, v46;
	v22 =	vor.u32 v60, v47;
	v21 =	vld.idx.msk [tilespmem:v21+s17+$0x0], $0xffff  }
0x308: {  	v6 =	vor.u32 s5, v27;
	v16 =	vor.u32 v60, v40;
	v4 =	vor.u32 s11, v62;
	v27 =	vld [tilespmem:$0x1FF80];
	[tilespmem:v23+s26+$0x0] =	vst.idx.msk $0xffff, v2  }
0x309: {  	v49 =	vor.u32 v60, v42;
	v18 =	vor.u32 v60, v43;
	v4 =	vand.u32 $0x6F, v4;
	v23 =	vld [tilespmem:$0x1FF90]  }
0x30a: {  	v60 =	vor.u32 v31, v47;
	v61 =	vor.u32 v31, v42;
	v12 =	vor.u32 v4, v45;
	v4 =	vld.idx.msk [tilespmem:v5+s17+$0x0], $0xffff  }
0x30b: {  	v26 =	vmovc v37;
	v1 =	vor.u32 s12, v62;
	v6 =	vand.u32 $0x7F, v6;
	v51 =	vor.u32 v63, v47  }
0x30c: {  	v3 =	vor.u32 s13, v62;
	v32 =	vor.u32 v63, v42;
	v9 =	vor.u32 v6, v41;
	[tilespmem:v19+s26+$0x0] =	vst.idx.msk $0xffff, v7  }
0x30d: {  	v1 =	vand.u32 $0x5F, v1;
	v15 =	vor.u32 v63, v43;
	v0 =	vand.u32 $0x4F, v3;
	v5 =	vld.idx.msk [tilespmem:v17+s17+$0x0], $0xffff;
	[tilespmem:v16+s26+$0x0] =	vst.idx.msk $0xffff, v8  }
0x30e: {  	v54 =	vor.u32 v1, v46;
	v52 =	vor.u32 v0, v44;
	v37 =	vld [tilespmem:$0x1FEE0];
	[tilespmem:v25+s26+$0x0] =	vst.idx.msk $0xffff, v21;
	v0 =	vor.u32 s12, v23  }
0x30f: {  	v16 =	vor.u32 v63, v40;
	v1 =	vor.u32 s11, v23;
	v2 =	vor.u32 s13, v23;
	v10 =	vld.idx.msk [tilespmem:v10+s17+$0x0], $0xffff;
	[tilespmem:v13+s26+$0x0] =	vst.idx.msk $0xffff, v4  }
0x310: {  	v0 =	vand.u32 $0x5F, v0;
	v2 =	vand.u32 $0x4F, v2;
	v6 =	vand.u32 $0x6F, v1;
	v11 =	vld.idx.msk [tilespmem:v11+s17+$0x0], $0xffff  }
0x311: {  	v1 =	vor.u32 v2, v44;
	v7 =	vor.u32 v0, v46;
	v0 =	vor.u32 s5, v62;
	v2 =	vld.idx.msk [tilespmem:v9+s17+$0x0], $0xffff  }
0x312: {  	v63 =	vor.u32 v31, v43;
	v59 =	vor.u32 v27, v47;
	v0 =	vand.u32 $0x7F, v0  }
0x313: {  	v3 =	vor.u32 v27, v42;
	v25 =	vld [tilespmem:$0x1FFA0];
	[tilespmem:v24+s26+$0x0] =	vst.idx.msk $0xffff, v5;
	v17 =	vor.u32 v0, v41  }
0x314: {  	v53 =	vor.u32 v27, v43;
	v55 =	vor.u32 v27, v40;
	v19 =	vor.u32 s13, v37;
	[tilespmem:v18+s26+$0x0] =	vst.idx.msk $0xffff, v10  }
0x315: {  	v5 =	vor.u32 s12, v30;
	v6 =	vor.u32 v6, v45;
	v13 =	vand.u32 $0x4F, v19;
	[tilespmem:v22+s26+$0x0] =	vst.idx.msk $0xffff, v11  }
0x316: {  	v5 =	vand.u32 $0x5F, v5;
	v38 =	vor.u32 v13, v44;
	v13 =	vld.idx.msk [tilespmem:v48+s17+$0x0], $0xffff;
	[tilespmem:v16+s26+$0x0] =	vst.idx.msk $0xffff, v2;
	v16 =	vor.u32 s13, v30  }
0x317: {  	v8 =	vor.u32 s12, v37;
	v2 =	vor.u32 s5, v23;
	v10 =	vand.u32 $0x4F, v16;
	v16 =	vld [tilespmem:$0x1FF20]  }
0x318: {  	v9 =	vor.u32 s11, v37;
	v19 =	vor.u32 s11, v30;
	v2 =	vand.u32 $0x7F, v2;
	v17 =	vld.idx.msk [tilespmem:v17+s17+$0x0], $0xffff  }
0x319: {  	v8 =	vand.u32 $0x5F, v8;
	v18 =	vor.u32 v2, v41;
	v2 =	vand.u32 $0x6F, v19;
	v19 =	vld.idx.msk [tilespmem:v20+s17+$0x0], $0xffff  }
0x31a: {  	v9 =	vand.u32 $0x6F, v9;
	v0 =	vor.u32 v25, v47;
	v4 =	vor.u32 v25, v42  }
0x31b: {  	v39 =	vor.u32 v25, v43;
	v8 =	vor.u32 v8, v46;
	v20 =	vld.idx.msk [tilespmem:v50+s17+$0x0], $0xffff;
	[tilespmem:v49+s26+$0x0] =	vst.idx.msk $0xffff, v13  }
0x31c: {  	v9 =	vor.u32 v9, v45;
	v62 =	vor.u32 v10, v44;
	v10 =	vor.u32 v5, v46;
	v14 =	vld.idx.msk [tilespmem:v14+s17+$0x0], $0xffff  }
0x31d: {  	v5 =	vld [tilespmem:$0x1FEF0];
	v11 =	vor.u32 s12, v16;
	v13 =	vor.u32 s13, v16;
	v16 =	vor.u32 s11, v16;
	[tilespmem:v55+s26+$0x0] =	vst.idx.msk $0xffff, v17  }
0x31e: {  	v48 =	vor.u32 v29, v47;
	v2 =	vor.u32 v2, v45;
	[tilespmem:v15+s26+$0x0] =	vst.idx.msk $0xffff, v19;
	v15 =	vand.u32 $0x6F, v16  }
0x31f: {  	v16 =	vor.u32 s5, v37;
	v13 =	vand.u32 $0x4F, v13;
	v17 =	vld.idx.msk [tilespmem:v18+s17+$0x0], $0xffff;
	v18 =	vor.u32 v25, v40  }
0x320: {  	v11 =	vand.u32 $0x5F, v11;
	[tilespmem:v51+s26+$0x0] =	vst.idx.msk $0xffff, v20;
	v19 =	vand.u32 $0x7F, v16;
	v16 =	vor.u32 v13, v44  }
0x321: {  	v13 =	vor.u32 s12, v28;
	v56 =	vor.u32 v11, v46;
	v55 =	vor.u32 v15, v45;
	[tilespmem:v32+s26+$0x0] =	vst.idx.msk $0xffff, v14  }
0x322: {  	v11 =	vor.u32 s13, v28;
	v15 =	vor.u32 s11, v28;
	v19 =	vor.u32 v19, v41;
	v20 =	vld [tilespmem:$0x1FF00]  }
0x323: {  	v11 =	vand.u32 $0x4F, v11;
	v58 =	vor.u32 v5, v47;
	v57 =	vor.u32 v5, v42  }
0x324: {  	v5 =	vor.u32 v5, v43;
	v14 =	vld.idx.msk [tilespmem:v52+s17+$0x0], $0xffff;
	[tilespmem:v18+s26+$0x0] =	vst.idx.msk $0xffff, v17;
	v17 =	vand.u32 $0x5F, v13;
	v18 =	vand.u32 $0x6F, v15  }
0x325: {  	v13 =	vld.idx.msk [tilespmem:v54+s17+$0x0], $0xffff;
	v54 =	vor.u32 v11, v44;
	v49 =	vor.u32 v18, v45;
	v18 =	vor.u32 s5, v30  }
0x326: {  	v50 =	vor.u32 v17, v46;
	v17 =	vld.idx.msk [tilespmem:v12+s17+$0x0], $0xffff;
	v12 =	vor.u32 v31, v40;
	v18 =	vand.u32 $0x7F, v18  }
0x327: {  	v11 =	vld.idx.msk [tilespmem:v19+s17+$0x0], $0xffff;
	v51 =	vor.u32 v20, v47;
	v52 =	vor.u32 v20, v42;
	v15 =	vor.u32 v20, v43  }
.LBB2_5:
0x328: {  	v37 =	vld [tilespmem:$0x1FF20]  }
0x329: {  	v28 =	vld [tilespmem:$0x1FEF0]  }
0x32a: {  	v29 =	vld [tilespmem:$0x1FF00];
	[tilespmem:v59+s26+$0x0] =	vst.idx.msk $0xffff, v13  }
0x32b: {  	[tilespmem:v3+s26+$0x0] =	vst.idx.msk $0xffff, v17;
	v17 =	vld [tilespmem:$0x1FC00]  }
0x32c: {  	s10 =	sadd.s32 $0x4, s10;
	v7 =	vld.idx.msk [tilespmem:v7+s17+$0x0], $0xffff  }
0x32d: {  	s18 =	sand.u32 $0x30, s10;
	s14 =	sand.u32 $0xC, s10;
	v6 =	vld.idx.msk [tilespmem:v6+s17+$0x0], $0xffff;
	[tilespmem:v53+s26+$0x0] =	vst.idx.msk $0xffff, v14;
	v14 =	vor.u32 v18, v41  }
0x32e: {  	v13 =	vmov s18;
	s20 =	sor.u32 $0x3, s14;
	v18 =	vld.idx.msk [tilespmem:v1+s17+$0x0], $0xffff  }
0x32f: {  	v27 =	vld [tilespmem:$0x1FF10];
	v3 =	vshll.u32 v13, $0x8;
	s21 =	sshll.u32 s20, $0x4  }
0x330: {  	v23 =	vlaneseq.u32;
	v32 =	vld [tilespmem:$0x1FDE0];
	[tilespmem:v12+s26+$0x0] =	vst.idx.msk $0xffff, v11;
	v3 =	vor.u32 v17, v3;
	v17 =	vmov s21  }
0x331: {  	s15 =	sor.u32 $0x1, s14;
	v13 =	vor.u32 s5, v37;
	v21 =	vor.u32 v29, v40;
	v11 =	vshll.u32 v17, $0x3;
	v17 =	vld [tilespmem:$0x1FFD0];
	[tilespmem:v0+s26+$0x0] =	vst.idx.msk $0xffff, v7  }
0x332: {  	s12 =	sshll.u32 s14, $0x4;
	s13 =	sshll.u32 s15, $0x4;
	v19 =	vor.u32 s21, v23;
	v13 =	vand.u32 $0x7F, v13;
	[tilespmem:v4+s26+$0x0] =	vst.idx.msk $0xffff, v6;
	v12 =	vld.idx.msk [tilespmem:v14+s17+$0x0], $0xffff;
	v14 =	vor.u32 v28, v40  }
0x333: {  	v13 =	vor.u32 v13, v41;
	v0 =	vmov s12;
	v8 =	vld.idx.msk [tilespmem:v8+s17+$0x0], $0xffff;
	[tilespmem:v39+s26+$0x0] =	vst.idx.msk $0xffff, v18;
	v18 =	vmov s13  }
0x334: {  	s19 =	sor.u32 $0x2, s14;
	v3 =	vand.u32 $0x3800, v3;
	v0 =	vshll.u32 v0, $0x3;
	v6 =	vld.idx.msk [tilespmem:v9+s17+$0x0], $0xffff;
	v7 =	vshll.u32 v18, $0x3  }
0x335: {  	s11 =	sshll.u32 s19, $0x4;
	v11 =	vand.u32 $0x400, v11;
	v0 =	vand.u32 $0x400, v0;
	v20 =	vld.idx.msk [tilespmem:v38+s17+$0x0], $0xffff;
	v4 =	vand.u32 $0x400, v7  }
0x336: {  	v7 =	vld [tilespmem:$0x1FC10];
	v3 =	vor.u32 v17, v3;
	v17 =	vand.u32 $0x7F, v19;
	v19 =	vmov s11  }
0x337: {  	v25 =	vld [tilespmem:$0x1FE30];
	v11 =	vor.u32 v11, v3;
	v18 =	vshll.u32 v19, $0x3;
	[tilespmem:v14+s26+$0x0] =	vst.idx.msk $0xffff, v12;
	v12 =	vor.u32 s13, v23  }
0x338: {  	v59 =	vld [tilespmem:$0x1FE40];
	v44 =	vor.u32 v0, v3;
	v46 =	vor.u32 v4, v3;
	v17 =	vor.u32 v17, v11  }
0x339: {  	[tilespmem:v60+s26+$0x0] =	vst.idx.msk $0xffff, v8;
	v9 =	vand.u32 $0x400, v18;
	v13 =	vld.idx.msk [tilespmem:v13+s17+$0x0], $0xffff;
	v18 =	vor.u32 s5, v32;
	v4 =	vand.u32 $0x5F, v12  }
0x33a: {  	v0 =	vld.idx.msk [tilespmem:v10+s17+$0x0], $0xffff;
	[tilespmem:v63+s26+$0x0] =	vst.idx.msk $0xffff, v20;
	v20 =	vor.u32 s12, v23;
	v23 =	vor.u32 s11, v23;
	v45 =	vor.u32 v9, v3  }
0x33b: {  	s20 =	sshll.u32 s20, $0xB;
	[tilespmem:v61+s26+$0x0] =	vst.idx.msk $0xffff, v6;
	v4 =	vor.u32 v4, v46;
	v7 =	vor.u32 s18, v7;
	v24 =	vld.idx.msk [tilespmem:v62+s17+$0x0], $0xffff;
	v3 =	vand.u32 $0x4F, v20  }
0x33c: {  	v2 =	vld.idx.msk [tilespmem:v2+s17+$0x0], $0xffff;
	v8 =	vand.u32 $0x6F, v23;
	v14 =	vor.u32 s20, v7;
	v3 =	vor.u32 v3, v44  }
0x33d: {  	v18 =	vand.u32 $0x7F, v18;
	v8 =	vor.u32 v8, v45;
	v22 =	vor.u32 v25, v14;
	v17 =	vld.idx.msk [tilespmem:v17+s17+$0x0], $0xffff  }
0x33e: {  	v63 =	vld [tilespmem:$0x1FE70];
	v18 =	vor.u32 v18, v41  }
0x33f: {  	v53 =	vor.u32 v27, v42;
	s5 =	smov.u32 s21;
	v10 =	vor.u32 s11, v59;
	v20 =	vld [tilespmem:$0x1FE50];
	[tilespmem:v58+s26+$0x0] =	vst.idx.msk $0xffff, v0  }
0x340: {  	v1 =	vor.u32 v27, v43;
	v19 =	vor.u32 s5, v59;
	v10 =	vand.u32 $0x6F, v10;
	v4 =	vld.idx.msk [tilespmem:v4+s17+$0x0], $0xffff;
	[tilespmem:v5+s26+$0x0] =	vst.idx.msk $0xffff, v24  }
0x341: {  	s16 =	sshll.u32 s15, $0xB;
	v38 =	vor.u32 s13, v35;
	v19 =	vand.u32 $0x7F, v19;
	v10 =	vor.u32 v10, v45;
	[tilespmem:v21+s26+$0x0] =	vst.idx.msk $0xffff, v13;
	v0 =	vld.idx.msk [tilespmem:v3+s17+$0x0], $0xffff  }
0x342: {  	s19 =	sshll.u32 s19, $0xB;
	v6 =	vor.u32 s13, v59;
	v19 =	vor.u32 v19, v11;
	v47 =	vor.u32 s16, v7;
	v8 =	vld.idx.msk [tilespmem:v8+s17+$0x0], $0xffff;
	[tilespmem:v22+s26+$0x0] =	vst.idx.msk $0xffff, v17  }
0x343: {  	s14 =	sshll.u32 s14, $0xB;
	v42 =	vor.u32 s19, v7;
	v13 =	vor.u32 v27, v40;
	v40 =	vmovc v14;
	v14 =	vor.u32 v25, v47;
	v9 =	vld.idx.msk [tilespmem:v18+s17+$0x0], $0xffff  }
0x344: {  	v43 =	vor.u32 s14, v7;
	v3 =	vand.u32 $0x5F, v6;
	v6 =	vor.u32 v25, v42;
	v18 =	vld [tilespmem:$0x1FE60]  }
0x345: {  	v62 =	vld [tilespmem:$0x1FE80];
	v23 =	vor.u32 v33, v42;
	v5 =	vor.u32 s12, v59;
	v17 =	vor.u32 v25, v43  }
0x346: {  	v31 =	vld [tilespmem:$0x1FE90];
	v41 =	vmovc v11;
	v39 =	vor.u32 v34, v40;
	v60 =	vor.u32 v26, v40;
	v5 =	vand.u32 $0x4F, v5  }
0x347: {  	v7 =	vor.u32 v20, v40;
	[tilespmem:v57+s26+$0x0] =	vst.idx.msk $0xffff, v2;
	v16 =	vld.idx.msk [tilespmem:v16+s17+$0x0], $0xffff;
	v5 =	vor.u32 v5, v44  }
0x348: {  	v2 =	vor.u32 v20, v42;
	v57 =	vor.u32 v33, v40;
	v11 =	vld.idx.msk [tilespmem:v19+s17+$0x0], $0xffff;
	[tilespmem:v14+s26+$0x0] =	vst.idx.msk $0xffff, v4  }
0x349: {  	v3 =	vor.u32 v3, v46;
	v19 =	vor.u32 v63, v40;
	[tilespmem:v6+s26+$0x0] =	vst.idx.msk $0xffff, v8;
	v12 =	vor.u32 s5, v18  }
0x34a: {  	v14 =	vor.u32 v63, v47;
	v8 =	vor.u32 s12, v62;
	v10 =	vld.idx.msk [tilespmem:v10+s17+$0x0], $0xffff;
	[tilespmem:v17+s26+$0x0] =	vst.idx.msk $0xffff, v0;
	v12 =	vand.u32 $0x7F, v12  }
0x34b: {  	v30 =	vld [tilespmem:$0x1FEA0];
	v8 =	vand.u32 $0x4F, v8;
	v0 =	vor.u32 v20, v43;
	[tilespmem:v13+s26+$0x0] =	vst.idx.msk $0xffff, v9;
	v12 =	vor.u32 v12, v41  }
0x34c: {  	v8 =	vor.u32 v8, v44;
	v9 =	vor.u32 s12, v18;
	v13 =	vor.u32 s13, v18;
	v5 =	vld.idx.msk [tilespmem:v5+s17+$0x0], $0xffff;
	[tilespmem:v15+s26+$0x0] =	vst.idx.msk $0xffff, v16  }
0x34d: {  	v18 =	vor.u32 s11, v18;
	v15 =	vor.u32 v31, v40;
	[tilespmem:v7+s26+$0x0] =	vst.idx.msk $0xffff, v11;
	v7 =	vor.u32 v20, v47  }
0x34e: {  	v24 =	vld [tilespmem:$0x1FFF0];
	v11 =	vand.u32 $0x5F, v13;
	v13 =	vor.u32 s5, v62;
	v17 =	vand.u32 $0x6F, v18  }
0x34f: {  	v25 =	vld [tilespmem:$0x1FFE0];
	v9 =	vand.u32 $0x4F, v9;
	v18 =	vor.u32 v63, v42;
	v6 =	vor.u32 v17, v45  }
0x350: {  	v20 =	vor.u32 s5, v30;
	v13 =	vand.u32 $0x7F, v13;
	v4 =	vor.u32 v11, v46;
	v12 =	vld.idx.msk [tilespmem:v12+s17+$0x0], $0xffff  }
0x351: {  	v11 =	vor.u32 s13, v62;
	v9 =	vor.u32 v9, v44;
	v16 =	vand.u32 $0x7F, v20;
	v20 =	vld.idx.msk [tilespmem:v55+s17+$0x0], $0xffff  }
0x352: {  	v3 =	vld.idx.msk [tilespmem:v3+s17+$0x0], $0xffff;
	v17 =	vor.u32 s11, v62;
	v13 =	vor.u32 v13, v41;
	v11 =	vand.u32 $0x5F, v11;
	[tilespmem:v2+s26+$0x0] =	vst.idx.msk $0xffff, v10  }
0x353: {  	v55 =	vor.u32 v36, v40;
	v62 =	vld [tilespmem:$0x1FF60];
	v17 =	vand.u32 $0x6F, v17;
	[tilespmem:v0+s26+$0x0] =	vst.idx.msk $0xffff, v5;
	v0 =	vor.u32 v11, v46  }
0x354: {  	v5 =	vor.u32 s13, v30;
	v11 =	vor.u32 v16, v41;
	v16 =	vor.u32 s12, v30;
	v6 =	vld.idx.msk [tilespmem:v6+s17+$0x0], $0xffff  }
0x355: {  	v5 =	vand.u32 $0x5F, v5;
	v10 =	vand.u32 $0x4F, v16;
	v16 =	vor.u32 v31, v42;
	[tilespmem:v19+s26+$0x0] =	vst.idx.msk $0xffff, v12;
	v12 =	vld.idx.msk [tilespmem:v56+s17+$0x0], $0xffff  }
0x356: {  	v9 =	vld.idx.msk [tilespmem:v9+s17+$0x0], $0xffff;
	v10 =	vor.u32 v10, v44;
	[tilespmem:v52+s26+$0x0] =	vst.idx.msk $0xffff, v20;
	v19 =	vor.u32 v63, v43  }
0x357: {  	v5 =	vor.u32 v5, v46;
	[tilespmem:v7+s26+$0x0] =	vst.idx.msk $0xffff, v3;
	v3 =	vor.u32 v17, v45;
	v13 =	vld.idx.msk [tilespmem:v13+s17+$0x0], $0xffff  }
0x358: {  	v20 =	vor.u32 v36, v47;
	v52 =	vor.u32 s11, v24;
	v22 =	vor.u32 v62, v47;
	v4 =	vld.idx.msk [tilespmem:v4+s17+$0x0], $0xffff  }
0x359: {  	v7 =	vor.u32 s11, v30;
	v17 =	vor.u32 v31, v47;
	[tilespmem:v18+s26+$0x0] =	vst.idx.msk $0xffff, v6;
	v18 =	vor.u32 s13, v24;
	v30 =	vld [tilespmem:$0x1FF50]  }
0x35a: {  	v2 =	vand.u32 $0x6F, v7;
	v7 =	vor.u32 v31, v43;
	v18 =	vand.u32 $0x5F, v18;
	v31 =	vld [tilespmem:$0x1FFC0];
	[tilespmem:v51+s26+$0x0] =	vst.idx.msk $0xffff, v12  }
0x35b: {  	v2 =	vor.u32 v2, v45;
	v51 =	vld.idx.msk [tilespmem:v54+s17+$0x0], $0xffff;
	[tilespmem:v19+s26+$0x0] =	vst.idx.msk $0xffff, v9;
	v9 =	vor.u32 v34, v47  }
0x35c: {  	v12 =	vor.u32 s12, v35;
	v19 =	vand.u32 $0x5F, v38;
	v3 =	vld.idx.msk [tilespmem:v3+s17+$0x0], $0xffff;
	v54 =	vor.u32 v36, v42;
	[tilespmem:v15+s26+$0x0] =	vst.idx.msk $0xffff, v13  }
0x35d: {  	v13 =	vor.u32 s11, v35;
	v15 =	vor.u32 s5, v35;
	v8 =	vld.idx.msk [tilespmem:v8+s17+$0x0], $0xffff;
	v12 =	vand.u32 $0x4F, v12;
	[tilespmem:v14+s26+$0x0] =	vst.idx.msk $0xffff, v4  }
0x35e: {  	v4 =	vor.u32 v34, v42;
	v14 =	vor.u32 v34, v43;
	v6 =	vor.u32 v19, v46;
	v11 =	vld.idx.msk [tilespmem:v11+s17+$0x0], $0xffff  }
0x35f: {  	v19 =	vor.u32 s12, v24;
	v24 =	vor.u32 s5, v24;
	v15 =	vand.u32 $0x7F, v15;
	v0 =	vld.idx.msk [tilespmem:v0+s17+$0x0], $0xffff  }
0x360: {  	v58 =	vor.u32 s5, v31;
	v56 =	vand.u32 $0x7F, v24;
	v24 =	vld.idx.msk [tilespmem:v49+s17+$0x0], $0xffff;
	v15 =	vor.u32 v15, v41;
	[tilespmem:v1+s26+$0x0] =	vst.idx.msk $0xffff, v51  }
0x361: {  	v13 =	vand.u32 $0x6F, v13;
	v12 =	vor.u32 v12, v44;
	v21 =	vand.u32 $0x7F, v58;
	[tilespmem:v16+s26+$0x0] =	vst.idx.msk $0xffff, v3;
	v51 =	vld [tilespmem:$0x1FF80]  }
0x362: {  	v49 =	vor.u32 v62, v42;
	v13 =	vor.u32 v13, v45;
	[tilespmem:v7+s26+$0x0] =	vst.idx.msk $0xffff, v8;
	v2 =	vld.idx.msk [tilespmem:v2+s17+$0x0], $0xffff  }
0x363: {  	v63 =	vor.u32 s5, v30;
	v21 =	vor.u32 v21, v41;
	v1 =	vand.u32 $0x6F, v52;
	[tilespmem:v39+s26+$0x0] =	vst.idx.msk $0xffff, v11;
	v11 =	vld.idx.msk [tilespmem:v50+s17+$0x0], $0xffff  }
0x364: {  	v3 =	vor.u32 s11, v25;
	v7 =	vor.u32 v36, v43;
	v8 =	vand.u32 $0x4F, v19;
	v10 =	vld.idx.msk [tilespmem:v10+s17+$0x0], $0xffff  }
0x365: {  	v19 =	vor.u32 v56, v41;
	v1 =	vor.u32 v1, v45;
	[tilespmem:v17+s26+$0x0] =	vst.idx.msk $0xffff, v0;
	v15 =	vld.idx.msk [tilespmem:v15+s17+$0x0], $0xffff  }
0x366: {  	v59 =	vld [tilespmem:$0x1FFB0];
	v16 =	vor.u32 s12, v25;
	v8 =	vor.u32 v8, v44;
	v0 =	vor.u32 v18, v46;
	[tilespmem:v53+s26+$0x0] =	vst.idx.msk $0xffff, v24  }
0x367: {  	v3 =	vand.u32 $0x6F, v3;
	v17 =	vor.u32 s13, v25;
	v18 =	vor.u32 v33, v47;
	v5 =	vld.idx.msk [tilespmem:v5+s17+$0x0], $0xffff;
	[tilespmem:v4+s26+$0x0] =	vst.idx.msk $0xffff, v2  }
0x368: {  	v3 =	vor.u32 v3, v45;
	v24 =	vor.u32 s13, v30;
	v50 =	vor.u32 v62, v43;
	[tilespmem:v48+s26+$0x0] =	vst.idx.msk $0xffff, v11  }
0x369: {  	v53 =	vor.u32 v51, v43;
	v2 =	vor.u32 v26, v42;
	[tilespmem:v14+s26+$0x0] =	vst.idx.msk $0xffff, v10;
	v13 =	vld.idx.msk [tilespmem:v13+s17+$0x0], $0xffff  }
0x36a: {  	v17 =	vand.u32 $0x5F, v17;
	v11 =	vor.u32 v33, v43;
	v10 =	vor.u32 s13, v31;
	[tilespmem:v55+s26+$0x0] =	vst.idx.msk $0xffff, v15;
	v12 =	vld.idx.msk [tilespmem:v12+s17+$0x0], $0xffff  }
0x36b: {  	v15 =	vand.u32 $0x4F, v16;
	v16 =	vor.u32 v17, v46;
	v17 =	vld.idx.msk [tilespmem:v19+s17+$0x0], $0xffff;
	v19 =	vor.u32 s5, v25  }
0x36c: {  	v61 =	vld [tilespmem:$0x1FF70];
	v48 =	vor.u32 v59, v47;
	[tilespmem:v9+s26+$0x0] =	vst.idx.msk $0xffff, v5;
	v5 =	vor.u32 v26, v47;
	v19 =	vand.u32 $0x7F, v19  }
0x36d: {  	v9 =	vor.u32 s11, v31;
	v10 =	vand.u32 $0x5F, v10;
	v6 =	vld.idx.msk [tilespmem:v6+s17+$0x0], $0xffff;
	v14 =	vor.u32 v19, v41  }
0x36e: {  	v52 =	vld [tilespmem:$0x1FF90];
	v15 =	vor.u32 v15, v44;
	v4 =	vand.u32 $0x6F, v9;
	v9 =	vor.u32 v26, v43  }
0x36f: {  	v25 =	vor.u32 v4, v45;
	v4 =	vor.u32 s12, v30;
	v19 =	vor.u32 s12, v31;
	[tilespmem:v54+s26+$0x0] =	vst.idx.msk $0xffff, v13;
	v54 =	vld [tilespmem:$0x1FFA0]  }
0x370: {  	v10 =	vor.u32 v10, v46;
	v4 =	vand.u32 $0x4F, v4;
	v19 =	vand.u32 $0x4F, v19;
	[tilespmem:v7+s26+$0x0] =	vst.idx.msk $0xffff, v12;
	v1 =	vld.idx.msk [tilespmem:v1+s17+$0x0], $0xffff  }
0x371: {  	v19 =	vor.u32 v19, v44;
	v12 =	vor.u32 v59, v42;
	[tilespmem:v57+s26+$0x0] =	vst.idx.msk $0xffff, v17;
	v8 =	vld.idx.msk [tilespmem:v8+s17+$0x0], $0xffff  }
0x372: {  	v7 =	vand.u32 $0x5F, v24;
	v24 =	vor.u32 v59, v43;
	v17 =	vor.u32 s11, v30;
	[tilespmem:v20+s26+$0x0] =	vst.idx.msk $0xffff, v6;
	v14 =	vld.idx.msk [tilespmem:v14+s17+$0x0], $0xffff  }
0x373: {  	v20 =	vor.u32 v7, v46;
	v7 =	vor.u32 s12, v61;
	v30 =	vor.u32 v59, v40;
	v0 =	vld.idx.msk [tilespmem:v0+s17+$0x0], $0xffff  }
0x374: {  	v59 =	vor.u32 v51, v47;
	v57 =	vor.u32 v62, v40;
	v6 =	vand.u32 $0x6F, v17  }
0x375: {  	v17 =	vor.u32 v4, v44;
	v4 =	vor.u32 s13, v61;
	v7 =	vand.u32 $0x4F, v7;
	[tilespmem:v23+s26+$0x0] =	vst.idx.msk $0xffff, v1  }
0x376: {  	v55 =	vld [tilespmem:$0x1FEE0];
	v13 =	vor.u32 v6, v45;
	v6 =	vor.u32 s11, v61;
	v4 =	vand.u32 $0x5F, v4;
	[tilespmem:v11+s26+$0x0] =	vst.idx.msk $0xffff, v8  }
0x377: {  	v6 =	vand.u32 $0x6F, v6;
	v39 =	vor.u32 v54, v43;
	v1 =	vor.u32 s11, v52;
	v8 =	vld.idx.msk [tilespmem:v15+s17+$0x0], $0xffff;
	[tilespmem:v60+s26+$0x0] =	vst.idx.msk $0xffff, v14  }
0x378: {  	v11 =	vor.u32 v4, v46;
	v56 =	vand.u32 $0x6F, v1;
	[tilespmem:v18+s26+$0x0] =	vst.idx.msk $0xffff, v0;
	v14 =	vld.idx.msk [tilespmem:v21+s17+$0x0], $0xffff;
	v21 =	vand.u32 $0x7F, v63  }
0x379: {  	v15 =	vor.u32 v7, v44;
	v7 =	vor.u32 s12, v52;
	v0 =	vld.idx.msk [tilespmem:v16+s17+$0x0], $0xffff;
	v4 =	vor.u32 v21, v41  }
0x37a: {  	v18 =	vor.u32 v6, v45;
	v6 =	vor.u32 s13, v52;
	v16 =	vld.idx.msk [tilespmem:v3+s17+$0x0], $0xffff;
	v7 =	vand.u32 $0x4F, v7  }
0x37b: {  	v31 =	vld [tilespmem:$0x1FF40];
	v6 =	vand.u32 $0x5F, v6;
	v3 =	vor.u32 v51, v42;
	v1 =	vor.u32 v7, v44  }
0x37c: {  	v7 =	vor.u32 v6, v46;
	v6 =	vor.u32 v56, v45;
	v63 =	vor.u32 s5, v52;
	[tilespmem:v9+s26+$0x0] =	vst.idx.msk $0xffff, v8  }
0x37d: {  	v52 =	vor.u32 s13, v37;
	v23 =	vand.u32 $0x7F, v63;
	v8 =	vor.u32 s13, v55;
	v19 =	vld.idx.msk [tilespmem:v19+s17+$0x0], $0xffff;
	[tilespmem:v30+s26+$0x0] =	vst.idx.msk $0xffff, v14  }
0x37e: {  	v9 =	vor.u32 s11, v55;
	[tilespmem:v5+s26+$0x0] =	vst.idx.msk $0xffff, v0;
	v0 =	vor.u32 v54, v47;
	v14 =	vld.idx.msk [tilespmem:v4+s17+$0x0], $0xffff;
	v4 =	vor.u32 s5, v61  }
0x37f: {  	v5 =	vand.u32 $0x5F, v8;
	[tilespmem:v2+s26+$0x0] =	vst.idx.msk $0xffff, v16;
	v2 =	vand.u32 $0x6F, v9;
	v4 =	vand.u32 $0x7F, v4  }
0x380: {  	v9 =	vor.u32 v2, v45;
	v2 =	vor.u32 s11, v31;
	v30 =	vld [tilespmem:$0x1FF30];
	v58 =	vor.u32 v4, v41  }
0x381: {  	v16 =	vor.u32 s13, v31;
	v10 =	vld.idx.msk [tilespmem:v10+s17+$0x0], $0xffff;
	v2 =	vand.u32 $0x6F, v2;
	v4 =	vor.u32 s12, v55  }
0x382: {  	v16 =	vand.u32 $0x5F, v16;
	v2 =	vor.u32 v2, v45;
	v8 =	vand.u32 $0x4F, v4  }
0x383: {  	[tilespmem:v24+s26+$0x0] =	vst.idx.msk $0xffff, v19;
	v38 =	vor.u32 v8, v44;
	v8 =	vor.u32 v5, v46;
	v5 =	vld.idx.msk [tilespmem:v25+s17+$0x0], $0xffff  }
0x384: {  	v4 =	vor.u32 v54, v42;
	v19 =	vor.u32 v23, v41;
	v23 =	vand.u32 $0x5F, v52;
	[tilespmem:v57+s26+$0x0] =	vst.idx.msk $0xffff, v14  }
0x385: {  	v52 =	vor.u32 v29, v42;
	v60 =	vor.u32 v30, v47;
	v25 =	vor.u32 v51, v40;
	v21 =	vld.idx.msk [tilespmem:v58+s17+$0x0], $0xffff  }
0x386: {  	v61 =	vor.u32 v30, v42;
	v17 =	vld.idx.msk [tilespmem:v17+s17+$0x0], $0xffff;
	v63 =	vor.u32 v30, v43;
	[tilespmem:v48+s26+$0x0] =	vst.idx.msk $0xffff, v10  }
0x387: {  	v10 =	vor.u32 v16, v46;
	v56 =	vor.u32 v23, v46;
	v14 =	vor.u32 s12, v31;
	v20 =	vld.idx.msk [tilespmem:v20+s17+$0x0], $0xffff  }
0x388: {  	v51 =	vor.u32 v29, v47;
	v48 =	vor.u32 v27, v47;
	v14 =	vand.u32 $0x4F, v14;
	[tilespmem:v12+s26+$0x0] =	vst.idx.msk $0xffff, v5  }
0x389: {  	v57 =	vor.u32 v28, v42;
	v62 =	vor.u32 v14, v44;
	v14 =	vor.u32 s5, v55;
	v24 =	vld.idx.msk [tilespmem:v13+s17+$0x0], $0xffff  }
0x38a: {  	v58 =	vor.u32 v28, v47;
	v14 =	vand.u32 $0x7F, v14;
	v5 =	vor.u32 v28, v43;
	[tilespmem:v25+s26+$0x0] =	vst.idx.msk $0xffff, v21  }
0x38b: {  	v12 =	vor.u32 s12, v37;
	[tilespmem:v50+s26+$0x0] =	vst.idx.msk $0xffff, v17;
	v13 =	vor.u32 s11, v37;
	v37 =	vor.u32 v54, v40;
	v19 =	vld.idx.msk [tilespmem:v19+s17+$0x0], $0xffff  }
0x38c: {  	p1 =	slt.u32 s10, $0x3C;
	v12 =	vand.u32 $0x4F, v12;
	[tilespmem:v22+s26+$0x0] =	vst.idx.msk $0xffff, v20;
	v20 =	vor.u32 s12, v32;
	v25 =	vor.u32 v14, v41  }
.Ltmp1:
0x38d: {  	v13 =	vand.u32 $0x6F, v13;
	v16 =	vor.u32 v12, v44;
	v12 =	vor.u32 s13, v32;
	v14 =	vld.idx.msk [tilespmem:v15+s17+$0x0], $0xffff;
	(pc) =	sbr.rel @p1 .LBB2_5-.Ltmp1, $4  }
0x38e: {  	v55 =	vor.u32 v13, v45;
	v13 =	vld.idx.msk [tilespmem:v11+s17+$0x0], $0xffff;
	v11 =	vor.u32 s11, v32;
	v12 =	vand.u32 $0x5F, v12;
	[tilespmem:v49+s26+$0x0] =	vst.idx.msk $0xffff, v24  }
0x38f: {  	v15 =	vor.u32 v29, v43;
	v11 =	vand.u32 $0x6F, v11;
	v17 =	vld.idx.msk [tilespmem:v18+s17+$0x0], $0xffff;
	v18 =	vand.u32 $0x4F, v20  }
0x390: {  	v50 =	vor.u32 v12, v46;
	v54 =	vor.u32 v18, v44;
	v18 =	vor.u32 s5, v31;
	[tilespmem:v37+s26+$0x0] =	vst.idx.msk $0xffff, v19  }
0x391: {  	v12 =	vor.u32 v30, v40;
	v49 =	vor.u32 v11, v45;
	v18 =	vand.u32 $0x7F, v18;
	v11 =	vld.idx.msk [tilespmem:v25+s17+$0x0], $0xffff  }
0x392: {  	_ =	sdelay $0x3  }
0x393: {  	[tilespmem:v53+s26+$0x0] =	vst.idx.msk $0xffff, v14  }
0x394: {  	v1 =	vld.idx.msk [tilespmem:v1+s17+$0x0], $0xffff;
	[tilespmem:v59+s26+$0x0] =	vst.idx.msk $0xffff, v13  }
0x395: {  	v7 =	vld.idx.msk [tilespmem:v7+s17+$0x0], $0xffff;
	[tilespmem:v3+s26+$0x0] =	vst.idx.msk $0xffff, v17  }
0x396: {  	v3 =	vld.idx.msk [tilespmem:v6+s17+$0x0], $0xffff;
	_ =	sdelay $0x2  }
0x397: {  	[tilespmem:v39+s26+$0x0] =	vst.idx.msk $0xffff, v1  }
0x398: {  	[tilespmem:v0+s26+$0x0] =	vst.idx.msk $0xffff, v7  }
0x399: {  	[tilespmem:v4+s26+$0x0] =	vst.idx.msk $0xffff, v3  }
0x39a: {  	v46 =	vld [tilespmem:$0x1FF20];
	[tilespmem:v12+s26+$0x0] =	vst.idx.msk $0xffff, v11  }
0x39b: {  	v1 =	vor.u32 v18, v41;
	v47 =	vld [tilespmem:$0x1FEF0];
	_ =	sdelay $0x2  }
0x39c: {  	v6 =	vld.idx.msk [tilespmem:v38+s17+$0x0], $0xffff  }
0x39d: {  	v0 =	vld.idx.msk [tilespmem:v8+s17+$0x0], $0xffff;
	v4 =	vor.u32 s5, v46  }
0x39e: {  	v1 =	vld.idx.msk [tilespmem:v1+s17+$0x0], $0xffff;
	v7 =	vor.u32 v47, v40;
	v4 =	vand.u32 $0x7F, v4  }
0x39f: {  	v3 =	vld.idx.msk [tilespmem:v9+s17+$0x0], $0xffff;
	v4 =	vor.u32 v4, v41;
	_ =	sdelay $0x1  }
0x3a0: {  	[tilespmem:v63+s26+$0x0] =	vst.idx.msk $0xffff, v6  }
0x3a1: {  	[tilespmem:v60+s26+$0x0] =	vst.idx.msk $0xffff, v0  }
0x3a2: {  	[tilespmem:v7+s26+$0x0] =	vst.idx.msk $0xffff, v1  }
0x3a3: {  	[tilespmem:v61+s26+$0x0] =	vst.idx.msk $0xffff, v3;
	v3 =	vld.idx.msk [tilespmem:v4+s17+$0x0], $0xffff  }
0x3a4: {  	v4 =	vld [tilespmem:$0x1FF00]  }
0x3a5: {  	v6 =	vld.idx.msk [tilespmem:v62+s17+$0x0], $0xffff  }
0x3a6: {  	v0 =	vld.idx.msk [tilespmem:v10+s17+$0x0], $0xffff  }
0x3a7: {  	v2 =	vld.idx.msk [tilespmem:v2+s17+$0x0], $0xffff  }
0x3a8: {  	v32 =	vld [tilespmem:$0x1FDE0]  }
0x3a9: {  	v4 =	vor.u32 v4, v40;
	_ =	sdelay $0x1  }
0x3aa: {  	[tilespmem:v5+s26+$0x0] =	vst.idx.msk $0xffff, v6  }
0x3ab: {  	[tilespmem:v58+s26+$0x0] =	vst.idx.msk $0xffff, v0  }
0x3ac: {  	[tilespmem:v57+s26+$0x0] =	vst.idx.msk $0xffff, v2;
	v2 =	vld.idx.msk [tilespmem:v56+s17+$0x0], $0xffff;
	v1 =	vor.u32 s5, v32  }
0x3ad: {  	v0 =	vld.idx.msk [tilespmem:v16+s17+$0x0], $0xffff;
	v1 =	vand.u32 $0x7F, v1;
	[tilespmem:v4+s26+$0x0] =	vst.idx.msk $0xffff, v3  }
0x3ae: {  	v1 =	vor.u32 v1, v41;
	v6 =	vld [tilespmem:$0x1FF10]  }
0x3af: {  	v5 =	vld.idx.msk [tilespmem:v55+s17+$0x0], $0xffff;
	_ =	sdelay $0x1  }
0x3b0: {  	[tilespmem:v51+s26+$0x0] =	vst.idx.msk $0xffff, v2  }
0x3b1: {  	v4 =	vld.idx.msk [tilespmem:v50+s17+$0x0], $0xffff  }
0x3b2: {  	[tilespmem:v15+s26+$0x0] =	vst.idx.msk $0xffff, v0;
	v1 =	vld.idx.msk [tilespmem:v1+s17+$0x0], $0xffff;
	v3 =	vor.u32 v6, v40  }
0x3b3: {  	[tilespmem:v52+s26+$0x0] =	vst.idx.msk $0xffff, v5;
	v2 =	vld.idx.msk [tilespmem:v54+s17+$0x0], $0xffff;
	v0 =	vor.u32 v6, v43  }
0x3b4: {  	v5 =	vor.u32 v6, v42;
	v6 =	vld.idx.msk [tilespmem:v49+s17+$0x0], $0xffff;
	_ =	sdelay $0x1  }
0x3b5: {  	[tilespmem:v48+s26+$0x0] =	vst.idx.msk $0xffff, v4  }
0x3b6: {  	[tilespmem:v3+s26+$0x0] =	vst.idx.msk $0xffff, v1  }
0x3b7: {  	[tilespmem:v0+s26+$0x0] =	vst.idx.msk $0xffff, v2  }
0x3b8: {  	[tilespmem:v5+s26+$0x0] =	vst.idx.msk $0xffff, v6  }
0x3b9: {  	v0 =	vld [tilespmem:s0+$0x40];
	_ =	sdelay $0x2  }
0x3ba: {  	v2 =	vld [tilespmem:$0x1FE20]  }
0x3bb: {  	v3 =	vld [tilespmem:$0x1FE00]  }
0x3bc: {  	v4 =	vld [tilespmem:$0x1FE10];
	v1 =	vshll.u32 v0, $0x1  }
0x3bd: {  	v0 =	vand.u32 $0x7, v0;
	v1 =	vand.u32 $0xFFFFFFF0, v1  }
0x3be: {  	v0 =	vor.u32 v0, v1  }
0x3bf: {  	v1 =	vperm.xlane v0, v2;
	_ =	sdelay $0x1  }
0x3c0: {  	v0 =	vperm.xlane v0, v4;
	v1 =	vadd.s32 v3, v1;
	_ =	sdelay $0x1  }
0x3c1: {  	v0 =	vadd.s32 v3, v0;
	_ =	sdelay $0x2  }
0x3c2: {  	[tilespmem:s17], [sflag:$0x2] =	stream.indirect_vreg.gather [hbm4b:s1+s4], $0x80, v1, vm0, $0xb8;
	[tilespmem:$0x19C00] =	vst v63  }
0x3c3: {  	s15 =	simm.s32 $0x6400  }
0x3c4: {  	[tilespmem:s15], [sflag:$0x2] =	stream.indirect_vreg.gather [hbm4b:s1+s4], $0x80, v0, vm0, $0xb8;
	[tilespmem:$0x19C00] =	vst v63  }
0x3c5: {  	v0 =	vld [tilespmem:s0+$0x50];
	_ =	sdelay $0x4  }
0x3c6: {  	v1 =	vshll.u32 v0, $0x1  }
0x3c7: {  	v0 =	vand.u32 $0x7, v0;
	v1 =	vand.u32 $0xFFFFFFF0, v1  }
0x3c8: {  	v0 =	vor.u32 v0, v1  }
0x3c9: {  	v1 =	vperm.xlane v0, v2;
	_ =	sdelay $0x1  }
0x3ca: {  	v0 =	vperm.xlane v0, v4;
	v1 =	vadd.s32 v3, v1;
	_ =	sdelay $0x1  }
0x3cb: {  	v0 =	vadd.s32 v3, v0;
	_ =	sdelay $0x1  }
0x3cc: {  	s16 =	simm.s32 $0x6C00  }
0x3cd: {  	[tilespmem:s16], [sflag:$0x2] =	stream.indirect_vreg.gather [hbm4b:s1+s4], $0x80, v1, vm0, $0xb8;
	[tilespmem:$0x19C00] =	vst v63  }
0x3ce: {  	s18 =	simm.s32 $0x7400  }
0x3cf: {  	[tilespmem:s18], [sflag:$0x2] =	stream.indirect_vreg.gather [hbm4b:s1+s4], $0x80, v0, vm0, $0xb8;
	[tilespmem:$0x19C00] =	vst v63  }
0x3d0: {  	v0 =	vld [tilespmem:s0+$0x60];
	_ =	sdelay $0x4  }
0x3d1: {  	v1 =	vshll.u32 v0, $0x1  }
0x3d2: {  	v0 =	vand.u32 $0x7, v0;
	v1 =	vand.u32 $0xFFFFFFF0, v1  }
0x3d3: {  	v0 =	vor.u32 v0, v1  }
0x3d4: {  	v1 =	vperm.xlane v0, v2;
	_ =	sdelay $0x1  }
0x3d5: {  	v0 =	vperm.xlane v0, v4;
	v1 =	vadd.s32 v3, v1;
	_ =	sdelay $0x1  }
0x3d6: {  	v0 =	vadd.s32 v3, v0;
	_ =	sdelay $0x1  }
0x3d7: {  	s19 =	simm.s32 $0x7C00  }
0x3d8: {  	[tilespmem:s19], [sflag:$0x2] =	stream.indirect_vreg.gather [hbm4b:s1+s4], $0x80, v1, vm0, $0xb8;
	[tilespmem:$0x19C00] =	vst v63  }
0x3d9: {  	_ = 	snop  }
0x3da: {  	[tilespmem:s22], [sflag:$0x2] =	stream.indirect_vreg.gather [hbm4b:s1+s4], $0x80, v0, vm0, $0xb8;
	[tilespmem:$0x19C00] =	vst v63  }
0x3db: {  	v0 =	vld [tilespmem:s0+$0x70];
	_ =	sdelay $0x4  }
0x3dc: {  	v1 =	vshll.u32 v0, $0x1  }
0x3dd: {  	v0 =	vand.u32 $0x7, v0;
	v1 =	vand.u32 $0xFFFFFFF0, v1  }
0x3de: {  	v0 =	vor.u32 v0, v1  }
0x3df: {  	v1 =	vperm.xlane v0, v2;
	_ =	sdelay $0x1  }
0x3e0: {  	v0 =	vperm.xlane v0, v4;
	v1 =	vadd.s32 v3, v1;
	_ =	sdelay $0x1  }
0x3e1: {  	s5 =	simm.s32 $0x0;
	v0 =	vadd.s32 v3, v0  }
0x3e2: {  	s10 =	sand.u32 $0xC, s5  }
0x3e3: {  	s11 =	sor.u32 $0x3, s10;
	s15 =	sadd.s32 s6, s2  }
0x3e4: {  	[tilespmem:s23], [sflag:$0x2] =	stream.indirect_vreg.gather [hbm4b:s1+s4], $0x80, v1, vm0, $0xb8;
	[tilespmem:$0x19C00] =	vst v63  }
0x3e5: {  	v20 =	vlaneseq.u32;
	s20 =	sand.u32 $0x30, s5;
	s13 =	sshll.u32 s11, $0xB;
	s18 =	sshll.u32 s15, $0x7  }
0x3e6: {  	[tilespmem:s24], [sflag:$0x2] =	stream.indirect_vreg.gather [hbm4b:s1+s4], $0x80, v0, vm0, $0xb8;
	v0 =	vor.u32 s20, v20;
	[tilespmem:$0x19C00] =	vst v63  }
0x3e7: {  	v19 =	vld [tilespmem:$0x1FE40];
	s0 =	sshll.u32 s11, $0x4;
	s11 =	sand.u32 $0xF00, s18;
	v40 =	vor.u32 s13, v0;
	s13 =	sshll.u32 s15, $0xC  }
0x3e8: {  	s12 =	sor.u32 $0x1, s10;
	v24 =	vld [tilespmem:$0x1FE60];
	s11 =	sadd.s32 s3, s11;
	s13 =	sand.u32 $0xFFE0000, s13  }
0x3e9: {  	s14 =	sor.u32 $0x2, s10;
	s21 =	sshll.u32 s12, $0xB;
	v30 =	vld [tilespmem:$0x1FE80];
	s11 =	sadd.s32 s13, s11  }
0x3ea: {  	v4 =	vld [tilespmem:$0x1FFF0];
	[hbm4b:s11+s29] =	stream.strided.scatter [tilespmem:s26], [sflag:$0x3], $0x8000, s30, s29, $0x38  }
0x3eb: {  	s16 =	sshll.u32 s14, $0xB;
	s19 =	sshll.u32 s10, $0xB;
	v3 =	vld [tilespmem:$0x1FFD0];
	v1 =	vshll.u32 v0, $0x8;
	s11 =	simm.s32 @!p0 $0x4  }
0x3ec: {  	v43 =	vor.u32 s21, v0;
	v42 =	vor.u32 s16, v0;
	v44 =	vor.u32 s19, v0;
	v0 =	vld [tilespmem:$0x1FEA0];
	_ =	swait.ge @!p0 [sflag:s11], $0x8000  }
0x3ed: {  	v28 =	vld [tilespmem:$0x1FF90]  }
0x3ee: {  	v2 =	vmov s0;
	v29 =	vld [tilespmem:$0x1FEE0]  }
0x3ef: {  	v2 =	vshll.u32 v2, $0x3;
	v1 =	vand.u32 $0x3800, v1;
	v31 =	vld [tilespmem:$0x1FF40]  }
0x3f0: {  	v2 =	vand.u32 $0x400, v2;
	v3 =	vor.u32 v3, v1;
	v1 =	vor.u32 s0, v20  }
0x3f1: {  	s12 =	sshll.u32 s12, $0x4;
	v1 =	vand.u32 $0x7F, v1;
	v41 =	vor.u32 v2, v3  }
0x3f2: {  	v2 =	vor.u32 v1, v41;
	v1 =	vor.u32 s12, v28  }
0x3f3: {  	[tilespmem:$0x1FBB0] =	vst v1;
	v1 =	vor.u32 s12, v29  }
0x3f4: {  	[tilespmem:$0x1FBC0] =	vst v1;
	v1 =	vor.u32 s12, v31  }
0x3f5: {  	v6 =	vld [tilespmem:$0x1FFE0];
	[tilespmem:$0x1FBD0] =	vst v1;
	v1 =	vor.u32 s12, v46  }
0x3f6: {  	v27 =	vld [tilespmem:$0x1FFC0];
	[sflag:s11] =	ssyncset.done @!p0 $0x0;
	[tilespmem:$0x1FBE0] =	vst v1;
	v1 =	vor.u32 s12, v32  }
0x3f7: {  	v51 =	vld [tilespmem:$0x1FF50];
	[sflag:s11] =	ssyncadd.s32 @!p0 $0xFFFF8000;
	[tilespmem:$0x1FBF0] =	vst v1  }
0x3f8: {  	v63 =	vld [tilespmem:$0x1FF70];
	_ =	swait.ge [sflag:s25], $0x4000  }
0x3f9: {  	v1 =	vld [tilespmem:$0x1FE30];
	_ =	sdelay $0x2  }
0x3fa: {  	[sflag:s25] =	ssyncset.done $0x0  }
0x3fb: {  	[sflag:s25] =	ssyncadd.s32 $0xFFFFC000  }
0x3fc: {  	v2 =	vld.idx.msk [tilespmem:v2+s9+$0x0], $0xffff;
	v18 =	vor.u32 v1, v40;
	_ =	sdelay $0x3  }
0x3fd: {  	v16 =	vor.u32 s0, v19  }
0x3fe: {  	v16 =	vand.u32 $0x7F, v16;
	[tilespmem:v18+s31+$0x0] =	vst.idx.msk $0xffff, v2  }
0x3ff: {  	v7 =	vor.u32 s12, v20;
	v5 =	vmov s12;
	s20 =	sshll.u32 s10, $0x4;
	s21 =	sshll.u32 s14, $0x4;
	v16 =	vor.u32 v16, v41;
	v60 =	vld [tilespmem:$0x1FE50]  }
0x400: {  	v5 =	vshll.u32 v5, $0x3;
	v15 =	vmov s20;
	v14 =	vmov s21  }
0x401: {  	v5 =	vand.u32 $0x400, v5;
	v15 =	vshll.u32 v15, $0x3;
	v14 =	vshll.u32 v14, $0x3  }
0x402: {  	v17 =	vor.u32 s20, v20;
	v15 =	vand.u32 $0x400, v15;
	v14 =	vand.u32 $0x400, v14  }
0x403: {  	v49 =	vor.u32 v5, v3;
	v45 =	vor.u32 v15, v3;
	v48 =	vor.u32 v14, v3  }
0x404: {  	v3 =	vand.u32 $0x5F, v7;
	v7 =	vand.u32 $0x4F, v17;
	v16 =	vld.idx.msk [tilespmem:v16+s9+$0x0], $0xffff;
	v17 =	vor.u32 v60, v40;
	_ =	sdelay $0x1  }
0x405: {  	v5 =	vor.u32 s21, v20  }
0x406: {  	v5 =	vand.u32 $0x6F, v5;
	v3 =	vor.u32 v3, v49  }
0x407: {  	v5 =	vor.u32 v5, v48;
	v18 =	vor.u32 s0, v24  }
0x408: {  	v7 =	vor.u32 v7, v45;
	v18 =	vand.u32 $0x7F, v18;
	[tilespmem:v17+s31+$0x0] =	vst.idx.msk $0xffff, v16  }
0x409: {  	v2 =	vor.u32 s20, v19;
	v18 =	vor.u32 v18, v41;
	v37 =	vld [tilespmem:$0x1FE70]  }
0x40a: {  	v2 =	vand.u32 $0x4F, v2  }
0x40b: {  	v8 =	vor.u32 s12, v19;
	v15 =	vor.u32 v1, v43;
	v22 =	vor.u32 v2, v45;
	v2 =	vld.idx.msk [tilespmem:v3+s9+$0x0], $0xffff  }
0x40c: {  	v8 =	vand.u32 $0x5F, v8;
	v14 =	vor.u32 s21, v19;
	v5 =	vld.idx.msk [tilespmem:v5+s9+$0x0], $0xffff;
	v19 =	vor.u32 v1, v42  }
0x40d: {  	v21 =	vor.u32 v8, v49;
	v14 =	vand.u32 $0x6F, v14;
	v52 =	vld.idx.msk [tilespmem:v7+s9+$0x0], $0xffff;
	v20 =	vor.u32 v1, v44  }
0x40e: {  	v14 =	vor.u32 v14, v48;
	v18 =	vld.idx.msk [tilespmem:v18+s9+$0x0], $0xffff;
	v54 =	vor.u32 v37, v40;
	_ =	sdelay $0x1  }
0x40f: {  	v11 =	vor.u32 s12, v24;
	[tilespmem:v15+s31+$0x0] =	vst.idx.msk $0xffff, v2  }
0x410: {  	v12 =	vor.u32 s12, v30;
	v11 =	vand.u32 $0x5F, v11;
	[tilespmem:v19+s31+$0x0] =	vst.idx.msk $0xffff, v5  }
0x411: {  	v23 =	vor.u32 s21, v24;
	v3 =	vor.u32 s0, v30;
	v25 =	vor.u32 v60, v43;
	[tilespmem:v20+s31+$0x0] =	vst.idx.msk $0xffff, v52;
	v21 =	vld.idx.msk [tilespmem:v21+s9+$0x0], $0xffff  }
0x412: {  	v11 =	vor.u32 v11, v49;
	v24 =	vor.u32 s20, v24;
	v3 =	vand.u32 $0x7F, v3;
	v14 =	vld.idx.msk [tilespmem:v14+s9+$0x0], $0xffff;
	[tilespmem:v54+s31+$0x0] =	vst.idx.msk $0xffff, v18  }
0x413: {  	v55 =	vor.u32 v3, v41;
	v53 =	vor.u32 v60, v42;
	v19 =	vand.u32 $0x6F, v23;
	v3 =	vld [tilespmem:$0x1FE90]  }
0x414: {  	v17 =	vor.u32 v60, v44;
	v52 =	vand.u32 $0x4F, v24;
	v19 =	vor.u32 v19, v48;
	v22 =	vld.idx.msk [tilespmem:v22+s9+$0x0], $0xffff  }
0x415: {  	v12 =	vand.u32 $0x5F, v12;
	v20 =	vor.u32 v52, v45  }
0x416: {  	v56 =	vor.u32 s20, v30;
	v12 =	vor.u32 v12, v49;
	[tilespmem:v25+s31+$0x0] =	vst.idx.msk $0xffff, v21  }
0x417: {  	v30 =	vor.u32 s21, v30;
	v18 =	vor.u32 s0, v0;
	v54 =	vor.u32 v37, v43;
	v11 =	vld.idx.msk [tilespmem:v11+s9+$0x0], $0xffff  }
0x418: {  	v52 =	vand.u32 $0x6F, v30;
	v23 =	vld.idx.msk [tilespmem:v55+s9+$0x0], $0xffff;
	v18 =	vand.u32 $0x7F, v18;
	[tilespmem:v53+s31+$0x0] =	vst.idx.msk $0xffff, v14;
	v24 =	vor.u32 v3, v40  }
0x419: {  	v21 =	vor.u32 v37, v42;
	[tilespmem:v17+s31+$0x0] =	vst.idx.msk $0xffff, v22;
	v18 =	vor.u32 v18, v41;
	v17 =	vld.idx.msk [tilespmem:v19+s9+$0x0], $0xffff  }
0x41a: {  	v13 =	vor.u32 s12, v0;
	v52 =	vor.u32 v52, v48;
	v25 =	vor.u32 v37, v44;
	v20 =	vld.idx.msk [tilespmem:v20+s9+$0x0], $0xffff  }
0x41b: {  	v13 =	vand.u32 $0x5F, v13;
	v14 =	vand.u32 $0x4F, v56  }
0x41c: {  	v38 =	vor.u32 s12, v35;
	v13 =	vor.u32 v13, v49;
	v14 =	vor.u32 v14, v45;
	[tilespmem:v54+s31+$0x0] =	vst.idx.msk $0xffff, v11  }
0x41d: {  	v30 =	vor.u32 s0, v35;
	v19 =	vor.u32 s21, v0;
	v22 =	vor.u32 v3, v43;
	v12 =	vld.idx.msk [tilespmem:v12+s9+$0x0], $0xffff;
	[tilespmem:v24+s31+$0x0] =	vst.idx.msk $0xffff, v23  }
0x41e: {  	v19 =	vand.u32 $0x6F, v19;
	[tilespmem:v21+s31+$0x0] =	vst.idx.msk $0xffff, v17;
	v24 =	vor.u32 v34, v40;
	v23 =	vand.u32 $0x7F, v30;
	v18 =	vld.idx.msk [tilespmem:v18+s9+$0x0], $0xffff  }
0x41f: {  	v53 =	vor.u32 v3, v42;
	[tilespmem:v25+s31+$0x0] =	vst.idx.msk $0xffff, v20;
	v20 =	vld.idx.msk [tilespmem:v52+s9+$0x0], $0xffff;
	v23 =	vor.u32 v23, v41  }
0x420: {  	v38 =	vand.u32 $0x5F, v38;
	v57 =	vor.u32 s20, v0;
	v19 =	vor.u32 v19, v48  }
0x421: {  	v38 =	vor.u32 v38, v49;
	v37 =	vand.u32 $0x4F, v57  }
0x422: {  	v11 =	vor.u32 v3, v44;
	v54 =	vor.u32 v37, v45;
	v14 =	vld.idx.msk [tilespmem:v14+s9+$0x0], $0xffff;
	[tilespmem:v22+s31+$0x0] =	vst.idx.msk $0xffff, v12  }
0x423: {  	v10 =	vor.u32 s12, v4;
	v17 =	vor.u32 v34, v43;
	v13 =	vld.idx.msk [tilespmem:v13+s9+$0x0], $0xffff;
	[tilespmem:v24+s31+$0x0] =	vst.idx.msk $0xffff, v18;
	v18 =	vor.u32 s0, v4  }
0x424: {  	v56 =	vor.u32 s21, v35;
	v57 =	vor.u32 v36, v40;
	[tilespmem:v53+s31+$0x0] =	vst.idx.msk $0xffff, v20;
	v23 =	vld.idx.msk [tilespmem:v23+s9+$0x0], $0xffff;
	v18 =	vand.u32 $0x7F, v18  }
0x425: {  	v25 =	vor.u32 v34, v42;
	v21 =	vand.u32 $0x6F, v56;
	v19 =	vld.idx.msk [tilespmem:v19+s9+$0x0], $0xffff;
	v18 =	vor.u32 v18, v41  }
0x426: {  	v10 =	vand.u32 $0x5F, v10;
	v58 =	vor.u32 s20, v35;
	v12 =	vor.u32 v21, v48  }
0x427: {  	v59 =	vor.u32 s20, v4;
	v58 =	vand.u32 $0x4F, v58;
	v10 =	vor.u32 v10, v49;
	[tilespmem:v11+s31+$0x0] =	vst.idx.msk $0xffff, v14  }
0x428: {  	v21 =	vor.u32 v58, v45;
	v54 =	vld.idx.msk [tilespmem:v54+s9+$0x0], $0xffff;
	v24 =	vor.u32 v34, v44;
	[tilespmem:v17+s31+$0x0] =	vst.idx.msk $0xffff, v13  }
0x429: {  	v9 =	vor.u32 s12, v6;
	v20 =	vor.u32 v36, v43;
	v38 =	vld.idx.msk [tilespmem:v38+s9+$0x0], $0xffff;
	[tilespmem:v57+s31+$0x0] =	vst.idx.msk $0xffff, v23;
	v57 =	vor.u32 s0, v6  }
0x42a: {  	v50 =	vor.u32 s12, v27;
	v58 =	vor.u32 v33, v40;
	[tilespmem:v25+s31+$0x0] =	vst.idx.msk $0xffff, v19;
	v18 =	vld.idx.msk [tilespmem:v18+s9+$0x0], $0xffff;
	v23 =	vand.u32 $0x7F, v57  }
0x42b: {  	v61 =	vor.u32 s12, v51;
	v11 =	vor.u32 v36, v42;
	v12 =	vld.idx.msk [tilespmem:v12+s9+$0x0], $0xffff;
	v23 =	vor.u32 v23, v41  }
0x42c: {  	v62 =	vor.u32 s12, v63;
	v9 =	vand.u32 $0x5F, v9;
	v30 =	vor.u32 s21, v4  }
0x42d: {  	v9 =	vor.u32 v9, v49;
	v37 =	vand.u32 $0x4F, v59;
	v14 =	vand.u32 $0x6F, v30;
	[tilespmem:v24+s31+$0x0] =	vst.idx.msk $0xffff, v54  }
0x42e: {  	v53 =	vor.u32 v36, v44;
	v14 =	vor.u32 v14, v48;
	v21 =	vld.idx.msk [tilespmem:v21+s9+$0x0], $0xffff;
	[tilespmem:v20+s31+$0x0] =	vst.idx.msk $0xffff, v38  }
0x42f: {  	v39 =	vor.u32 s20, v27;
	v22 =	vor.u32 v37, v45;
	v10 =	vld.idx.msk [tilespmem:v10+s9+$0x0], $0xffff;
	[tilespmem:v58+s31+$0x0] =	vst.idx.msk $0xffff, v18;
	v18 =	vor.u32 s0, v27  }
0x430: {  	v60 =	vor.u32 s20, v6;
	v30 =	vor.u32 v26, v40;
	[tilespmem:v11+s31+$0x0] =	vst.idx.msk $0xffff, v12;
	v23 =	vld.idx.msk [tilespmem:v23+s9+$0x0], $0xffff;
	v18 =	vand.u32 $0x7F, v18  }
0x431: {  	v16 =	vor.u32 s20, v51;
	v13 =	vor.u32 v33, v43;
	v3 =	vld [tilespmem:$0x1FFB0];
	v18 =	vor.u32 v18, v41  }
0x432: {  	v2 =	vor.u32 s20, v63;
	v59 =	vor.u32 s21, v6;
	v56 =	vor.u32 v26, v42  }
0x433: {  	v55 =	vand.u32 $0x6F, v59;
	v59 =	vor.u32 s0, v51;
	v17 =	vor.u32 v33, v42;
	v14 =	vld.idx.msk [tilespmem:v14+s9+$0x0], $0xffff  }
0x434: {  	v55 =	vor.u32 v55, v48;
	v19 =	vor.u32 v33, v44;
	v25 =	vand.u32 $0x4F, v60;
	[tilespmem:v53+s31+$0x0] =	vst.idx.msk $0xffff, v21  }
0x435: {  	v16 =	vand.u32 $0x4F, v16;
	v24 =	vor.u32 v25, v45;
	v21 =	vld.idx.msk [tilespmem:v22+s9+$0x0], $0xffff;
	v22 =	vand.u32 $0x7F, v59;
	[tilespmem:v30+s31+$0x0] =	vst.idx.msk $0xffff, v23  }
0x436: {  	[tilespmem:v13+s31+$0x0] =	vst.idx.msk $0xffff, v10;
	v22 =	vor.u32 v22, v41;
	v60 =	vor.u32 v3, v40;
	v18 =	vld.idx.msk [tilespmem:v18+s9+$0x0], $0xffff  }
0x437: {  	v12 =	vor.u32 v3, v43;
	v23 =	vor.u32 v3, v42;
	v53 =	vor.u32 v3, v44;
	v3 =	vld [tilespmem:$0x1FF60]  }
0x438: {  	v0 =	vand.u32 $0x5F, v62;
	v52 =	vor.u32 v26, v43;
	v6 =	vand.u32 $0x5F, v50;
	v9 =	vld.idx.msk [tilespmem:v9+s9+$0x0], $0xffff;
	[tilespmem:v17+s31+$0x0] =	vst.idx.msk $0xffff, v14  }
0x439: {  	v25 =	vor.u32 s21, v27;
	v6 =	vor.u32 v6, v49;
	v13 =	vor.u32 v16, v45;
	v16 =	vld.idx.msk [tilespmem:v55+s9+$0x0], $0xffff  }
0x43a: {  	v4 =	vand.u32 $0x5F, v61;
	v50 =	vand.u32 $0x6F, v25;
	v25 =	vor.u32 v26, v44;
	[tilespmem:v19+s31+$0x0] =	vst.idx.msk $0xffff, v21  }
0x43b: {  	v57 =	vand.u32 $0x4F, v39;
	v11 =	vor.u32 v50, v48;
	v19 =	vld.idx.msk [tilespmem:v24+s9+$0x0], $0xffff;
	[tilespmem:v60+s31+$0x0] =	vst.idx.msk $0xffff, v18;
	v18 =	vor.u32 s0, v63  }
0x43c: {  	v38 =	vor.u32 v57, v45;
	v62 =	vor.u32 v3, v40;
	v61 =	vld.idx.msk [tilespmem:v22+s9+$0x0], $0xffff;
	v18 =	vand.u32 $0x7F, v18  }
0x43d: {  	v10 =	vor.u32 s21, v63;
	v24 =	vor.u32 v0, v49;
	v63 =	vld [tilespmem:$0x1FF80];
	[tilespmem:v52+s31+$0x0] =	vst.idx.msk $0xffff, v9;
	v0 =	vor.u32 v18, v41  }
0x43e: {  	v10 =	vand.u32 $0x6F, v10;
	[tilespmem:v56+s31+$0x0] =	vst.idx.msk $0xffff, v16;
	v6 =	vld.idx.msk [tilespmem:v6+s9+$0x0], $0xffff  }
0x43f: {  	v8 =	vor.u32 s20, v28;
	v58 =	vor.u32 s21, v51;
	v51 =	vor.u32 v10, v48;
	v10 =	vld [tilespmem:$0x1FBB0]  }
0x440: {  	v8 =	vand.u32 $0x4F, v8;
	[tilespmem:v25+s31+$0x0] =	vst.idx.msk $0xffff, v19;
	v11 =	vld.idx.msk [tilespmem:v11+s9+$0x0], $0xffff  }
0x441: {  	v7 =	vor.u32 s20, v31;
	v4 =	vor.u32 v4, v49;
	v20 =	vand.u32 $0x6F, v58;
	v19 =	vld.idx.msk [tilespmem:v38+s9+$0x0], $0xffff;
	[tilespmem:v62+s31+$0x0] =	vst.idx.msk $0xffff, v61  }
0x442: {  	v1 =	vor.u32 s20, v46;
	v20 =	vor.u32 v20, v48;
	v25 =	vor.u32 v63, v40;
	v0 =	vld.idx.msk [tilespmem:v0+s9+$0x0], $0xffff  }
0x443: {  	v1 =	vand.u32 $0x4F, v1;
	v5 =	vor.u32 s20, v29;
	v39 =	vor.u32 s0, v28;
	[tilespmem:v12+s31+$0x0] =	vst.idx.msk $0xffff, v6  }
0x444: {  	v15 =	vor.u32 s20, v32;
	v2 =	vand.u32 $0x4F, v2;
	v21 =	vand.u32 $0x7F, v39;
	v50 =	vld [tilespmem:$0x1FFA0]  }
0x445: {  	v5 =	vand.u32 $0x4F, v5;
	v21 =	vor.u32 v21, v41;
	v54 =	vor.u32 v3, v43;
	v6 =	vld [tilespmem:$0x1FBC0];
	[tilespmem:v23+s31+$0x0] =	vst.idx.msk $0xffff, v11  }
0x446: {  	v14 =	vor.u32 v3, v44;
	v62 =	vor.u32 v8, v45;
	v8 =	vld.idx.msk [tilespmem:v4+s9+$0x0], $0xffff;
	[tilespmem:v53+s31+$0x0] =	vst.idx.msk $0xffff, v19  }
0x447: {  	v59 =	vand.u32 $0x4F, v7;
	v17 =	vor.u32 v3, v42;
	v3 =	vor.u32 s21, v32;
	v11 =	vld.idx.msk [tilespmem:v20+s9+$0x0], $0xffff;
	[tilespmem:v25+s31+$0x0] =	vst.idx.msk $0xffff, v0  }
0x448: {  	v9 =	vor.u32 s21, v29;
	v52 =	vor.u32 s21, v31;
	v31 =	vor.u32 s21, v46;
	v0 =	vld [tilespmem:$0x1FBD0]  }
0x449: {  	v3 =	vand.u32 $0x6F, v3;
	v18 =	vor.u32 v2, v45;
	v2 =	vor.u32 s21, v28;
	v12 =	vld.idx.msk [tilespmem:v13+s9+$0x0], $0xffff  }
0x44a: {  	v58 =	vand.u32 $0x6F, v52;
	v52 =	vor.u32 v1, v45;
	v13 =	vld.idx.msk [tilespmem:v21+s9+$0x0], $0xffff;
	v19 =	vor.u32 v50, v40  }
0x44b: {  	v7 =	vor.u32 v58, v48;
	v58 =	vor.u32 v59, v45;
	v6 =	vand.u32 $0x5F, v6  }
0x44c: {  	v46 =	vand.u32 $0x6F, v2;
	v59 =	vor.u32 v47, v43;
	v60 =	vor.u32 v6, v49;
	v6 =	vld [tilespmem:$0x1FF30];
	[tilespmem:v54+s31+$0x0] =	vst.idx.msk $0xffff, v8  }
0x44d: {  	v55 =	vor.u32 v63, v43;
	v56 =	vor.u32 v63, v42;
	[tilespmem:v17+s31+$0x0] =	vst.idx.msk $0xffff, v11;
	v0 =	vand.u32 $0x5F, v0  }
0x44e: {  	v16 =	vor.u32 v63, v44;
	v10 =	vand.u32 $0x5F, v10;
	v8 =	vor.u32 v0, v49;
	v0 =	vld [tilespmem:$0x1FBE0];
	[tilespmem:v14+s31+$0x0] =	vst.idx.msk $0xffff, v12  }
0x44f: {  	v63 =	vor.u32 v46, v48;
	v2 =	vor.u32 v10, v49;
	v4 =	vand.u32 $0x6F, v9;
	[tilespmem:v19+s31+$0x0] =	vst.idx.msk $0xffff, v13  }
0x450: {  	v9 =	vor.u32 v5, v45;
	v53 =	vor.u32 v47, v44;
	v61 =	vor.u32 v4, v48;
	v13 =	vld [tilespmem:$0x1FBF0]  }
0x451: {  	v38 =	vor.u32 v50, v43;
	v39 =	vor.u32 v50, v42;
	v11 =	vor.u32 s0, v29;
	v17 =	vld [tilespmem:$0x1FF00]  }
0x452: {  	v10 =	vor.u32 v50, v44;
	v54 =	vor.u32 v47, v42;
	v11 =	vand.u32 $0x7F, v11  }
0x453: {  	v4 =	vor.u32 v6, v43;
	v5 =	vor.u32 v6, v42;
	v12 =	vand.u32 $0x6F, v31  }
0x454: {  	v6 =	vor.u32 v6, v44;
	v57 =	vor.u32 v12, v48;
	v0 =	vand.u32 $0x5F, v0  }
0x455: {  	v12 =	vor.u32 v11, v41;
	v11 =	vld.idx.msk [tilespmem:v24+s9+$0x0], $0xffff;
	v0 =	vor.u32 v0, v49;
	v14 =	vand.u32 $0x5F, v13  }
0x456: {  	v1 =	vor.u32 v17, v43;
	v13 =	vld.idx.msk [tilespmem:v51+s9+$0x0], $0xffff;
	v51 =	vor.u32 v17, v42;
	v50 =	vor.u32 v14, v49  }
0x457: {  	v14 =	vld.idx.msk [tilespmem:v18+s9+$0x0], $0xffff;
	v49 =	vor.u32 v3, v48;
	v48 =	vor.u32 v17, v44;
	v3 =	vand.u32 $0x4F, v15  }
.LBB2_7:
0x458: {  	_ =	sdelay $0x1  }
0x459: {  	v30 =	vld [tilespmem:$0x1FF30]  }
0x45a: {  	v15 =	vor.u32 v3, v45;
	v3 =	vld.idx.msk [tilespmem:v12+s9+$0x0], $0xffff  }
0x45b: {  	v31 =	vld [tilespmem:$0x1FF40]  }
0x45c: {  	s5 =	sadd.s32 $0x4, s5;
	v27 =	vld [tilespmem:$0x1FF10]  }
0x45d: {  	v22 =	vld [tilespmem:$0x1FFD0];
	s13 =	sand.u32 $0xC, s5;
	s10 =	sand.u32 $0x30, s5  }
0x45e: {  	v24 =	vlaneseq.u32;
	v28 =	vld [tilespmem:$0x1FEF0];
	[tilespmem:v56+s31+$0x0] =	vst.idx.msk $0xffff, v13;
	s11 =	sor.u32 $0x1, s13;
	s18 =	sor.u32 $0x3, s13;
	s20 =	sshll.u32 s13, $0x4;
	v12 =	vor.u32 v30, v40  }
0x45f: {  	s15 =	sor.u32 $0x2, s13;
	[tilespmem:v55+s31+$0x0] =	vst.idx.msk $0xffff, v11;
	v13 =	vld.idx.msk [tilespmem:v63+s9+$0x0], $0xffff;
	s12 =	sshll.u32 s11, $0x4;
	s16 =	sshll.u32 s18, $0x4;
	v23 =	vor.u32 s20, v24  }
0x460: {  	v25 =	vld [tilespmem:$0x1FE30];
	s21 =	sshll.u32 s15, $0x4;
	[tilespmem:v16+s31+$0x0] =	vst.idx.msk $0xffff, v14;
	v14 =	vor.u32 s10, v24;
	v19 =	vmov s12;
	v20 =	vmov s16  }
0x461: {  	v2 =	vld.idx.msk [tilespmem:v2+s9+$0x0], $0xffff;
	v21 =	vmov s21;
	v37 =	vor.u32 s16, v24;
	v11 =	vor.u32 s0, v31  }
0x462: {  	v16 =	vor.u32 v27, v43;
	v17 =	vld.idx.msk [tilespmem:v62+s9+$0x0], $0xffff;
	v56 =	vor.u32 v27, v42;
	v11 =	vand.u32 $0x7F, v11  }
0x463: {  	v18 =	vshll.u32 v14, $0x8;
	v11 =	vor.u32 v11, v41;
	[tilespmem:v12+s31+$0x0] =	vst.idx.msk $0xffff, v3;
	v3 =	vand.u32 $0x7F, v37;
	v37 =	vld [tilespmem:$0x1FF20]  }
0x464: {  	v32 =	vld [tilespmem:$0x1FDE0];
	v20 =	vshll.u32 v20, $0x3;
	v19 =	vshll.u32 v19, $0x3;
	v42 =	vshll.u32 v21, $0x3  }
0x465: {  	v62 =	vld [tilespmem:$0x1FE40];
	v18 =	vand.u32 $0x3800, v18;
	v20 =	vand.u32 $0x400, v20;
	v19 =	vand.u32 $0x400, v19;
	[tilespmem:v39+s31+$0x0] =	vst.idx.msk $0xffff, v13  }
0x466: {  	v18 =	vor.u32 v22, v18;
	v13 =	vor.u32 v28, v40;
	[tilespmem:v38+s31+$0x0] =	vst.idx.msk $0xffff, v2;
	v43 =	vld.idx.msk [tilespmem:v61+s9+$0x0], $0xffff  }
0x467: {  	v39 =	vmov s20;
	v46 =	vor.u32 v19, v18;
	v12 =	vor.u32 v20, v18;
	[tilespmem:v10+s31+$0x0] =	vst.idx.msk $0xffff, v17;
	v10 =	vld.idx.msk [tilespmem:v60+s9+$0x0], $0xffff  }
0x468: {  	s18 =	sshll.u32 s18, $0xB;
	v19 =	vor.u32 s21, v24;
	v3 =	vor.u32 v3, v12;
	v2 =	vld.idx.msk [tilespmem:v11+s9+$0x0], $0xffff;
	v11 =	vor.u32 s0, v37  }
0x469: {  	v61 =	vor.u32 s18, v14;
	v17 =	vshll.u32 v39, $0x3;
	v9 =	vld.idx.msk [tilespmem:v9+s9+$0x0], $0xffff;
	v11 =	vand.u32 $0x7F, v11  }
0x46a: {  	v29 =	vld [tilespmem:$0x1FF00];
	v60 =	vor.u32 s12, v24;
	v20 =	vand.u32 $0x400, v42;
	v11 =	vor.u32 v11, v41  }
0x46b: {  	v63 =	vld [tilespmem:$0x1FE60];
	v24 =	vor.u32 s16, v62;
	v17 =	vand.u32 $0x400, v17;
	v47 =	vor.u32 v20, v18;
	[tilespmem:v5+s31+$0x0] =	vst.idx.msk $0xffff, v43  }
0x46c: {  	v45 =	vor.u32 v17, v18;
	v17 =	vand.u32 $0x5F, v60;
	v18 =	vand.u32 $0x6F, v19;
	[tilespmem:v4+s31+$0x0] =	vst.idx.msk $0xffff, v10;
	v7 =	vld.idx.msk [tilespmem:v7+s9+$0x0], $0xffff  }
0x46d: {  	v17 =	vor.u32 v17, v46;
	v3 =	vld.idx.msk [tilespmem:v3+s9+$0x0], $0xffff;
	[tilespmem:v13+s31+$0x0] =	vst.idx.msk $0xffff, v2;
	v13 =	vand.u32 $0x7F, v24;
	v24 =	vor.u32 s0, v32  }
0x46e: {  	[tilespmem:v6+s31+$0x0] =	vst.idx.msk $0xffff, v9;
	v9 =	vor.u32 v18, v47;
	v2 =	vor.u32 v25, v61;
	v10 =	vand.u32 $0x7F, v24;
	v24 =	vld [tilespmem:$0x1FE50]  }
0x46f: {  	v4 =	vor.u32 v29, v40;
	v13 =	vor.u32 v13, v12;
	v11 =	vld.idx.msk [tilespmem:v11+s9+$0x0], $0xffff  }
0x470: {  	s13 =	sshll.u32 s13, $0xB;
	v55 =	vor.u32 v27, v44;
	v6 =	vld.idx.msk [tilespmem:v8+s9+$0x0], $0xffff;
	v5 =	vor.u32 v10, v41  }
0x471: {  	s14 =	sshll.u32 s11, $0xB;
	s15 =	sshll.u32 s15, $0xB;
	v44 =	vor.u32 s13, v14;
	v18 =	vor.u32 v27, v40;
	v27 =	vld [tilespmem:$0x1FFF0];
	v10 =	vand.u32 $0x4F, v23  }
0x472: {  	v42 =	vor.u32 s15, v14;
	v43 =	vor.u32 s14, v14;
	v14 =	vld.idx.msk [tilespmem:v17+s9+$0x0], $0xffff;
	v8 =	vor.u32 v10, v45  }
0x473: {  	v17 =	vor.u32 v25, v42;
	v10 =	vor.u32 s12, v62;
	v9 =	vld.idx.msk [tilespmem:v9+s9+$0x0], $0xffff;
	[tilespmem:v2+s31+$0x0] =	vst.idx.msk $0xffff, v3  }
0x474: {  	v13 =	vld.idx.msk [tilespmem:v13+s9+$0x0], $0xffff;
	[tilespmem:v4+s31+$0x0] =	vst.idx.msk $0xffff, v11;
	v4 =	vand.u32 $0x5F, v10;
	v10 =	vor.u32 v24, v61  }
0x475: {  	v19 =	vor.u32 v25, v44;
	v41 =	vmov v12;
	v12 =	vor.u32 s21, v62;
	v5 =	vld.idx.msk [tilespmem:v5+s9+$0x0], $0xffff  }
0x476: {  	v58 =	vld.idx.msk [tilespmem:v58+s9+$0x0], $0xffff;
	v12 =	vand.u32 $0x6F, v12;
	v2 =	vor.u32 s20, v62;
	v3 =	vor.u32 v25, v43  }
0x477: {  	s0 =	smov.u32 s16;
	v12 =	vor.u32 v12, v47;
	[tilespmem:v59+s31+$0x0] =	vst.idx.msk $0xffff, v6;
	v2 =	vand.u32 $0x4F, v2;
	v8 =	vld.idx.msk [tilespmem:v8+s9+$0x0], $0xffff  }
0x478: {  	v0 =	vld.idx.msk [tilespmem:v0+s9+$0x0], $0xffff;
	v2 =	vor.u32 v2, v45;
	[tilespmem:v17+s31+$0x0] =	vst.idx.msk $0xffff, v9;
	v11 =	vor.u32 s0, v63  }
0x479: {  	v40 =	vmov v61;
	v61 =	vld [tilespmem:$0x1FE70];
	v11 =	vand.u32 $0x7F, v11;
	v4 =	vor.u32 v4, v46;
	[tilespmem:v10+s31+$0x0] =	vst.idx.msk $0xffff, v13  }
0x47a: {  	v38 =	vor.u32 s12, v63;
	v39 =	vor.u32 s21, v63;
	v11 =	vor.u32 v11, v41;
	[tilespmem:v18+s31+$0x0] =	vst.idx.msk $0xffff, v5;
	v18 =	vld [tilespmem:$0x1FE80]  }
0x47b: {  	v21 =	vand.u32 $0x6F, v39;
	v6 =	vor.u32 s20, v63;
	v60 =	vor.u32 v24, v43;
	[tilespmem:v3+s31+$0x0] =	vst.idx.msk $0xffff, v14;
	v63 =	vld [tilespmem:$0x1FE90]  }
0x47c: {  	[tilespmem:v19+s31+$0x0] =	vst.idx.msk $0xffff, v8;
	v8 =	vld.idx.msk [tilespmem:v12+s9+$0x0], $0xffff;
	v12 =	vor.u32 v21, v47;
	v13 =	vor.u32 v24, v42  }
0x47d: {  	v20 =	vand.u32 $0x5F, v38;
	[tilespmem:v54+s31+$0x0] =	vst.idx.msk $0xffff, v7;
	v2 =	vld.idx.msk [tilespmem:v2+s9+$0x0], $0xffff;
	v10 =	vor.u32 v24, v44;
	v5 =	vand.u32 $0x4F, v6  }
0x47e: {  	v3 =	vor.u32 v20, v46;
	[tilespmem:v53+s31+$0x0] =	vst.idx.msk $0xffff, v58;
	v4 =	vld.idx.msk [tilespmem:v4+s9+$0x0], $0xffff;
	v5 =	vor.u32 v5, v45  }
0x47f: {  	v9 =	vor.u32 v61, v40;
	v7 =	vor.u32 v61, v43;
	v6 =	vld.idx.msk [tilespmem:v11+s9+$0x0], $0xffff;
	v11 =	vor.u32 s0, v18  }
0x480: {  	v62 =	vld [tilespmem:$0x1FEA0];
	v19 =	vor.u32 v61, v42;
	[tilespmem:v1+s31+$0x0] =	vst.idx.msk $0xffff, v0;
	v14 =	vor.u32 s12, v18;
	v11 =	vand.u32 $0x7F, v11  }
0x481: {  	v0 =	vld.idx.msk [tilespmem:v57+s9+$0x0], $0xffff;
	[tilespmem:v13+s31+$0x0] =	vst.idx.msk $0xffff, v8;
	v17 =	vor.u32 s20, v18;
	v18 =	vor.u32 s21, v18;
	v11 =	vor.u32 v11, v41  }
0x482: {  	v20 =	vor.u32 v61, v44;
	[tilespmem:v10+s31+$0x0] =	vst.idx.msk $0xffff, v2;
	v10 =	vld.idx.msk [tilespmem:v12+s9+$0x0], $0xffff;
	v18 =	vand.u32 $0x6F, v18  }
0x483: {  	[tilespmem:v60+s31+$0x0] =	vst.idx.msk $0xffff, v4;
	v17 =	vand.u32 $0x4F, v17;
	v5 =	vld.idx.msk [tilespmem:v5+s9+$0x0], $0xffff;
	v18 =	vor.u32 v18, v47  }
0x484: {  	v8 =	vor.u32 v63, v40;
	v38 =	vld.idx.msk [tilespmem:v52+s9+$0x0], $0xffff;
	[tilespmem:v9+s31+$0x0] =	vst.idx.msk $0xffff, v6;
	v6 =	vor.u32 v17, v45  }
0x485: {  	v2 =	vor.u32 v63, v43;
	v13 =	vor.u32 v63, v42;
	v14 =	vand.u32 $0x5F, v14;
	v3 =	vld.idx.msk [tilespmem:v3+s9+$0x0], $0xffff  }
0x486: {  	[tilespmem:v51+s31+$0x0] =	vst.idx.msk $0xffff, v0;
	v1 =	vor.u32 v14, v46;
	v14 =	vor.u32 s12, v62;
	v9 =	vld.idx.msk [tilespmem:v11+s9+$0x0], $0xffff  }
0x487: {  	v4 =	vor.u32 s21, v62;
	v12 =	vand.u32 $0x5F, v14;
	v14 =	vor.u32 v63, v44;
	v63 =	vld [tilespmem:$0x1FFB0];
	[tilespmem:v19+s31+$0x0] =	vst.idx.msk $0xffff, v10  }
0x488: {  	v4 =	vand.u32 $0x6F, v4;
	[tilespmem:v20+s31+$0x0] =	vst.idx.msk $0xffff, v5;
	v11 =	vor.u32 s0, v62;
	v18 =	vld.idx.msk [tilespmem:v18+s9+$0x0], $0xffff  }
0x489: {  	v17 =	vor.u32 s20, v62;
	v4 =	vor.u32 v4, v47;
	v6 =	vld.idx.msk [tilespmem:v6+s9+$0x0], $0xffff;
	v11 =	vand.u32 $0x7F, v11  }
0x48a: {  	v17 =	vand.u32 $0x4F, v17;
	v57 =	vld.idx.msk [tilespmem:v49+s9+$0x0], $0xffff;
	[tilespmem:v48+s31+$0x0] =	vst.idx.msk $0xffff, v38;
	v11 =	vor.u32 v11, v41  }
0x48b: {  	v39 =	vor.u32 s12, v35;
	v17 =	vor.u32 v17, v45;
	v15 =	vld.idx.msk [tilespmem:v15+s9+$0x0], $0xffff;
	[tilespmem:v8+s31+$0x0] =	vst.idx.msk $0xffff, v9  }
0x48c: {  	v59 =	vor.u32 v33, v42;
	v25 =	vor.u32 v36, v43;
	v8 =	vld.idx.msk [tilespmem:v50+s9+$0x0], $0xffff;
	[tilespmem:v7+s31+$0x0] =	vst.idx.msk $0xffff, v3  }
0x48d: {  	v54 =	vor.u32 s21, v27;
	v24 =	vor.u32 s21, v35;
	v12 =	vor.u32 v12, v46;
	[tilespmem:v13+s31+$0x0] =	vst.idx.msk $0xffff, v18;
	v1 =	vld.idx.msk [tilespmem:v1+s9+$0x0], $0xffff  }
0x48e: {  	v0 =	vor.u32 s20, v35;
	v10 =	vand.u32 $0x6F, v24;
	v7 =	vor.u32 v34, v42;
	[tilespmem:v14+s31+$0x0] =	vst.idx.msk $0xffff, v6;
	v4 =	vld.idx.msk [tilespmem:v4+s9+$0x0], $0xffff  }
0x48f: {  	v19 =	vor.u32 v34, v40;
	v5 =	vor.u32 v34, v44;
	[tilespmem:v56+s31+$0x0] =	vst.idx.msk $0xffff, v57;
	v9 =	vld.idx.msk [tilespmem:v11+s9+$0x0], $0xffff  }
0x490: {  	v0 =	vand.u32 $0x4F, v0;
	v10 =	vor.u32 v10, v47;
	v14 =	vld.idx.msk [tilespmem:v17+s9+$0x0], $0xffff;
	[tilespmem:v55+s31+$0x0] =	vst.idx.msk $0xffff, v15;
	v11 =	vor.u32 s0, v35  }
0x491: {  	v53 =	vor.u32 s12, v27;
	v60 =	vld [tilespmem:$0x1FFC0];
	v0 =	vor.u32 v0, v45;
	v11 =	vand.u32 $0x7F, v11;
	[tilespmem:v16+s31+$0x0] =	vst.idx.msk $0xffff, v8  }
0x492: {  	v22 =	vand.u32 $0x6F, v54;
	v58 =	vor.u32 v33, v43;
	v38 =	vld [tilespmem:$0x1FF60];
	v11 =	vor.u32 v11, v41;
	[tilespmem:v2+s31+$0x0] =	vst.idx.msk $0xffff, v1  }
0x493: {  	v52 =	vor.u32 v34, v43;
	v24 =	vor.u32 s20, v27;
	v20 =	vand.u32 $0x5F, v53;
	[tilespmem:v7+s31+$0x0] =	vst.idx.msk $0xffff, v4;
	v12 =	vld.idx.msk [tilespmem:v12+s9+$0x0], $0xffff  }
0x494: {  	v48 =	vor.u32 v63, v43;
	v3 =	vand.u32 $0x5F, v39;
	[tilespmem:v19+s31+$0x0] =	vst.idx.msk $0xffff, v9;
	v9 =	vand.u32 $0x4F, v24;
	v24 =	vld [tilespmem:$0x1FFE0]  }
0x495: {  	v13 =	vor.u32 v36, v40;
	v6 =	vor.u32 v22, v47;
	[tilespmem:v5+s31+$0x0] =	vst.idx.msk $0xffff, v14;
	v10 =	vld.idx.msk [tilespmem:v10+s9+$0x0], $0xffff  }
0x496: {  	v22 =	vor.u32 v26, v44;
	v3 =	vor.u32 v3, v46;
	v16 =	vor.u32 v36, v42;
	v0 =	vld.idx.msk [tilespmem:v0+s9+$0x0], $0xffff  }
0x497: {  	v49 =	vor.u32 v38, v43;
	v8 =	vor.u32 v36, v44;
	v2 =	vld.idx.msk [tilespmem:v11+s9+$0x0], $0xffff;
	v11 =	vor.u32 s0, v27  }
0x498: {  	v50 =	vor.u32 v38, v44;
	v9 =	vor.u32 v9, v45;
	v11 =	vand.u32 $0x7F, v11  }
0x499: {  	v39 =	vld [tilespmem:$0x1FF70];
	v15 =	vor.u32 v33, v44;
	v1 =	vor.u32 v20, v46;
	v11 =	vor.u32 v11, v41  }
0x49a: {  	v61 =	vor.u32 s12, v60;
	v4 =	vor.u32 v33, v40;
	v5 =	vor.u32 v26, v43;
	v27 =	vld [tilespmem:$0x1FF50];
	[tilespmem:v52+s31+$0x0] =	vst.idx.msk $0xffff, v12  }
0x49b: {  	v14 =	vor.u32 v26, v42;
	v19 =	vor.u32 s12, v24;
	v18 =	vor.u32 s21, v24;
	[tilespmem:v16+s31+$0x0] =	vst.idx.msk $0xffff, v10;
	v3 =	vld.idx.msk [tilespmem:v3+s9+$0x0], $0xffff  }
0x49c: {  	v17 =	vor.u32 s20, v24;
	v12 =	vor.u32 s21, v60;
	[tilespmem:v8+s31+$0x0] =	vst.idx.msk $0xffff, v0;
	v18 =	vand.u32 $0x6F, v18;
	v6 =	vld.idx.msk [tilespmem:v6+s9+$0x0], $0xffff  }
0x49d: {  	v17 =	vand.u32 $0x4F, v17;
	v8 =	vld.idx.msk [tilespmem:v9+s9+$0x0], $0xffff;
	v18 =	vor.u32 v18, v47;
	[tilespmem:v13+s31+$0x0] =	vst.idx.msk $0xffff, v2;
	v13 =	vor.u32 s0, v24  }
0x49e: {  	v16 =	vor.u32 v26, v40;
	v2 =	vor.u32 v17, v45;
	v7 =	vand.u32 $0x7F, v13;
	v11 =	vld.idx.msk [tilespmem:v11+s9+$0x0], $0xffff  }
0x49f: {  	v19 =	vand.u32 $0x5F, v19;
	v51 =	vor.u32 s21, v27;
	v7 =	vor.u32 v7, v41  }
0x4a0: {  	v0 =	vor.u32 v63, v44;
	v19 =	vor.u32 v19, v46;
	v10 =	vand.u32 $0x6F, v51;
	[tilespmem:v25+s31+$0x0] =	vst.idx.msk $0xffff, v3  }
0x4a1: {  	v12 =	vand.u32 $0x6F, v12;
	v23 =	vor.u32 v10, v47;
	v10 =	vor.u32 s21, v39;
	[tilespmem:v59+s31+$0x0] =	vst.idx.msk $0xffff, v6;
	v1 =	vld.idx.msk [tilespmem:v1+s9+$0x0], $0xffff  }
0x4a2: {  	v17 =	vor.u32 s20, v60;
	v62 =	vor.u32 s12, v27;
	v10 =	vand.u32 $0x6F, v10;
	[tilespmem:v15+s31+$0x0] =	vst.idx.msk $0xffff, v8;
	v8 =	vld.idx.msk [tilespmem:v18+s9+$0x0], $0xffff  }
0x4a3: {  	v12 =	vor.u32 v12, v47;
	v15 =	vor.u32 v10, v47;
	v10 =	vld.idx.msk [tilespmem:v2+s9+$0x0], $0xffff;
	[tilespmem:v4+s31+$0x0] =	vst.idx.msk $0xffff, v11  }
0x4a4: {  	v24 =	vor.u32 s20, v27;
	v17 =	vand.u32 $0x4F, v17;
	v4 =	vld.idx.msk [tilespmem:v7+s9+$0x0], $0xffff;
	v7 =	vor.u32 s0, v60  }
0x4a5: {  	v57 =	vld [tilespmem:$0x1FEE0];
	v9 =	vand.u32 $0x4F, v24;
	v17 =	vor.u32 v17, v45;
	v7 =	vand.u32 $0x7F, v7  }
0x4a6: {  	v24 =	vor.u32 v9, v45;
	v9 =	vor.u32 s12, v39;
	v7 =	vor.u32 v7, v41  }
0x4a7: {  	v52 =	vld [tilespmem:$0x1FFA0];
	v13 =	vand.u32 $0x5F, v61;
	v51 =	vor.u32 v38, v42;
	v9 =	vand.u32 $0x5F, v9;
	[tilespmem:v58+s31+$0x0] =	vst.idx.msk $0xffff, v1  }
0x4a8: {  	v13 =	vor.u32 v13, v46;
	v1 =	vor.u32 v9, v46;
	v9 =	vor.u32 s0, v27;
	v27 =	vld [tilespmem:$0x1FF90];
	[tilespmem:v14+s31+$0x0] =	vst.idx.msk $0xffff, v8  }
0x4a9: {  	v3 =	vand.u32 $0x5F, v62;
	v6 =	vor.u32 v63, v40;
	[tilespmem:v22+s31+$0x0] =	vst.idx.msk $0xffff, v10;
	v19 =	vld.idx.msk [tilespmem:v19+s9+$0x0], $0xffff  }
0x4aa: {  	v25 =	vor.u32 s20, v39;
	v59 =	vor.u32 s12, v57;
	v3 =	vor.u32 v3, v46;
	v14 =	vld.idx.msk [tilespmem:v17+s9+$0x0], $0xffff;
	[tilespmem:v16+s31+$0x0] =	vst.idx.msk $0xffff, v4  }
0x4ab: {  	v11 =	vor.u32 v63, v42;
	v8 =	vor.u32 v38, v40;
	v9 =	vand.u32 $0x7F, v9;
	v7 =	vld.idx.msk [tilespmem:v7+s9+$0x0], $0xffff  }
0x4ac: {  	v38 =	vor.u32 v52, v43;
	v9 =	vor.u32 v9, v41;
	v4 =	vand.u32 $0x4F, v25  }
0x4ad: {  	v10 =	vor.u32 v52, v44;
	v12 =	vld.idx.msk [tilespmem:v12+s9+$0x0], $0xffff;
	v17 =	vor.u32 s20, v31;
	v18 =	vor.u32 v4, v45  }
0x4ae: {  	v16 =	vor.u32 s12, v27;
	v2 =	vor.u32 s20, v27;
	v4 =	vor.u32 s21, v27;
	[tilespmem:v5+s31+$0x0] =	vst.idx.msk $0xffff, v19  }
0x4af: {  	v25 =	vld [tilespmem:$0x1FF80];
	v53 =	vand.u32 $0x5F, v16;
	v54 =	vand.u32 $0x4F, v2;
	v4 =	vand.u32 $0x6F, v4;
	[tilespmem:v0+s31+$0x0] =	vst.idx.msk $0xffff, v14  }
0x4b0: {  	v19 =	vor.u32 s21, v31;
	v0 =	vand.u32 $0x4F, v17;
	v13 =	vld.idx.msk [tilespmem:v13+s9+$0x0], $0xffff;
	[tilespmem:v6+s31+$0x0] =	vst.idx.msk $0xffff, v7;
	v6 =	vor.u32 s0, v39  }
0x4b1: {  	v17 =	vor.u32 s20, v37;
	v2 =	vor.u32 v53, v46;
	v5 =	vld.idx.msk [tilespmem:v9+s9+$0x0], $0xffff;
	v6 =	vand.u32 $0x7F, v6  }
0x4b2: {  	v63 =	vor.u32 v4, v47;
	v62 =	vor.u32 v54, v45;
	v6 =	vor.u32 v6, v41  }
0x4b3: {  	[tilespmem:v11+s31+$0x0] =	vst.idx.msk $0xffff, v12;
	v4 =	vor.u32 s21, v57;
	v11 =	vand.u32 $0x6F, v19;
	v58 =	vor.u32 v0, v45  }
0x4b4: {  	v14 =	vld.idx.msk [tilespmem:v23+s9+$0x0], $0xffff;
	v53 =	vor.u32 v28, v44;
	v54 =	vor.u32 v28, v42;
	v55 =	vor.u32 v25, v43  }
0x4b5: {  	v0 =	vor.u32 s12, v37;
	v56 =	vor.u32 v25, v42;
	v16 =	vor.u32 v25, v44;
	[tilespmem:v48+s31+$0x0] =	vst.idx.msk $0xffff, v13  }
0x4b6: {  	v17 =	vand.u32 $0x4F, v17;
	v4 =	vand.u32 $0x6F, v4;
	v12 =	vor.u32 v25, v40;
	v48 =	vld.idx.msk [tilespmem:v24+s9+$0x0], $0xffff;
	[tilespmem:v8+s31+$0x0] =	vst.idx.msk $0xffff, v5  }
0x4b7: {  	v0 =	vand.u32 $0x5F, v0;
	v61 =	vor.u32 v4, v47;
	v13 =	vld.idx.msk [tilespmem:v6+s9+$0x0], $0xffff;
	v6 =	vor.u32 s0, v27  }
0x4b8: {  	v4 =	vor.u32 v30, v43;
	v0 =	vor.u32 v0, v46;
	v8 =	vand.u32 $0x7F, v6  }
0x4b9: {  	v7 =	vor.u32 s20, v57;
	v39 =	vor.u32 v52, v42;
	v19 =	vor.u32 v8, v41  }
0x4ba: {  	v9 =	vand.u32 $0x5F, v59;
	v7 =	vand.u32 $0x4F, v7;
	v59 =	vor.u32 v28, v43;
	v3 =	vld.idx.msk [tilespmem:v3+s9+$0x0], $0xffff  }
0x4bb: {  	v60 =	vor.u32 v9, v46;
	v9 =	vor.u32 v7, v45;
	v7 =	vor.u32 s12, v31;
	[tilespmem:v51+s31+$0x0] =	vst.idx.msk $0xffff, v14  }
0x4bc: {  	v51 =	vor.u32 v29, v42;
	v7 =	vand.u32 $0x5F, v7;
	v5 =	vor.u32 v30, v42;
	[tilespmem:v50+s31+$0x0] =	vst.idx.msk $0xffff, v48  }
0x4bd: {  	v31 =	vor.u32 s12, v32;
	v48 =	vor.u32 v29, v44;
	v8 =	vor.u32 v7, v46;
	[tilespmem:v12+s31+$0x0] =	vst.idx.msk $0xffff, v13  }
0x4be: {  	p0 =	slt.u32 s5, $0x3C;
	v7 =	vor.u32 v11, v47;
	v11 =	vor.u32 s21, v37;
	v37 =	vor.u32 v52, v40;
	v19 =	vld.idx.msk [tilespmem:v19+s9+$0x0], $0xffff  }
.Ltmp2:
0x4bf: {  	v6 =	vor.u32 v30, v44;
	[tilespmem:v49+s31+$0x0] =	vst.idx.msk $0xffff, v3;
	v3 =	vor.u32 s0, v57;
	v52 =	vor.u32 v17, v45;
	(pc) =	sbr.rel @p0 .LBB2_7-.Ltmp2, $4  }
0x4c0: {  	v17 =	vand.u32 $0x5F, v31;
	v30 =	vand.u32 $0x6F, v11;
	v11 =	vld.idx.msk [tilespmem:v1+s9+$0x0], $0xffff;
	v1 =	vand.u32 $0x7F, v3  }
0x4c1: {  	v3 =	vor.u32 s20, v32;
	v50 =	vor.u32 v17, v46;
	v13 =	vld.idx.msk [tilespmem:v15+s9+$0x0], $0xffff;
	v15 =	vor.u32 s21, v32  }
0x4c2: {  	v14 =	vld.idx.msk [tilespmem:v18+s9+$0x0], $0xffff;
	v57 =	vor.u32 v30, v47;
	v12 =	vor.u32 v1, v41;
	v15 =	vand.u32 $0x6F, v15  }
0x4c3: {  	v3 =	vand.u32 $0x4F, v3;
	v1 =	vor.u32 v29, v43;
	v49 =	vor.u32 v15, v47;
	[tilespmem:v37+s31+$0x0] =	vst.idx.msk $0xffff, v19  }
0x4c4: {  	_ =	sdelay $0x3  }
0x4c5: {  	[tilespmem:v55+s31+$0x0] =	vst.idx.msk $0xffff, v11  }
0x4c6: {  	[tilespmem:v56+s31+$0x0] =	vst.idx.msk $0xffff, v13  }
0x4c7: {  	[tilespmem:v16+s31+$0x0] =	vst.idx.msk $0xffff, v14  }
0x4c8: {  	v29 =	vld [tilespmem:$0x1FF30]  }
0x4c9: {  	v2 =	vld.idx.msk [tilespmem:v2+s9+$0x0], $0xffff  }
0x4ca: {  	v11 =	vld.idx.msk [tilespmem:v63+s9+$0x0], $0xffff  }
0x4cb: {  	v13 =	vld.idx.msk [tilespmem:v62+s9+$0x0], $0xffff  }
0x4cc: {  	v30 =	vld [tilespmem:$0x1FF40]  }
0x4cd: {  	v12 =	vld.idx.msk [tilespmem:v12+s9+$0x0], $0xffff;
	v15 =	vor.u32 v29, v40;
	_ =	sdelay $0x1  }
0x4ce: {  	[tilespmem:v38+s31+$0x0] =	vst.idx.msk $0xffff, v2  }
0x4cf: {  	[tilespmem:v39+s31+$0x0] =	vst.idx.msk $0xffff, v11  }
0x4d0: {  	v14 =	vor.u32 s0, v30;
	[tilespmem:v10+s31+$0x0] =	vst.idx.msk $0xffff, v13  }
0x4d1: {  	v14 =	vand.u32 $0x7F, v14;
	[tilespmem:v15+s31+$0x0] =	vst.idx.msk $0xffff, v12  }
0x4d2: {  	v2 =	vor.u32 v14, v41;
	v28 =	vld [tilespmem:$0x1FEF0]  }
0x4d3: {  	v11 =	vld.idx.msk [tilespmem:v60+s9+$0x0], $0xffff  }
0x4d4: {  	v10 =	vld.idx.msk [tilespmem:v61+s9+$0x0], $0xffff  }
0x4d5: {  	v9 =	vld.idx.msk [tilespmem:v9+s9+$0x0], $0xffff  }
0x4d6: {  	v27 =	vld [tilespmem:$0x1FF20]  }
0x4d7: {  	v2 =	vld.idx.msk [tilespmem:v2+s9+$0x0], $0xffff;
	v13 =	vor.u32 v28, v40;
	_ =	sdelay $0x1  }
0x4d8: {  	[tilespmem:v4+s31+$0x0] =	vst.idx.msk $0xffff, v11  }
0x4d9: {  	[tilespmem:v5+s31+$0x0] =	vst.idx.msk $0xffff, v10  }
0x4da: {  	[tilespmem:v6+s31+$0x0] =	vst.idx.msk $0xffff, v9;
	v12 =	vor.u32 s0, v27  }
0x4db: {  	v5 =	vld.idx.msk [tilespmem:v8+s9+$0x0], $0xffff;
	v12 =	vand.u32 $0x7F, v12;
	[tilespmem:v13+s31+$0x0] =	vst.idx.msk $0xffff, v2  }
0x4dc: {  	v4 =	vor.u32 v12, v41;
	v8 =	vld [tilespmem:$0x1FF00];
	_ =	sdelay $0x1  }
0x4dd: {  	v6 =	vld.idx.msk [tilespmem:v7+s9+$0x0], $0xffff  }
0x4de: {  	v7 =	vld.idx.msk [tilespmem:v58+s9+$0x0], $0xffff  }
0x4df: {  	v61 =	vld [tilespmem:$0x1FDE0]  }
0x4e0: {  	v4 =	vld.idx.msk [tilespmem:v4+s9+$0x0], $0xffff;
	v8 =	vor.u32 v8, v40;
	_ =	sdelay $0x1  }
0x4e1: {  	[tilespmem:v59+s31+$0x0] =	vst.idx.msk $0xffff, v5  }
0x4e2: {  	[tilespmem:v54+s31+$0x0] =	vst.idx.msk $0xffff, v6  }
0x4e3: {  	[tilespmem:v53+s31+$0x0] =	vst.idx.msk $0xffff, v7;
	v2 =	vor.u32 s0, v61  }
0x4e4: {  	v0 =	vld.idx.msk [tilespmem:v0+s9+$0x0], $0xffff;
	v2 =	vand.u32 $0x7F, v2;
	[tilespmem:v8+s31+$0x0] =	vst.idx.msk $0xffff, v4  }
0x4e5: {  	v2 =	vor.u32 v2, v41;
	v7 =	vld [tilespmem:$0x1FF10]  }
0x4e6: {  	v5 =	vld.idx.msk [tilespmem:v57+s9+$0x0], $0xffff  }
0x4e7: {  	v6 =	vld.idx.msk [tilespmem:v52+s9+$0x0], $0xffff  }
0x4e8: {  	v3 =	vor.u32 v3, v45;
	_ =	sdelay $0x1  }
0x4e9: {  	[tilespmem:v1+s31+$0x0] =	vst.idx.msk $0xffff, v0;
	v2 =	vld.idx.msk [tilespmem:v2+s9+$0x0], $0xffff;
	v4 =	vor.u32 v7, v40  }
0x4ea: {  	[tilespmem:v51+s31+$0x0] =	vst.idx.msk $0xffff, v5;
	v1 =	vld.idx.msk [tilespmem:v50+s9+$0x0], $0xffff;
	v0 =	vor.u32 v7, v43  }
0x4eb: {  	[tilespmem:v48+s31+$0x0] =	vst.idx.msk $0xffff, v6;
	v6 =	vld.idx.msk [tilespmem:v49+s9+$0x0], $0xffff;
	v5 =	vor.u32 v7, v42  }
0x4ec: {  	v3 =	vld.idx.msk [tilespmem:v3+s9+$0x0], $0xffff;
	v7 =	vor.u32 v7, v44;
	_ =	sdelay $0x1  }
0x4ed: {  	[tilespmem:v4+s31+$0x0] =	vst.idx.msk $0xffff, v2  }
0x4ee: {  	p0 =	seq.s32 s7, $0x18;
	s0 =	sadd.s32 $0x2, s2;
	[tilespmem:v0+s31+$0x0] =	vst.idx.msk $0xffff, v1  }
0x4ef: {  	s0 =	sshll.u32 @!p0 s0, $0x7;
	[tilespmem:v5+s31+$0x0] =	vst.idx.msk $0xffff, v6  }
0x4f0: {  	s2 =	sand.u32 @!p0 $0x3FFFFF80, s0;
	[tilespmem:v7+s31+$0x0] =	vst.idx.msk $0xffff, v3  }
0x4f1: {  	v0 =	vld @!p0 [tilespmem:s2+$0x0];
	_ =	sdelay $0x4  }
0x4f2: {  	v1 =	vshll.u32 @!p0 v0, $0x1  }
0x4f3: {  	v2 =	vlaneseq.u32 @!p0;
	v0 =	vand.u32 @!p0 $0x7, v0;
	v1 =	vand.u32 @!p0 $0xFFFFFFF0, v1  }
0x4f4: {  	v3 =	vshrl.u32 @!p0 v2, $0x3;
	v0 =	vor.u32 @!p0 v0, v1;
	v1 =	vand.u32 @!p0 $0x7, v2  }
0x4f5: {  	v3 =	vmul.u32 @!p0 $0x8, v3;
	v4 =	vperm.xlane @!p0 v0, v1  }
0x4f6: {  	v2 =	vor.u32 @!p0 $0x8, v2  }
0x4f7: {  	v0 =	vperm.xlane @!p0 v0, v2;
	v4 =	vadd.s32 @!p0 v3, v4;
	_ =	sdelay $0x1  }
0x4f8: {  	v0 =	vadd.s32 @!p0 v3, v0;
	_ =	sdelay $0x1  }
0x4f9: {  	vm1 =	vmmov @!p0 $0xffff;
	s13 =	simm.s32 @!p0 $0x0;
	s0 =	simm.s32 @!p0 $0x1C00  }
0x4fa: {  	[tilespmem:s0], [sflag:$0x1] =	stream.indirect_vreg.gather @!p0 [hbm4b:s1+s13], $0x80, v4, vm1, $0xb8;
	[tilespmem:$0x19C00] =	vst v63  }
0x4fb: {  	s0 =	simm.s32 @!p0 $0x2400  }
0x4fc: {  	[tilespmem:s0], [sflag:$0x1] =	stream.indirect_vreg.gather @!p0 [hbm4b:s1+s13], $0x80, v0, vm1, $0xb8;
	[tilespmem:$0x19C00] =	vst v63  }
0x4fd: {  	v0 =	vld @!p0 [tilespmem:s2+$0x10];
	_ =	sdelay $0x4  }
0x4fe: {  	v4 =	vshll.u32 @!p0 v0, $0x1  }
0x4ff: {  	v0 =	vand.u32 @!p0 $0x7, v0;
	v4 =	vand.u32 @!p0 $0xFFFFFFF0, v4  }
0x500: {  	v0 =	vor.u32 @!p0 v0, v4  }
0x501: {  	v4 =	vperm.xlane @!p0 v0, v1;
	_ =	sdelay $0x1  }
0x502: {  	v0 =	vperm.xlane @!p0 v0, v2;
	v4 =	vadd.s32 @!p0 v3, v4;
	_ =	sdelay $0x1  }
0x503: {  	v0 =	vadd.s32 @!p0 v3, v0;
	_ =	sdelay $0x1  }
0x504: {  	s0 =	simm.s32 @!p0 $0x2C00  }
0x505: {  	[tilespmem:s0], [sflag:$0x1] =	stream.indirect_vreg.gather @!p0 [hbm4b:s1+s13], $0x80, v4, vm1, $0xb8;
	[tilespmem:$0x19C00] =	vst v63  }
0x506: {  	s0 =	simm.s32 @!p0 $0x3400  }
0x507: {  	[tilespmem:s0], [sflag:$0x1] =	stream.indirect_vreg.gather @!p0 [hbm4b:s1+s13], $0x80, v0, vm1, $0xb8;
	[tilespmem:$0x19C00] =	vst v63  }
0x508: {  	v0 =	vld @!p0 [tilespmem:s2+$0x20];
	_ =	sdelay $0x4  }
0x509: {  	v4 =	vshll.u32 @!p0 v0, $0x1  }
0x50a: {  	v0 =	vand.u32 @!p0 $0x7, v0;
	v4 =	vand.u32 @!p0 $0xFFFFFFF0, v4  }
0x50b: {  	v0 =	vor.u32 @!p0 v0, v4  }
0x50c: {  	v4 =	vperm.xlane @!p0 v0, v1;
	_ =	sdelay $0x1  }
0x50d: {  	v0 =	vperm.xlane @!p0 v0, v2;
	v4 =	vadd.s32 @!p0 v3, v4;
	_ =	sdelay $0x1  }
0x50e: {  	v0 =	vadd.s32 @!p0 v3, v0;
	_ =	sdelay $0x1  }
0x50f: {  	s0 =	simm.s32 @!p0 $0x3C00  }
0x510: {  	[tilespmem:s0], [sflag:$0x1] =	stream.indirect_vreg.gather @!p0 [hbm4b:s1+s13], $0x80, v4, vm1, $0xb8;
	[tilespmem:$0x19C00] =	vst v63  }
0x511: {  	s0 =	simm.s32 @!p0 $0x4400  }
0x512: {  	[tilespmem:s0], [sflag:$0x1] =	stream.indirect_vreg.gather @!p0 [hbm4b:s1+s13], $0x80, v0, vm1, $0xb8;
	[tilespmem:$0x19C00] =	vst v63  }
0x513: {  	v0 =	vld @!p0 [tilespmem:s2+$0x30];
	_ =	sdelay $0x4  }
0x514: {  	v4 =	vshll.u32 @!p0 v0, $0x1  }
0x515: {  	v0 =	vand.u32 @!p0 $0x7, v0;
	v4 =	vand.u32 @!p0 $0xFFFFFFF0, v4  }
0x516: {  	v0 =	vor.u32 @!p0 v0, v4  }
0x517: {  	v1 =	vperm.xlane @!p0 v0, v1;
	v0 =	vperm.xlane @!p0 v0, v2;
	_ =	sdelay $0x1  }
0x518: {  	v1 =	vadd.s32 @!p0 v3, v1;
	v0 =	vadd.s32 @!p0 v3, v0;
	v3 =	vld [tilespmem:$0x1FC00]  }
0x519: {  	s5 =	simm.s32 $0x0  }
0x51a: {  	s15 =	sand.u32 $0x30, s5;
	s14 =	sand.u32 $0xC, s5;
	v7 =	vld [tilespmem:$0x1FFD0]  }
0x51b: {  	s18 =	sor.u32 $0x3, s14;
	v2 =	vmov s15  }
0x51c: {  	s0 =	sshll.u32 s18, $0x4;
	v2 =	vshll.u32 v2, $0x8  }
0x51d: {  	s20 =	simm.s32 @!p0 $0x4C00;
	v4 =	vmov s0;
	v2 =	vor.u32 v3, v2  }
0x51e: {  	v8 =	vlaneseq.u32;
	v4 =	vshll.u32 v4, $0x3;
	[tilespmem:s20], [sflag:$0x1] =	stream.indirect_vreg.gather @!p0 [hbm4b:s1+s13], $0x80, v1, vm1, $0xb8;
	v2 =	vand.u32 $0x3800, v2;
	[tilespmem:$0x19C00] =	vst v63  }
0x51f: {  	v6 =	vor.u32 s0, v8;
	v4 =	vand.u32 $0x400, v4;
	s20 =	simm.s32 @!p0 $0x5400;
	v2 =	vor.u32 v7, v2  }
0x520: {  	v6 =	vand.u32 $0x7F, v6;
	[tilespmem:s20], [sflag:$0x1] =	stream.indirect_vreg.gather @!p0 [hbm4b:s1+s13], $0x80, v0, vm1, $0xb8;
	v40 =	vor.u32 v4, v2;
	[tilespmem:$0x19C00] =	vst v63  }
0x521: {  	v4 =	vor.u32 v6, v40;
	v6 =	vld [tilespmem:$0x1FC10];
	_ =	swait.ge [sflag:s28], $0x4000  }
0x522: {  	s16 =	sor.u32 $0x1, s14;
	s19 =	sor.u32 $0x2, s14;
	v12 =	vld [tilespmem:$0x1FE40]  }
0x523: {  	s12 =	sshll.u32 s14, $0x4;
	s11 =	sshll.u32 s16, $0x4;
	s10 =	sshll.u32 s19, $0x4;
	v11 =	vld [tilespmem:$0x1FE30]  }
0x524: {  	v5 =	vmov s10;
	v3 =	vmov s11;
	v1 =	vmov s12  }
0x525: {  	v3 =	vshll.u32 v3, $0x3;
	v1 =	vshll.u32 v1, $0x3;
	v0 =	vshll.u32 v5, $0x3  }
0x526: {  	v1 =	vand.u32 $0x400, v1;
	v0 =	vand.u32 $0x400, v0;
	[sflag:s28] =	ssyncset.done $0x0;
	v6 =	vor.u32 s15, v6;
	s15 =	sshll.u32 s18, $0xB  }
0x527: {  	v42 =	vor.u32 v1, v2;
	[sflag:s28] =	ssyncadd.s32 $0xFFFFC000;
	v41 =	vor.u32 s15, v6;
	v9 =	vor.u32 s0, v12  }
0x528: {  	v43 =	vor.u32 v0, v2;
	v0 =	vld.idx.msk [tilespmem:v4+s17+$0x0], $0xffff;
	v1 =	vor.u32 v11, v41;
	v9 =	vand.u32 $0x7F, v9  }
0x529: {  	v3 =	vand.u32 $0x400, v3;
	v5 =	vor.u32 s11, v8;
	v18 =	vld [tilespmem:$0x1FE50];
	v9 =	vor.u32 v9, v40  }
0x52a: {  	v7 =	vor.u32 s12, v8;
	v47 =	vor.u32 v3, v2;
	v3 =	vand.u32 $0x5F, v5;
	v15 =	vld [tilespmem:$0x1FE60]  }
0x52b: {  	v8 =	vor.u32 s10, v8;
	v2 =	vand.u32 $0x4F, v7;
	v3 =	vor.u32 v3, v47  }
0x52c: {  	v2 =	vor.u32 v2, v42;
	v4 =	vand.u32 $0x6F, v8;
	s18 =	sshll.u32 s16, $0xB  }
0x52d: {  	s21 =	sshll.u32 s14, $0xB;
	s20 =	sshll.u32 s19, $0xB;
	v4 =	vor.u32 v4, v43;
	v45 =	vor.u32 s18, v6;
	[tilespmem:v1+s31+$0x0] =	vst.idx.msk $0xffff, v0  }
0x52e: {  	v44 =	vor.u32 s20, v6;
	v46 =	vor.u32 s21, v6;
	v6 =	vor.u32 v18, v41;
	v9 =	vld.idx.msk [tilespmem:v9+s17+$0x0], $0xffff  }
0x52f: {  	v10 =	vor.u32 s0, v15  }
0x530: {  	v3 =	vld.idx.msk [tilespmem:v3+s17+$0x0], $0xffff;
	v7 =	vor.u32 v11, v45;
	v10 =	vand.u32 $0x7F, v10;
	v0 =	vor.u32 s12, v12  }
0x531: {  	v2 =	vld.idx.msk [tilespmem:v2+s17+$0x0], $0xffff;
	v1 =	vor.u32 v10, v40;
	v10 =	vor.u32 v11, v44;
	v11 =	vor.u32 v11, v46  }
0x532: {  	v0 =	vand.u32 $0x4F, v0;
	v19 =	vld [tilespmem:$0x1FE80]  }
0x533: {  	v4 =	vld.idx.msk [tilespmem:v4+s17+$0x0], $0xffff;
	v0 =	vor.u32 v0, v42;
	[tilespmem:v6+s31+$0x0] =	vst.idx.msk $0xffff, v9  }
0x534: {  	v5 =	vor.u32 s11, v12;
	v20 =	vld [tilespmem:$0x1FE70]  }
0x535: {  	v8 =	vor.u32 s10, v12;
	v5 =	vand.u32 $0x5F, v5;
	v14 =	vor.u32 v18, v45  }
0x536: {  	v8 =	vand.u32 $0x6F, v8;
	v16 =	vor.u32 v18, v44;
	v5 =	vor.u32 v5, v47;
	[tilespmem:v11+s31+$0x0] =	vst.idx.msk $0xffff, v2  }
0x537: {  	v13 =	vor.u32 s12, v15;
	v8 =	vor.u32 v8, v43;
	v17 =	vor.u32 s0, v19;
	v1 =	vld.idx.msk [tilespmem:v1+s17+$0x0], $0xffff;
	[tilespmem:v7+s31+$0x0] =	vst.idx.msk $0xffff, v3  }
0x538: {  	v13 =	vand.u32 $0x4F, v13;
	v9 =	vand.u32 $0x7F, v17;
	v17 =	vor.u32 v18, v46;
	[tilespmem:v10+s31+$0x0] =	vst.idx.msk $0xffff, v4;
	v0 =	vld.idx.msk [tilespmem:v0+s17+$0x0], $0xffff  }
0x539: {  	v23 =	vor.u32 v34, v41;
	v13 =	vor.u32 v13, v42;
	v22 =	vld [tilespmem:$0x1FEA0];
	v6 =	vor.u32 v20, v41  }
0x53a: {  	v12 =	vor.u32 s11, v15;
	v15 =	vor.u32 s10, v15;
	v9 =	vor.u32 v9, v40;
	v21 =	vld [tilespmem:$0x1FE90]  }
0x53b: {  	v24 =	vor.u32 v34, v44;
	v12 =	vand.u32 $0x5F, v12;
	v15 =	vand.u32 $0x6F, v15  }
0x53c: {  	v2 =	vor.u32 v12, v47;
	v11 =	vor.u32 s11, v19;
	v12 =	vor.u32 v15, v43;
	v5 =	vld.idx.msk [tilespmem:v5+s17+$0x0], $0xffff  }
0x53d: {  	v15 =	vor.u32 s10, v19;
	v18 =	vor.u32 s12, v19;
	v3 =	vand.u32 $0x5F, v11;
	v8 =	vld.idx.msk [tilespmem:v8+s17+$0x0], $0xffff;
	[tilespmem:v17+s31+$0x0] =	vst.idx.msk $0xffff, v0  }
0x53e: {  	v18 =	vand.u32 $0x4F, v18;
	v7 =	vor.u32 v20, v46;
	v4 =	vor.u32 s0, v22;
	v13 =	vld.idx.msk [tilespmem:v13+s17+$0x0], $0xffff;
	[tilespmem:v6+s31+$0x0] =	vst.idx.msk $0xffff, v1  }
0x53f: {  	v10 =	vor.u32 v18, v42;
	v18 =	vor.u32 v21, v41;
	v4 =	vand.u32 $0x7F, v4;
	v9 =	vld.idx.msk [tilespmem:v9+s17+$0x0], $0xffff  }
0x540: {  	v15 =	vand.u32 $0x6F, v15;
	v3 =	vor.u32 v3, v47;
	v1 =	vor.u32 v4, v40  }
0x541: {  	v15 =	vor.u32 v15, v43;
	v19 =	vor.u32 v20, v45;
	[tilespmem:v14+s31+$0x0] =	vst.idx.msk $0xffff, v5  }
0x542: {  	v11 =	vor.u32 v20, v44;
	v20 =	vor.u32 s11, v22;
	[tilespmem:v16+s31+$0x0] =	vst.idx.msk $0xffff, v8;
	v2 =	vld.idx.msk [tilespmem:v2+s17+$0x0], $0xffff  }
0x543: {  	v17 =	vand.u32 $0x5F, v20;
	v20 =	vor.u32 v21, v44;
	v12 =	vld.idx.msk [tilespmem:v12+s17+$0x0], $0xffff;
	[tilespmem:v7+s31+$0x0] =	vst.idx.msk $0xffff, v13  }
0x544: {  	v6 =	vor.u32 v21, v45;
	v21 =	vor.u32 v21, v46;
	v10 =	vld.idx.msk [tilespmem:v10+s17+$0x0], $0xffff;
	[tilespmem:v18+s31+$0x0] =	vst.idx.msk $0xffff, v9  }
0x545: {  	v55 =	vor.u32 v36, v46;
	v25 =	vor.u32 v36, v41;
	v4 =	vor.u32 s12, v22;
	v1 =	vld.idx.msk [tilespmem:v1+s17+$0x0], $0xffff  }
0x546: {  	v0 =	vor.u32 s10, v22;
	v8 =	vor.u32 s0, v35;
	v4 =	vand.u32 $0x4F, v4;
	v54 =	vld [tilespmem:$0x1FFF0]  }
0x547: {  	v0 =	vand.u32 $0x6F, v0;
	v8 =	vand.u32 $0x7F, v8;
	v4 =	vor.u32 v4, v42;
	[tilespmem:v19+s31+$0x0] =	vst.idx.msk $0xffff, v2  }
0x548: {  	v5 =	vor.u32 v17, v47;
	v8 =	vor.u32 v8, v40;
	[tilespmem:v11+s31+$0x0] =	vst.idx.msk $0xffff, v12;
	v3 =	vld.idx.msk [tilespmem:v3+s17+$0x0], $0xffff  }
0x549: {  	v53 =	vor.u32 s10, v35;
	v0 =	vor.u32 v0, v43;
	v17 =	vor.u32 s12, v35;
	v15 =	vld.idx.msk [tilespmem:v15+s17+$0x0], $0xffff;
	[tilespmem:v21+s31+$0x0] =	vst.idx.msk $0xffff, v10  }
0x54a: {  	v17 =	vand.u32 $0x4F, v17;
	v9 =	vor.u32 v34, v46;
	v18 =	vand.u32 $0x6F, v53;
	[tilespmem:v23+s31+$0x0] =	vst.idx.msk $0xffff, v1  }
0x54b: {  	v13 =	vor.u32 v18, v43;
	v7 =	vor.u32 s11, v54;
	v18 =	vor.u32 s10, v54;
	v31 =	vld [tilespmem:$0x1FFE0]  }
0x54c: {  	v4 =	vld.idx.msk [tilespmem:v4+s17+$0x0], $0xffff;
	v2 =	vor.u32 s12, v54;
	v12 =	vand.u32 $0x6F, v18;
	v18 =	vor.u32 s0, v54  }
0x54d: {  	v7 =	vand.u32 $0x5F, v7;
	v1 =	vand.u32 $0x4F, v2;
	v8 =	vld.idx.msk [tilespmem:v8+s17+$0x0], $0xffff;
	[tilespmem:v6+s31+$0x0] =	vst.idx.msk $0xffff, v3;
	v18 =	vand.u32 $0x7F, v18  }
0x54e: {  	[tilespmem:v20+s31+$0x0] =	vst.idx.msk $0xffff, v15;
	v2 =	vor.u32 v7, v47;
	v5 =	vld.idx.msk [tilespmem:v5+s17+$0x0], $0xffff;
	v7 =	vor.u32 v18, v40  }
0x54f: {  	v14 =	vor.u32 s11, v35;
	v16 =	vor.u32 v34, v45;
	v17 =	vor.u32 v17, v42;
	v32 =	vld [tilespmem:$0x1FFC0]  }
0x550: {  	v60 =	vor.u32 v33, v41;
	v14 =	vand.u32 $0x5F, v14;
	v10 =	vor.u32 s11, v31  }
0x551: {  	v38 =	vor.u32 v26, v44;
	v14 =	vor.u32 v14, v47;
	v0 =	vld.idx.msk [tilespmem:v0+s17+$0x0], $0xffff;
	v3 =	vand.u32 $0x5F, v10  }
0x552: {  	v19 =	vor.u32 v36, v45;
	[tilespmem:v25+s31+$0x0] =	vst.idx.msk $0xffff, v8;
	v15 =	vor.u32 v3, v47;
	v3 =	vor.u32 s0, v31  }
0x553: {  	v11 =	vor.u32 v36, v44;
	[tilespmem:v9+s31+$0x0] =	vst.idx.msk $0xffff, v4;
	v7 =	vld.idx.msk [tilespmem:v7+s17+$0x0], $0xffff;
	v3 =	vand.u32 $0x7F, v3  }
0x554: {  	v17 =	vld.idx.msk [tilespmem:v17+s17+$0x0], $0xffff;
	v62 =	vor.u32 s11, v32;
	v25 =	vor.u32 s12, v32;
	[tilespmem:v16+s31+$0x0] =	vst.idx.msk $0xffff, v5;
	v3 =	vor.u32 v3, v40  }
0x555: {  	v1 =	vor.u32 v1, v42;
	v9 =	vand.u32 $0x5F, v62;
	v25 =	vand.u32 $0x4F, v25;
	v63 =	vld [tilespmem:$0x1FF50]  }
0x556: {  	[tilespmem:v24+s31+$0x0] =	vst.idx.msk $0xffff, v0;
	v16 =	vor.u32 v25, v42;
	v25 =	vor.u32 v9, v47;
	v9 =	vld.idx.msk [tilespmem:v14+s17+$0x0], $0xffff  }
0x557: {  	v23 =	vor.u32 v33, v46;
	v6 =	vor.u32 v33, v44;
	v12 =	vor.u32 v12, v43;
	v13 =	vld.idx.msk [tilespmem:v13+s17+$0x0], $0xffff  }
0x558: {  	v4 =	vor.u32 v26, v45;
	v58 =	vor.u32 s10, v31;
	v57 =	vor.u32 s0, v32;
	v56 =	vld [tilespmem:$0x1FFB0];
	[tilespmem:v60+s31+$0x0] =	vst.idx.msk $0xffff, v7  }
0x559: {  	v21 =	vand.u32 $0x6F, v58;
	v58 =	vand.u32 $0x7F, v57;
	[tilespmem:v55+s31+$0x0] =	vst.idx.msk $0xffff, v17;
	v7 =	vor.u32 v26, v41;
	v3 =	vld.idx.msk [tilespmem:v3+s17+$0x0], $0xffff  }
0x55a: {  	v18 =	vor.u32 v33, v45;
	v17 =	vor.u32 v58, v40;
	v1 =	vld.idx.msk [tilespmem:v1+s17+$0x0], $0xffff;
	v0 =	vor.u32 s10, v63  }
0x55b: {  	v59 =	vor.u32 s12, v31;
	v8 =	vor.u32 s10, v32;
	v0 =	vand.u32 $0x6F, v0;
	v53 =	vld [tilespmem:$0x1FF70];
	[tilespmem:v19+s31+$0x0] =	vst.idx.msk $0xffff, v9  }
0x55c: {  	v10 =	vand.u32 $0x4F, v59;
	v8 =	vand.u32 $0x6F, v8;
	[tilespmem:v11+s31+$0x0] =	vst.idx.msk $0xffff, v13;
	v51 =	vor.u32 v0, v43;
	v0 =	vld.idx.msk [tilespmem:v2+s17+$0x0], $0xffff  }
0x55d: {  	v10 =	vor.u32 v10, v42;
	v20 =	vor.u32 v21, v43;
	v14 =	vor.u32 v8, v43;
	v37 =	vld [tilespmem:$0x1FF60]  }
0x55e: {  	v8 =	vor.u32 s12, v63;
	v24 =	vor.u32 v56, v45;
	v9 =	vld.idx.msk [tilespmem:v12+s17+$0x0], $0xffff;
	[tilespmem:v7+s31+$0x0] =	vst.idx.msk $0xffff, v3  }
0x55f: {  	v5 =	vor.u32 s11, v63;
	v48 =	vor.u32 v56, v44;
	v8 =	vand.u32 $0x4F, v8;
	[tilespmem:v23+s31+$0x0] =	vst.idx.msk $0xffff, v1;
	v17 =	vld.idx.msk [tilespmem:v17+s17+$0x0], $0xffff  }
0x560: {  	v22 =	vor.u32 v56, v41;
	v59 =	vor.u32 s11, v53;
	v3 =	vor.u32 s0, v63;
	v60 =	vld [tilespmem:$0x1FF90]  }
0x561: {  	v49 =	vor.u32 v8, v42;
	v8 =	vand.u32 $0x5F, v59;
	v3 =	vand.u32 $0x7F, v3;
	[tilespmem:v18+s31+$0x0] =	vst.idx.msk $0xffff, v0  }
0x562: {  	v21 =	vor.u32 v56, v46;
	v56 =	vor.u32 v8, v47;
	v62 =	vor.u32 v3, v40;
	v8 =	vld.idx.msk [tilespmem:v15+s17+$0x0], $0xffff  }
0x563: {  	v39 =	vor.u32 v26, v46;
	v58 =	vor.u32 v28, v44;
	v5 =	vand.u32 $0x5F, v5;
	v10 =	vld.idx.msk [tilespmem:v10+s17+$0x0], $0xffff  }
0x564: {  	v19 =	vor.u32 v5, v47;
	v11 =	vor.u32 v37, v45;
	v63 =	vld [tilespmem:$0x1FF80];
	[tilespmem:v6+s31+$0x0] =	vst.idx.msk $0xffff, v9  }
0x565: {  	v12 =	vor.u32 v37, v44;
	v6 =	vld.idx.msk [tilespmem:v20+s17+$0x0], $0xffff;
	v1 =	vor.u32 s11, v60;
	[tilespmem:v22+s31+$0x0] =	vst.idx.msk $0xffff, v17  }
0x566: {  	v15 =	vor.u32 v37, v41;
	v0 =	vor.u32 s12, v60;
	v1 =	vand.u32 $0x5F, v1;
	v52 =	vld [tilespmem:$0x1FEE0]  }
0x567: {  	v5 =	vor.u32 s12, v53;
	v0 =	vand.u32 $0x4F, v0;
	[tilespmem:v4+s31+$0x0] =	vst.idx.msk $0xffff, v8;
	v7 =	vor.u32 v1, v47;
	v1 =	vld.idx.msk [tilespmem:v62+s17+$0x0], $0xffff  }
0x568: {  	v2 =	vor.u32 s10, v53;
	[tilespmem:v39+s31+$0x0] =	vst.idx.msk $0xffff, v10;
	v54 =	vor.u32 v0, v42;
	v0 =	vor.u32 s0, v53;
	v20 =	vld.idx.msk [tilespmem:v25+s17+$0x0], $0xffff  }
0x569: {  	v13 =	vor.u32 v37, v46;
	v2 =	vand.u32 $0x6F, v2;
	v16 =	vld.idx.msk [tilespmem:v16+s17+$0x0], $0xffff;
	v0 =	vand.u32 $0x7F, v0  }
0x56a: {  	v5 =	vand.u32 $0x4F, v5;
	v59 =	vor.u32 v28, v45;
	v53 =	vld [tilespmem:$0x1FFA0];
	[tilespmem:v38+s31+$0x0] =	vst.idx.msk $0xffff, v6;
	v18 =	vor.u32 v0, v40  }
0x56b: {  	v23 =	vor.u32 v5, v42;
	v57 =	vor.u32 v2, v43;
	v14 =	vld.idx.msk [tilespmem:v14+s17+$0x0], $0xffff;
	v17 =	vor.u32 s10, v52  }
0x56c: {  	v3 =	vor.u32 v63, v45;
	v10 =	vor.u32 s12, v52;
	v17 =	vand.u32 $0x6F, v17;
	[tilespmem:v15+s31+$0x0] =	vst.idx.msk $0xffff, v1  }
0x56d: {  	v10 =	vand.u32 $0x4F, v10;
	v1 =	vor.u32 s0, v60;
	v15 =	vor.u32 s12, v30;
	[tilespmem:v24+s31+$0x0] =	vst.idx.msk $0xffff, v20  }
0x56e: {  	v6 =	vor.u32 v17, v43;
	v39 =	vor.u32 v10, v42;
	v10 =	vor.u32 s11, v30;
	v19 =	vld.idx.msk [tilespmem:v19+s17+$0x0], $0xffff  }
0x56f: {  	[tilespmem:v21+s31+$0x0] =	vst.idx.msk $0xffff, v16;
	v17 =	vor.u32 s10, v30;
	v30 =	vor.u32 v63, v41;
	v1 =	vand.u32 $0x7F, v1;
	v18 =	vld.idx.msk [tilespmem:v18+s17+$0x0], $0xffff  }
0x570: {  	v5 =	vor.u32 s10, v60;
	[tilespmem:v48+s31+$0x0] =	vst.idx.msk $0xffff, v14;
	v31 =	vor.u32 v1, v40;
	v1 =	vand.u32 $0x6F, v17;
	v17 =	vld.idx.msk [tilespmem:v49+s17+$0x0], $0xffff  }
0x571: {  	v2 =	vor.u32 v63, v44;
	v5 =	vand.u32 $0x6F, v5;
	v50 =	vor.u32 v63, v46;
	v24 =	vld.idx.msk [tilespmem:v51+s17+$0x0], $0xffff  }
0x572: {  	v5 =	vor.u32 v5, v43;
	v9 =	vor.u32 s11, v52;
	v0 =	vor.u32 v53, v45  }
0x573: {  	v8 =	vand.u32 $0x5F, v9;
	v9 =	vor.u32 v53, v46;
	v4 =	vor.u32 v53, v44;
	[tilespmem:v11+s31+$0x0] =	vst.idx.msk $0xffff, v19  }
0x574: {  	v16 =	vor.u32 v29, v44;
	v20 =	vor.u32 s11, v27;
	v37 =	vor.u32 v53, v41;
	[tilespmem:v30+s31+$0x0] =	vst.idx.msk $0xffff, v18  }
0x575: {  	v8 =	vor.u32 v8, v47;
	v63 =	vor.u32 v29, v45;
	v15 =	vand.u32 $0x4F, v15;
	[tilespmem:v13+s31+$0x0] =	vst.idx.msk $0xffff, v17  }
0x576: {  	v14 =	vor.u32 s12, v27;
	v20 =	vand.u32 $0x5F, v20;
	v25 =	vand.u32 $0x5F, v10;
	[tilespmem:v12+s31+$0x0] =	vst.idx.msk $0xffff, v24  }
0x577: {  	v10 =	vor.u32 v29, v46;
	v38 =	vor.u32 v15, v42;
	v55 =	vor.u32 v20, v47;
	v20 =	vld [tilespmem:$0x1FF00]  }
0x578: {  	v14 =	vand.u32 $0x4F, v14;
	v15 =	vor.u32 v25, v47;
	v62 =	vor.u32 v1, v43;
	v18 =	vld.idx.msk [tilespmem:v31+s17+$0x0], $0xffff  }
0x579: {  	v25 =	vor.u32 s10, v27;
	v1 =	vor.u32 v28, v46;
	v60 =	vor.u32 v14, v42  }
0x57a: {  	v11 =	vor.u32 s11, v61;
	v19 =	vor.u32 s12, v61;
	v17 =	vor.u32 s0, v52  }
0x57b: {  	v13 =	vand.u32 $0x6F, v25;
	v12 =	vor.u32 s10, v61;
	v17 =	vand.u32 $0x7F, v17  }
0x57c: {  	v14 =	vld.idx.msk [tilespmem:v56+s17+$0x0], $0xffff;
	v53 =	vor.u32 v13, v43;
	v17 =	vor.u32 v17, v40;
	v51 =	vor.u32 v20, v45  }
0x57d: {  	v13 =	vld.idx.msk [tilespmem:v23+s17+$0x0], $0xffff;
	[tilespmem:v37+s31+$0x0] =	vst.idx.msk $0xffff, v18;
	v18 =	vand.u32 $0x5F, v11;
	v48 =	vor.u32 v20, v44;
	v11 =	vand.u32 $0x6F, v12  }
0x57e: {  	v61 =	vmovc v32;
	v12 =	vld.idx.msk [tilespmem:v57+s17+$0x0], $0xffff;
	v56 =	vor.u32 v20, v46;
	v49 =	vor.u32 v18, v47;
	v18 =	vand.u32 $0x4F, v19  }
.LBB2_9:
0x57f: {  	v30 =	vld [tilespmem:$0x1FF40];
	_ =	sdelay $0x2  }
0x580: {  	[tilespmem:v3+s31+$0x0] =	vst.idx.msk $0xffff, v14;
	v3 =	vld [tilespmem:$0x1FC00]  }
0x581: {  	s5 =	sadd.s32 $0x4, s5;
	v37 =	vld [tilespmem:$0x1FF30]  }
0x582: {  	v57 =	vor.u32 v11, v43;
	v11 =	vld.idx.msk [tilespmem:v17+s17+$0x0], $0xffff;
	s16 =	sand.u32 $0x30, s5;
	s13 =	sand.u32 $0xC, s5;
	v17 =	vor.u32 s0, v30  }
0x583: {  	v27 =	vld [tilespmem:$0x1FF20];
	v19 =	vmov s16;
	s20 =	sor.u32 $0x3, s13;
	[tilespmem:v50+s31+$0x0] =	vst.idx.msk $0xffff, v13;
	v17 =	vand.u32 $0x7F, v17  }
0x584: {  	v28 =	vld [tilespmem:$0x1FEF0];
	s18 =	sshll.u32 s20, $0x4;
	[tilespmem:v2+s31+$0x0] =	vst.idx.msk $0xffff, v12;
	v13 =	vor.u32 v17, v40;
	v17 =	vshll.u32 v19, $0x8  }
0x585: {  	v5 =	vld.idx.msk [tilespmem:v5+s17+$0x0], $0xffff;
	v3 =	vor.u32 v3, v17;
	v17 =	vmov s18  }
0x586: {  	v25 =	vor.u32 v18, v42;
	s14 =	sor.u32 $0x1, s13;
	v18 =	vor.u32 v37, v41;
	v12 =	vshll.u32 v17, $0x3;
	v17 =	vld [tilespmem:$0x1FFD0]  }
0x587: {  	s12 =	sshll.u32 s14, $0x4;
	v19 =	vld.idx.msk [tilespmem:v54+s17+$0x0], $0xffff  }
0x588: {  	v14 =	vmov s12;
	v7 =	vld.idx.msk [tilespmem:v7+s17+$0x0], $0xffff  }
0x589: {  	v21 =	vlaneseq.u32;
	v23 =	vld [tilespmem:$0x1FE40];
	s11 =	sshll.u32 s13, $0x4;
	v14 =	vshll.u32 v14, $0x3  }
0x58a: {  	v20 =	vmov s11;
	v14 =	vand.u32 $0x400, v14;
	v2 =	vand.u32 $0x3800, v3;
	[tilespmem:v4+s31+$0x0] =	vst.idx.msk $0xffff, v5;
	v4 =	vld [tilespmem:$0x1FC10]  }
0x58b: {  	v22 =	vld [tilespmem:$0x1FE30];
	s19 =	sor.u32 $0x2, s13;
	[tilespmem:v18+s31+$0x0] =	vst.idx.msk $0xffff, v11;
	v12 =	vand.u32 $0x400, v12;
	v2 =	vor.u32 v17, v2;
	v17 =	vor.u32 s18, v21  }
0x58c: {  	v32 =	vld [tilespmem:$0x1FDE0];
	s10 =	sshll.u32 s19, $0x4;
	v18 =	vor.u32 v28, v41;
	[tilespmem:v9+s31+$0x0] =	vst.idx.msk $0xffff, v19;
	v11 =	vand.u32 $0x7F, v17;
	v12 =	vor.u32 v12, v2  }
0x58d: {  	v3 =	vmov s10;
	[tilespmem:v0+s31+$0x0] =	vst.idx.msk $0xffff, v7;
	v7 =	vor.u32 s12, v21;
	v19 =	vld.idx.msk [tilespmem:v39+s17+$0x0], $0xffff;
	v11 =	vor.u32 v11, v12  }
0x58e: {  	v5 =	vor.u32 s11, v21;
	v3 =	vshll.u32 v3, $0x3;
	v13 =	vld.idx.msk [tilespmem:v13+s17+$0x0], $0xffff;
	v17 =	vor.u32 s0, v27  }
0x58f: {  	v24 =	vld [tilespmem:$0x1FF10];
	v3 =	vand.u32 $0x400, v3;
	v4 =	vor.u32 s16, v4;
	v17 =	vand.u32 $0x7F, v17  }
0x590: {  	v29 =	vld [tilespmem:$0x1FF00];
	v47 =	vor.u32 v14, v2;
	v9 =	vor.u32 v17, v40;
	v17 =	vshll.u32 v20, $0x3  }
0x591: {  	s21 =	sshll.u32 s20, $0xB;
	v8 =	vld.idx.msk [tilespmem:v8+s17+$0x0], $0xffff;
	v43 =	vor.u32 v3, v2;
	v3 =	vand.u32 $0x4F, v5;
	v0 =	vand.u32 $0x400, v17  }
0x592: {  	v20 =	vor.u32 s18, v23;
	[tilespmem:v10+s31+$0x0] =	vst.idx.msk $0xffff, v19;
	v42 =	vor.u32 v0, v2;
	v0 =	vld.idx.msk [tilespmem:v11+s17+$0x0], $0xffff;
	v11 =	vor.u32 s21, v4  }
0x593: {  	v10 =	vld.idx.msk [tilespmem:v38+s17+$0x0], $0xffff;
	[tilespmem:v18+s31+$0x0] =	vst.idx.msk $0xffff, v13;
	v18 =	vand.u32 $0x7F, v20;
	v20 =	vor.u32 s0, v32;
	v13 =	vor.u32 v22, v11  }
0x594: {  	v5 =	vand.u32 $0x5F, v7;
	v38 =	vld [tilespmem:$0x1FE50];
	v18 =	vor.u32 v18, v12;
	v20 =	vand.u32 $0x7F, v20  }
0x595: {  	v52 =	vor.u32 v24, v45;
	v5 =	vor.u32 v5, v47;
	v2 =	vor.u32 v20, v40;
	v20 =	vld [tilespmem:$0x1FE60]  }
0x596: {  	s15 =	sshll.u32 s14, $0xB;
	v50 =	vor.u32 v24, v44;
	v31 =	vor.u32 v29, v41;
	v54 =	vor.u32 v24, v46;
	v9 =	vld.idx.msk [tilespmem:v9+s17+$0x0], $0xffff  }
0x597: {  	s13 =	sshll.u32 s13, $0xB;
	s19 =	sshll.u32 s19, $0xB;
	v45 =	vor.u32 s15, v4;
	[tilespmem:v63+s31+$0x0] =	vst.idx.msk $0xffff, v8;
	v17 =	vor.u32 s10, v21;
	v3 =	vor.u32 v3, v42  }
0x598: {  	v6 =	vld.idx.msk [tilespmem:v6+s17+$0x0], $0xffff;
	v44 =	vor.u32 s19, v4;
	v46 =	vor.u32 s13, v4;
	v7 =	vand.u32 $0x6F, v17;
	[tilespmem:v13+s31+$0x0] =	vst.idx.msk $0xffff, v0  }
0x599: {  	v7 =	vor.u32 v7, v43;
	s0 =	smov.u32 s18;
	v40 =	vmovc v12;
	v12 =	vor.u32 s12, v23;
	v4 =	vor.u32 v38, v11;
	v14 =	vld.idx.msk [tilespmem:v18+s17+$0x0], $0xffff  }
0x59a: {  	v5 =	vld.idx.msk [tilespmem:v5+s17+$0x0], $0xffff;
	v12 =	vand.u32 $0x5F, v12;
	v0 =	vor.u32 v22, v45;
	v17 =	vor.u32 s0, v20  }
0x59b: {  	v63 =	vld [tilespmem:$0x1FE80];
	v12 =	vor.u32 v12, v47;
	[tilespmem:v31+s31+$0x0] =	vst.idx.msk $0xffff, v9;
	v9 =	vand.u32 $0x7F, v17  }
0x59c: {  	v3 =	vld.idx.msk [tilespmem:v3+s17+$0x0], $0xffff;
	v9 =	vor.u32 v9, v40  }
0x59d: {  	[tilespmem:v16+s31+$0x0] =	vst.idx.msk $0xffff, v6;
	v6 =	vor.u32 v24, v41;
	v2 =	vld.idx.msk [tilespmem:v2+s17+$0x0], $0xffff  }
0x59e: {  	v41 =	vmov v11;
	v11 =	vor.u32 v22, v46;
	v7 =	vld.idx.msk [tilespmem:v7+s17+$0x0], $0xffff;
	v13 =	vor.u32 s10, v23;
	[tilespmem:v4+s31+$0x0] =	vst.idx.msk $0xffff, v14  }
0x59f: {  	v8 =	vor.u32 s11, v23;
	v16 =	vor.u32 v22, v44;
	v13 =	vand.u32 $0x6F, v13;
	v4 =	vld.idx.msk [tilespmem:v15+s17+$0x0], $0xffff;
	[tilespmem:v0+s31+$0x0] =	vst.idx.msk $0xffff, v5  }
0x5a0: {  	v8 =	vand.u32 $0x4F, v8;
	[tilespmem:v1+s31+$0x0] =	vst.idx.msk $0xffff, v10;
	v13 =	vor.u32 v13, v43;
	v5 =	vld.idx.msk [tilespmem:v12+s17+$0x0], $0xffff  }
0x5a1: {  	v18 =	vor.u32 s11, v20;
	v17 =	vor.u32 s12, v20;
	v20 =	vor.u32 s10, v20;
	v9 =	vld.idx.msk [tilespmem:v9+s17+$0x0], $0xffff  }
0x5a2: {  	v8 =	vor.u32 v8, v42;
	v19 =	vor.u32 v38, v45;
	[tilespmem:v6+s31+$0x0] =	vst.idx.msk $0xffff, v2;
	v2 =	vand.u32 $0x6F, v20;
	v20 =	vld [tilespmem:$0x1FE70]  }
0x5a3: {  	v24 =	vld [tilespmem:$0x1FFF0];
	v21 =	vor.u32 v26, v45;
	v39 =	vor.u32 v34, v41;
	[tilespmem:v11+s31+$0x0] =	vst.idx.msk $0xffff, v3;
	v14 =	vand.u32 $0x5F, v17  }
0x5a4: {  	v1 =	vld.idx.msk [tilespmem:v62+s17+$0x0], $0xffff;
	v10 =	vand.u32 $0x4F, v18;
	[tilespmem:v16+s31+$0x0] =	vst.idx.msk $0xffff, v7;
	v0 =	vor.u32 v14, v47  }
0x5a5: {  	v3 =	vor.u32 v38, v46;
	v15 =	vor.u32 v38, v44;
	v17 =	vor.u32 s0, v63;
	v13 =	vld.idx.msk [tilespmem:v13+s17+$0x0], $0xffff  }
0x5a6: {  	v18 =	vld [tilespmem:$0x1FEA0];
	v7 =	vor.u32 s10, v63;
	v17 =	vand.u32 $0x7F, v17;
	v2 =	vor.u32 v2, v43;
	[tilespmem:v59+s31+$0x0] =	vst.idx.msk $0xffff, v4  }
0x5a7: {  	v8 =	vld.idx.msk [tilespmem:v8+s17+$0x0], $0xffff;
	v11 =	vor.u32 v17, v40;
	[tilespmem:v19+s31+$0x0] =	vst.idx.msk $0xffff, v5;
	v6 =	vor.u32 v20, v41  }
0x5a8: {  	v16 =	vor.u32 v20, v45;
	v4 =	vor.u32 v20, v46;
	v17 =	vor.u32 v20, v44;
	v20 =	vld [tilespmem:$0x1FE90]  }
0x5a9: {  	v31 =	vor.u32 v34, v45;
	v7 =	vand.u32 $0x6F, v7;
	[tilespmem:v58+s31+$0x0] =	vst.idx.msk $0xffff, v1;
	v0 =	vld.idx.msk [tilespmem:v0+s17+$0x0], $0xffff  }
0x5aa: {  	v10 =	vor.u32 v10, v42;
	v7 =	vor.u32 v7, v43;
	v12 =	vor.u32 s12, v63;
	[tilespmem:v15+s31+$0x0] =	vst.idx.msk $0xffff, v13  }
0x5ab: {  	v14 =	vor.u32 s11, v63;
	v12 =	vand.u32 $0x5F, v12;
	v59 =	vor.u32 s0, v24;
	v2 =	vld.idx.msk [tilespmem:v2+s17+$0x0], $0xffff  }
0x5ac: {  	v58 =	vld.idx.msk [tilespmem:v55+s17+$0x0], $0xffff;
	[tilespmem:v6+s31+$0x0] =	vst.idx.msk $0xffff, v9;
	v6 =	vand.u32 $0x4F, v14;
	v9 =	vor.u32 v12, v47;
	v12 =	vor.u32 s0, v18  }
0x5ad: {  	v14 =	vld.idx.msk [tilespmem:v60+s17+$0x0], $0xffff;
	[tilespmem:v3+s31+$0x0] =	vst.idx.msk $0xffff, v8;
	v5 =	vor.u32 v20, v45;
	v13 =	vor.u32 v20, v44  }
0x5ae: {  	v3 =	vor.u32 s12, v18;
	[tilespmem:v16+s31+$0x0] =	vst.idx.msk $0xffff, v0;
	v16 =	vor.u32 v36, v45;
	v60 =	vor.u32 v36, v46  }
0x5af: {  	v11 =	vld.idx.msk [tilespmem:v11+s17+$0x0], $0xffff;
	v1 =	vor.u32 v6, v42;
	v6 =	vor.u32 v20, v41;
	v12 =	vand.u32 $0x7F, v12  }
0x5b0: {  	v3 =	vand.u32 $0x5F, v3;
	[tilespmem:v17+s31+$0x0] =	vst.idx.msk $0xffff, v2;
	v2 =	vor.u32 s12, v24;
	v8 =	vor.u32 v12, v40  }
0x5b1: {  	v10 =	vld.idx.msk [tilespmem:v10+s17+$0x0], $0xffff;
	v17 =	vor.u32 v36, v44;
	v12 =	vor.u32 s11, v18;
	v18 =	vor.u32 s10, v18  }
0x5b2: {  	v62 =	vld [tilespmem:$0x1FFE0];
	v3 =	vor.u32 v3, v47;
	v2 =	vand.u32 $0x5F, v2;
	v15 =	vand.u32 $0x6F, v18  }
0x5b3: {  	v38 =	vld [tilespmem:$0x1FF60];
	v18 =	vor.u32 v20, v46;
	v12 =	vand.u32 $0x4F, v12;
	v20 =	vor.u32 s0, v35  }
0x5b4: {  	v2 =	vor.u32 v2, v47;
	v12 =	vor.u32 v12, v42;
	v9 =	vld.idx.msk [tilespmem:v9+s17+$0x0], $0xffff;
	[tilespmem:v6+s31+$0x0] =	vst.idx.msk $0xffff, v11  }
0x5b5: {  	v19 =	vor.u32 s12, v35;
	v15 =	vor.u32 v15, v43;
	v20 =	vand.u32 $0x7F, v20;
	[tilespmem:v51+s31+$0x0] =	vst.idx.msk $0xffff, v58;
	v8 =	vld.idx.msk [tilespmem:v8+s17+$0x0], $0xffff  }
0x5b6: {  	v7 =	vld.idx.msk [tilespmem:v7+s17+$0x0], $0xffff;
	v6 =	vor.u32 s11, v35;
	[tilespmem:v4+s31+$0x0] =	vst.idx.msk $0xffff, v10;
	v4 =	vand.u32 $0x5F, v19;
	v19 =	vor.u32 v20, v40  }
0x5b7: {  	v11 =	vor.u32 s10, v35;
	v10 =	vor.u32 v34, v44;
	v20 =	vor.u32 v34, v46;
	v1 =	vld.idx.msk [tilespmem:v1+s17+$0x0], $0xffff  }
0x5b8: {  	v58 =	vld [tilespmem:$0x1FFB0];
	v6 =	vand.u32 $0x4F, v6;
	v0 =	vand.u32 $0x6F, v11;
	v4 =	vor.u32 v4, v47;
	[tilespmem:v56+s31+$0x0] =	vst.idx.msk $0xffff, v14  }
0x5b9: {  	v11 =	vor.u32 s10, v24;
	v14 =	vor.u32 s11, v24;
	v24 =	vor.u32 v36, v41;
	v25 =	vld.idx.msk [tilespmem:v25+s17+$0x0], $0xffff  }
0x5ba: {  	v22 =	vand.u32 $0x7F, v59;
	v6 =	vor.u32 v6, v42;
	v11 =	vand.u32 $0x6F, v11;
	[tilespmem:v39+s31+$0x0] =	vst.idx.msk $0xffff, v8;
	v8 =	vld.idx.msk [tilespmem:v53+s17+$0x0], $0xffff  }
0x5bb: {  	v0 =	vor.u32 v0, v43;
	[tilespmem:v5+s31+$0x0] =	vst.idx.msk $0xffff, v9;
	v5 =	vor.u32 v11, v43;
	v19 =	vld.idx.msk [tilespmem:v19+s17+$0x0], $0xffff  }
0x5bc: {  	v11 =	vor.u32 s12, v62;
	v3 =	vld.idx.msk [tilespmem:v3+s17+$0x0], $0xffff;
	[tilespmem:v18+s31+$0x0] =	vst.idx.msk $0xffff, v1;
	v1 =	vand.u32 $0x4F, v14;
	v14 =	vor.u32 v22, v40  }
0x5bd: {  	[tilespmem:v13+s31+$0x0] =	vst.idx.msk $0xffff, v7;
	v7 =	vor.u32 s10, v62;
	v13 =	vor.u32 s11, v62;
	v22 =	vor.u32 s0, v62;
	v62 =	vld [tilespmem:$0x1FF70]  }
0x5be: {  	v9 =	vor.u32 v33, v45;
	v11 =	vand.u32 $0x5F, v11;
	v18 =	vor.u32 v33, v44;
	v12 =	vld.idx.msk [tilespmem:v12+s17+$0x0], $0xffff  }
0x5bf: {  	v11 =	vor.u32 v11, v47;
	v1 =	vor.u32 v1, v42;
	v15 =	vld.idx.msk [tilespmem:v15+s17+$0x0], $0xffff;
	[tilespmem:v48+s31+$0x0] =	vst.idx.msk $0xffff, v8  }
0x5c0: {  	v13 =	vand.u32 $0x4F, v13;
	v7 =	vand.u32 $0x6F, v7;
	v22 =	vand.u32 $0x7F, v22;
	[tilespmem:v24+s31+$0x0] =	vst.idx.msk $0xffff, v19;
	v19 =	vld.idx.msk [tilespmem:v49+s17+$0x0], $0xffff  }
0x5c1: {  	v13 =	vor.u32 v13, v42;
	v7 =	vor.u32 v7, v43;
	v22 =	vor.u32 v22, v40;
	v63 =	vld.idx.msk [tilespmem:v57+s17+$0x0], $0xffff  }
0x5c2: {  	v59 =	vor.u32 s0, v61;
	v8 =	vor.u32 v33, v46;
	v48 =	vor.u32 v38, v44;
	[tilespmem:v31+s31+$0x0] =	vst.idx.msk $0xffff, v3;
	v31 =	vld [tilespmem:$0x1FF50]  }
0x5c3: {  	v56 =	vor.u32 s11, v61;
	v24 =	vor.u32 v33, v41;
	[tilespmem:v20+s31+$0x0] =	vst.idx.msk $0xffff, v12;
	v12 =	vor.u32 s12, v61;
	v14 =	vld.idx.msk [tilespmem:v14+s17+$0x0], $0xffff  }
0x5c4: {  	v20 =	vor.u32 s10, v61;
	[tilespmem:v10+s31+$0x0] =	vst.idx.msk $0xffff, v15;
	v10 =	vor.u32 v26, v44;
	v6 =	vld.idx.msk [tilespmem:v6+s17+$0x0], $0xffff;
	v3 =	vand.u32 $0x5F, v12  }
0x5c5: {  	v12 =	vand.u32 $0x4F, v56;
	v4 =	vld.idx.msk [tilespmem:v4+s17+$0x0], $0xffff;
	v15 =	vand.u32 $0x6F, v20;
	v20 =	vor.u32 v26, v46  }
0x5c6: {  	v0 =	vld.idx.msk [tilespmem:v0+s17+$0x0], $0xffff;
	[tilespmem:v54+s31+$0x0] =	vst.idx.msk $0xffff, v25;
	v25 =	vor.u32 v26, v41;
	v12 =	vor.u32 v12, v42  }
0x5c7: {  	v49 =	vand.u32 $0x7F, v59;
	v39 =	vor.u32 v3, v47;
	v15 =	vor.u32 v15, v43;
	[tilespmem:v52+s31+$0x0] =	vst.idx.msk $0xffff, v19  }
0x5c8: {  	v55 =	vld [tilespmem:$0x1FF90];
	v3 =	vor.u32 s12, v31;
	v57 =	vor.u32 s10, v31;
	v19 =	vor.u32 v58, v44;
	[tilespmem:v24+s31+$0x0] =	vst.idx.msk $0xffff, v14  }
0x5c9: {  	v59 =	vld [tilespmem:$0x1FF80];
	v52 =	vor.u32 v38, v45;
	v14 =	vor.u32 s11, v31;
	v24 =	vor.u32 v58, v45;
	[tilespmem:v60+s31+$0x0] =	vst.idx.msk $0xffff, v6  }
0x5ca: {  	v3 =	vand.u32 $0x5F, v3;
	v6 =	vand.u32 $0x6F, v57;
	v60 =	vor.u32 v49, v40;
	[tilespmem:v16+s31+$0x0] =	vst.idx.msk $0xffff, v4;
	v22 =	vld.idx.msk [tilespmem:v22+s17+$0x0], $0xffff  }
0x5cb: {  	v49 =	vor.u32 v58, v46;
	v4 =	vor.u32 s12, v62;
	[tilespmem:v17+s31+$0x0] =	vst.idx.msk $0xffff, v0;
	v0 =	vor.u32 s11, v62;
	v1 =	vld.idx.msk [tilespmem:v1+s17+$0x0], $0xffff  }
0x5cc: {  	v16 =	vor.u32 s0, v31;
	v14 =	vand.u32 $0x4F, v14;
	v2 =	vld.idx.msk [tilespmem:v2+s17+$0x0], $0xffff;
	v51 =	vor.u32 v3, v47  }
0x5cd: {  	v5 =	vld.idx.msk [tilespmem:v5+s17+$0x0], $0xffff;
	v17 =	vor.u32 v6, v43;
	v3 =	vor.u32 s10, v62;
	[tilespmem:v50+s31+$0x0] =	vst.idx.msk $0xffff, v63;
	v4 =	vand.u32 $0x5F, v4  }
0x5ce: {  	v63 =	vor.u32 v58, v41;
	v50 =	vor.u32 v59, v46;
	v58 =	vor.u32 v28, v44  }
0x5cf: {  	v53 =	vld [tilespmem:$0x1FFA0];
	v14 =	vor.u32 v14, v42;
	v3 =	vand.u32 $0x6F, v3;
	v56 =	vor.u32 v4, v47;
	[tilespmem:v25+s31+$0x0] =	vst.idx.msk $0xffff, v22  }
0x5d0: {  	v16 =	vand.u32 $0x7F, v16;
	v4 =	vor.u32 s11, v55;
	v57 =	vor.u32 v3, v43;
	[tilespmem:v8+s31+$0x0] =	vst.idx.msk $0xffff, v1;
	v6 =	vld.idx.msk [tilespmem:v60+s17+$0x0], $0xffff  }
0x5d1: {  	v3 =	vor.u32 v59, v45;
	v4 =	vand.u32 $0x4F, v4;
	v1 =	vor.u32 v16, v40;
	v8 =	vld.idx.msk [tilespmem:v13+s17+$0x0], $0xffff  }
0x5d2: {  	v0 =	vand.u32 $0x4F, v0;
	v54 =	vor.u32 v4, v42;
	v22 =	vor.u32 v38, v46;
	[tilespmem:v9+s31+$0x0] =	vst.idx.msk $0xffff, v2;
	v60 =	vld [tilespmem:$0x1FEE0]  }
0x5d3: {  	v31 =	vor.u32 s12, v27;
	v25 =	vor.u32 v0, v42;
	v0 =	vor.u32 s12, v55;
	[tilespmem:v18+s31+$0x0] =	vst.idx.msk $0xffff, v5;
	v9 =	vld.idx.msk [tilespmem:v11+s17+$0x0], $0xffff  }
0x5d4: {  	v5 =	vor.u32 s10, v55;
	v2 =	vor.u32 v59, v44;
	v0 =	vand.u32 $0x5F, v0;
	v11 =	vld.idx.msk [tilespmem:v7+s17+$0x0], $0xffff  }
0x5d5: {  	v5 =	vand.u32 $0x6F, v5;
	v7 =	vor.u32 v0, v47;
	v0 =	vor.u32 s0, v62;
	[tilespmem:v63+s31+$0x0] =	vst.idx.msk $0xffff, v6  }
0x5d6: {  	v13 =	vor.u32 v38, v41;
	v5 =	vor.u32 v5, v43;
	v0 =	vand.u32 $0x7F, v0;
	v1 =	vld.idx.msk [tilespmem:v1+s17+$0x0], $0xffff  }
0x5d7: {  	v16 =	vor.u32 v0, v40;
	v0 =	vor.u32 v53, v45;
	v4 =	vor.u32 s12, v60;
	[tilespmem:v20+s31+$0x0] =	vst.idx.msk $0xffff, v8  }
0x5d8: {  	v6 =	vor.u32 s11, v60;
	v8 =	vor.u32 s10, v60;
	[tilespmem:v21+s31+$0x0] =	vst.idx.msk $0xffff, v9;
	v9 =	vor.u32 v53, v46;
	v12 =	vld.idx.msk [tilespmem:v12+s17+$0x0], $0xffff  }
0x5d9: {  	[tilespmem:v10+s31+$0x0] =	vst.idx.msk $0xffff, v11;
	v63 =	vor.u32 v37, v45;
	v18 =	vand.u32 $0x5F, v4;
	v20 =	vand.u32 $0x6F, v8;
	v21 =	vld.idx.msk [tilespmem:v39+s17+$0x0], $0xffff  }
0x5da: {  	v4 =	vor.u32 v53, v44;
	v10 =	vand.u32 $0x4F, v6;
	v11 =	vld.idx.msk [tilespmem:v15+s17+$0x0], $0xffff;
	v8 =	vor.u32 v18, v47  }
0x5db: {  	v15 =	vor.u32 s10, v30;
	v6 =	vor.u32 v20, v43;
	v39 =	vor.u32 v10, v42;
	[tilespmem:v13+s31+$0x0] =	vst.idx.msk $0xffff, v1  }
0x5dc: {  	v10 =	vor.u32 s12, v30;
	v20 =	vor.u32 v59, v41;
	v13 =	vld.idx.msk [tilespmem:v16+s17+$0x0], $0xffff;
	v16 =	vor.u32 s0, v55  }
0x5dd: {  	v59 =	vor.u32 v28, v45;
	v18 =	vand.u32 $0x5F, v10;
	[tilespmem:v49+s31+$0x0] =	vst.idx.msk $0xffff, v12;
	v10 =	vand.u32 $0x7F, v16  }
0x5de: {  	v1 =	vor.u32 s11, v30;
	v12 =	vand.u32 $0x6F, v15;
	[tilespmem:v24+s31+$0x0] =	vst.idx.msk $0xffff, v21;
	v30 =	vor.u32 v10, v40  }
0x5df: {  	v15 =	vor.u32 v18, v47;
	[tilespmem:v19+s31+$0x0] =	vst.idx.msk $0xffff, v11;
	v11 =	vor.u32 s11, v27;
	v19 =	vand.u32 $0x5F, v31;
	v24 =	vld.idx.msk [tilespmem:v51+s17+$0x0], $0xffff  }
0x5e0: {  	v1 =	vand.u32 $0x4F, v1;
	v18 =	vld.idx.msk [tilespmem:v17+s17+$0x0], $0xffff;
	v62 =	vor.u32 v12, v43;
	v12 =	vor.u32 s10, v27  }
0x5e1: {  	v14 =	vld.idx.msk [tilespmem:v14+s17+$0x0], $0xffff;
	v11 =	vand.u32 $0x4F, v11;
	v55 =	vor.u32 v19, v47;
	v51 =	vor.u32 v29, v45  }
0x5e2: {  	v19 =	vor.u32 s11, v32;
	v16 =	vor.u32 v37, v44;
	v38 =	vor.u32 v1, v42;
	[tilespmem:v20+s31+$0x0] =	vst.idx.msk $0xffff, v13  }
0x5e3: {  	p1 =	slt.u32 s5, $0x3C;
	v12 =	vand.u32 $0x6F, v12;
	v10 =	vor.u32 v37, v46;
	v37 =	vor.u32 v53, v41;
	v20 =	vld.idx.msk [tilespmem:v30+s17+$0x0], $0xffff  }
.Ltmp3:
0x5e4: {  	v1 =	vor.u32 v28, v46;
	v53 =	vor.u32 v12, v43;
	v13 =	vor.u32 s0, v60;
	[tilespmem:v52+s31+$0x0] =	vst.idx.msk $0xffff, v24;
	(pc) =	sbr.rel @p1 .LBB2_9-.Ltmp3, $4  }
0x5e5: {  	v60 =	vor.u32 v11, v42;
	v11 =	vor.u32 s12, v32;
	[tilespmem:v48+s31+$0x0] =	vst.idx.msk $0xffff, v18;
	v18 =	vor.u32 s10, v32  }
0x5e6: {  	[tilespmem:v22+s31+$0x0] =	vst.idx.msk $0xffff, v14;
	v48 =	vor.u32 v29, v44;
	v13 =	vand.u32 $0x7F, v13;
	v14 =	vld.idx.msk [tilespmem:v56+s17+$0x0], $0xffff;
	v52 =	vand.u32 $0x5F, v11  }
0x5e7: {  	v12 =	vld.idx.msk [tilespmem:v57+s17+$0x0], $0xffff;
	v11 =	vand.u32 $0x6F, v18;
	v56 =	vor.u32 v29, v46;
	v18 =	vand.u32 $0x4F, v19  }
0x5e8: {  	v17 =	vor.u32 v13, v40;
	v13 =	vld.idx.msk [tilespmem:v25+s17+$0x0], $0xffff;
	v49 =	vor.u32 v52, v47;
	[tilespmem:v37+s31+$0x0] =	vst.idx.msk $0xffff, v20  }
0x5e9: {  	_ =	sdelay $0x3  }
0x5ea: {  	[tilespmem:v3+s31+$0x0] =	vst.idx.msk $0xffff, v14  }
0x5eb: {  	[tilespmem:v2+s31+$0x0] =	vst.idx.msk $0xffff, v12  }
0x5ec: {  	[tilespmem:v50+s31+$0x0] =	vst.idx.msk $0xffff, v13  }
0x5ed: {  	v14 =	vld [tilespmem:$0x1FF30]  }
0x5ee: {  	v3 =	vld.idx.msk [tilespmem:v7+s17+$0x0], $0xffff  }
0x5ef: {  	v2 =	vld.idx.msk [tilespmem:v5+s17+$0x0], $0xffff  }
0x5f0: {  	v13 =	vld.idx.msk [tilespmem:v54+s17+$0x0], $0xffff  }
0x5f1: {  	v54 =	vld [tilespmem:$0x1FF40]  }
0x5f2: {  	v17 =	vld.idx.msk [tilespmem:v17+s17+$0x0], $0xffff;
	v19 =	vor.u32 v14, v41;
	_ =	sdelay $0x1  }
0x5f3: {  	[tilespmem:v0+s31+$0x0] =	vst.idx.msk $0xffff, v3  }
0x5f4: {  	[tilespmem:v4+s31+$0x0] =	vst.idx.msk $0xffff, v2  }
0x5f5: {  	v57 =	vor.u32 s0, v54;
	[tilespmem:v9+s31+$0x0] =	vst.idx.msk $0xffff, v13  }
0x5f6: {  	v5 =	vand.u32 $0x7F, v57;
	[tilespmem:v19+s31+$0x0] =	vst.idx.msk $0xffff, v17  }
0x5f7: {  	v5 =	vor.u32 v5, v40;
	v32 =	vld [tilespmem:$0x1FEF0]  }
0x5f8: {  	v0 =	vld.idx.msk [tilespmem:v8+s17+$0x0], $0xffff  }
0x5f9: {  	v9 =	vld.idx.msk [tilespmem:v39+s17+$0x0], $0xffff  }
0x5fa: {  	v2 =	vld.idx.msk [tilespmem:v6+s17+$0x0], $0xffff  }
0x5fb: {  	v12 =	vld [tilespmem:$0x1FF20]  }
0x5fc: {  	v31 =	vld.idx.msk [tilespmem:v5+s17+$0x0], $0xffff;
	v37 =	vor.u32 v32, v41;
	_ =	sdelay $0x1  }
0x5fd: {  	[tilespmem:v10+s31+$0x0] =	vst.idx.msk $0xffff, v9  }
0x5fe: {  	[tilespmem:v63+s31+$0x0] =	vst.idx.msk $0xffff, v0  }
0x5ff: {  	[tilespmem:v16+s31+$0x0] =	vst.idx.msk $0xffff, v2;
	v30 =	vor.u32 s0, v12  }
0x600: {  	v3 =	vand.u32 $0x7F, v30;
	[tilespmem:v37+s31+$0x0] =	vst.idx.msk $0xffff, v31  }
0x601: {  	v3 =	vor.u32 v3, v40;
	v9 =	vld [tilespmem:$0x1FF00]  }
0x602: {  	v38 =	vld.idx.msk [tilespmem:v38+s17+$0x0], $0xffff  }
0x603: {  	v0 =	vld.idx.msk [tilespmem:v15+s17+$0x0], $0xffff  }
0x604: {  	v2 =	vld.idx.msk [tilespmem:v62+s17+$0x0], $0xffff  }
0x605: {  	v4 =	vld [tilespmem:$0x1FDE0]  }
0x606: {  	v3 =	vld.idx.msk [tilespmem:v3+s17+$0x0], $0xffff;
	v39 =	vor.u32 v9, v41;
	_ =	sdelay $0x1  }
0x607: {  	[tilespmem:v1+s31+$0x0] =	vst.idx.msk $0xffff, v38  }
0x608: {  	[tilespmem:v59+s31+$0x0] =	vst.idx.msk $0xffff, v0  }
0x609: {  	[tilespmem:v58+s31+$0x0] =	vst.idx.msk $0xffff, v2;
	v4 =	vor.u32 s0, v4  }
0x60a: {  	v47 =	vld.idx.msk [tilespmem:v60+s17+$0x0], $0xffff;
	v4 =	vand.u32 $0x7F, v4;
	[tilespmem:v39+s31+$0x0] =	vst.idx.msk $0xffff, v3  }
0x60b: {  	v40 =	vor.u32 v4, v40;
	v10 =	vld [tilespmem:$0x1FF10]  }
0x60c: {  	v50 =	vor.u32 v18, v42;
	v52 =	vld.idx.msk [tilespmem:v55+s17+$0x0], $0xffff  }
0x60d: {  	v53 =	vld.idx.msk [tilespmem:v53+s17+$0x0], $0xffff  }
0x60e: {  	v55 =	vor.u32 v11, v43;
	_ =	sdelay $0x1  }
0x60f: {  	[tilespmem:v56+s31+$0x0] =	vst.idx.msk $0xffff, v47;
	v1 =	vld.idx.msk [tilespmem:v40+s17+$0x0], $0xffff;
	v57 =	vor.u32 v10, v41  }
0x610: {  	[tilespmem:v51+s31+$0x0] =	vst.idx.msk $0xffff, v52;
	v59 =	vld.idx.msk [tilespmem:v50+s17+$0x0], $0xffff;
	v58 =	vor.u32 v10, v46  }
0x611: {  	[tilespmem:v48+s31+$0x0] =	vst.idx.msk $0xffff, v53;
	v62 =	vld.idx.msk [tilespmem:v49+s17+$0x0], $0xffff;
	v60 =	vor.u32 v10, v45  }
0x612: {  	v7 =	vld.idx.msk [tilespmem:v55+s17+$0x0], $0xffff;
	v63 =	vor.u32 v10, v44;
	_ =	sdelay $0x1  }
0x613: {  	[tilespmem:v57+s31+$0x0] =	vst.idx.msk $0xffff, v1  }
0x614: {  	[tilespmem:v58+s31+$0x0] =	vst.idx.msk $0xffff, v59  }
0x615: {  	[tilespmem:v60+s31+$0x0] =	vst.idx.msk $0xffff, v62  }
0x616: {  	[tilespmem:v63+s31+$0x0] =	vst.idx.msk $0xffff, v7  }
0x617: {  	v0 =	vld @!p0 [tilespmem:s2+$0x40];
	_ =	sdelay $0x4  }
0x618: {  	v1 =	vshll.u32 @!p0 v0, $0x1  }
0x619: {  	v2 =	vlaneseq.u32 @!p0;
	v0 =	vand.u32 @!p0 $0x7, v0;
	v1 =	vand.u32 @!p0 $0xFFFFFFF0, v1  }
0x61a: {  	v3 =	vshrl.u32 @!p0 v2, $0x3;
	v0 =	vor.u32 @!p0 v0, v1;
	v1 =	vand.u32 @!p0 $0x7, v2  }
0x61b: {  	v3 =	vmul.u32 @!p0 $0x8, v3;
	v4 =	vperm.xlane @!p0 v0, v1  }
0x61c: {  	v2 =	vor.u32 @!p0 $0x8, v2  }
0x61d: {  	v0 =	vperm.xlane @!p0 v0, v2;
	v4 =	vadd.s32 @!p0 v3, v4;
	_ =	sdelay $0x1  }
0x61e: {  	v0 =	vadd.s32 @!p0 v3, v0;
	_ =	sdelay $0x1  }
0x61f: {  	s5 =	simm.s32 @!p0 $0x5C00;
	s0 =	simm.s32 @!p0 $0x0  }
0x620: {  	[tilespmem:s5], [sflag:$0x2] =	stream.indirect_vreg.gather @!p0 [hbm4b:s1+s0], $0x80, v4, vm1, $0xb8;
	[tilespmem:$0x19C00] =	vst v63  }
0x621: {  	s5 =	simm.s32 @!p0 $0x6400  }
0x622: {  	[tilespmem:s5], [sflag:$0x2] =	stream.indirect_vreg.gather @!p0 [hbm4b:s1+s0], $0x80, v0, vm1, $0xb8;
	[tilespmem:$0x19C00] =	vst v63  }
0x623: {  	v0 =	vld @!p0 [tilespmem:s2+$0x50];
	_ =	sdelay $0x4  }
0x624: {  	v4 =	vshll.u32 @!p0 v0, $0x1  }
0x625: {  	v0 =	vand.u32 @!p0 $0x7, v0;
	v4 =	vand.u32 @!p0 $0xFFFFFFF0, v4  }
0x626: {  	v0 =	vor.u32 @!p0 v0, v4  }
0x627: {  	v4 =	vperm.xlane @!p0 v0, v1;
	_ =	sdelay $0x1  }
0x628: {  	v0 =	vperm.xlane @!p0 v0, v2;
	v4 =	vadd.s32 @!p0 v3, v4;
	_ =	sdelay $0x1  }
0x629: {  	v0 =	vadd.s32 @!p0 v3, v0;
	_ =	sdelay $0x1  }
0x62a: {  	s5 =	simm.s32 @!p0 $0x6C00  }
0x62b: {  	[tilespmem:s5], [sflag:$0x2] =	stream.indirect_vreg.gather @!p0 [hbm4b:s1+s0], $0x80, v4, vm1, $0xb8;
	[tilespmem:$0x19C00] =	vst v63  }
0x62c: {  	s5 =	simm.s32 @!p0 $0x7400  }
0x62d: {  	[tilespmem:s5], [sflag:$0x2] =	stream.indirect_vreg.gather @!p0 [hbm4b:s1+s0], $0x80, v0, vm1, $0xb8;
	[tilespmem:$0x19C00] =	vst v63  }
0x62e: {  	v0 =	vld @!p0 [tilespmem:s2+$0x60];
	_ =	sdelay $0x4  }
0x62f: {  	v4 =	vshll.u32 @!p0 v0, $0x1  }
0x630: {  	v0 =	vand.u32 @!p0 $0x7, v0;
	v4 =	vand.u32 @!p0 $0xFFFFFFF0, v4  }
0x631: {  	v0 =	vor.u32 @!p0 v0, v4  }
0x632: {  	v4 =	vperm.xlane @!p0 v0, v1;
	_ =	sdelay $0x1  }
0x633: {  	v0 =	vperm.xlane @!p0 v0, v2;
	v4 =	vadd.s32 @!p0 v3, v4;
	_ =	sdelay $0x1  }
0x634: {  	v0 =	vadd.s32 @!p0 v3, v0;
	_ =	sdelay $0x1  }
0x635: {  	s5 =	simm.s32 @!p0 $0x7C00  }
0x636: {  	[tilespmem:s5], [sflag:$0x2] =	stream.indirect_vreg.gather @!p0 [hbm4b:s1+s0], $0x80, v4, vm1, $0xb8;
	[tilespmem:$0x19C00] =	vst v63  }
0x637: {  	s5 =	simm.s32 @!p0 $0x8400  }
0x638: {  	[tilespmem:s5], [sflag:$0x2] =	stream.indirect_vreg.gather @!p0 [hbm4b:s1+s0], $0x80, v0, vm1, $0xb8;
	[tilespmem:$0x19C00] =	vst v63  }
0x639: {  	v0 =	vld @!p0 [tilespmem:s2+$0x70];
	_ =	sdelay $0x4  }
0x63a: {  	v4 =	vshll.u32 @!p0 v0, $0x1  }
0x63b: {  	v0 =	vand.u32 @!p0 $0x7, v0;
	v4 =	vand.u32 @!p0 $0xFFFFFFF0, v4  }
0x63c: {  	v0 =	vor.u32 @!p0 v0, v4  }
0x63d: {  	v1 =	vperm.xlane @!p0 v0, v1;
	_ =	sdelay $0x1  }
0x63e: {  	v0 =	vperm.xlane @!p0 v0, v2;
	v1 =	vadd.s32 @!p0 v3, v1;
	_ =	sdelay $0x1  }
0x63f: {  	v0 =	vadd.s32 @!p0 v3, v0;
	_ =	sdelay $0x1  }
0x640: {  	v22 =	vld [tilespmem:$0x1FFD0];
	s2 =	simm.s32 @!p0 $0x8C00  }
0x641: {  	v23 =	vld [tilespmem:$0x1FFF0];
	[tilespmem:s2], [sflag:$0x2] =	stream.indirect_vreg.gather @!p0 [hbm4b:s1+s0], $0x80, v1, vm1, $0xb8  }
0x642: {  	s7 =	sadd.s32 $0x1, s7;
	v27 =	vld [tilespmem:$0x1FFE0];
	s2 =	simm.s32 @!p0 $0x9400  }
0x643: {  	v55 =	vld [tilespmem:$0x1FFB0];
	[tilespmem:s2], [sflag:$0x2] =	stream.indirect_vreg.gather @!p0 [hbm4b:s1+s0], $0x80, v0, vm1, $0xb8  }
0x644: {  	s20 =	sadd.s32 s6, s8;
	v63 =	vld [tilespmem:$0x1FF50];
	p0 =	sne.s32 s7, $0x19  }
.Ltmp4:
0x645: {  	s21 =	sshll.u32 s20, $0x7;
	v47 =	vld [tilespmem:$0x1FF60];
	(pc) =	sbr.rel @p0 .LBB2_2-.Ltmp4, $4  }
0x646: {  	v21 =	vld [tilespmem:$0x1FF70];
	s0 =	sshll.u32 s20, $0xC;
	s2 =	sand.u32 $0xF80, s21  }
0x647: {  	v50 =	vld [tilespmem:$0x1FF80];
	s0 =	sand.u32 $0xFFE0000, s0;
	s2 =	sadd.s32 s3, s2  }
0x648: {  	v58 =	vld [tilespmem:$0x1FF90];
	s0 =	sadd.s32 s0, s2  }
0x649: {  	v24 =	vlaneseq.u32;
	v25 =	vmov v33;
	v62 =	vld [tilespmem:$0x1FFA0];
	[hbm4b:s0+s29] =	stream.strided.scatter [tilespmem:s31], [sflag:$0x4], $0x8000, s30, s29, $0x38  }
0x64a: {  	s0 =	simm.s32 $0x3  }
0x64b: {  	_ =	swait.ge [sflag:s0], $0x8000  }
0x64c: {  	[sflag:s0] =	ssyncset.done $0x0  }
0x64d: {  	s2 =	simm.s32 $0x4;
	[sflag:s0] =	ssyncadd.s32 $0xFFFF8000  }
0x64e: {  	_ =	swait.ge [sflag:s2], $0x8000  }
0x64f: {  	s5 =	rddreg [dreg:$0x6]  }
0x650: {  	s21 =	rddreg [dreg:$0x5];
	s5 =	sadd.s32 $0x1, s5  }
0x651: {  	p0 =	sne.s32 s5, s21  }
.Ltmp5:
0x652: {  	_ = 	snop;
	(pc) =	sbr.rel @p0 .LBB2_1-.Ltmp5, $3  }
0x653: {  	_ =	sdelay $0x1  }
0x654: {  	[sflag:s2] =	ssyncset.done $0x0  }
0x655: {  	[sflag:s2] =	ssyncadd.s32 $0xFFFF8000  }
0x656: {  	_ =	sfence.sel $0x180000  }
0x657: {  	[bflag:$0x0] =	sbarrier.arrive $0xFFFF  }
0x658: {  	_ =	strace $0x90000047  }
0x659: {  	s0 =	stileid.u32;
	[bflag:$0x2] =	sbarrier.arrive $0xFFFF  }
0x65a: {  	p0 =	sne.s32 s0, $0x0;
	s0 =	rddreg [dreg:$0x3]  }
0x65b: {  	s0 =	sadd.s32 @!p0 $0x100000, s0  }
0x65c: {  	[sflag:s0] =	ssyncadd.tile.s32 @!p0 $0x1;
	_ =	shalt  }
.Lfunc_end2:
_tile_overlayer_lowered:
.L_overlay_start_2:
0x65d: {  	(tag) =	ssettag $0x2  }
0x65e: {  	s0 =	rddreg [dreg:$0x0];
	s2 =	stileid.u32  }
0x65f: {  	s1 =	rddreg [dreg:$0x1];
	p0 =	sne.s32 s2, $0x0  }
0x660: {  	s3 =	rddreg [dreg:$0x2];
	[bflag:$0x3] =	sbarrier.arrive $0xFFFF;
	s2 =	simm.s32 @!p0 $0x1C05  }
0x661: {  	[timem:s3], [sflag:s2] =	dma.local @!p0 [hbm:s0], s1  }
0x662: {  	s0 =	simm.s32 @!p0 $0x5  }
0x663: {  	_ =	swait.ge @!p0 [sflag:s0], s1  }
0x664: {  	s1 =	ssub.s32 @!p0 $0x0, s1;
	[sflag:s0] =	ssyncset.done @!p0 $0x0  }
0x665: {  	[sflag:s0] =	ssyncadd.s32 @!p0 s1  }
0x666: {  	[bflag:$0x3] =	sbarrier.arrive $0xFFFF  }
0x667: {  	_ =	shalt  }

</sc_bundles>
